<compile_context>
chip_gen: v7x
topology: tpu7x:2x2x1
jax: 0.10.2.dev20260603
libtpu: 0.0.44.dev20260713+nightly
codegen_flags: <defaults>
</compile_context>

<pallas_src>
import functools

import jax
import jax.numpy as jnp
from jax import lax
from jax.experimental import pallas as pl
from jax.experimental.pallas import tpu as pltpu
from jax.experimental.pallas import tpu_sc as plsc

N = 10000
E = 320000
D = 128
NC, NS = 2, 16
NW = NC * NS
NH = N // 2
JNK = 8
IBLK = 2000
CH = 40
CPB = IBLK // CH
ECT2 = E // NS
NBLK2 = ECT2 // IBLK
ECT = E // NW
DIBLK = 400
NBLK1 = ECT // DIBLK
CCAP = 1240
NCH = 40
BLK = 2000

_mesh = plsc.VectorSubcoreMesh(core_axis_name="c", subcore_axis_name="s",
                               num_cores=NC, num_subcores=NS)


def _sc_deg_gather(src_r, dst_r, feat_r, emb, degh_out, h_out,
                   idx_b, fid_buf, grow, hist, gsem):
    c = lax.axis_index("c")
    s = lax.axis_index("s")
    wid = s * NC + c

    def one_pass(r, p):
        @pl.loop(0, N // 16)
        def _(i):
            hist[pl.ds(i * 16, 16)] = jnp.zeros((16,), jnp.float32)

        @pl.loop(0, NBLK1)
        def _(j):
            pltpu.sync_copy(r.at[pl.ds(wid * ECT + j * DIBLK, DIBLK)], idx_b)

            @pl.loop(0, DIBLK // 16)
            def _(i):
                v = idx_b[pl.ds(i * 16, 16)]
                cnt, last = plsc.scan_count(v)
                plsc.addupdate_scatter(hist, [v], cnt.astype(jnp.float32),
                                       mask=last)

        pltpu.sync_copy(hist, degh_out.at[pl.ds((p * NW + wid) * N, N)])

    one_pass(src_r, 0)
    one_pass(dst_r, 1)

    for k in range(8):
        ci = wid + NW * k

        @pl.when(ci < N // NCH)
        def _():
            pltpu.sync_copy(feat_r.at[pl.ds(ci * NCH, NCH)], fid_buf)
            pltpu.async_copy(emb.at[fid_buf], grow, gsem).wait()
            pltpu.sync_copy(grow, h_out.at[pl.ds(ci * NCH, NCH)])


_deg_gather_call = functools.partial(
    pl.kernel, _sc_deg_gather,
    out_type=(jax.ShapeDtypeStruct((2 * NW * N,), jnp.float32),
              jax.ShapeDtypeStruct((N, D), jnp.float32)),
    mesh=_mesh,
    compiler_params=pltpu.CompilerParams(needs_layout_passes=False),
    scratch_types=[
        pltpu.VMEM((DIBLK,), jnp.int32),
        pltpu.VMEM((NCH,), jnp.int32),
        pltpu.VMEM((NCH, D), jnp.float32),
        pltpu.VMEM((N,), jnp.float32),
        pltpu.SemaphoreType.DMA,
    ],
)()


def _sc_spmm(m_hbm, src_r, dst_r, agg_out,
             src_b, dst_b, csrc, cdst, rows, agg_s, sems):
    c = lax.axis_index("c")
    s = lax.axis_index("s")
    lo = c * NH

    @pl.loop(0, CH)
    def _(i):
        for j in range(D // 16):
            rows[0, i, pl.ds(j * 16, 16)] = jnp.zeros((16,), jnp.float32)

    for k in range(8):
        ci = s + NS * k

        @pl.when(ci < NH // CH)
        def _():
            pltpu.sync_copy(rows.at[0], agg_s.at[pl.ds(ci * CH, CH)])

    plsc.subcore_barrier()
    lane = lax.iota(jnp.int32, 16)

    @pl.loop(0, NBLK2)
    def _(j):
        pltpu.sync_copy(src_r.at[pl.ds(s * ECT2 + j * IBLK, IBLK)], src_b)
        pltpu.sync_copy(dst_r.at[pl.ds(s * ECT2 + j * IBLK, IBLK)], dst_b)

        @pl.loop(0, CCAP // 16)
        def _(i):
            csrc[pl.ds(i * 16, 16)] = lane
            cdst[pl.ds(i * 16, 16)] = NH + (lane & (JNK - 1))

        def cbody(i, off):
            sv = src_b[pl.ds(i * 16, 16)]
            dv = dst_b[pl.ds(i * 16, 16)] - lo
            km = (dv >= 0) & (dv < NH)
            plsc.store_compressed(csrc.at[pl.ds(off, 16)], sv, mask=km)
            plsc.store_compressed(cdst.at[pl.ds(off, 16)], dv, mask=km)
            return off + plsc.all_reduce_population_count(km)[0]

        cnt = pl.loop(0, IBLK // 16, init_carry=jnp.int32(0))(cbody)
        nch = lax.div(cnt + (CH - 1), CH)

        @pl.when(nch > 0)
        def _():
            pltpu.async_copy(m_hbm.at[csrc.at[pl.ds(0, CH)]], rows.at[0],
                             sems.at[0])

        @pl.loop(0, lax.div(nch + 1, 2))
        def _(q):
            g0 = q * 2

            @pl.when(g0 + 1 < nch)
            def _():
                pltpu.async_copy(
                    m_hbm.at[csrc.at[pl.ds((g0 + 1) * CH, CH)]],
                    rows.at[1], sems.at[1])
            pltpu.make_async_copy(
                m_hbm.at[csrc.at[pl.ds(g0 * CH, CH)]], rows.at[0],
                sems.at[0]).wait()
            pltpu.sync_copy(rows.at[0],
                            agg_s.at[cdst.at[pl.ds(g0 * CH, CH)]], add=True)

            @pl.when(g0 + 2 < nch)
            def _():
                pltpu.async_copy(
                    m_hbm.at[csrc.at[pl.ds((g0 + 2) * CH, CH)]],
                    rows.at[0], sems.at[0])

            @pl.when(g0 + 1 < nch)
            def _():
                pltpu.make_async_copy(
                    m_hbm.at[csrc.at[pl.ds((g0 + 1) * CH, CH)]], rows.at[1],
                    sems.at[1]).wait()
                pltpu.sync_copy(rows.at[1],
                                agg_s.at[cdst.at[pl.ds((g0 + 1) * CH, CH)]],
                                add=True)

    plsc.subcore_barrier()
    for k in range(8):
        ci = s + NS * k

        @pl.when(ci < NH // CH)
        def _():
            pltpu.sync_copy(agg_s.at[pl.ds(ci * CH, CH)], rows.at[0])
            pltpu.sync_copy(rows.at[0],
                            agg_out.at[pl.ds(c * NH + ci * CH, CH)])


_spmm_call = functools.partial(
    pl.kernel, _sc_spmm,
    out_type=jax.ShapeDtypeStruct((N, D), jnp.float32),
    mesh=_mesh,
    compiler_params=pltpu.CompilerParams(needs_layout_passes=False),
    scratch_types=[
        pltpu.VMEM((IBLK,), jnp.int32),
        pltpu.VMEM((IBLK,), jnp.int32),
        pltpu.VMEM((CCAP,), jnp.int32),
        pltpu.VMEM((CCAP,), jnp.int32),
        pltpu.VMEM((2, CH, D), jnp.float32),
        pltpu.VMEM_SHARED((NH + JNK, D), jnp.float32),
        pltpu.SemaphoreType.DMA((2,)),
    ],
)()


def _tc_norms(degh_ref, snm_ref, dnm_ref):
    od = jnp.sum(degh_ref[0], axis=0)
    ideg = jnp.sum(degh_ref[1], axis=0)
    snm_ref[...] = jnp.where(od > 0, lax.rsqrt(od), 0.0)[:, None]
    dnm_ref[...] = jnp.where(ideg > 0, lax.rsqrt(ideg), 0.0)[:, None]


def _tc_m0(h_ref, w_ref, snm_ref, m0_ref):
    hw = jnp.dot(h_ref[...], w_ref[...], preferred_element_type=jnp.float32)
    m0_ref[...] = hw * snm_ref[...]


def _tc_layer(agg_ref, snm_ref, dnm_ref, w_ref, b_ref, out_ref):
    h1 = jnp.maximum(agg_ref[...] * dnm_ref[...] + b_ref[...], 0.0)
    out_ref[...] = jnp.dot(h1, w_ref[...],
                           preferred_element_type=jnp.float32) * snm_ref[...]


def _tc_final(agg_ref, dnm_ref, b_ref, out_ref):
    i = pl.program_id(0)
    h2 = jnp.maximum(agg_ref[...] * dnm_ref[...] + b_ref[...], 0.0)
    blkmax = jnp.max(h2, axis=0, keepdims=True)

    @pl.when(i == 0)
    def _():
        out_ref[...] = blkmax

    @pl.when(i > 0)
    def _():
        out_ref[...] = jnp.maximum(out_ref[...], blkmax)


def kernel(feat_id, edge_index, emb, W0, b0, W1, b1):
    src = edge_index[0]
    dst = edge_index[1]

    degh, h = _deg_gather_call(src, dst, feat_id, emb)
    degh = degh.reshape(2, NW, N)

    snm, dnm = pl.pallas_call(
        _tc_norms,
        grid=(1,),
        in_specs=[pl.BlockSpec((2, NW, N), lambda i: (0, 0, 0))],
        out_specs=(pl.BlockSpec((N, 1), lambda i: (0, 0)),
                   pl.BlockSpec((N, 1), lambda i: (0, 0))),
        out_shape=(jax.ShapeDtypeStruct((N, 1), jnp.float32),
                   jax.ShapeDtypeStruct((N, 1), jnp.float32)),
    )(degh)

    m0 = pl.pallas_call(
        _tc_m0,
        grid=(N // BLK,),
        in_specs=[
            pl.BlockSpec((BLK, D), lambda i: (i, 0)),
            pl.BlockSpec((D, D), lambda i: (0, 0)),
            pl.BlockSpec((BLK, 1), lambda i: (i, 0)),
        ],
        out_specs=pl.BlockSpec((BLK, D), lambda i: (i, 0)),
        out_shape=jax.ShapeDtypeStruct((N, D), jnp.float32),
    )(h, W0, snm)

    agg0 = _spmm_call(m0, src, dst)

    m1 = pl.pallas_call(
        _tc_layer,
        grid=(N // BLK,),
        in_specs=[
            pl.BlockSpec((BLK, D), lambda i: (i, 0)),
            pl.BlockSpec((BLK, 1), lambda i: (i, 0)),
            pl.BlockSpec((BLK, 1), lambda i: (i, 0)),
            pl.BlockSpec((D, D), lambda i: (0, 0)),
            pl.BlockSpec((1, D), lambda i: (0, 0)),
        ],
        out_specs=pl.BlockSpec((BLK, D), lambda i: (i, 0)),
        out_shape=jax.ShapeDtypeStruct((N, D), jnp.float32),
    )(agg0, snm, dnm, W1, b0.reshape(1, D))

    agg1 = _spmm_call(m1, src, dst)

    out = pl.pallas_call(
        _tc_final,
        grid=(N // BLK,),
        in_specs=[
            pl.BlockSpec((BLK, D), lambda i: (i, 0)),
            pl.BlockSpec((BLK, 1), lambda i: (i, 0)),
            pl.BlockSpec((1, D), lambda i: (0, 0)),
        ],
        out_specs=pl.BlockSpec((1, D), lambda i: (0, 0)),
        out_shape=jax.ShapeDtypeStruct((1, D), jnp.float32),
    )(agg1, dnm, b1.reshape(1, D))

    return out

# --- scband reference (transcript-rebuilt; emitter-appended) ---
"""Pipeline reference for scband-gnn-23708219474326 (READ-ONLY COPY).

The authoritative reference and input builder live on the scoring server;
editing this copy changes nothing except your own understanding.
"""

import jax, jax.numpy as jnp
import numpy as np

N = 10000
E = 320000
IN_DIM = 128
OUT_DIM = 128
VOCAB = 512


def setup_inputs(seed: int = 0) -> dict:
    key = jax.random.key(seed)
    ks = jax.random.split(key, 8)
    feat_id = jax.random.randint(ks[0], (N,), 0, VOCAB, dtype=jnp.int64 if jax.config.jax_enable_x64 else jnp.int32)
    edge_index = jax.random.randint(ks[1], (2, E), 0, N, dtype=jnp.int64 if jax.config.jax_enable_x64 else jnp.int32)
    emb = jax.random.normal(ks[2], (VOCAB, IN_DIM), dtype=jnp.float32) * 0.02
    W0 = jax.random.normal(ks[3], (IN_DIM, OUT_DIM), dtype=jnp.float32) * (1.0 / np.sqrt(IN_DIM))
    b0 = jnp.zeros((OUT_DIM,), dtype=jnp.float32)
    W1 = jax.random.normal(ks[4], (OUT_DIM, OUT_DIM), dtype=jnp.float32) * (1.0 / np.sqrt(OUT_DIM))
    b1 = jnp.zeros((OUT_DIM,), dtype=jnp.float32)
    return {"feat_id": feat_id, "edge_index": edge_index, "emb": emb, "W0": W0, "b0": b0, "W1": W1, "b1": b1}


def _gcn_layer(h, src, dst, src_norm, dst_norm, W, b):
    # DGL GraphConv, norm='both': h' = D_dst^{-1/2} A D_src^{-1/2} (h W) + b
    hw = h @ W
    msg = hw[src] * src_norm[src][:, None]
    agg = jnp.zeros((h.shape[0], hw.shape[1]), dtype=hw.dtype).at[dst].add(msg)
    return agg * dst_norm[:, None] + b


def reference(feat_id, edge_index, emb, W0, b0, W1, b1):
    src = edge_index[0]
    dst = edge_index[1]
    ones = jnp.ones((E,), dtype=jnp.float32)
    out_deg = jnp.zeros((N,), dtype=jnp.float32).at[src].add(ones)
    in_deg = jnp.zeros((N,), dtype=jnp.float32).at[dst].add(ones)
    src_norm = jnp.where(out_deg > 0, out_deg ** -0.5, 0.0)
    dst_norm = jnp.where(in_deg > 0, in_deg ** -0.5, 0.0)

    h = emb[feat_id]  # value embedding lookup
    h = _gcn_layer(h, src, dst, src_norm, dst_norm, W0, b0)
    h = jax.nn.relu(h)
    h = _gcn_layer(h, src, dst, src_norm, dst_norm, W1, b1)
    h = jax.nn.relu(h)
    # readout_nodes(op='max') over a single batched graph -> [1, OUT_DIM]
    features = jnp.max(h, axis=0, keepdims=True)
    return features

if __name__ == "__main__":
    import jax
    _d = setup_inputs()
    print(jax.jit(kernel)(*tuple(_d.values())))

</pallas_src>

<mosaic_0001>
#map = affine_map<(d0, d1) -> (0, 0)>
#map1 = affine_map<(d0, d1) -> (0)>
module attributes {stable_mosaic.version = 14 : i64} {
  func.func @_sc_spmm(%arg0: i32, %arg1: i32, %arg2: memref<10000x128xf32, #tpu.memory_space<hbm>>, %arg3: memref<320000xi32, #tpu.memory_space<hbm>>, %arg4: memref<320000xi32, #tpu.memory_space<hbm>>, %arg5: memref<10000x128xf32, #tpu.memory_space<hbm>>, %arg6: memref<2000xi32, #tpu.memory_space<vmem>>, %arg7: memref<2000xi32, #tpu.memory_space<vmem>>, %arg8: memref<1240xi32, #tpu.memory_space<vmem>>, %arg9: memref<1240xi32, #tpu.memory_space<vmem>>, %arg10: memref<2x40x128xf32, #tpu.memory_space<vmem>>, %arg11: memref<5008x128xf32, #tpu.memory_space<vmem_shared>>, %arg12: memref<2x!tpu.dma_semaphore, #tpu.memory_space<semaphore_mem>>) attributes {dimension_semantics = [#tpu.dimension_semantics<core_parallel>, #tpu.dimension_semantics<subcore_parallel>], iteration_bounds = array<i64: 2, 16>, scalar_prefetch = 0 : i64, scratch_operands = 7 : i64, tpu.core_type = #tpu.core_type<sc_vector_subcore>, window_params = [{transform_indices = #map}, {transform_indices = #map1}, {transform_indices = #map1}, {transform_indices = #map}]} {
    %mul3A = arith.constant 5000 : i32
    %mul3A_0 = arith.muli %arg0, %mul3A : i32
    %scan3A = arith.constant 0 : i32
    %scan3A_1 = arith.constant 40 : i32
    %scan3A_2 = arith.addi %scan3A, %scan3A_1 : i32
    %scan3A_3 = arith.constant 1 : i32
    scf.for %scan3A_119 = %scan3A to %scan3A_2 step %scan3A_3  : i32 {
      %mul3A_120 = arith.constant 1 : i32
      %mul3A_121 = arith.muli %scan3A_119, %mul3A_120 : i32
      %add3A_122 = arith.constant 0 : i32
      %add3A_123 = arith.addi %add3A_122, %mul3A_121 : i32
      %broadcast_in_dim3A = arith.constant 0.000000e+00 : f32
      %broadcast_in_dim3A_124 = vector.broadcast %broadcast_in_dim3A : f32 to vector<16xf32>
      %swap3A = arith.constant 0 : i32
      %swap3A_125 = arith.index_cast %swap3A : i32 to index
      %swap3A_126 = arith.index_cast %add3A_123 : i32 to index
      %swap3A_127 = arith.constant 0 : index
      %swap3A_128 = tpu.vector_load %arg10[%swap3A_125, %swap3A_126, %swap3A_127] {strides = array<i32>} : memref<2x40x128xf32, #tpu.memory_space<vmem>>, vector<16xf32>,
      tpu.vector_store %arg10[%swap3A_125, %swap3A_126, %swap3A_127], %broadcast_in_dim3A_124 {strides = array<i32>} : memref<2x40x128xf32, #tpu.memory_space<vmem>>, vector<16xf32>,
      %broadcast_in_dim3A_129 = arith.constant 0.000000e+00 : f32
      %broadcast_in_dim3A_130 = vector.broadcast %broadcast_in_dim3A_129 : f32 to vector<16xf32>
      %swap3A_131 = arith.constant 0 : i32
      %swap3A_132 = arith.index_cast %swap3A_131 : i32 to index
      %swap3A_133 = arith.index_cast %add3A_123 : i32 to index
      %swap3A_134 = arith.constant 16 : index
      %swap3A_135 = tpu.vector_load %arg10[%swap3A_132, %swap3A_133, %swap3A_134] {strides = array<i32>} : memref<2x40x128xf32, #tpu.memory_space<vmem>>, vector<16xf32>,
      tpu.vector_store %arg10[%swap3A_132, %swap3A_133, %swap3A_134], %broadcast_in_dim3A_130 {strides = array<i32>} : memref<2x40x128xf32, #tpu.memory_space<vmem>>, vector<16xf32>,
      %broadcast_in_dim3A_136 = arith.constant 0.000000e+00 : f32
      %broadcast_in_dim3A_137 = vector.broadcast %broadcast_in_dim3A_136 : f32 to vector<16xf32>
      %swap3A_138 = arith.constant 0 : i32
      %swap3A_139 = arith.index_cast %swap3A_138 : i32 to index
      %swap3A_140 = arith.index_cast %add3A_123 : i32 to index
      %swap3A_141 = arith.constant 32 : index
      %swap3A_142 = tpu.vector_load %arg10[%swap3A_139, %swap3A_140, %swap3A_141] {strides = array<i32>} : memref<2x40x128xf32, #tpu.memory_space<vmem>>, vector<16xf32>,
      tpu.vector_store %arg10[%swap3A_139, %swap3A_140, %swap3A_141], %broadcast_in_dim3A_137 {strides = array<i32>} : memref<2x40x128xf32, #tpu.memory_space<vmem>>, vector<16xf32>,
      %broadcast_in_dim3A_143 = arith.constant 0.000000e+00 : f32
      %broadcast_in_dim3A_144 = vector.broadcast %broadcast_in_dim3A_143 : f32 to vector<16xf32>
      %swap3A_145 = arith.constant 0 : i32
      %swap3A_146 = arith.index_cast %swap3A_145 : i32 to index
      %swap3A_147 = arith.index_cast %add3A_123 : i32 to index
      %swap3A_148 = arith.constant 48 : index
      %swap3A_149 = tpu.vector_load %arg10[%swap3A_146, %swap3A_147, %swap3A_148] {strides = array<i32>} : memref<2x40x128xf32, #tpu.memory_space<vmem>>, vector<16xf32>,
      tpu.vector_store %arg10[%swap3A_146, %swap3A_147, %swap3A_148], %broadcast_in_dim3A_144 {strides = array<i32>} : memref<2x40x128xf32, #tpu.memory_space<vmem>>, vector<16xf32>,
      %broadcast_in_dim3A_150 = arith.constant 0.000000e+00 : f32
      %broadcast_in_dim3A_151 = vector.broadcast %broadcast_in_dim3A_150 : f32 to vector<16xf32>
      %swap3A_152 = arith.constant 0 : i32
      %swap3A_153 = arith.index_cast %swap3A_152 : i32 to index
      %swap3A_154 = arith.index_cast %add3A_123 : i32 to index
      %swap3A_155 = arith.constant 64 : index
      %swap3A_156 = tpu.vector_load %arg10[%swap3A_153, %swap3A_154, %swap3A_155] {strides = array<i32>} : memref<2x40x128xf32, #tpu.memory_space<vmem>>, vector<16xf32>,
      tpu.vector_store %arg10[%swap3A_153, %swap3A_154, %swap3A_155], %broadcast_in_dim3A_151 {strides = array<i32>} : memref<2x40x128xf32, #tpu.memory_space<vmem>>, vector<16xf32>,
      %broadcast_in_dim3A_157 = arith.constant 0.000000e+00 : f32
      %broadcast_in_dim3A_158 = vector.broadcast %broadcast_in_dim3A_157 : f32 to vector<16xf32>
      %swap3A_159 = arith.constant 0 : i32
      %swap3A_160 = arith.index_cast %swap3A_159 : i32 to index
      %swap3A_161 = arith.index_cast %add3A_123 : i32 to index
      %swap3A_162 = arith.constant 80 : index
      %swap3A_163 = tpu.vector_load %arg10[%swap3A_160, %swap3A_161, %swap3A_162] {strides = array<i32>} : memref<2x40x128xf32, #tpu.memory_space<vmem>>, vector<16xf32>,
      tpu.vector_store %arg10[%swap3A_160, %swap3A_161, %swap3A_162], %broadcast_in_dim3A_158 {strides = array<i32>} : memref<2x40x128xf32, #tpu.memory_space<vmem>>, vector<16xf32>,
      %broadcast_in_dim3A_164 = arith.constant 0.000000e+00 : f32
      %broadcast_in_dim3A_165 = vector.broadcast %broadcast_in_dim3A_164 : f32 to vector<16xf32>
      %swap3A_166 = arith.constant 0 : i32
      %swap3A_167 = arith.index_cast %swap3A_166 : i32 to index
      %swap3A_168 = arith.index_cast %add3A_123 : i32 to index
      %swap3A_169 = arith.constant 96 : index
      %swap3A_170 = tpu.vector_load %arg10[%swap3A_167, %swap3A_168, %swap3A_169] {strides = array<i32>} : memref<2x40x128xf32, #tpu.memory_space<vmem>>, vector<16xf32>,
      tpu.vector_store %arg10[%swap3A_167, %swap3A_168, %swap3A_169], %broadcast_in_dim3A_165 {strides = array<i32>} : memref<2x40x128xf32, #tpu.memory_space<vmem>>, vector<16xf32>,
      %broadcast_in_dim3A_171 = arith.constant 0.000000e+00 : f32
      %broadcast_in_dim3A_172 = vector.broadcast %broadcast_in_dim3A_171 : f32 to vector<16xf32>
      %swap3A_173 = arith.constant 0 : i32
      %swap3A_174 = arith.index_cast %swap3A_173 : i32 to index
      %swap3A_175 = arith.index_cast %add3A_123 : i32 to index
      %swap3A_176 = arith.constant 112 : index
      %swap3A_177 = tpu.vector_load %arg10[%swap3A_174, %swap3A_175, %swap3A_176] {strides = array<i32>} : memref<2x40x128xf32, #tpu.memory_space<vmem>>, vector<16xf32>,
      tpu.vector_store %arg10[%swap3A_174, %swap3A_175, %swap3A_176], %broadcast_in_dim3A_172 {strides = array<i32>} : memref<2x40x128xf32, #tpu.memory_space<vmem>>, vector<16xf32>,
    }
    %scan3A_4 = arith.constant 40 : i32
    %add3A = arith.constant 0 : i32
    %add3A_5 = arith.addi %arg1, %add3A : i32
    %lt3A = arith.constant 125 : i32
    %lt3A_6 = arith.cmpi slt, %add3A_5, %lt3A : i32
    %convert_element_type3A = arith.extui %lt3A_6 : i1 to i32
    %cond3A = arith.constant 0 : i32
    %cond3A_7 = arith.cmpi ne, %convert_element_type3A, %cond3A : i32
    scf.if %cond3A_7 {
      %mul3A_119 = arith.constant 40 : i32
      %mul3A_120 = arith.muli %add3A_5, %mul3A_119 : i32
      %run_scoped3A = arith.constant 0 : i32
      "tpu.region"() ({
        %run_scoped3A_121 = tpu.sem_alloc : memref<!tpu.dma_semaphore, #tpu.memory_space<semaphore_mem>>
        %dma_start3A = arith.constant 0 : i32
        %dma_start3A_122 = arith.constant 0 : i32
        %dma_start3A_123 = tpu.memref_slice %arg10[%run_scoped3A, %dma_start3A, %dma_start3A_122] : memref<2x40x128xf32, #tpu.memory_space<vmem>> -> memref<1x40x128xf32, #tpu.memory_space<vmem>>
        %dma_start3A_124 = tpu.memref_squeeze %dma_start3A_123 : memref<1x40x128xf32, #tpu.memory_space<vmem>> -> memref<40x128xf32, #tpu.memory_space<vmem>>
        %dma_start3A_125 = arith.constant 0 : i32
        %dma_start3A_126 = tpu.memref_slice %arg11[%mul3A_120, %dma_start3A_125] : memref<5008x128xf32, #tpu.memory_space<vmem_shared>> -> memref<40x128xf32, #tpu.memory_space<vmem_shared>>
        %dma_start3A_127 = arith.constant 0 : i32
        %dma_start3A_128 = tpu.memref_slice %arg11[%mul3A_120, %dma_start3A_127] : memref<5008x128xf32, #tpu.memory_space<vmem_shared>> -> memref<40x128xf32, #tpu.memory_space<vmem_shared>>
        %dma_start3A_129 = arith.constant 0 : i32
        %dma_start3A_130 = arith.constant 0 : i32
        %dma_start3A_131 = tpu.memref_slice %arg10[%run_scoped3A, %dma_start3A_129, %dma_start3A_130] : memref<2x40x128xf32, #tpu.memory_space<vmem>> -> memref<1x40x128xf32, #tpu.memory_space<vmem>>
        %dma_start3A_132 = tpu.memref_squeeze %dma_start3A_131 : memref<1x40x128xf32, #tpu.memory_space<vmem>> -> memref<40x128xf32, #tpu.memory_space<vmem>>
        tpu.enqueue_dma source(%dma_start3A_132 : memref<40x128xf32, #tpu.memory_space<vmem>>) target(%dma_start3A_128 : memref<40x128xf32, #tpu.memory_space<vmem_shared>>) target_semaphore(%run_scoped3A_121 : memref<!tpu.dma_semaphore, #tpu.memory_space<semaphore_mem>>)
        %dma_wait3A = arith.constant 0 : i32
        %dma_wait3A_133 = arith.constant 0 : i32
        %dma_wait3A_134 = tpu.memref_slice %arg10[%run_scoped3A, %dma_wait3A, %dma_wait3A_133] : memref<2x40x128xf32, #tpu.memory_space<vmem>> -> memref<1x40x128xf32, #tpu.memory_space<vmem>>
        %dma_wait3A_135 = tpu.memref_squeeze %dma_wait3A_134 : memref<1x40x128xf32, #tpu.memory_space<vmem>> -> memref<40x128xf32, #tpu.memory_space<vmem>>
        %dma_wait3A_136 = arith.constant 0 : i32
        %dma_wait3A_137 = tpu.memref_slice %arg11[%mul3A_120, %dma_wait3A_136] : memref<5008x128xf32, #tpu.memory_space<vmem_shared>> -> memref<40x128xf32, #tpu.memory_space<vmem_shared>>
        %dma_wait3A_138 = arith.constant 0 : i32
        %dma_wait3A_139 = tpu.memref_slice %arg11[%mul3A_120, %dma_wait3A_138] : memref<5008x128xf32, #tpu.memory_space<vmem_shared>> -> memref<40x128xf32, #tpu.memory_space<vmem_shared>>
        %dma_wait3A_140 = arith.constant 0 : i32
        %dma_wait3A_141 = arith.constant 0 : i32
        %dma_wait3A_142 = tpu.memref_slice %arg10[%run_scoped3A, %dma_wait3A_140, %dma_wait3A_141] : memref<2x40x128xf32, #tpu.memory_space<vmem>> -> memref<1x40x128xf32, #tpu.memory_space<vmem>>
        %dma_wait3A_143 = tpu.memref_squeeze %dma_wait3A_142 : memref<1x40x128xf32, #tpu.memory_space<vmem>> -> memref<40x128xf32, #tpu.memory_space<vmem>>
        tpu.wait_dma2 semaphore(%run_scoped3A_121 : memref<!tpu.dma_semaphore, #tpu.memory_space<semaphore_mem>>) src(%dma_wait3A_143 : memref<40x128xf32, #tpu.memory_space<vmem>>) dst(%dma_wait3A_139 : memref<40x128xf32, #tpu.memory_space<vmem_shared>>)
        tpu.yield
      }) : () -> ()
    } else {
    }
    %add3A_8 = arith.constant 16 : i32
    %add3A_9 = arith.addi %arg1, %add3A_8 : i32
    %lt3A_10 = arith.constant 125 : i32
    %lt3A_11 = arith.cmpi slt, %add3A_9, %lt3A_10 : i32
    %convert_element_type3A_12 = arith.extui %lt3A_11 : i1 to i32
    %cond3A_13 = arith.constant 0 : i32
    %cond3A_14 = arith.cmpi ne, %convert_element_type3A_12, %cond3A_13 : i32
    scf.if %cond3A_14 {
      %mul3A_119 = arith.constant 40 : i32
      %mul3A_120 = arith.muli %add3A_9, %mul3A_119 : i32
      %run_scoped3A = arith.constant 0 : i32
      "tpu.region"() ({
        %run_scoped3A_121 = tpu.sem_alloc : memref<!tpu.dma_semaphore, #tpu.memory_space<semaphore_mem>>
        %dma_start3A = arith.constant 0 : i32
        %dma_start3A_122 = arith.constant 0 : i32
        %dma_start3A_123 = tpu.memref_slice %arg10[%run_scoped3A, %dma_start3A, %dma_start3A_122] : memref<2x40x128xf32, #tpu.memory_space<vmem>> -> memref<1x40x128xf32, #tpu.memory_space<vmem>>
        %dma_start3A_124 = tpu.memref_squeeze %dma_start3A_123 : memref<1x40x128xf32, #tpu.memory_space<vmem>> -> memref<40x128xf32, #tpu.memory_space<vmem>>
        %dma_start3A_125 = arith.constant 0 : i32
        %dma_start3A_126 = tpu.memref_slice %arg11[%mul3A_120, %dma_start3A_125] : memref<5008x128xf32, #tpu.memory_space<vmem_shared>> -> memref<40x128xf32, #tpu.memory_space<vmem_shared>>
        %dma_start3A_127 = arith.constant 0 : i32
        %dma_start3A_128 = tpu.memref_slice %arg11[%mul3A_120, %dma_start3A_127] : memref<5008x128xf32, #tpu.memory_space<vmem_shared>> -> memref<40x128xf32, #tpu.memory_space<vmem_shared>>
        %dma_start3A_129 = arith.constant 0 : i32
        %dma_start3A_130 = arith.constant 0 : i32
        %dma_start3A_131 = tpu.memref_slice %arg10[%run_scoped3A, %dma_start3A_129, %dma_start3A_130] : memref<2x40x128xf32, #tpu.memory_space<vmem>> -> memref<1x40x128xf32, #tpu.memory_space<vmem>>
        %dma_start3A_132 = tpu.memref_squeeze %dma_start3A_131 : memref<1x40x128xf32, #tpu.memory_space<vmem>> -> memref<40x128xf32, #tpu.memory_space<vmem>>
        tpu.enqueue_dma source(%dma_start3A_132 : memref<40x128xf32, #tpu.memory_space<vmem>>) target(%dma_start3A_128 : memref<40x128xf32, #tpu.memory_space<vmem_shared>>) target_semaphore(%run_scoped3A_121 : memref<!tpu.dma_semaphore, #tpu.memory_space<semaphore_mem>>)
        %dma_wait3A = arith.constant 0 : i32
        %dma_wait3A_133 = arith.constant 0 : i32
        %dma_wait3A_134 = tpu.memref_slice %arg10[%run_scoped3A, %dma_wait3A, %dma_wait3A_133] : memref<2x40x128xf32, #tpu.memory_space<vmem>> -> memref<1x40x128xf32, #tpu.memory_space<vmem>>
        %dma_wait3A_135 = tpu.memref_squeeze %dma_wait3A_134 : memref<1x40x128xf32, #tpu.memory_space<vmem>> -> memref<40x128xf32, #tpu.memory_space<vmem>>
        %dma_wait3A_136 = arith.constant 0 : i32
        %dma_wait3A_137 = tpu.memref_slice %arg11[%mul3A_120, %dma_wait3A_136] : memref<5008x128xf32, #tpu.memory_space<vmem_shared>> -> memref<40x128xf32, #tpu.memory_space<vmem_shared>>
        %dma_wait3A_138 = arith.constant 0 : i32
        %dma_wait3A_139 = tpu.memref_slice %arg11[%mul3A_120, %dma_wait3A_138] : memref<5008x128xf32, #tpu.memory_space<vmem_shared>> -> memref<40x128xf32, #tpu.memory_space<vmem_shared>>
        %dma_wait3A_140 = arith.constant 0 : i32
        %dma_wait3A_141 = arith.constant 0 : i32
        %dma_wait3A_142 = tpu.memref_slice %arg10[%run_scoped3A, %dma_wait3A_140, %dma_wait3A_141] : memref<2x40x128xf32, #tpu.memory_space<vmem>> -> memref<1x40x128xf32, #tpu.memory_space<vmem>>
        %dma_wait3A_143 = tpu.memref_squeeze %dma_wait3A_142 : memref<1x40x128xf32, #tpu.memory_space<vmem>> -> memref<40x128xf32, #tpu.memory_space<vmem>>
        tpu.wait_dma2 semaphore(%run_scoped3A_121 : memref<!tpu.dma_semaphore, #tpu.memory_space<semaphore_mem>>) src(%dma_wait3A_143 : memref<40x128xf32, #tpu.memory_space<vmem>>) dst(%dma_wait3A_139 : memref<40x128xf32, #tpu.memory_space<vmem_shared>>)
        tpu.yield
      }) : () -> ()
    } else {
    }
    %add3A_15 = arith.constant 32 : i32
    %add3A_16 = arith.addi %arg1, %add3A_15 : i32
    %lt3A_17 = arith.constant 125 : i32
    %lt3A_18 = arith.cmpi slt, %add3A_16, %lt3A_17 : i32
    %convert_element_type3A_19 = arith.extui %lt3A_18 : i1 to i32
    %cond3A_20 = arith.constant 0 : i32
    %cond3A_21 = arith.cmpi ne, %convert_element_type3A_19, %cond3A_20 : i32
    scf.if %cond3A_21 {
      %mul3A_119 = arith.constant 40 : i32
      %mul3A_120 = arith.muli %add3A_16, %mul3A_119 : i32
      %run_scoped3A = arith.constant 0 : i32
      "tpu.region"() ({
        %run_scoped3A_121 = tpu.sem_alloc : memref<!tpu.dma_semaphore, #tpu.memory_space<semaphore_mem>>
        %dma_start3A = arith.constant 0 : i32
        %dma_start3A_122 = arith.constant 0 : i32
        %dma_start3A_123 = tpu.memref_slice %arg10[%run_scoped3A, %dma_start3A, %dma_start3A_122] : memref<2x40x128xf32, #tpu.memory_space<vmem>> -> memref<1x40x128xf32, #tpu.memory_space<vmem>>
        %dma_start3A_124 = tpu.memref_squeeze %dma_start3A_123 : memref<1x40x128xf32, #tpu.memory_space<vmem>> -> memref<40x128xf32, #tpu.memory_space<vmem>>
        %dma_start3A_125 = arith.constant 0 : i32
        %dma_start3A_126 = tpu.memref_slice %arg11[%mul3A_120, %dma_start3A_125] : memref<5008x128xf32, #tpu.memory_space<vmem_shared>> -> memref<40x128xf32, #tpu.memory_space<vmem_shared>>
        %dma_start3A_127 = arith.constant 0 : i32
        %dma_start3A_128 = tpu.memref_slice %arg11[%mul3A_120, %dma_start3A_127] : memref<5008x128xf32, #tpu.memory_space<vmem_shared>> -> memref<40x128xf32, #tpu.memory_space<vmem_shared>>
        %dma_start3A_129 = arith.constant 0 : i32
        %dma_start3A_130 = arith.constant 0 : i32
        %dma_start3A_131 = tpu.memref_slice %arg10[%run_scoped3A, %dma_start3A_129, %dma_start3A_130] : memref<2x40x128xf32, #tpu.memory_space<vmem>> -> memref<1x40x128xf32, #tpu.memory_space<vmem>>
        %dma_start3A_132 = tpu.memref_squeeze %dma_start3A_131 : memref<1x40x128xf32, #tpu.memory_space<vmem>> -> memref<40x128xf32, #tpu.memory_space<vmem>>
        tpu.enqueue_dma source(%dma_start3A_132 : memref<40x128xf32, #tpu.memory_space<vmem>>) target(%dma_start3A_128 : memref<40x128xf32, #tpu.memory_space<vmem_shared>>) target_semaphore(%run_scoped3A_121 : memref<!tpu.dma_semaphore, #tpu.memory_space<semaphore_mem>>)
        %dma_wait3A = arith.constant 0 : i32
        %dma_wait3A_133 = arith.constant 0 : i32
        %dma_wait3A_134 = tpu.memref_slice %arg10[%run_scoped3A, %dma_wait3A, %dma_wait3A_133] : memref<2x40x128xf32, #tpu.memory_space<vmem>> -> memref<1x40x128xf32, #tpu.memory_space<vmem>>
        %dma_wait3A_135 = tpu.memref_squeeze %dma_wait3A_134 : memref<1x40x128xf32, #tpu.memory_space<vmem>> -> memref<40x128xf32, #tpu.memory_space<vmem>>
        %dma_wait3A_136 = arith.constant 0 : i32
        %dma_wait3A_137 = tpu.memref_slice %arg11[%mul3A_120, %dma_wait3A_136] : memref<5008x128xf32, #tpu.memory_space<vmem_shared>> -> memref<40x128xf32, #tpu.memory_space<vmem_shared>>
        %dma_wait3A_138 = arith.constant 0 : i32
        %dma_wait3A_139 = tpu.memref_slice %arg11[%mul3A_120, %dma_wait3A_138] : memref<5008x128xf32, #tpu.memory_space<vmem_shared>> -> memref<40x128xf32, #tpu.memory_space<vmem_shared>>
        %dma_wait3A_140 = arith.constant 0 : i32
        %dma_wait3A_141 = arith.constant 0 : i32
        %dma_wait3A_142 = tpu.memref_slice %arg10[%run_scoped3A, %dma_wait3A_140, %dma_wait3A_141] : memref<2x40x128xf32, #tpu.memory_space<vmem>> -> memref<1x40x128xf32, #tpu.memory_space<vmem>>
        %dma_wait3A_143 = tpu.memref_squeeze %dma_wait3A_142 : memref<1x40x128xf32, #tpu.memory_space<vmem>> -> memref<40x128xf32, #tpu.memory_space<vmem>>
        tpu.wait_dma2 semaphore(%run_scoped3A_121 : memref<!tpu.dma_semaphore, #tpu.memory_space<semaphore_mem>>) src(%dma_wait3A_143 : memref<40x128xf32, #tpu.memory_space<vmem>>) dst(%dma_wait3A_139 : memref<40x128xf32, #tpu.memory_space<vmem_shared>>)
        tpu.yield
      }) : () -> ()
    } else {
    }
    %add3A_22 = arith.constant 48 : i32
    %add3A_23 = arith.addi %arg1, %add3A_22 : i32
    %lt3A_24 = arith.constant 125 : i32
    %lt3A_25 = arith.cmpi slt, %add3A_23, %lt3A_24 : i32
    %convert_element_type3A_26 = arith.extui %lt3A_25 : i1 to i32
    %cond3A_27 = arith.constant 0 : i32
    %cond3A_28 = arith.cmpi ne, %convert_element_type3A_26, %cond3A_27 : i32
    scf.if %cond3A_28 {
      %mul3A_119 = arith.constant 40 : i32
      %mul3A_120 = arith.muli %add3A_23, %mul3A_119 : i32
      %run_scoped3A = arith.constant 0 : i32
      "tpu.region"() ({
        %run_scoped3A_121 = tpu.sem_alloc : memref<!tpu.dma_semaphore, #tpu.memory_space<semaphore_mem>>
        %dma_start3A = arith.constant 0 : i32
        %dma_start3A_122 = arith.constant 0 : i32
        %dma_start3A_123 = tpu.memref_slice %arg10[%run_scoped3A, %dma_start3A, %dma_start3A_122] : memref<2x40x128xf32, #tpu.memory_space<vmem>> -> memref<1x40x128xf32, #tpu.memory_space<vmem>>
        %dma_start3A_124 = tpu.memref_squeeze %dma_start3A_123 : memref<1x40x128xf32, #tpu.memory_space<vmem>> -> memref<40x128xf32, #tpu.memory_space<vmem>>
        %dma_start3A_125 = arith.constant 0 : i32
        %dma_start3A_126 = tpu.memref_slice %arg11[%mul3A_120, %dma_start3A_125] : memref<5008x128xf32, #tpu.memory_space<vmem_shared>> -> memref<40x128xf32, #tpu.memory_space<vmem_shared>>
        %dma_start3A_127 = arith.constant 0 : i32
        %dma_start3A_128 = tpu.memref_slice %arg11[%mul3A_120, %dma_start3A_127] : memref<5008x128xf32, #tpu.memory_space<vmem_shared>> -> memref<40x128xf32, #tpu.memory_space<vmem_shared>>
        %dma_start3A_129 = arith.constant 0 : i32
        %dma_start3A_130 = arith.constant 0 : i32
        %dma_start3A_131 = tpu.memref_slice %arg10[%run_scoped3A, %dma_start3A_129, %dma_start3A_130] : memref<2x40x128xf32, #tpu.memory_space<vmem>> -> memref<1x40x128xf32, #tpu.memory_space<vmem>>
        %dma_start3A_132 = tpu.memref_squeeze %dma_start3A_131 : memref<1x40x128xf32, #tpu.memory_space<vmem>> -> memref<40x128xf32, #tpu.memory_space<vmem>>
        tpu.enqueue_dma source(%dma_start3A_132 : memref<40x128xf32, #tpu.memory_space<vmem>>) target(%dma_start3A_128 : memref<40x128xf32, #tpu.memory_space<vmem_shared>>) target_semaphore(%run_scoped3A_121 : memref<!tpu.dma_semaphore, #tpu.memory_space<semaphore_mem>>)
        %dma_wait3A = arith.constant 0 : i32
        %dma_wait3A_133 = arith.constant 0 : i32
        %dma_wait3A_134 = tpu.memref_slice %arg10[%run_scoped3A, %dma_wait3A, %dma_wait3A_133] : memref<2x40x128xf32, #tpu.memory_space<vmem>> -> memref<1x40x128xf32, #tpu.memory_space<vmem>>
        %dma_wait3A_135 = tpu.memref_squeeze %dma_wait3A_134 : memref<1x40x128xf32, #tpu.memory_space<vmem>> -> memref<40x128xf32, #tpu.memory_space<vmem>>
        %dma_wait3A_136 = arith.constant 0 : i32
        %dma_wait3A_137 = tpu.memref_slice %arg11[%mul3A_120, %dma_wait3A_136] : memref<5008x128xf32, #tpu.memory_space<vmem_shared>> -> memref<40x128xf32, #tpu.memory_space<vmem_shared>>
        %dma_wait3A_138 = arith.constant 0 : i32
        %dma_wait3A_139 = tpu.memref_slice %arg11[%mul3A_120, %dma_wait3A_138] : memref<5008x128xf32, #tpu.memory_space<vmem_shared>> -> memref<40x128xf32, #tpu.memory_space<vmem_shared>>
        %dma_wait3A_140 = arith.constant 0 : i32
        %dma_wait3A_141 = arith.constant 0 : i32
        %dma_wait3A_142 = tpu.memref_slice %arg10[%run_scoped3A, %dma_wait3A_140, %dma_wait3A_141] : memref<2x40x128xf32, #tpu.memory_space<vmem>> -> memref<1x40x128xf32, #tpu.memory_space<vmem>>
        %dma_wait3A_143 = tpu.memref_squeeze %dma_wait3A_142 : memref<1x40x128xf32, #tpu.memory_space<vmem>> -> memref<40x128xf32, #tpu.memory_space<vmem>>
        tpu.wait_dma2 semaphore(%run_scoped3A_121 : memref<!tpu.dma_semaphore, #tpu.memory_space<semaphore_mem>>) src(%dma_wait3A_143 : memref<40x128xf32, #tpu.memory_space<vmem>>) dst(%dma_wait3A_139 : memref<40x128xf32, #tpu.memory_space<vmem_shared>>)
        tpu.yield
      }) : () -> ()
    } else {
    }
    %add3A_29 = arith.constant 64 : i32
    %add3A_30 = arith.addi %arg1, %add3A_29 : i32
    %lt3A_31 = arith.constant 125 : i32
    %lt3A_32 = arith.cmpi slt, %add3A_30, %lt3A_31 : i32
    %convert_element_type3A_33 = arith.extui %lt3A_32 : i1 to i32
    %cond3A_34 = arith.constant 0 : i32
    %cond3A_35 = arith.cmpi ne, %convert_element_type3A_33, %cond3A_34 : i32
    scf.if %cond3A_35 {
      %mul3A_119 = arith.constant 40 : i32
      %mul3A_120 = arith.muli %add3A_30, %mul3A_119 : i32
      %run_scoped3A = arith.constant 0 : i32
      "tpu.region"() ({
        %run_scoped3A_121 = tpu.sem_alloc : memref<!tpu.dma_semaphore, #tpu.memory_space<semaphore_mem>>
        %dma_start3A = arith.constant 0 : i32
        %dma_start3A_122 = arith.constant 0 : i32
        %dma_start3A_123 = tpu.memref_slice %arg10[%run_scoped3A, %dma_start3A, %dma_start3A_122] : memref<2x40x128xf32, #tpu.memory_space<vmem>> -> memref<1x40x128xf32, #tpu.memory_space<vmem>>
        %dma_start3A_124 = tpu.memref_squeeze %dma_start3A_123 : memref<1x40x128xf32, #tpu.memory_space<vmem>> -> memref<40x128xf32, #tpu.memory_space<vmem>>
        %dma_start3A_125 = arith.constant 0 : i32
        %dma_start3A_126 = tpu.memref_slice %arg11[%mul3A_120, %dma_start3A_125] : memref<5008x128xf32, #tpu.memory_space<vmem_shared>> -> memref<40x128xf32, #tpu.memory_space<vmem_shared>>
        %dma_start3A_127 = arith.constant 0 : i32
        %dma_start3A_128 = tpu.memref_slice %arg11[%mul3A_120, %dma_start3A_127] : memref<5008x128xf32, #tpu.memory_space<vmem_shared>> -> memref<40x128xf32, #tpu.memory_space<vmem_shared>>
        %dma_start3A_129 = arith.constant 0 : i32
        %dma_start3A_130 = arith.constant 0 : i32
        %dma_start3A_131 = tpu.memref_slice %arg10[%run_scoped3A, %dma_start3A_129, %dma_start3A_130] : memref<2x40x128xf32, #tpu.memory_space<vmem>> -> memref<1x40x128xf32, #tpu.memory_space<vmem>>
        %dma_start3A_132 = tpu.memref_squeeze %dma_start3A_131 : memref<1x40x128xf32, #tpu.memory_space<vmem>> -> memref<40x128xf32, #tpu.memory_space<vmem>>
        tpu.enqueue_dma source(%dma_start3A_132 : memref<40x128xf32, #tpu.memory_space<vmem>>) target(%dma_start3A_128 : memref<40x128xf32, #tpu.memory_space<vmem_shared>>) target_semaphore(%run_scoped3A_121 : memref<!tpu.dma_semaphore, #tpu.memory_space<semaphore_mem>>)
        %dma_wait3A = arith.constant 0 : i32
        %dma_wait3A_133 = arith.constant 0 : i32
        %dma_wait3A_134 = tpu.memref_slice %arg10[%run_scoped3A, %dma_wait3A, %dma_wait3A_133] : memref<2x40x128xf32, #tpu.memory_space<vmem>> -> memref<1x40x128xf32, #tpu.memory_space<vmem>>
        %dma_wait3A_135 = tpu.memref_squeeze %dma_wait3A_134 : memref<1x40x128xf32, #tpu.memory_space<vmem>> -> memref<40x128xf32, #tpu.memory_space<vmem>>
        %dma_wait3A_136 = arith.constant 0 : i32
        %dma_wait3A_137 = tpu.memref_slice %arg11[%mul3A_120, %dma_wait3A_136] : memref<5008x128xf32, #tpu.memory_space<vmem_shared>> -> memref<40x128xf32, #tpu.memory_space<vmem_shared>>
        %dma_wait3A_138 = arith.constant 0 : i32
        %dma_wait3A_139 = tpu.memref_slice %arg11[%mul3A_120, %dma_wait3A_138] : memref<5008x128xf32, #tpu.memory_space<vmem_shared>> -> memref<40x128xf32, #tpu.memory_space<vmem_shared>>
        %dma_wait3A_140 = arith.constant 0 : i32
        %dma_wait3A_141 = arith.constant 0 : i32
        %dma_wait3A_142 = tpu.memref_slice %arg10[%run_scoped3A, %dma_wait3A_140, %dma_wait3A_141] : memref<2x40x128xf32, #tpu.memory_space<vmem>> -> memref<1x40x128xf32, #tpu.memory_space<vmem>>
        %dma_wait3A_143 = tpu.memref_squeeze %dma_wait3A_142 : memref<1x40x128xf32, #tpu.memory_space<vmem>> -> memref<40x128xf32, #tpu.memory_space<vmem>>
        tpu.wait_dma2 semaphore(%run_scoped3A_121 : memref<!tpu.dma_semaphore, #tpu.memory_space<semaphore_mem>>) src(%dma_wait3A_143 : memref<40x128xf32, #tpu.memory_space<vmem>>) dst(%dma_wait3A_139 : memref<40x128xf32, #tpu.memory_space<vmem_shared>>)
        tpu.yield
      }) : () -> ()
    } else {
    }
    %add3A_36 = arith.constant 80 : i32
    %add3A_37 = arith.addi %arg1, %add3A_36 : i32
    %lt3A_38 = arith.constant 125 : i32
    %lt3A_39 = arith.cmpi slt, %add3A_37, %lt3A_38 : i32
    %convert_element_type3A_40 = arith.extui %lt3A_39 : i1 to i32
    %cond3A_41 = arith.constant 0 : i32
    %cond3A_42 = arith.cmpi ne, %convert_element_type3A_40, %cond3A_41 : i32
    scf.if %cond3A_42 {
      %mul3A_119 = arith.constant 40 : i32
      %mul3A_120 = arith.muli %add3A_37, %mul3A_119 : i32
      %run_scoped3A = arith.constant 0 : i32
      "tpu.region"() ({
        %run_scoped3A_121 = tpu.sem_alloc : memref<!tpu.dma_semaphore, #tpu.memory_space<semaphore_mem>>
        %dma_start3A = arith.constant 0 : i32
        %dma_start3A_122 = arith.constant 0 : i32
        %dma_start3A_123 = tpu.memref_slice %arg10[%run_scoped3A, %dma_start3A, %dma_start3A_122] : memref<2x40x128xf32, #tpu.memory_space<vmem>> -> memref<1x40x128xf32, #tpu.memory_space<vmem>>
        %dma_start3A_124 = tpu.memref_squeeze %dma_start3A_123 : memref<1x40x128xf32, #tpu.memory_space<vmem>> -> memref<40x128xf32, #tpu.memory_space<vmem>>
        %dma_start3A_125 = arith.constant 0 : i32
        %dma_start3A_126 = tpu.memref_slice %arg11[%mul3A_120, %dma_start3A_125] : memref<5008x128xf32, #tpu.memory_space<vmem_shared>> -> memref<40x128xf32, #tpu.memory_space<vmem_shared>>
        %dma_start3A_127 = arith.constant 0 : i32
        %dma_start3A_128 = tpu.memref_slice %arg11[%mul3A_120, %dma_start3A_127] : memref<5008x128xf32, #tpu.memory_space<vmem_shared>> -> memref<40x128xf32, #tpu.memory_space<vmem_shared>>
        %dma_start3A_129 = arith.constant 0 : i32
        %dma_start3A_130 = arith.constant 0 : i32
        %dma_start3A_131 = tpu.memref_slice %arg10[%run_scoped3A, %dma_start3A_129, %dma_start3A_130] : memref<2x40x128xf32, #tpu.memory_space<vmem>> -> memref<1x40x128xf32, #tpu.memory_space<vmem>>
        %dma_start3A_132 = tpu.memref_squeeze %dma_start3A_131 : memref<1x40x128xf32, #tpu.memory_space<vmem>> -> memref<40x128xf32, #tpu.memory_space<vmem>>
        tpu.enqueue_dma source(%dma_start3A_132 : memref<40x128xf32, #tpu.memory_space<vmem>>) target(%dma_start3A_128 : memref<40x128xf32, #tpu.memory_space<vmem_shared>>) target_semaphore(%run_scoped3A_121 : memref<!tpu.dma_semaphore, #tpu.memory_space<semaphore_mem>>)
        %dma_wait3A = arith.constant 0 : i32
        %dma_wait3A_133 = arith.constant 0 : i32
        %dma_wait3A_134 = tpu.memref_slice %arg10[%run_scoped3A, %dma_wait3A, %dma_wait3A_133] : memref<2x40x128xf32, #tpu.memory_space<vmem>> -> memref<1x40x128xf32, #tpu.memory_space<vmem>>
        %dma_wait3A_135 = tpu.memref_squeeze %dma_wait3A_134 : memref<1x40x128xf32, #tpu.memory_space<vmem>> -> memref<40x128xf32, #tpu.memory_space<vmem>>
        %dma_wait3A_136 = arith.constant 0 : i32
        %dma_wait3A_137 = tpu.memref_slice %arg11[%mul3A_120, %dma_wait3A_136] : memref<5008x128xf32, #tpu.memory_space<vmem_shared>> -> memref<40x128xf32, #tpu.memory_space<vmem_shared>>
        %dma_wait3A_138 = arith.constant 0 : i32
        %dma_wait3A_139 = tpu.memref_slice %arg11[%mul3A_120, %dma_wait3A_138] : memref<5008x128xf32, #tpu.memory_space<vmem_shared>> -> memref<40x128xf32, #tpu.memory_space<vmem_shared>>
        %dma_wait3A_140 = arith.constant 0 : i32
        %dma_wait3A_141 = arith.constant 0 : i32
        %dma_wait3A_142 = tpu.memref_slice %arg10[%run_scoped3A, %dma_wait3A_140, %dma_wait3A_141] : memref<2x40x128xf32, #tpu.memory_space<vmem>> -> memref<1x40x128xf32, #tpu.memory_space<vmem>>
        %dma_wait3A_143 = tpu.memref_squeeze %dma_wait3A_142 : memref<1x40x128xf32, #tpu.memory_space<vmem>> -> memref<40x128xf32, #tpu.memory_space<vmem>>
        tpu.wait_dma2 semaphore(%run_scoped3A_121 : memref<!tpu.dma_semaphore, #tpu.memory_space<semaphore_mem>>) src(%dma_wait3A_143 : memref<40x128xf32, #tpu.memory_space<vmem>>) dst(%dma_wait3A_139 : memref<40x128xf32, #tpu.memory_space<vmem_shared>>)
        tpu.yield
      }) : () -> ()
    } else {
    }
    %add3A_43 = arith.constant 96 : i32
    %add3A_44 = arith.addi %arg1, %add3A_43 : i32
    %lt3A_45 = arith.constant 125 : i32
    %lt3A_46 = arith.cmpi slt, %add3A_44, %lt3A_45 : i32
    %convert_element_type3A_47 = arith.extui %lt3A_46 : i1 to i32
    %cond3A_48 = arith.constant 0 : i32
    %cond3A_49 = arith.cmpi ne, %convert_element_type3A_47, %cond3A_48 : i32
    scf.if %cond3A_49 {
      %mul3A_119 = arith.constant 40 : i32
      %mul3A_120 = arith.muli %add3A_44, %mul3A_119 : i32
      %run_scoped3A = arith.constant 0 : i32
      "tpu.region"() ({
        %run_scoped3A_121 = tpu.sem_alloc : memref<!tpu.dma_semaphore, #tpu.memory_space<semaphore_mem>>
        %dma_start3A = arith.constant 0 : i32
        %dma_start3A_122 = arith.constant 0 : i32
        %dma_start3A_123 = tpu.memref_slice %arg10[%run_scoped3A, %dma_start3A, %dma_start3A_122] : memref<2x40x128xf32, #tpu.memory_space<vmem>> -> memref<1x40x128xf32, #tpu.memory_space<vmem>>
        %dma_start3A_124 = tpu.memref_squeeze %dma_start3A_123 : memref<1x40x128xf32, #tpu.memory_space<vmem>> -> memref<40x128xf32, #tpu.memory_space<vmem>>
        %dma_start3A_125 = arith.constant 0 : i32
        %dma_start3A_126 = tpu.memref_slice %arg11[%mul3A_120, %dma_start3A_125] : memref<5008x128xf32, #tpu.memory_space<vmem_shared>> -> memref<40x128xf32, #tpu.memory_space<vmem_shared>>
        %dma_start3A_127 = arith.constant 0 : i32
        %dma_start3A_128 = tpu.memref_slice %arg11[%mul3A_120, %dma_start3A_127] : memref<5008x128xf32, #tpu.memory_space<vmem_shared>> -> memref<40x128xf32, #tpu.memory_space<vmem_shared>>
        %dma_start3A_129 = arith.constant 0 : i32
        %dma_start3A_130 = arith.constant 0 : i32
        %dma_start3A_131 = tpu.memref_slice %arg10[%run_scoped3A, %dma_start3A_129, %dma_start3A_130] : memref<2x40x128xf32, #tpu.memory_space<vmem>> -> memref<1x40x128xf32, #tpu.memory_space<vmem>>
        %dma_start3A_132 = tpu.memref_squeeze %dma_start3A_131 : memref<1x40x128xf32, #tpu.memory_space<vmem>> -> memref<40x128xf32, #tpu.memory_space<vmem>>
        tpu.enqueue_dma source(%dma_start3A_132 : memref<40x128xf32, #tpu.memory_space<vmem>>) target(%dma_start3A_128 : memref<40x128xf32, #tpu.memory_space<vmem_shared>>) target_semaphore(%run_scoped3A_121 : memref<!tpu.dma_semaphore, #tpu.memory_space<semaphore_mem>>)
        %dma_wait3A = arith.constant 0 : i32
        %dma_wait3A_133 = arith.constant 0 : i32
        %dma_wait3A_134 = tpu.memref_slice %arg10[%run_scoped3A, %dma_wait3A, %dma_wait3A_133] : memref<2x40x128xf32, #tpu.memory_space<vmem>> -> memref<1x40x128xf32, #tpu.memory_space<vmem>>
        %dma_wait3A_135 = tpu.memref_squeeze %dma_wait3A_134 : memref<1x40x128xf32, #tpu.memory_space<vmem>> -> memref<40x128xf32, #tpu.memory_space<vmem>>
        %dma_wait3A_136 = arith.constant 0 : i32
        %dma_wait3A_137 = tpu.memref_slice %arg11[%mul3A_120, %dma_wait3A_136] : memref<5008x128xf32, #tpu.memory_space<vmem_shared>> -> memref<40x128xf32, #tpu.memory_space<vmem_shared>>
        %dma_wait3A_138 = arith.constant 0 : i32
        %dma_wait3A_139 = tpu.memref_slice %arg11[%mul3A_120, %dma_wait3A_138] : memref<5008x128xf32, #tpu.memory_space<vmem_shared>> -> memref<40x128xf32, #tpu.memory_space<vmem_shared>>
        %dma_wait3A_140 = arith.constant 0 : i32
        %dma_wait3A_141 = arith.constant 0 : i32
        %dma_wait3A_142 = tpu.memref_slice %arg10[%run_scoped3A, %dma_wait3A_140, %dma_wait3A_141] : memref<2x40x128xf32, #tpu.memory_space<vmem>> -> memref<1x40x128xf32, #tpu.memory_space<vmem>>
        %dma_wait3A_143 = tpu.memref_squeeze %dma_wait3A_142 : memref<1x40x128xf32, #tpu.memory_space<vmem>> -> memref<40x128xf32, #tpu.memory_space<vmem>>
        tpu.wait_dma2 semaphore(%run_scoped3A_121 : memref<!tpu.dma_semaphore, #tpu.memory_space<semaphore_mem>>) src(%dma_wait3A_143 : memref<40x128xf32, #tpu.memory_space<vmem>>) dst(%dma_wait3A_139 : memref<40x128xf32, #tpu.memory_space<vmem_shared>>)
        tpu.yield
      }) : () -> ()
    } else {
    }
    %add3A_50 = arith.constant 112 : i32
    %add3A_51 = arith.addi %arg1, %add3A_50 : i32
    %lt3A_52 = arith.constant 125 : i32
    %lt3A_53 = arith.cmpi slt, %add3A_51, %lt3A_52 : i32
    %convert_element_type3A_54 = arith.extui %lt3A_53 : i1 to i32
    %cond3A_55 = arith.constant 0 : i32
    %cond3A_56 = arith.cmpi ne, %convert_element_type3A_54, %cond3A_55 : i32
    scf.if %cond3A_56 {
      %mul3A_119 = arith.constant 40 : i32
      %mul3A_120 = arith.muli %add3A_51, %mul3A_119 : i32
      %run_scoped3A = arith.constant 0 : i32
      "tpu.region"() ({
        %run_scoped3A_121 = tpu.sem_alloc : memref<!tpu.dma_semaphore, #tpu.memory_space<semaphore_mem>>
        %dma_start3A = arith.constant 0 : i32
        %dma_start3A_122 = arith.constant 0 : i32
        %dma_start3A_123 = tpu.memref_slice %arg10[%run_scoped3A, %dma_start3A, %dma_start3A_122] : memref<2x40x128xf32, #tpu.memory_space<vmem>> -> memref<1x40x128xf32, #tpu.memory_space<vmem>>
        %dma_start3A_124 = tpu.memref_squeeze %dma_start3A_123 : memref<1x40x128xf32, #tpu.memory_space<vmem>> -> memref<40x128xf32, #tpu.memory_space<vmem>>
        %dma_start3A_125 = arith.constant 0 : i32
        %dma_start3A_126 = tpu.memref_slice %arg11[%mul3A_120, %dma_start3A_125] : memref<5008x128xf32, #tpu.memory_space<vmem_shared>> -> memref<40x128xf32, #tpu.memory_space<vmem_shared>>
        %dma_start3A_127 = arith.constant 0 : i32
        %dma_start3A_128 = tpu.memref_slice %arg11[%mul3A_120, %dma_start3A_127] : memref<5008x128xf32, #tpu.memory_space<vmem_shared>> -> memref<40x128xf32, #tpu.memory_space<vmem_shared>>
        %dma_start3A_129 = arith.constant 0 : i32
        %dma_start3A_130 = arith.constant 0 : i32
        %dma_start3A_131 = tpu.memref_slice %arg10[%run_scoped3A, %dma_start3A_129, %dma_start3A_130] : memref<2x40x128xf32, #tpu.memory_space<vmem>> -> memref<1x40x128xf32, #tpu.memory_space<vmem>>
        %dma_start3A_132 = tpu.memref_squeeze %dma_start3A_131 : memref<1x40x128xf32, #tpu.memory_space<vmem>> -> memref<40x128xf32, #tpu.memory_space<vmem>>
        tpu.enqueue_dma source(%dma_start3A_132 : memref<40x128xf32, #tpu.memory_space<vmem>>) target(%dma_start3A_128 : memref<40x128xf32, #tpu.memory_space<vmem_shared>>) target_semaphore(%run_scoped3A_121 : memref<!tpu.dma_semaphore, #tpu.memory_space<semaphore_mem>>)
        %dma_wait3A = arith.constant 0 : i32
        %dma_wait3A_133 = arith.constant 0 : i32
        %dma_wait3A_134 = tpu.memref_slice %arg10[%run_scoped3A, %dma_wait3A, %dma_wait3A_133] : memref<2x40x128xf32, #tpu.memory_space<vmem>> -> memref<1x40x128xf32, #tpu.memory_space<vmem>>
        %dma_wait3A_135 = tpu.memref_squeeze %dma_wait3A_134 : memref<1x40x128xf32, #tpu.memory_space<vmem>> -> memref<40x128xf32, #tpu.memory_space<vmem>>
        %dma_wait3A_136 = arith.constant 0 : i32
        %dma_wait3A_137 = tpu.memref_slice %arg11[%mul3A_120, %dma_wait3A_136] : memref<5008x128xf32, #tpu.memory_space<vmem_shared>> -> memref<40x128xf32, #tpu.memory_space<vmem_shared>>
        %dma_wait3A_138 = arith.constant 0 : i32
        %dma_wait3A_139 = tpu.memref_slice %arg11[%mul3A_120, %dma_wait3A_138] : memref<5008x128xf32, #tpu.memory_space<vmem_shared>> -> memref<40x128xf32, #tpu.memory_space<vmem_shared>>
        %dma_wait3A_140 = arith.constant 0 : i32
        %dma_wait3A_141 = arith.constant 0 : i32
        %dma_wait3A_142 = tpu.memref_slice %arg10[%run_scoped3A, %dma_wait3A_140, %dma_wait3A_141] : memref<2x40x128xf32, #tpu.memory_space<vmem>> -> memref<1x40x128xf32, #tpu.memory_space<vmem>>
        %dma_wait3A_143 = tpu.memref_squeeze %dma_wait3A_142 : memref<1x40x128xf32, #tpu.memory_space<vmem>> -> memref<40x128xf32, #tpu.memory_space<vmem>>
        tpu.wait_dma2 semaphore(%run_scoped3A_121 : memref<!tpu.dma_semaphore, #tpu.memory_space<semaphore_mem>>) src(%dma_wait3A_143 : memref<40x128xf32, #tpu.memory_space<vmem>>) dst(%dma_wait3A_139 : memref<40x128xf32, #tpu.memory_space<vmem_shared>>)
        tpu.yield
      }) : () -> ()
    } else {
    }
    %barrier3A = arith.constant 0 : index
    tpu.barrier barrier_id(%barrier3A)
    %iota3A = tpu.iota {dimensions = array<i32: 0>} : vector<16xi32>
    %scan3A_57 = arith.constant 0 : i32
    %scan3A_58 = arith.constant 10 : i32
    %scan3A_59 = arith.addi %scan3A_57, %scan3A_58 : i32
    %scan3A_60 = arith.constant 1 : i32
    scf.for %scan3A_119 = %scan3A_57 to %scan3A_59 step %scan3A_60  : i32 {
      %mul3A_120 = arith.constant 1 : i32
      %mul3A_121 = arith.muli %scan3A_119, %mul3A_120 : i32
      %add3A_122 = arith.constant 0 : i32
      %add3A_123 = arith.addi %add3A_122, %mul3A_121 : i32
      %mul3A_124 = arith.constant 20000 : i32
      %mul3A_125 = arith.muli %arg1, %mul3A_124 : i32
      %mul3A_126 = arith.constant 2000 : i32
      %mul3A_127 = arith.muli %add3A_123, %mul3A_126 : i32
      %add3A_128 = arith.addi %mul3A_125, %mul3A_127 : i32
      "tpu.region"() ({
        %run_scoped3A = tpu.sem_alloc : memref<!tpu.dma_semaphore, #tpu.memory_space<semaphore_mem>>
        %dma_start3A = tpu.memref_slice %arg3[%add3A_128] : memref<320000xi32, #tpu.memory_space<hbm>> -> memref<2000xi32, #tpu.memory_space<hbm>>
        %dma_start3A_174 = tpu.memref_slice %arg3[%add3A_128] : memref<320000xi32, #tpu.memory_space<hbm>> -> memref<2000xi32, #tpu.memory_space<hbm>>
        tpu.enqueue_dma source(%dma_start3A_174 : memref<2000xi32, #tpu.memory_space<hbm>>) target(%arg6 : memref<2000xi32, #tpu.memory_space<vmem>>) target_semaphore(%run_scoped3A : memref<!tpu.dma_semaphore, #tpu.memory_space<semaphore_mem>>)
        %dma_wait3A = tpu.memref_slice %arg3[%add3A_128] : memref<320000xi32, #tpu.memory_space<hbm>> -> memref<2000xi32, #tpu.memory_space<hbm>>
        %dma_wait3A_175 = tpu.memref_slice %arg3[%add3A_128] : memref<320000xi32, #tpu.memory_space<hbm>> -> memref<2000xi32, #tpu.memory_space<hbm>>
        tpu.wait_dma2 semaphore(%run_scoped3A : memref<!tpu.dma_semaphore, #tpu.memory_space<semaphore_mem>>) src(%dma_wait3A_175 : memref<2000xi32, #tpu.memory_space<hbm>>) dst(%arg6 : memref<2000xi32, #tpu.memory_space<vmem>>)
        tpu.yield
      }) : () -> ()
      %mul3A_129 = arith.constant 20000 : i32
      %mul3A_130 = arith.muli %arg1, %mul3A_129 : i32
      %mul3A_131 = arith.constant 2000 : i32
      %mul3A_132 = arith.muli %add3A_123, %mul3A_131 : i32
      %add3A_133 = arith.addi %mul3A_130, %mul3A_132 : i32
      "tpu.region"() ({
        %run_scoped3A = tpu.sem_alloc : memref<!tpu.dma_semaphore, #tpu.memory_space<semaphore_mem>>
        %dma_start3A = tpu.memref_slice %arg4[%add3A_133] : memref<320000xi32, #tpu.memory_space<hbm>> -> memref<2000xi32, #tpu.memory_space<hbm>>
        %dma_start3A_174 = tpu.memref_slice %arg4[%add3A_133] : memref<320000xi32, #tpu.memory_space<hbm>> -> memref<2000xi32, #tpu.memory_space<hbm>>
        tpu.enqueue_dma source(%dma_start3A_174 : memref<2000xi32, #tpu.memory_space<hbm>>) target(%arg7 : memref<2000xi32, #tpu.memory_space<vmem>>) target_semaphore(%run_scoped3A : memref<!tpu.dma_semaphore, #tpu.memory_space<semaphore_mem>>)
        %dma_wait3A = tpu.memref_slice %arg4[%add3A_133] : memref<320000xi32, #tpu.memory_space<hbm>> -> memref<2000xi32, #tpu.memory_space<hbm>>
        %dma_wait3A_175 = tpu.memref_slice %arg4[%add3A_133] : memref<320000xi32, #tpu.memory_space<hbm>> -> memref<2000xi32, #tpu.memory_space<hbm>>
        tpu.wait_dma2 semaphore(%run_scoped3A : memref<!tpu.dma_semaphore, #tpu.memory_space<semaphore_mem>>) src(%dma_wait3A_175 : memref<2000xi32, #tpu.memory_space<hbm>>) dst(%arg7 : memref<2000xi32, #tpu.memory_space<vmem>>)
        tpu.yield
      }) : () -> ()
      %scan3A_134 = arith.constant 0 : i32
      %scan3A_135 = arith.constant 77 : i32
      %scan3A_136 = arith.addi %scan3A_134, %scan3A_135 : i32
      %scan3A_137 = arith.constant 1 : i32
      scf.for %scan3A_174 = %scan3A_134 to %scan3A_136 step %scan3A_137  : i32 {
        %mul3A_175 = arith.constant 1 : i32
        %mul3A_176 = arith.muli %scan3A_174, %mul3A_175 : i32
        %add3A_177 = arith.constant 0 : i32
        %add3A_178 = arith.addi %add3A_177, %mul3A_176 : i32
        %mul3A_179 = arith.constant 16 : i32
        %mul3A_180 = arith.muli %add3A_178, %mul3A_179 : i32
        %swap3A = arith.index_cast %mul3A_180 : i32 to index
        %swap3A_181 = tpu.vector_load %arg8[%swap3A] {strides = array<i32>} : memref<1240xi32, #tpu.memory_space<vmem>>, vector<16xi32>,
        tpu.vector_store %arg8[%swap3A], %iota3A {strides = array<i32>} : memref<1240xi32, #tpu.memory_space<vmem>>, vector<16xi32>,
        %and3A = arith.constant 7 : i32
        %and3A_182 = vector.broadcast %and3A : i32 to vector<16xi32>
        %and3A_183 = arith.andi %iota3A, %and3A_182 : vector<16xi32>
        %add3A_184 = arith.constant 5000 : i32
        %add3A_185 = vector.broadcast %add3A_184 : i32 to vector<16xi32>
        %add3A_186 = arith.addi %add3A_185, %and3A_183 : vector<16xi32>
        %mul3A_187 = arith.constant 16 : i32
        %mul3A_188 = arith.muli %add3A_178, %mul3A_187 : i32
        %swap3A_189 = arith.index_cast %mul3A_188 : i32 to index
        %swap3A_190 = tpu.vector_load %arg9[%swap3A_189] {strides = array<i32>} : memref<1240xi32, #tpu.memory_space<vmem>>, vector<16xi32>,
        tpu.vector_store %arg9[%swap3A_189], %add3A_186 {strides = array<i32>} : memref<1240xi32, #tpu.memory_space<vmem>>, vector<16xi32>,
      }
      %scan3A_138 = arith.constant 77 : i32
      %scan3A_139 = arith.constant 0 : i32
      %scan3A_140 = arith.constant 0 : i32
      %scan3A_141 = arith.constant 125 : i32
      %scan3A_142 = arith.addi %scan3A_140, %scan3A_141 : i32
      %scan3A_143 = arith.constant 1 : i32
      %scan3A_144 = scf.for %scan3A_174 = %scan3A_140 to %scan3A_142 step %scan3A_143 iter_args(%scan3A_175 = %scan3A_139) -> (i32)  : i32 {
        %mul3A_176 = arith.constant 1 : i32
        %mul3A_177 = arith.muli %scan3A_174, %mul3A_176 : i32
        %add3A_178 = arith.constant 0 : i32
        %add3A_179 = arith.addi %add3A_178, %mul3A_177 : i32
        %mul3A_180 = arith.constant 16 : i32
        %mul3A_181 = arith.muli %add3A_179, %mul3A_180 : i32
        %get3A = arith.index_cast %mul3A_181 : i32 to index
        %get3A_182 = tpu.vector_load %arg6[%get3A] {strides = array<i32>} : memref<2000xi32, #tpu.memory_space<vmem>>, vector<16xi32>,
        %mul3A_183 = arith.constant 16 : i32
        %mul3A_184 = arith.muli %add3A_179, %mul3A_183 : i32
        %get3A_185 = arith.index_cast %mul3A_184 : i32 to index
        %get3A_186 = tpu.vector_load %arg7[%get3A_185] {strides = array<i32>} : memref<2000xi32, #tpu.memory_space<vmem>>, vector<16xi32>,
        %sub3A_187 = vector.broadcast %mul3A_0 : i32 to vector<16xi32>
        %sub3A_188 = arith.subi %get3A_186, %sub3A_187 : vector<16xi32>
        %ge3A = arith.constant 0 : i32
        %ge3A_189 = vector.broadcast %ge3A : i32 to vector<16xi32>
        %ge3A_190 = arith.cmpi sge, %sub3A_188, %ge3A_189 : vector<16xi32>
        %lt3A_191 = arith.constant 5000 : i32
        %lt3A_192 = vector.broadcast %lt3A_191 : i32 to vector<16xi32>
        %lt3A_193 = arith.cmpi slt, %sub3A_188, %lt3A_192 : vector<16xi32>
        %and3A = arith.andi %ge3A_190, %lt3A_193 : vector<16xi1>
        %swap3A = arith.index_cast %scan3A_175 : i32 to index
        %swap3A_194 = tpu.vector_load %arg8[%swap3A] masked %and3A {strides = array<i32>} : memref<1240xi32, #tpu.memory_space<vmem>>, vector<16xi32>, vector<16xi1>
        tpu.vector_store %arg8[%swap3A], %get3A_182 masked %and3A {strides = array<i32>} : memref<1240xi32, #tpu.memory_space<vmem>>, vector<16xi32>, vector<16xi1>
        %swap3A_195 = arith.index_cast %scan3A_175 : i32 to index
        %swap3A_196 = tpu.vector_load %arg9[%swap3A_195] masked %and3A {strides = array<i32>} : memref<1240xi32, #tpu.memory_space<vmem>>, vector<16xi32>, vector<16xi1>
        tpu.vector_store %arg9[%swap3A_195], %sub3A_188 masked %and3A {strides = array<i32>} : memref<1240xi32, #tpu.memory_space<vmem>>, vector<16xi32>, vector<16xi1>
        %all_reduce_population_count3A = tpu.all_reduce %and3A {dim = 0 : i64, kind = #tpu.reduction_kind<sum>} : vector<16xi1> -> vector<16xi32>
        %slice3A = vector.extract_strided_slice %all_reduce_population_count3A {offsets = [0], sizes = [1], strides = [1]} : vector<16xi32> to vector<1xi32>
        %squeeze3A = vector.extract %slice3A[0] : i32 from vector<1xi32>
        %add3A_197 = arith.addi %scan3A_175, %squeeze3A : i32
        scf.yield %add3A_197 : i32
      }
      %scan3A_145 = arith.constant 125 : i32
      %add3A_146 = arith.constant 39 : i32
      %add3A_147 = arith.addi %scan3A_144, %add3A_146 : i32
      %div3A = arith.constant 40 : i32
      %div3A_148 = arith.divsi %add3A_147, %div3A : i32
      %gt3A = arith.constant 0 : i32
      %gt3A_149 = arith.cmpi sgt, %div3A_148, %gt3A : i32
      %convert_element_type3A_150 = arith.extui %gt3A_149 : i1 to i32
      %cond3A_151 = arith.constant 0 : i32
      %cond3A_152 = arith.cmpi ne, %convert_element_type3A_150, %cond3A_151 : i32
      scf.if %cond3A_152 {
        %dma_start3A = arith.constant 0 : i32
        %dma_start3A_174 = arith.constant 0 : i32
        %dma_start3A_175 = arith.constant 0 : i32
        %dma_start3A_176 = arith.constant 0 : i32
        %dma_start3A_177 = tpu.memref_slice %arg10[%dma_start3A, %dma_start3A_175, %dma_start3A_176] : memref<2x40x128xf32, #tpu.memory_space<vmem>> -> memref<1x40x128xf32, #tpu.memory_space<vmem>>
        %dma_start3A_178 = tpu.memref_squeeze %dma_start3A_177 : memref<1x40x128xf32, #tpu.memory_space<vmem>> -> memref<40x128xf32, #tpu.memory_space<vmem>>
        %dma_start3A_179 = arith.constant 0 : i32
        %dma_start3A_180 = tpu.memref_slice %arg8[%dma_start3A_179] : memref<1240xi32, #tpu.memory_space<vmem>> -> memref<40xi32, #tpu.memory_space<vmem>>
        %dma_start3A_181 = arith.constant 0 : i32
        %dma_start3A_182 = arith.constant 0 : i32
        %dma_start3A_183 = tpu.memref_slice %arg2[%dma_start3A_181, %dma_start3A_182] : memref<10000x128xf32, #tpu.memory_space<hbm>> -> memref<10000x128xf32, #tpu.memory_space<hbm>>
        %dma_start3A_184 = tpu.memref_slice %arg12[%dma_start3A_174] : memref<2x!tpu.dma_semaphore, #tpu.memory_space<semaphore_mem>> -> memref<1x!tpu.dma_semaphore, #tpu.memory_space<semaphore_mem>>
        %dma_start3A_185 = tpu.memref_squeeze %dma_start3A_184 : memref<1x!tpu.dma_semaphore, #tpu.memory_space<semaphore_mem>> -> memref<!tpu.dma_semaphore, #tpu.memory_space<semaphore_mem>>
        tpu.enqueue_indirect_dma source(%dma_start3A_183 : memref<10000x128xf32, #tpu.memory_space<hbm>>) target(%dma_start3A_178 : memref<40x128xf32, #tpu.memory_space<vmem>>) offsets(%dma_start3A_180 : memref<40xi32, #tpu.memory_space<vmem>>) semaphore(%dma_start3A_185 : memref<!tpu.dma_semaphore, #tpu.memory_space<semaphore_mem>>)
      } else {
      }
      %add3A_153 = arith.constant 1 : i32
      %add3A_154 = arith.addi %div3A_148, %add3A_153 : i32
      %div3A_155 = arith.constant 2 : i32
      %div3A_156 = arith.divsi %add3A_154, %div3A_155 : i32
      %sub3A = arith.constant 0 : i32
      %sub3A_157 = arith.subi %div3A_156, %sub3A : i32
      %sub3A_158 = arith.constant 1 : i32
      %sub3A_159 = arith.constant 1 : i32
      %sub3A_160 = arith.subi %sub3A_158, %sub3A_159 : i32
      %add3A_161 = arith.addi %sub3A_157, %sub3A_160 : i32
      %div3A_162 = arith.constant 1 : i32
      %div3A_163 = arith.divsi %add3A_161, %div3A_162 : i32
      %while3A = arith.constant 1 : i32
      %while3A_164 = arith.constant 0 : i32
      %while3A_165 = arith.constant 0 : i32
      %while3A_166 = arith.subi %div3A_163, %while3A_165 : i32
      %while3A_167 = arith.addi %while3A_165, %while3A_166 : i32
      %while3A_168 = arith.constant 1 : i32
      %while3A_169 = arith.divsi %while3A_166, %while3A_168 : i32
      %while3A_170 = arith.muli %while3A_169, %while3A_168 : i32
      %while3A_171 = arith.addi %while3A_165, %while3A_170 : i32
      %while3A_172 = arith.constant 1 : i32
      scf.for %while3A_174 = %while3A_165 to %while3A_171 step %while3A_172  : i32 {
        %mul3A_175 = arith.muli %while3A_174, %while3A : i32
        %add3A_176 = arith.addi %while3A_164, %mul3A_175 : i32
        %mul3A_177 = arith.constant 2 : i32
        %mul3A_178 = arith.muli %add3A_176, %mul3A_177 : i32
        %add3A_179 = arith.constant 1 : i32
        %add3A_180 = arith.addi %mul3A_178, %add3A_179 : i32
        %lt3A_181 = arith.cmpi slt, %add3A_180, %div3A_148 : i32
        %convert_element_type3A_182 = arith.extui %lt3A_181 : i1 to i32
        %cond3A_183 = arith.constant 0 : i32
        %cond3A_184 = arith.cmpi ne, %convert_element_type3A_182, %cond3A_183 : i32
        scf.if %cond3A_184 {
          %add3A_212 = arith.constant 1 : i32
          %add3A_213 = arith.addi %mul3A_178, %add3A_212 : i32
          %mul3A_214 = arith.constant 40 : i32
          %mul3A_215 = arith.muli %add3A_213, %mul3A_214 : i32
          %dma_start3A = arith.constant 1 : i32
          %dma_start3A_216 = arith.constant 1 : i32
          %dma_start3A_217 = arith.constant 0 : i32
          %dma_start3A_218 = arith.constant 0 : i32
          %dma_start3A_219 = tpu.memref_slice %arg10[%dma_start3A, %dma_start3A_217, %dma_start3A_218] : memref<2x40x128xf32, #tpu.memory_space<vmem>> -> memref<1x40x128xf32, #tpu.memory_space<vmem>>
          %dma_start3A_220 = tpu.memref_squeeze %dma_start3A_219 : memref<1x40x128xf32, #tpu.memory_space<vmem>> -> memref<40x128xf32, #tpu.memory_space<vmem>>
          %dma_start3A_221 = tpu.memref_slice %arg8[%mul3A_215] : memref<1240xi32, #tpu.memory_space<vmem>> -> memref<40xi32, #tpu.memory_space<vmem>>
          %dma_start3A_222 = arith.constant 0 : i32
          %dma_start3A_223 = arith.constant 0 : i32
          %dma_start3A_224 = tpu.memref_slice %arg2[%dma_start3A_222, %dma_start3A_223] : memref<10000x128xf32, #tpu.memory_space<hbm>> -> memref<10000x128xf32, #tpu.memory_space<hbm>>
          %dma_start3A_225 = tpu.memref_slice %arg12[%dma_start3A_216] : memref<2x!tpu.dma_semaphore, #tpu.memory_space<semaphore_mem>> -> memref<1x!tpu.dma_semaphore, #tpu.memory_space<semaphore_mem>>
          %dma_start3A_226 = tpu.memref_squeeze %dma_start3A_225 : memref<1x!tpu.dma_semaphore, #tpu.memory_space<semaphore_mem>> -> memref<!tpu.dma_semaphore, #tpu.memory_space<semaphore_mem>>
          tpu.enqueue_indirect_dma source(%dma_start3A_224 : memref<10000x128xf32, #tpu.memory_space<hbm>>) target(%dma_start3A_220 : memref<40x128xf32, #tpu.memory_space<vmem>>) offsets(%dma_start3A_221 : memref<40xi32, #tpu.memory_space<vmem>>) semaphore(%dma_start3A_226 : memref<!tpu.dma_semaphore, #tpu.memory_space<semaphore_mem>>)
        } else {
        }
        %mul3A_185 = arith.constant 40 : i32
        %mul3A_186 = arith.muli %mul3A_178, %mul3A_185 : i32
        %dma_wait3A = arith.constant 0 : i32
        %dma_wait3A_187 = arith.constant 0 : i32
        %dma_wait3A_188 = arith.constant 0 : i32
        %dma_wait3A_189 = arith.constant 0 : i32
        %dma_wait3A_190 = tpu.memref_slice %arg10[%dma_wait3A, %dma_wait3A_188, %dma_wait3A_189] : memref<2x40x128xf32, #tpu.memory_space<vmem>> -> memref<1x40x128xf32, #tpu.memory_space<vmem>>
        %dma_wait3A_191 = tpu.memref_squeeze %dma_wait3A_190 : memref<1x40x128xf32, #tpu.memory_space<vmem>> -> memref<40x128xf32, #tpu.memory_space<vmem>>
        %dma_wait3A_192 = tpu.memref_slice %arg8[%mul3A_186] : memref<1240xi32, #tpu.memory_space<vmem>> -> memref<40xi32, #tpu.memory_space<vmem>>
        %dma_wait3A_193 = arith.constant 0 : i32
        %dma_wait3A_194 = arith.constant 0 : i32
        %dma_wait3A_195 = tpu.memref_slice %arg2[%dma_wait3A_193, %dma_wait3A_194] : memref<10000x128xf32, #tpu.memory_space<hbm>> -> memref<10000x128xf32, #tpu.memory_space<hbm>>
        %dma_wait3A_196 = tpu.memref_slice %arg12[%dma_wait3A_187] : memref<2x!tpu.dma_semaphore, #tpu.memory_space<semaphore_mem>> -> memref<1x!tpu.dma_semaphore, #tpu.memory_space<semaphore_mem>>
        %dma_wait3A_197 = tpu.memref_squeeze %dma_wait3A_196 : memref<1x!tpu.dma_semaphore, #tpu.memory_space<semaphore_mem>> -> memref<!tpu.dma_semaphore, #tpu.memory_space<semaphore_mem>>
        tpu.wait_indirect_dma semaphore(%dma_wait3A_197 : memref<!tpu.dma_semaphore, #tpu.memory_space<semaphore_mem>>) src(%dma_wait3A_195 : memref<10000x128xf32, #tpu.memory_space<hbm>>) dst(%dma_wait3A_191 : memref<40x128xf32, #tpu.memory_space<vmem>>)
        %mul3A_198 = arith.constant 40 : i32
        %mul3A_199 = arith.muli %mul3A_178, %mul3A_198 : i32
        %run_scoped3A = arith.constant 0 : i32
        "tpu.region"() ({
          %run_scoped3A_212 = tpu.sem_alloc : memref<!tpu.dma_semaphore, #tpu.memory_space<semaphore_mem>>
          %dma_start3A = arith.constant 0 : i32
          %dma_start3A_213 = arith.constant 0 : i32
          %dma_start3A_214 = tpu.memref_slice %arg10[%run_scoped3A, %dma_start3A, %dma_start3A_213] : memref<2x40x128xf32, #tpu.memory_space<vmem>> -> memref<1x40x128xf32, #tpu.memory_space<vmem>>
          %dma_start3A_215 = tpu.memref_squeeze %dma_start3A_214 : memref<1x40x128xf32, #tpu.memory_space<vmem>> -> memref<40x128xf32, #tpu.memory_space<vmem>>
          %dma_start3A_216 = tpu.memref_slice %arg9[%mul3A_199] : memref<1240xi32, #tpu.memory_space<vmem>> -> memref<40xi32, #tpu.memory_space<vmem>>
          %dma_start3A_217 = arith.constant 0 : i32
          %dma_start3A_218 = arith.constant 0 : i32
          %dma_start3A_219 = tpu.memref_slice %arg11[%dma_start3A_217, %dma_start3A_218] : memref<5008x128xf32, #tpu.memory_space<vmem_shared>> -> memref<5008x128xf32, #tpu.memory_space<vmem_shared>>
          tpu.enqueue_indirect_dma source(%dma_start3A_215 : memref<40x128xf32, #tpu.memory_space<vmem>>) target(%dma_start3A_219 : memref<5008x128xf32, #tpu.memory_space<vmem_shared>>) offsets(%dma_start3A_216 : memref<40xi32, #tpu.memory_space<vmem>>) semaphore(%run_scoped3A_212 : memref<!tpu.dma_semaphore, #tpu.memory_space<semaphore_mem>>) {add = true}
          %dma_wait3A_220 = arith.constant 0 : i32
          %dma_wait3A_221 = arith.constant 0 : i32
          %dma_wait3A_222 = tpu.memref_slice %arg10[%run_scoped3A, %dma_wait3A_220, %dma_wait3A_221] : memref<2x40x128xf32, #tpu.memory_space<vmem>> -> memref<1x40x128xf32, #tpu.memory_space<vmem>>
          %dma_wait3A_223 = tpu.memref_squeeze %dma_wait3A_222 : memref<1x40x128xf32, #tpu.memory_space<vmem>> -> memref<40x128xf32, #tpu.memory_space<vmem>>
          %dma_wait3A_224 = tpu.memref_slice %arg9[%mul3A_199] : memref<1240xi32, #tpu.memory_space<vmem>> -> memref<40xi32, #tpu.memory_space<vmem>>
          %dma_wait3A_225 = arith.constant 0 : i32
          %dma_wait3A_226 = arith.constant 0 : i32
          %dma_wait3A_227 = tpu.memref_slice %arg11[%dma_wait3A_225, %dma_wait3A_226] : memref<5008x128xf32, #tpu.memory_space<vmem_shared>> -> memref<5008x128xf32, #tpu.memory_space<vmem_shared>>
          tpu.wait_indirect_dma semaphore(%run_scoped3A_212 : memref<!tpu.dma_semaphore, #tpu.memory_space<semaphore_mem>>) src(%dma_wait3A_223 : memref<40x128xf32, #tpu.memory_space<vmem>>) dst(%dma_wait3A_227 : memref<5008x128xf32, #tpu.memory_space<vmem_shared>>)
          tpu.yield
        }) : () -> ()
        %add3A_200 = arith.constant 2 : i32
        %add3A_201 = arith.addi %mul3A_178, %add3A_200 : i32
        %lt3A_202 = arith.cmpi slt, %add3A_201, %div3A_148 : i32
        %convert_element_type3A_203 = arith.extui %lt3A_202 : i1 to i32
        %cond3A_204 = arith.constant 0 : i32
        %cond3A_205 = arith.cmpi ne, %convert_element_type3A_203, %cond3A_204 : i32
        scf.if %cond3A_205 {
          %add3A_212 = arith.constant 2 : i32
          %add3A_213 = arith.addi %mul3A_178, %add3A_212 : i32
          %mul3A_214 = arith.constant 40 : i32
          %mul3A_215 = arith.muli %add3A_213, %mul3A_214 : i32
          %dma_start3A = arith.constant 0 : i32
          %dma_start3A_216 = arith.constant 0 : i32
          %dma_start3A_217 = arith.constant 0 : i32
          %dma_start3A_218 = arith.constant 0 : i32
          %dma_start3A_219 = tpu.memref_slice %arg10[%dma_start3A, %dma_start3A_217, %dma_start3A_218] : memref<2x40x128xf32, #tpu.memory_space<vmem>> -> memref<1x40x128xf32, #tpu.memory_space<vmem>>
          %dma_start3A_220 = tpu.memref_squeeze %dma_start3A_219 : memref<1x40x128xf32, #tpu.memory_space<vmem>> -> memref<40x128xf32, #tpu.memory_space<vmem>>
          %dma_start3A_221 = tpu.memref_slice %arg8[%mul3A_215] : memref<1240xi32, #tpu.memory_space<vmem>> -> memref<40xi32, #tpu.memory_space<vmem>>
          %dma_start3A_222 = arith.constant 0 : i32
          %dma_start3A_223 = arith.constant 0 : i32
          %dma_start3A_224 = tpu.memref_slice %arg2[%dma_start3A_222, %dma_start3A_223] : memref<10000x128xf32, #tpu.memory_space<hbm>> -> memref<10000x128xf32, #tpu.memory_space<hbm>>
          %dma_start3A_225 = tpu.memref_slice %arg12[%dma_start3A_216] : memref<2x!tpu.dma_semaphore, #tpu.memory_space<semaphore_mem>> -> memref<1x!tpu.dma_semaphore, #tpu.memory_space<semaphore_mem>>
          %dma_start3A_226 = tpu.memref_squeeze %dma_start3A_225 : memref<1x!tpu.dma_semaphore, #tpu.memory_space<semaphore_mem>> -> memref<!tpu.dma_semaphore, #tpu.memory_space<semaphore_mem>>
          tpu.enqueue_indirect_dma source(%dma_start3A_224 : memref<10000x128xf32, #tpu.memory_space<hbm>>) target(%dma_start3A_220 : memref<40x128xf32, #tpu.memory_space<vmem>>) offsets(%dma_start3A_221 : memref<40xi32, #tpu.memory_space<vmem>>) semaphore(%dma_start3A_226 : memref<!tpu.dma_semaphore, #tpu.memory_space<semaphore_mem>>)
        } else {
        }
        %add3A_206 = arith.constant 1 : i32
        %add3A_207 = arith.addi %mul3A_178, %add3A_206 : i32
        %lt3A_208 = arith.cmpi slt, %add3A_207, %div3A_148 : i32
        %convert_element_type3A_209 = arith.extui %lt3A_208 : i1 to i32
        %cond3A_210 = arith.constant 0 : i32
        %cond3A_211 = arith.cmpi ne, %convert_element_type3A_209, %cond3A_210 : i32
        scf.if %cond3A_211 {
          %add3A_212 = arith.constant 1 : i32
          %add3A_213 = arith.addi %mul3A_178, %add3A_212 : i32
          %mul3A_214 = arith.constant 40 : i32
          %mul3A_215 = arith.muli %add3A_213, %mul3A_214 : i32
          %dma_wait3A_216 = arith.constant 1 : i32
          %dma_wait3A_217 = arith.constant 1 : i32
          %dma_wait3A_218 = arith.constant 0 : i32
          %dma_wait3A_219 = arith.constant 0 : i32
          %dma_wait3A_220 = tpu.memref_slice %arg10[%dma_wait3A_216, %dma_wait3A_218, %dma_wait3A_219] : memref<2x40x128xf32, #tpu.memory_space<vmem>> -> memref<1x40x128xf32, #tpu.memory_space<vmem>>
          %dma_wait3A_221 = tpu.memref_squeeze %dma_wait3A_220 : memref<1x40x128xf32, #tpu.memory_space<vmem>> -> memref<40x128xf32, #tpu.memory_space<vmem>>
          %dma_wait3A_222 = tpu.memref_slice %arg8[%mul3A_215] : memref<1240xi32, #tpu.memory_space<vmem>> -> memref<40xi32, #tpu.memory_space<vmem>>
          %dma_wait3A_223 = arith.constant 0 : i32
          %dma_wait3A_224 = arith.constant 0 : i32
          %dma_wait3A_225 = tpu.memref_slice %arg2[%dma_wait3A_223, %dma_wait3A_224] : memref<10000x128xf32, #tpu.memory_space<hbm>> -> memref<10000x128xf32, #tpu.memory_space<hbm>>
          %dma_wait3A_226 = tpu.memref_slice %arg12[%dma_wait3A_217] : memref<2x!tpu.dma_semaphore, #tpu.memory_space<semaphore_mem>> -> memref<1x!tpu.dma_semaphore, #tpu.memory_space<semaphore_mem>>
          %dma_wait3A_227 = tpu.memref_squeeze %dma_wait3A_226 : memref<1x!tpu.dma_semaphore, #tpu.memory_space<semaphore_mem>> -> memref<!tpu.dma_semaphore, #tpu.memory_space<semaphore_mem>>
          tpu.wait_indirect_dma semaphore(%dma_wait3A_227 : memref<!tpu.dma_semaphore, #tpu.memory_space<semaphore_mem>>) src(%dma_wait3A_225 : memref<10000x128xf32, #tpu.memory_space<hbm>>) dst(%dma_wait3A_221 : memref<40x128xf32, #tpu.memory_space<vmem>>)
          %add3A_228 = arith.constant 1 : i32
          %add3A_229 = arith.addi %mul3A_178, %add3A_228 : i32
          %mul3A_230 = arith.constant 40 : i32
          %mul3A_231 = arith.muli %add3A_229, %mul3A_230 : i32
          %run_scoped3A_232 = arith.constant 1 : i32
          "tpu.region"() ({
            %run_scoped3A_233 = tpu.sem_alloc : memref<!tpu.dma_semaphore, #tpu.memory_space<semaphore_mem>>
            %dma_start3A = arith.constant 0 : i32
            %dma_start3A_234 = arith.constant 0 : i32
            %dma_start3A_235 = tpu.memref_slice %arg10[%run_scoped3A_232, %dma_start3A, %dma_start3A_234] : memref<2x40x128xf32, #tpu.memory_space<vmem>> -> memref<1x40x128xf32, #tpu.memory_space<vmem>>
            %dma_start3A_236 = tpu.memref_squeeze %dma_start3A_235 : memref<1x40x128xf32, #tpu.memory_space<vmem>> -> memref<40x128xf32, #tpu.memory_space<vmem>>
            %dma_start3A_237 = tpu.memref_slice %arg9[%mul3A_231] : memref<1240xi32, #tpu.memory_space<vmem>> -> memref<40xi32, #tpu.memory_space<vmem>>
            %dma_start3A_238 = arith.constant 0 : i32
            %dma_start3A_239 = arith.constant 0 : i32
            %dma_start3A_240 = tpu.memref_slice %arg11[%dma_start3A_238, %dma_start3A_239] : memref<5008x128xf32, #tpu.memory_space<vmem_shared>> -> memref<5008x128xf32, #tpu.memory_space<vmem_shared>>
            tpu.enqueue_indirect_dma source(%dma_start3A_236 : memref<40x128xf32, #tpu.memory_space<vmem>>) target(%dma_start3A_240 : memref<5008x128xf32, #tpu.memory_space<vmem_shared>>) offsets(%dma_start3A_237 : memref<40xi32, #tpu.memory_space<vmem>>) semaphore(%run_scoped3A_233 : memref<!tpu.dma_semaphore, #tpu.memory_space<semaphore_mem>>) {add = true}
            %dma_wait3A_241 = arith.constant 0 : i32
            %dma_wait3A_242 = arith.constant 0 : i32
            %dma_wait3A_243 = tpu.memref_slice %arg10[%run_scoped3A_232, %dma_wait3A_241, %dma_wait3A_242] : memref<2x40x128xf32, #tpu.memory_space<vmem>> -> memref<1x40x128xf32, #tpu.memory_space<vmem>>
            %dma_wait3A_244 = tpu.memref_squeeze %dma_wait3A_243 : memref<1x40x128xf32, #tpu.memory_space<vmem>> -> memref<40x128xf32, #tpu.memory_space<vmem>>
            %dma_wait3A_245 = tpu.memref_slice %arg9[%mul3A_231] : memref<1240xi32, #tpu.memory_space<vmem>> -> memref<40xi32, #tpu.memory_space<vmem>>
            %dma_wait3A_246 = arith.constant 0 : i32
            %dma_wait3A_247 = arith.constant 0 : i32
            %dma_wait3A_248 = tpu.memref_slice %arg11[%dma_wait3A_246, %dma_wait3A_247] : memref<5008x128xf32, #tpu.memory_space<vmem_shared>> -> memref<5008x128xf32, #tpu.memory_space<vmem_shared>>
            tpu.wait_indirect_dma semaphore(%run_scoped3A_233 : memref<!tpu.dma_semaphore, #tpu.memory_space<semaphore_mem>>) src(%dma_wait3A_244 : memref<40x128xf32, #tpu.memory_space<vmem>>) dst(%dma_wait3A_248 : memref<5008x128xf32, #tpu.memory_space<vmem_shared>>)
            tpu.yield
          }) : () -> ()
        } else {
        }
      }
      %while3A_173 = arith.constant 1 : i32
      scf.for %while3A_174 = %while3A_171 to %while3A_167 step %while3A_173  : i32 {
        %mul3A_175 = arith.muli %while3A_174, %while3A : i32
        %add3A_176 = arith.addi %while3A_164, %mul3A_175 : i32
        %mul3A_177 = arith.constant 2 : i32
        %mul3A_178 = arith.muli %add3A_176, %mul3A_177 : i32
        %add3A_179 = arith.constant 1 : i32
        %add3A_180 = arith.addi %mul3A_178, %add3A_179 : i32
        %lt3A_181 = arith.cmpi slt, %add3A_180, %div3A_148 : i32
        %convert_element_type3A_182 = arith.extui %lt3A_181 : i1 to i32
        %cond3A_183 = arith.constant 0 : i32
        %cond3A_184 = arith.cmpi ne, %convert_element_type3A_182, %cond3A_183 : i32
        scf.if %cond3A_184 {
          %add3A_212 = arith.constant 1 : i32
          %add3A_213 = arith.addi %mul3A_178, %add3A_212 : i32
          %mul3A_214 = arith.constant 40 : i32
          %mul3A_215 = arith.muli %add3A_213, %mul3A_214 : i32
          %dma_start3A = arith.constant 1 : i32
          %dma_start3A_216 = arith.constant 1 : i32
          %dma_start3A_217 = arith.constant 0 : i32
          %dma_start3A_218 = arith.constant 0 : i32
          %dma_start3A_219 = tpu.memref_slice %arg10[%dma_start3A, %dma_start3A_217, %dma_start3A_218] : memref<2x40x128xf32, #tpu.memory_space<vmem>> -> memref<1x40x128xf32, #tpu.memory_space<vmem>>
          %dma_start3A_220 = tpu.memref_squeeze %dma_start3A_219 : memref<1x40x128xf32, #tpu.memory_space<vmem>> -> memref<40x128xf32, #tpu.memory_space<vmem>>
          %dma_start3A_221 = tpu.memref_slice %arg8[%mul3A_215] : memref<1240xi32, #tpu.memory_space<vmem>> -> memref<40xi32, #tpu.memory_space<vmem>>
          %dma_start3A_222 = arith.constant 0 : i32
          %dma_start3A_223 = arith.constant 0 : i32
          %dma_start3A_224 = tpu.memref_slice %arg2[%dma_start3A_222, %dma_start3A_223] : memref<10000x128xf32, #tpu.memory_space<hbm>> -> memref<10000x128xf32, #tpu.memory_space<hbm>>
          %dma_start3A_225 = tpu.memref_slice %arg12[%dma_start3A_216] : memref<2x!tpu.dma_semaphore, #tpu.memory_space<semaphore_mem>> -> memref<1x!tpu.dma_semaphore, #tpu.memory_space<semaphore_mem>>
          %dma_start3A_226 = tpu.memref_squeeze %dma_start3A_225 : memref<1x!tpu.dma_semaphore, #tpu.memory_space<semaphore_mem>> -> memref<!tpu.dma_semaphore, #tpu.memory_space<semaphore_mem>>
          tpu.enqueue_indirect_dma source(%dma_start3A_224 : memref<10000x128xf32, #tpu.memory_space<hbm>>) target(%dma_start3A_220 : memref<40x128xf32, #tpu.memory_space<vmem>>) offsets(%dma_start3A_221 : memref<40xi32, #tpu.memory_space<vmem>>) semaphore(%dma_start3A_226 : memref<!tpu.dma_semaphore, #tpu.memory_space<semaphore_mem>>)
        } else {
        }
        %mul3A_185 = arith.constant 40 : i32
        %mul3A_186 = arith.muli %mul3A_178, %mul3A_185 : i32
        %dma_wait3A = arith.constant 0 : i32
        %dma_wait3A_187 = arith.constant 0 : i32
        %dma_wait3A_188 = arith.constant 0 : i32
        %dma_wait3A_189 = arith.constant 0 : i32
        %dma_wait3A_190 = tpu.memref_slice %arg10[%dma_wait3A, %dma_wait3A_188, %dma_wait3A_189] : memref<2x40x128xf32, #tpu.memory_space<vmem>> -> memref<1x40x128xf32, #tpu.memory_space<vmem>>
        %dma_wait3A_191 = tpu.memref_squeeze %dma_wait3A_190 : memref<1x40x128xf32, #tpu.memory_space<vmem>> -> memref<40x128xf32, #tpu.memory_space<vmem>>
        %dma_wait3A_192 = tpu.memref_slice %arg8[%mul3A_186] : memref<1240xi32, #tpu.memory_space<vmem>> -> memref<40xi32, #tpu.memory_space<vmem>>
        %dma_wait3A_193 = arith.constant 0 : i32
        %dma_wait3A_194 = arith.constant 0 : i32
        %dma_wait3A_195 = tpu.memref_slice %arg2[%dma_wait3A_193, %dma_wait3A_194] : memref<10000x128xf32, #tpu.memory_space<hbm>> -> memref<10000x128xf32, #tpu.memory_space<hbm>>
        %dma_wait3A_196 = tpu.memref_slice %arg12[%dma_wait3A_187] : memref<2x!tpu.dma_semaphore, #tpu.memory_space<semaphore_mem>> -> memref<1x!tpu.dma_semaphore, #tpu.memory_space<semaphore_mem>>
        %dma_wait3A_197 = tpu.memref_squeeze %dma_wait3A_196 : memref<1x!tpu.dma_semaphore, #tpu.memory_space<semaphore_mem>> -> memref<!tpu.dma_semaphore, #tpu.memory_space<semaphore_mem>>
        tpu.wait_indirect_dma semaphore(%dma_wait3A_197 : memref<!tpu.dma_semaphore, #tpu.memory_space<semaphore_mem>>) src(%dma_wait3A_195 : memref<10000x128xf32, #tpu.memory_space<hbm>>) dst(%dma_wait3A_191 : memref<40x128xf32, #tpu.memory_space<vmem>>)
        %mul3A_198 = arith.constant 40 : i32
        %mul3A_199 = arith.muli %mul3A_178, %mul3A_198 : i32
        %run_scoped3A = arith.constant 0 : i32
        "tpu.region"() ({
          %run_scoped3A_212 = tpu.sem_alloc : memref<!tpu.dma_semaphore, #tpu.memory_space<semaphore_mem>>
          %dma_start3A = arith.constant 0 : i32
          %dma_start3A_213 = arith.constant 0 : i32
          %dma_start3A_214 = tpu.memref_slice %arg10[%run_scoped3A, %dma_start3A, %dma_start3A_213] : memref<2x40x128xf32, #tpu.memory_space<vmem>> -> memref<1x40x128xf32, #tpu.memory_space<vmem>>
          %dma_start3A_215 = tpu.memref_squeeze %dma_start3A_214 : memref<1x40x128xf32, #tpu.memory_space<vmem>> -> memref<40x128xf32, #tpu.memory_space<vmem>>
          %dma_start3A_216 = tpu.memref_slice %arg9[%mul3A_199] : memref<1240xi32, #tpu.memory_space<vmem>> -> memref<40xi32, #tpu.memory_space<vmem>>
          %dma_start3A_217 = arith.constant 0 : i32
          %dma_start3A_218 = arith.constant 0 : i32
          %dma_start3A_219 = tpu.memref_slice %arg11[%dma_start3A_217, %dma_start3A_218] : memref<5008x128xf32, #tpu.memory_space<vmem_shared>> -> memref<5008x128xf32, #tpu.memory_space<vmem_shared>>
          tpu.enqueue_indirect_dma source(%dma_start3A_215 : memref<40x128xf32, #tpu.memory_space<vmem>>) target(%dma_start3A_219 : memref<5008x128xf32, #tpu.memory_space<vmem_shared>>) offsets(%dma_start3A_216 : memref<40xi32, #tpu.memory_space<vmem>>) semaphore(%run_scoped3A_212 : memref<!tpu.dma_semaphore, #tpu.memory_space<semaphore_mem>>) {add = true}
          %dma_wait3A_220 = arith.constant 0 : i32
          %dma_wait3A_221 = arith.constant 0 : i32
          %dma_wait3A_222 = tpu.memref_slice %arg10[%run_scoped3A, %dma_wait3A_220, %dma_wait3A_221] : memref<2x40x128xf32, #tpu.memory_space<vmem>> -> memref<1x40x128xf32, #tpu.memory_space<vmem>>
          %dma_wait3A_223 = tpu.memref_squeeze %dma_wait3A_222 : memref<1x40x128xf32, #tpu.memory_space<vmem>> -> memref<40x128xf32, #tpu.memory_space<vmem>>
          %dma_wait3A_224 = tpu.memref_slice %arg9[%mul3A_199] : memref<1240xi32, #tpu.memory_space<vmem>> -> memref<40xi32, #tpu.memory_space<vmem>>
          %dma_wait3A_225 = arith.constant 0 : i32
          %dma_wait3A_226 = arith.constant 0 : i32
          %dma_wait3A_227 = tpu.memref_slice %arg11[%dma_wait3A_225, %dma_wait3A_226] : memref<5008x128xf32, #tpu.memory_space<vmem_shared>> -> memref<5008x128xf32, #tpu.memory_space<vmem_shared>>
          tpu.wait_indirect_dma semaphore(%run_scoped3A_212 : memref<!tpu.dma_semaphore, #tpu.memory_space<semaphore_mem>>) src(%dma_wait3A_223 : memref<40x128xf32, #tpu.memory_space<vmem>>) dst(%dma_wait3A_227 : memref<5008x128xf32, #tpu.memory_space<vmem_shared>>)
          tpu.yield
        }) : () -> ()
        %add3A_200 = arith.constant 2 : i32
        %add3A_201 = arith.addi %mul3A_178, %add3A_200 : i32
        %lt3A_202 = arith.cmpi slt, %add3A_201, %div3A_148 : i32
        %convert_element_type3A_203 = arith.extui %lt3A_202 : i1 to i32
        %cond3A_204 = arith.constant 0 : i32
        %cond3A_205 = arith.cmpi ne, %convert_element_type3A_203, %cond3A_204 : i32
        scf.if %cond3A_205 {
          %add3A_212 = arith.constant 2 : i32
          %add3A_213 = arith.addi %mul3A_178, %add3A_212 : i32
          %mul3A_214 = arith.constant 40 : i32
          %mul3A_215 = arith.muli %add3A_213, %mul3A_214 : i32
          %dma_start3A = arith.constant 0 : i32
          %dma_start3A_216 = arith.constant 0 : i32
          %dma_start3A_217 = arith.constant 0 : i32
          %dma_start3A_218 = arith.constant 0 : i32
          %dma_start3A_219 = tpu.memref_slice %arg10[%dma_start3A, %dma_start3A_217, %dma_start3A_218] : memref<2x40x128xf32, #tpu.memory_space<vmem>> -> memref<1x40x128xf32, #tpu.memory_space<vmem>>
          %dma_start3A_220 = tpu.memref_squeeze %dma_start3A_219 : memref<1x40x128xf32, #tpu.memory_space<vmem>> -> memref<40x128xf32, #tpu.memory_space<vmem>>
          %dma_start3A_221 = tpu.memref_slice %arg8[%mul3A_215] : memref<1240xi32, #tpu.memory_space<vmem>> -> memref<40xi32, #tpu.memory_space<vmem>>
          %dma_start3A_222 = arith.constant 0 : i32
          %dma_start3A_223 = arith.constant 0 : i32
          %dma_start3A_224 = tpu.memref_slice %arg2[%dma_start3A_222, %dma_start3A_223] : memref<10000x128xf32, #tpu.memory_space<hbm>> -> memref<10000x128xf32, #tpu.memory_space<hbm>>
          %dma_start3A_225 = tpu.memref_slice %arg12[%dma_start3A_216] : memref<2x!tpu.dma_semaphore, #tpu.memory_space<semaphore_mem>> -> memref<1x!tpu.dma_semaphore, #tpu.memory_space<semaphore_mem>>
          %dma_start3A_226 = tpu.memref_squeeze %dma_start3A_225 : memref<1x!tpu.dma_semaphore, #tpu.memory_space<semaphore_mem>> -> memref<!tpu.dma_semaphore, #tpu.memory_space<semaphore_mem>>
          tpu.enqueue_indirect_dma source(%dma_start3A_224 : memref<10000x128xf32, #tpu.memory_space<hbm>>) target(%dma_start3A_220 : memref<40x128xf32, #tpu.memory_space<vmem>>) offsets(%dma_start3A_221 : memref<40xi32, #tpu.memory_space<vmem>>) semaphore(%dma_start3A_226 : memref<!tpu.dma_semaphore, #tpu.memory_space<semaphore_mem>>)
        } else {
        }
        %add3A_206 = arith.constant 1 : i32
        %add3A_207 = arith.addi %mul3A_178, %add3A_206 : i32
        %lt3A_208 = arith.cmpi slt, %add3A_207, %div3A_148 : i32
        %convert_element_type3A_209 = arith.extui %lt3A_208 : i1 to i32
        %cond3A_210 = arith.constant 0 : i32
        %cond3A_211 = arith.cmpi ne, %convert_element_type3A_209, %cond3A_210 : i32
        scf.if %cond3A_211 {
          %add3A_212 = arith.constant 1 : i32
          %add3A_213 = arith.addi %mul3A_178, %add3A_212 : i32
          %mul3A_214 = arith.constant 40 : i32
          %mul3A_215 = arith.muli %add3A_213, %mul3A_214 : i32
          %dma_wait3A_216 = arith.constant 1 : i32
          %dma_wait3A_217 = arith.constant 1 : i32
          %dma_wait3A_218 = arith.constant 0 : i32
          %dma_wait3A_219 = arith.constant 0 : i32
          %dma_wait3A_220 = tpu.memref_slice %arg10[%dma_wait3A_216, %dma_wait3A_218, %dma_wait3A_219] : memref<2x40x128xf32, #tpu.memory_space<vmem>> -> memref<1x40x128xf32, #tpu.memory_space<vmem>>
          %dma_wait3A_221 = tpu.memref_squeeze %dma_wait3A_220 : memref<1x40x128xf32, #tpu.memory_space<vmem>> -> memref<40x128xf32, #tpu.memory_space<vmem>>
          %dma_wait3A_222 = tpu.memref_slice %arg8[%mul3A_215] : memref<1240xi32, #tpu.memory_space<vmem>> -> memref<40xi32, #tpu.memory_space<vmem>>
          %dma_wait3A_223 = arith.constant 0 : i32
          %dma_wait3A_224 = arith.constant 0 : i32
          %dma_wait3A_225 = tpu.memref_slice %arg2[%dma_wait3A_223, %dma_wait3A_224] : memref<10000x128xf32, #tpu.memory_space<hbm>> -> memref<10000x128xf32, #tpu.memory_space<hbm>>
          %dma_wait3A_226 = tpu.memref_slice %arg12[%dma_wait3A_217] : memref<2x!tpu.dma_semaphore, #tpu.memory_space<semaphore_mem>> -> memref<1x!tpu.dma_semaphore, #tpu.memory_space<semaphore_mem>>
          %dma_wait3A_227 = tpu.memref_squeeze %dma_wait3A_226 : memref<1x!tpu.dma_semaphore, #tpu.memory_space<semaphore_mem>> -> memref<!tpu.dma_semaphore, #tpu.memory_space<semaphore_mem>>
          tpu.wait_indirect_dma semaphore(%dma_wait3A_227 : memref<!tpu.dma_semaphore, #tpu.memory_space<semaphore_mem>>) src(%dma_wait3A_225 : memref<10000x128xf32, #tpu.memory_space<hbm>>) dst(%dma_wait3A_221 : memref<40x128xf32, #tpu.memory_space<vmem>>)
          %add3A_228 = arith.constant 1 : i32
          %add3A_229 = arith.addi %mul3A_178, %add3A_228 : i32
          %mul3A_230 = arith.constant 40 : i32
          %mul3A_231 = arith.muli %add3A_229, %mul3A_230 : i32
          %run_scoped3A_232 = arith.constant 1 : i32
          "tpu.region"() ({
            %run_scoped3A_233 = tpu.sem_alloc : memref<!tpu.dma_semaphore, #tpu.memory_space<semaphore_mem>>
            %dma_start3A = arith.constant 0 : i32
            %dma_start3A_234 = arith.constant 0 : i32
            %dma_start3A_235 = tpu.memref_slice %arg10[%run_scoped3A_232, %dma_start3A, %dma_start3A_234] : memref<2x40x128xf32, #tpu.memory_space<vmem>> -> memref<1x40x128xf32, #tpu.memory_space<vmem>>
            %dma_start3A_236 = tpu.memref_squeeze %dma_start3A_235 : memref<1x40x128xf32, #tpu.memory_space<vmem>> -> memref<40x128xf32, #tpu.memory_space<vmem>>
            %dma_start3A_237 = tpu.memref_slice %arg9[%mul3A_231] : memref<1240xi32, #tpu.memory_space<vmem>> -> memref<40xi32, #tpu.memory_space<vmem>>
            %dma_start3A_238 = arith.constant 0 : i32
            %dma_start3A_239 = arith.constant 0 : i32
            %dma_start3A_240 = tpu.memref_slice %arg11[%dma_start3A_238, %dma_start3A_239] : memref<5008x128xf32, #tpu.memory_space<vmem_shared>> -> memref<5008x128xf32, #tpu.memory_space<vmem_shared>>
            tpu.enqueue_indirect_dma source(%dma_start3A_236 : memref<40x128xf32, #tpu.memory_space<vmem>>) target(%dma_start3A_240 : memref<5008x128xf32, #tpu.memory_space<vmem_shared>>) offsets(%dma_start3A_237 : memref<40xi32, #tpu.memory_space<vmem>>) semaphore(%run_scoped3A_233 : memref<!tpu.dma_semaphore, #tpu.memory_space<semaphore_mem>>) {add = true}
            %dma_wait3A_241 = arith.constant 0 : i32
            %dma_wait3A_242 = arith.constant 0 : i32
            %dma_wait3A_243 = tpu.memref_slice %arg10[%run_scoped3A_232, %dma_wait3A_241, %dma_wait3A_242] : memref<2x40x128xf32, #tpu.memory_space<vmem>> -> memref<1x40x128xf32, #tpu.memory_space<vmem>>
            %dma_wait3A_244 = tpu.memref_squeeze %dma_wait3A_243 : memref<1x40x128xf32, #tpu.memory_space<vmem>> -> memref<40x128xf32, #tpu.memory_space<vmem>>
            %dma_wait3A_245 = tpu.memref_slice %arg9[%mul3A_231] : memref<1240xi32, #tpu.memory_space<vmem>> -> memref<40xi32, #tpu.memory_space<vmem>>
            %dma_wait3A_246 = arith.constant 0 : i32
            %dma_wait3A_247 = arith.constant 0 : i32
            %dma_wait3A_248 = tpu.memref_slice %arg11[%dma_wait3A_246, %dma_wait3A_247] : memref<5008x128xf32, #tpu.memory_space<vmem_shared>> -> memref<5008x128xf32, #tpu.memory_space<vmem_shared>>
            tpu.wait_indirect_dma semaphore(%run_scoped3A_233 : memref<!tpu.dma_semaphore, #tpu.memory_space<semaphore_mem>>) src(%dma_wait3A_244 : memref<40x128xf32, #tpu.memory_space<vmem>>) dst(%dma_wait3A_248 : memref<5008x128xf32, #tpu.memory_space<vmem_shared>>)
            tpu.yield
          }) : () -> ()
        } else {
        }
      }
    }
    %scan3A_61 = arith.constant 10 : i32
    %barrier3A_62 = arith.constant 0 : index
    tpu.barrier barrier_id(%barrier3A_62)
    %add3A_63 = arith.constant 0 : i32
    %add3A_64 = arith.addi %arg1, %add3A_63 : i32
    %lt3A_65 = arith.constant 125 : i32
    %lt3A_66 = arith.cmpi slt, %add3A_64, %lt3A_65 : i32
    %convert_element_type3A_67 = arith.extui %lt3A_66 : i1 to i32
    %cond3A_68 = arith.constant 0 : i32
    %cond3A_69 = arith.cmpi ne, %convert_element_type3A_67, %cond3A_68 : i32
    scf.if %cond3A_69 {
      %mul3A_119 = arith.constant 40 : i32
      %mul3A_120 = arith.muli %add3A_64, %mul3A_119 : i32
      %run_scoped3A = arith.constant 0 : i32
      "tpu.region"() ({
        %run_scoped3A_127 = tpu.sem_alloc : memref<!tpu.dma_semaphore, #tpu.memory_space<semaphore_mem>>
        %dma_start3A = arith.constant 0 : i32
        %dma_start3A_128 = arith.constant 0 : i32
        %dma_start3A_129 = tpu.memref_slice %arg10[%run_scoped3A, %dma_start3A, %dma_start3A_128] : memref<2x40x128xf32, #tpu.memory_space<vmem>> -> memref<1x40x128xf32, #tpu.memory_space<vmem>>
        %dma_start3A_130 = tpu.memref_squeeze %dma_start3A_129 : memref<1x40x128xf32, #tpu.memory_space<vmem>> -> memref<40x128xf32, #tpu.memory_space<vmem>>
        %dma_start3A_131 = arith.constant 0 : i32
        %dma_start3A_132 = tpu.memref_slice %arg11[%mul3A_120, %dma_start3A_131] : memref<5008x128xf32, #tpu.memory_space<vmem_shared>> -> memref<40x128xf32, #tpu.memory_space<vmem_shared>>
        %dma_start3A_133 = arith.constant 0 : i32
        %dma_start3A_134 = arith.constant 0 : i32
        %dma_start3A_135 = tpu.memref_slice %arg10[%run_scoped3A, %dma_start3A_133, %dma_start3A_134] : memref<2x40x128xf32, #tpu.memory_space<vmem>> -> memref<1x40x128xf32, #tpu.memory_space<vmem>>
        %dma_start3A_136 = tpu.memref_squeeze %dma_start3A_135 : memref<1x40x128xf32, #tpu.memory_space<vmem>> -> memref<40x128xf32, #tpu.memory_space<vmem>>
        %dma_start3A_137 = arith.constant 0 : i32
        %dma_start3A_138 = tpu.memref_slice %arg11[%mul3A_120, %dma_start3A_137] : memref<5008x128xf32, #tpu.memory_space<vmem_shared>> -> memref<40x128xf32, #tpu.memory_space<vmem_shared>>
        tpu.enqueue_dma source(%dma_start3A_138 : memref<40x128xf32, #tpu.memory_space<vmem_shared>>) target(%dma_start3A_136 : memref<40x128xf32, #tpu.memory_space<vmem>>) target_semaphore(%run_scoped3A_127 : memref<!tpu.dma_semaphore, #tpu.memory_space<semaphore_mem>>)
        %dma_wait3A = arith.constant 0 : i32
        %dma_wait3A_139 = arith.constant 0 : i32
        %dma_wait3A_140 = tpu.memref_slice %arg10[%run_scoped3A, %dma_wait3A, %dma_wait3A_139] : memref<2x40x128xf32, #tpu.memory_space<vmem>> -> memref<1x40x128xf32, #tpu.memory_space<vmem>>
        %dma_wait3A_141 = tpu.memref_squeeze %dma_wait3A_140 : memref<1x40x128xf32, #tpu.memory_space<vmem>> -> memref<40x128xf32, #tpu.memory_space<vmem>>
        %dma_wait3A_142 = arith.constant 0 : i32
        %dma_wait3A_143 = tpu.memref_slice %arg11[%mul3A_120, %dma_wait3A_142] : memref<5008x128xf32, #tpu.memory_space<vmem_shared>> -> memref<40x128xf32, #tpu.memory_space<vmem_shared>>
        %dma_wait3A_144 = arith.constant 0 : i32
        %dma_wait3A_145 = arith.constant 0 : i32
        %dma_wait3A_146 = tpu.memref_slice %arg10[%run_scoped3A, %dma_wait3A_144, %dma_wait3A_145] : memref<2x40x128xf32, #tpu.memory_space<vmem>> -> memref<1x40x128xf32, #tpu.memory_space<vmem>>
        %dma_wait3A_147 = tpu.memref_squeeze %dma_wait3A_146 : memref<1x40x128xf32, #tpu.memory_space<vmem>> -> memref<40x128xf32, #tpu.memory_space<vmem>>
        %dma_wait3A_148 = arith.constant 0 : i32
        %dma_wait3A_149 = tpu.memref_slice %arg11[%mul3A_120, %dma_wait3A_148] : memref<5008x128xf32, #tpu.memory_space<vmem_shared>> -> memref<40x128xf32, #tpu.memory_space<vmem_shared>>
        tpu.wait_dma2 semaphore(%run_scoped3A_127 : memref<!tpu.dma_semaphore, #tpu.memory_space<semaphore_mem>>) src(%dma_wait3A_149 : memref<40x128xf32, #tpu.memory_space<vmem_shared>>) dst(%dma_wait3A_147 : memref<40x128xf32, #tpu.memory_space<vmem>>)
        tpu.yield
      }) : () -> ()
      %mul3A_121 = arith.constant 5000 : i32
      %mul3A_122 = arith.muli %arg0, %mul3A_121 : i32
      %mul3A_123 = arith.constant 40 : i32
      %mul3A_124 = arith.muli %add3A_64, %mul3A_123 : i32
      %add3A_125 = arith.addi %mul3A_122, %mul3A_124 : i32
      %run_scoped3A_126 = arith.constant 0 : i32
      "tpu.region"() ({
        %run_scoped3A_127 = tpu.sem_alloc : memref<!tpu.dma_semaphore, #tpu.memory_space<semaphore_mem>>
        %dma_start3A = arith.constant 0 : i32
        %dma_start3A_128 = arith.constant 0 : i32
        %dma_start3A_129 = tpu.memref_slice %arg10[%run_scoped3A_126, %dma_start3A, %dma_start3A_128] : memref<2x40x128xf32, #tpu.memory_space<vmem>> -> memref<1x40x128xf32, #tpu.memory_space<vmem>>
        %dma_start3A_130 = tpu.memref_squeeze %dma_start3A_129 : memref<1x40x128xf32, #tpu.memory_space<vmem>> -> memref<40x128xf32, #tpu.memory_space<vmem>>
        %dma_start3A_131 = arith.constant 0 : i32
        %dma_start3A_132 = tpu.memref_slice %arg5[%add3A_125, %dma_start3A_131] : memref<10000x128xf32, #tpu.memory_space<hbm>> -> memref<40x128xf32, #tpu.memory_space<hbm>>
        %dma_start3A_133 = arith.constant 0 : i32
        %dma_start3A_134 = tpu.memref_slice %arg5[%add3A_125, %dma_start3A_133] : memref<10000x128xf32, #tpu.memory_space<hbm>> -> memref<40x128xf32, #tpu.memory_space<hbm>>
        %dma_start3A_135 = arith.constant 0 : i32
        %dma_start3A_136 = arith.constant 0 : i32
        %dma_start3A_137 = tpu.memref_slice %arg10[%run_scoped3A_126, %dma_start3A_135, %dma_start3A_136] : memref<2x40x128xf32, #tpu.memory_space<vmem>> -> memref<1x40x128xf32, #tpu.memory_space<vmem>>
        %dma_start3A_138 = tpu.memref_squeeze %dma_start3A_137 : memref<1x40x128xf32, #tpu.memory_space<vmem>> -> memref<40x128xf32, #tpu.memory_space<vmem>>
        tpu.enqueue_dma source(%dma_start3A_138 : memref<40x128xf32, #tpu.memory_space<vmem>>) target(%dma_start3A_134 : memref<40x128xf32, #tpu.memory_space<hbm>>) target_semaphore(%run_scoped3A_127 : memref<!tpu.dma_semaphore, #tpu.memory_space<semaphore_mem>>)
        %dma_wait3A = arith.constant 0 : i32
        %dma_wait3A_139 = arith.constant 0 : i32
        %dma_wait3A_140 = tpu.memref_slice %arg10[%run_scoped3A_126, %dma_wait3A, %dma_wait3A_139] : memref<2x40x128xf32, #tpu.memory_space<vmem>> -> memref<1x40x128xf32, #tpu.memory_space<vmem>>
        %dma_wait3A_141 = tpu.memref_squeeze %dma_wait3A_140 : memref<1x40x128xf32, #tpu.memory_space<vmem>> -> memref<40x128xf32, #tpu.memory_space<vmem>>
        %dma_wait3A_142 = arith.constant 0 : i32
        %dma_wait3A_143 = tpu.memref_slice %arg5[%add3A_125, %dma_wait3A_142] : memref<10000x128xf32, #tpu.memory_space<hbm>> -> memref<40x128xf32, #tpu.memory_space<hbm>>
        %dma_wait3A_144 = arith.constant 0 : i32
        %dma_wait3A_145 = tpu.memref_slice %arg5[%add3A_125, %dma_wait3A_144] : memref<10000x128xf32, #tpu.memory_space<hbm>> -> memref<40x128xf32, #tpu.memory_space<hbm>>
        %dma_wait3A_146 = arith.constant 0 : i32
        %dma_wait3A_147 = arith.constant 0 : i32
        %dma_wait3A_148 = tpu.memref_slice %arg10[%run_scoped3A_126, %dma_wait3A_146, %dma_wait3A_147] : memref<2x40x128xf32, #tpu.memory_space<vmem>> -> memref<1x40x128xf32, #tpu.memory_space<vmem>>
        %dma_wait3A_149 = tpu.memref_squeeze %dma_wait3A_148 : memref<1x40x128xf32, #tpu.memory_space<vmem>> -> memref<40x128xf32, #tpu.memory_space<vmem>>
        tpu.wait_dma2 semaphore(%run_scoped3A_127 : memref<!tpu.dma_semaphore, #tpu.memory_space<semaphore_mem>>) src(%dma_wait3A_149 : memref<40x128xf32, #tpu.memory_space<vmem>>) dst(%dma_wait3A_145 : memref<40x128xf32, #tpu.memory_space<hbm>>)
        tpu.yield
      }) : () -> ()
    } else {
    }
    %add3A_70 = arith.constant 16 : i32
    %add3A_71 = arith.addi %arg1, %add3A_70 : i32
    %lt3A_72 = arith.constant 125 : i32
    %lt3A_73 = arith.cmpi slt, %add3A_71, %lt3A_72 : i32
    %convert_element_type3A_74 = arith.extui %lt3A_73 : i1 to i32
    %cond3A_75 = arith.constant 0 : i32
    %cond3A_76 = arith.cmpi ne, %convert_element_type3A_74, %cond3A_75 : i32
    scf.if %cond3A_76 {
      %mul3A_119 = arith.constant 40 : i32
      %mul3A_120 = arith.muli %add3A_71, %mul3A_119 : i32
      %run_scoped3A = arith.constant 0 : i32
      "tpu.region"() ({
        %run_scoped3A_127 = tpu.sem_alloc : memref<!tpu.dma_semaphore, #tpu.memory_space<semaphore_mem>>
        %dma_start3A = arith.constant 0 : i32
        %dma_start3A_128 = arith.constant 0 : i32
        %dma_start3A_129 = tpu.memref_slice %arg10[%run_scoped3A, %dma_start3A, %dma_start3A_128] : memref<2x40x128xf32, #tpu.memory_space<vmem>> -> memref<1x40x128xf32, #tpu.memory_space<vmem>>
        %dma_start3A_130 = tpu.memref_squeeze %dma_start3A_129 : memref<1x40x128xf32, #tpu.memory_space<vmem>> -> memref<40x128xf32, #tpu.memory_space<vmem>>
        %dma_start3A_131 = arith.constant 0 : i32
        %dma_start3A_132 = tpu.memref_slice %arg11[%mul3A_120, %dma_start3A_131] : memref<5008x128xf32, #tpu.memory_space<vmem_shared>> -> memref<40x128xf32, #tpu.memory_space<vmem_shared>>
        %dma_start3A_133 = arith.constant 0 : i32
        %dma_start3A_134 = arith.constant 0 : i32
        %dma_start3A_135 = tpu.memref_slice %arg10[%run_scoped3A, %dma_start3A_133, %dma_start3A_134] : memref<2x40x128xf32, #tpu.memory_space<vmem>> -> memref<1x40x128xf32, #tpu.memory_space<vmem>>
        %dma_start3A_136 = tpu.memref_squeeze %dma_start3A_135 : memref<1x40x128xf32, #tpu.memory_space<vmem>> -> memref<40x128xf32, #tpu.memory_space<vmem>>
        %dma_start3A_137 = arith.constant 0 : i32
        %dma_start3A_138 = tpu.memref_slice %arg11[%mul3A_120, %dma_start3A_137] : memref<5008x128xf32, #tpu.memory_space<vmem_shared>> -> memref<40x128xf32, #tpu.memory_space<vmem_shared>>
        tpu.enqueue_dma source(%dma_start3A_138 : memref<40x128xf32, #tpu.memory_space<vmem_shared>>) target(%dma_start3A_136 : memref<40x128xf32, #tpu.memory_space<vmem>>) target_semaphore(%run_scoped3A_127 : memref<!tpu.dma_semaphore, #tpu.memory_space<semaphore_mem>>)
        %dma_wait3A = arith.constant 0 : i32
        %dma_wait3A_139 = arith.constant 0 : i32
        %dma_wait3A_140 = tpu.memref_slice %arg10[%run_scoped3A, %dma_wait3A, %dma_wait3A_139] : memref<2x40x128xf32, #tpu.memory_space<vmem>> -> memref<1x40x128xf32, #tpu.memory_space<vmem>>
        %dma_wait3A_141 = tpu.memref_squeeze %dma_wait3A_140 : memref<1x40x128xf32, #tpu.memory_space<vmem>> -> memref<40x128xf32, #tpu.memory_space<vmem>>
        %dma_wait3A_142 = arith.constant 0 : i32
        %dma_wait3A_143 = tpu.memref_slice %arg11[%mul3A_120, %dma_wait3A_142] : memref<5008x128xf32, #tpu.memory_space<vmem_shared>> -> memref<40x128xf32, #tpu.memory_space<vmem_shared>>
        %dma_wait3A_144 = arith.constant 0 : i32
        %dma_wait3A_145 = arith.constant 0 : i32
        %dma_wait3A_146 = tpu.memref_slice %arg10[%run_scoped3A, %dma_wait3A_144, %dma_wait3A_145] : memref<2x40x128xf32, #tpu.memory_space<vmem>> -> memref<1x40x128xf32, #tpu.memory_space<vmem>>
        %dma_wait3A_147 = tpu.memref_squeeze %dma_wait3A_146 : memref<1x40x128xf32, #tpu.memory_space<vmem>> -> memref<40x128xf32, #tpu.memory_space<vmem>>
        %dma_wait3A_148 = arith.constant 0 : i32
        %dma_wait3A_149 = tpu.memref_slice %arg11[%mul3A_120, %dma_wait3A_148] : memref<5008x128xf32, #tpu.memory_space<vmem_shared>> -> memref<40x128xf32, #tpu.memory_space<vmem_shared>>
        tpu.wait_dma2 semaphore(%run_scoped3A_127 : memref<!tpu.dma_semaphore, #tpu.memory_space<semaphore_mem>>) src(%dma_wait3A_149 : memref<40x128xf32, #tpu.memory_space<vmem_shared>>) dst(%dma_wait3A_147 : memref<40x128xf32, #tpu.memory_space<vmem>>)
        tpu.yield
      }) : () -> ()
      %mul3A_121 = arith.constant 5000 : i32
      %mul3A_122 = arith.muli %arg0, %mul3A_121 : i32
      %mul3A_123 = arith.constant 40 : i32
      %mul3A_124 = arith.muli %add3A_71, %mul3A_123 : i32
      %add3A_125 = arith.addi %mul3A_122, %mul3A_124 : i32
      %run_scoped3A_126 = arith.constant 0 : i32
      "tpu.region"() ({
        %run_scoped3A_127 = tpu.sem_alloc : memref<!tpu.dma_semaphore, #tpu.memory_space<semaphore_mem>>
        %dma_start3A = arith.constant 0 : i32
        %dma_start3A_128 = arith.constant 0 : i32
        %dma_start3A_129 = tpu.memref_slice %arg10[%run_scoped3A_126, %dma_start3A, %dma_start3A_128] : memref<2x40x128xf32, #tpu.memory_space<vmem>> -> memref<1x40x128xf32, #tpu.memory_space<vmem>>
        %dma_start3A_130 = tpu.memref_squeeze %dma_start3A_129 : memref<1x40x128xf32, #tpu.memory_space<vmem>> -> memref<40x128xf32, #tpu.memory_space<vmem>>
        %dma_start3A_131 = arith.constant 0 : i32
        %dma_start3A_132 = tpu.memref_slice %arg5[%add3A_125, %dma_start3A_131] : memref<10000x128xf32, #tpu.memory_space<hbm>> -> memref<40x128xf32, #tpu.memory_space<hbm>>
        %dma_start3A_133 = arith.constant 0 : i32
        %dma_start3A_134 = tpu.memref_slice %arg5[%add3A_125, %dma_start3A_133] : memref<10000x128xf32, #tpu.memory_space<hbm>> -> memref<40x128xf32, #tpu.memory_space<hbm>>
        %dma_start3A_135 = arith.constant 0 : i32
        %dma_start3A_136 = arith.constant 0 : i32
        %dma_start3A_137 = tpu.memref_slice %arg10[%run_scoped3A_126, %dma_start3A_135, %dma_start3A_136] : memref<2x40x128xf32, #tpu.memory_space<vmem>> -> memref<1x40x128xf32, #tpu.memory_space<vmem>>
        %dma_start3A_138 = tpu.memref_squeeze %dma_start3A_137 : memref<1x40x128xf32, #tpu.memory_space<vmem>> -> memref<40x128xf32, #tpu.memory_space<vmem>>
        tpu.enqueue_dma source(%dma_start3A_138 : memref<40x128xf32, #tpu.memory_space<vmem>>) target(%dma_start3A_134 : memref<40x128xf32, #tpu.memory_space<hbm>>) target_semaphore(%run_scoped3A_127 : memref<!tpu.dma_semaphore, #tpu.memory_space<semaphore_mem>>)
        %dma_wait3A = arith.constant 0 : i32
        %dma_wait3A_139 = arith.constant 0 : i32
        %dma_wait3A_140 = tpu.memref_slice %arg10[%run_scoped3A_126, %dma_wait3A, %dma_wait3A_139] : memref<2x40x128xf32, #tpu.memory_space<vmem>> -> memref<1x40x128xf32, #tpu.memory_space<vmem>>
        %dma_wait3A_141 = tpu.memref_squeeze %dma_wait3A_140 : memref<1x40x128xf32, #tpu.memory_space<vmem>> -> memref<40x128xf32, #tpu.memory_space<vmem>>
        %dma_wait3A_142 = arith.constant 0 : i32
        %dma_wait3A_143 = tpu.memref_slice %arg5[%add3A_125, %dma_wait3A_142] : memref<10000x128xf32, #tpu.memory_space<hbm>> -> memref<40x128xf32, #tpu.memory_space<hbm>>
        %dma_wait3A_144 = arith.constant 0 : i32
        %dma_wait3A_145 = tpu.memref_slice %arg5[%add3A_125, %dma_wait3A_144] : memref<10000x128xf32, #tpu.memory_space<hbm>> -> memref<40x128xf32, #tpu.memory_space<hbm>>
        %dma_wait3A_146 = arith.constant 0 : i32
        %dma_wait3A_147 = arith.constant 0 : i32
        %dma_wait3A_148 = tpu.memref_slice %arg10[%run_scoped3A_126, %dma_wait3A_146, %dma_wait3A_147] : memref<2x40x128xf32, #tpu.memory_space<vmem>> -> memref<1x40x128xf32, #tpu.memory_space<vmem>>
        %dma_wait3A_149 = tpu.memref_squeeze %dma_wait3A_148 : memref<1x40x128xf32, #tpu.memory_space<vmem>> -> memref<40x128xf32, #tpu.memory_space<vmem>>
        tpu.wait_dma2 semaphore(%run_scoped3A_127 : memref<!tpu.dma_semaphore, #tpu.memory_space<semaphore_mem>>) src(%dma_wait3A_149 : memref<40x128xf32, #tpu.memory_space<vmem>>) dst(%dma_wait3A_145 : memref<40x128xf32, #tpu.memory_space<hbm>>)
        tpu.yield
      }) : () -> ()
    } else {
    }
    %add3A_77 = arith.constant 32 : i32
    %add3A_78 = arith.addi %arg1, %add3A_77 : i32
    %lt3A_79 = arith.constant 125 : i32
    %lt3A_80 = arith.cmpi slt, %add3A_78, %lt3A_79 : i32
    %convert_element_type3A_81 = arith.extui %lt3A_80 : i1 to i32
    %cond3A_82 = arith.constant 0 : i32
    %cond3A_83 = arith.cmpi ne, %convert_element_type3A_81, %cond3A_82 : i32
    scf.if %cond3A_83 {
      %mul3A_119 = arith.constant 40 : i32
      %mul3A_120 = arith.muli %add3A_78, %mul3A_119 : i32
      %run_scoped3A = arith.constant 0 : i32
      "tpu.region"() ({
        %run_scoped3A_127 = tpu.sem_alloc : memref<!tpu.dma_semaphore, #tpu.memory_space<semaphore_mem>>
        %dma_start3A = arith.constant 0 : i32
        %dma_start3A_128 = arith.constant 0 : i32
        %dma_start3A_129 = tpu.memref_slice %arg10[%run_scoped3A, %dma_start3A, %dma_start3A_128] : memref<2x40x128xf32, #tpu.memory_space<vmem>> -> memref<1x40x128xf32, #tpu.memory_space<vmem>>
        %dma_start3A_130 = tpu.memref_squeeze %dma_start3A_129 : memref<1x40x128xf32, #tpu.memory_space<vmem>> -> memref<40x128xf32, #tpu.memory_space<vmem>>
        %dma_start3A_131 = arith.constant 0 : i32
        %dma_start3A_132 = tpu.memref_slice %arg11[%mul3A_120, %dma_start3A_131] : memref<5008x128xf32, #tpu.memory_space<vmem_shared>> -> memref<40x128xf32, #tpu.memory_space<vmem_shared>>
        %dma_start3A_133 = arith.constant 0 : i32
        %dma_start3A_134 = arith.constant 0 : i32
        %dma_start3A_135 = tpu.memref_slice %arg10[%run_scoped3A, %dma_start3A_133, %dma_start3A_134] : memref<2x40x128xf32, #tpu.memory_space<vmem>> -> memref<1x40x128xf32, #tpu.memory_space<vmem>>
        %dma_start3A_136 = tpu.memref_squeeze %dma_start3A_135 : memref<1x40x128xf32, #tpu.memory_space<vmem>> -> memref<40x128xf32, #tpu.memory_space<vmem>>
        %dma_start3A_137 = arith.constant 0 : i32
        %dma_start3A_138 = tpu.memref_slice %arg11[%mul3A_120, %dma_start3A_137] : memref<5008x128xf32, #tpu.memory_space<vmem_shared>> -> memref<40x128xf32, #tpu.memory_space<vmem_shared>>
        tpu.enqueue_dma source(%dma_start3A_138 : memref<40x128xf32, #tpu.memory_space<vmem_shared>>) target(%dma_start3A_136 : memref<40x128xf32, #tpu.memory_space<vmem>>) target_semaphore(%run_scoped3A_127 : memref<!tpu.dma_semaphore, #tpu.memory_space<semaphore_mem>>)
        %dma_wait3A = arith.constant 0 : i32
        %dma_wait3A_139 = arith.constant 0 : i32
        %dma_wait3A_140 = tpu.memref_slice %arg10[%run_scoped3A, %dma_wait3A, %dma_wait3A_139] : memref<2x40x128xf32, #tpu.memory_space<vmem>> -> memref<1x40x128xf32, #tpu.memory_space<vmem>>
        %dma_wait3A_141 = tpu.memref_squeeze %dma_wait3A_140 : memref<1x40x128xf32, #tpu.memory_space<vmem>> -> memref<40x128xf32, #tpu.memory_space<vmem>>
        %dma_wait3A_142 = arith.constant 0 : i32
        %dma_wait3A_143 = tpu.memref_slice %arg11[%mul3A_120, %dma_wait3A_142] : memref<5008x128xf32, #tpu.memory_space<vmem_shared>> -> memref<40x128xf32, #tpu.memory_space<vmem_shared>>
        %dma_wait3A_144 = arith.constant 0 : i32
        %dma_wait3A_145 = arith.constant 0 : i32
        %dma_wait3A_146 = tpu.memref_slice %arg10[%run_scoped3A, %dma_wait3A_144, %dma_wait3A_145] : memref<2x40x128xf32, #tpu.memory_space<vmem>> -> memref<1x40x128xf32, #tpu.memory_space<vmem>>
        %dma_wait3A_147 = tpu.memref_squeeze %dma_wait3A_146 : memref<1x40x128xf32, #tpu.memory_space<vmem>> -> memref<40x128xf32, #tpu.memory_space<vmem>>
        %dma_wait3A_148 = arith.constant 0 : i32
        %dma_wait3A_149 = tpu.memref_slice %arg11[%mul3A_120, %dma_wait3A_148] : memref<5008x128xf32, #tpu.memory_space<vmem_shared>> -> memref<40x128xf32, #tpu.memory_space<vmem_shared>>
        tpu.wait_dma2 semaphore(%run_scoped3A_127 : memref<!tpu.dma_semaphore, #tpu.memory_space<semaphore_mem>>) src(%dma_wait3A_149 : memref<40x128xf32, #tpu.memory_space<vmem_shared>>) dst(%dma_wait3A_147 : memref<40x128xf32, #tpu.memory_space<vmem>>)
        tpu.yield
      }) : () -> ()
      %mul3A_121 = arith.constant 5000 : i32
      %mul3A_122 = arith.muli %arg0, %mul3A_121 : i32
      %mul3A_123 = arith.constant 40 : i32
      %mul3A_124 = arith.muli %add3A_78, %mul3A_123 : i32
      %add3A_125 = arith.addi %mul3A_122, %mul3A_124 : i32
      %run_scoped3A_126 = arith.constant 0 : i32
      "tpu.region"() ({
        %run_scoped3A_127 = tpu.sem_alloc : memref<!tpu.dma_semaphore, #tpu.memory_space<semaphore_mem>>
        %dma_start3A = arith.constant 0 : i32
        %dma_start3A_128 = arith.constant 0 : i32
        %dma_start3A_129 = tpu.memref_slice %arg10[%run_scoped3A_126, %dma_start3A, %dma_start3A_128] : memref<2x40x128xf32, #tpu.memory_space<vmem>> -> memref<1x40x128xf32, #tpu.memory_space<vmem>>
        %dma_start3A_130 = tpu.memref_squeeze %dma_start3A_129 : memref<1x40x128xf32, #tpu.memory_space<vmem>> -> memref<40x128xf32, #tpu.memory_space<vmem>>
        %dma_start3A_131 = arith.constant 0 : i32
        %dma_start3A_132 = tpu.memref_slice %arg5[%add3A_125, %dma_start3A_131] : memref<10000x128xf32, #tpu.memory_space<hbm>> -> memref<40x128xf32, #tpu.memory_space<hbm>>
        %dma_start3A_133 = arith.constant 0 : i32
        %dma_start3A_134 = tpu.memref_slice %arg5[%add3A_125, %dma_start3A_133] : memref<10000x128xf32, #tpu.memory_space<hbm>> -> memref<40x128xf32, #tpu.memory_space<hbm>>
        %dma_start3A_135 = arith.constant 0 : i32
        %dma_start3A_136 = arith.constant 0 : i32
        %dma_start3A_137 = tpu.memref_slice %arg10[%run_scoped3A_126, %dma_start3A_135, %dma_start3A_136] : memref<2x40x128xf32, #tpu.memory_space<vmem>> -> memref<1x40x128xf32, #tpu.memory_space<vmem>>
        %dma_start3A_138 = tpu.memref_squeeze %dma_start3A_137 : memref<1x40x128xf32, #tpu.memory_space<vmem>> -> memref<40x128xf32, #tpu.memory_space<vmem>>
        tpu.enqueue_dma source(%dma_start3A_138 : memref<40x128xf32, #tpu.memory_space<vmem>>) target(%dma_start3A_134 : memref<40x128xf32, #tpu.memory_space<hbm>>) target_semaphore(%run_scoped3A_127 : memref<!tpu.dma_semaphore, #tpu.memory_space<semaphore_mem>>)
        %dma_wait3A = arith.constant 0 : i32
        %dma_wait3A_139 = arith.constant 0 : i32
        %dma_wait3A_140 = tpu.memref_slice %arg10[%run_scoped3A_126, %dma_wait3A, %dma_wait3A_139] : memref<2x40x128xf32, #tpu.memory_space<vmem>> -> memref<1x40x128xf32, #tpu.memory_space<vmem>>
        %dma_wait3A_141 = tpu.memref_squeeze %dma_wait3A_140 : memref<1x40x128xf32, #tpu.memory_space<vmem>> -> memref<40x128xf32, #tpu.memory_space<vmem>>
        %dma_wait3A_142 = arith.constant 0 : i32
        %dma_wait3A_143 = tpu.memref_slice %arg5[%add3A_125, %dma_wait3A_142] : memref<10000x128xf32, #tpu.memory_space<hbm>> -> memref<40x128xf32, #tpu.memory_space<hbm>>
        %dma_wait3A_144 = arith.constant 0 : i32
        %dma_wait3A_145 = tpu.memref_slice %arg5[%add3A_125, %dma_wait3A_144] : memref<10000x128xf32, #tpu.memory_space<hbm>> -> memref<40x128xf32, #tpu.memory_space<hbm>>
        %dma_wait3A_146 = arith.constant 0 : i32
        %dma_wait3A_147 = arith.constant 0 : i32
        %dma_wait3A_148 = tpu.memref_slice %arg10[%run_scoped3A_126, %dma_wait3A_146, %dma_wait3A_147] : memref<2x40x128xf32, #tpu.memory_space<vmem>> -> memref<1x40x128xf32, #tpu.memory_space<vmem>>
        %dma_wait3A_149 = tpu.memref_squeeze %dma_wait3A_148 : memref<1x40x128xf32, #tpu.memory_space<vmem>> -> memref<40x128xf32, #tpu.memory_space<vmem>>
        tpu.wait_dma2 semaphore(%run_scoped3A_127 : memref<!tpu.dma_semaphore, #tpu.memory_space<semaphore_mem>>) src(%dma_wait3A_149 : memref<40x128xf32, #tpu.memory_space<vmem>>) dst(%dma_wait3A_145 : memref<40x128xf32, #tpu.memory_space<hbm>>)
        tpu.yield
      }) : () -> ()
    } else {
    }
    %add3A_84 = arith.constant 48 : i32
    %add3A_85 = arith.addi %arg1, %add3A_84 : i32
    %lt3A_86 = arith.constant 125 : i32
    %lt3A_87 = arith.cmpi slt, %add3A_85, %lt3A_86 : i32
    %convert_element_type3A_88 = arith.extui %lt3A_87 : i1 to i32
    %cond3A_89 = arith.constant 0 : i32
    %cond3A_90 = arith.cmpi ne, %convert_element_type3A_88, %cond3A_89 : i32
    scf.if %cond3A_90 {
      %mul3A_119 = arith.constant 40 : i32
      %mul3A_120 = arith.muli %add3A_85, %mul3A_119 : i32
      %run_scoped3A = arith.constant 0 : i32
      "tpu.region"() ({
        %run_scoped3A_127 = tpu.sem_alloc : memref<!tpu.dma_semaphore, #tpu.memory_space<semaphore_mem>>
        %dma_start3A = arith.constant 0 : i32
        %dma_start3A_128 = arith.constant 0 : i32
        %dma_start3A_129 = tpu.memref_slice %arg10[%run_scoped3A, %dma_start3A, %dma_start3A_128] : memref<2x40x128xf32, #tpu.memory_space<vmem>> -> memref<1x40x128xf32, #tpu.memory_space<vmem>>
        %dma_start3A_130 = tpu.memref_squeeze %dma_start3A_129 : memref<1x40x128xf32, #tpu.memory_space<vmem>> -> memref<40x128xf32, #tpu.memory_space<vmem>>
        %dma_start3A_131 = arith.constant 0 : i32
        %dma_start3A_132 = tpu.memref_slice %arg11[%mul3A_120, %dma_start3A_131] : memref<5008x128xf32, #tpu.memory_space<vmem_shared>> -> memref<40x128xf32, #tpu.memory_space<vmem_shared>>
        %dma_start3A_133 = arith.constant 0 : i32
        %dma_start3A_134 = arith.constant 0 : i32
        %dma_start3A_135 = tpu.memref_slice %arg10[%run_scoped3A, %dma_start3A_133, %dma_start3A_134] : memref<2x40x128xf32, #tpu.memory_space<vmem>> -> memref<1x40x128xf32, #tpu.memory_space<vmem>>
        %dma_start3A_136 = tpu.memref_squeeze %dma_start3A_135 : memref<1x40x128xf32, #tpu.memory_space<vmem>> -> memref<40x128xf32, #tpu.memory_space<vmem>>
        %dma_start3A_137 = arith.constant 0 : i32
        %dma_start3A_138 = tpu.memref_slice %arg11[%mul3A_120, %dma_start3A_137] : memref<5008x128xf32, #tpu.memory_space<vmem_shared>> -> memref<40x128xf32, #tpu.memory_space<vmem_shared>>
        tpu.enqueue_dma source(%dma_start3A_138 : memref<40x128xf32, #tpu.memory_space<vmem_shared>>) target(%dma_start3A_136 : memref<40x128xf32, #tpu.memory_space<vmem>>) target_semaphore(%run_scoped3A_127 : memref<!tpu.dma_semaphore, #tpu.memory_space<semaphore_mem>>)
        %dma_wait3A = arith.constant 0 : i32
        %dma_wait3A_139 = arith.constant 0 : i32
        %dma_wait3A_140 = tpu.memref_slice %arg10[%run_scoped3A, %dma_wait3A, %dma_wait3A_139] : memref<2x40x128xf32, #tpu.memory_space<vmem>> -> memref<1x40x128xf32, #tpu.memory_space<vmem>>
        %dma_wait3A_141 = tpu.memref_squeeze %dma_wait3A_140 : memref<1x40x128xf32, #tpu.memory_space<vmem>> -> memref<40x128xf32, #tpu.memory_space<vmem>>
        %dma_wait3A_142 = arith.constant 0 : i32
        %dma_wait3A_143 = tpu.memref_slice %arg11[%mul3A_120, %dma_wait3A_142] : memref<5008x128xf32, #tpu.memory_space<vmem_shared>> -> memref<40x128xf32, #tpu.memory_space<vmem_shared>>
        %dma_wait3A_144 = arith.constant 0 : i32
        %dma_wait3A_145 = arith.constant 0 : i32
        %dma_wait3A_146 = tpu.memref_slice %arg10[%run_scoped3A, %dma_wait3A_144, %dma_wait3A_145] : memref<2x40x128xf32, #tpu.memory_space<vmem>> -> memref<1x40x128xf32, #tpu.memory_space<vmem>>
        %dma_wait3A_147 = tpu.memref_squeeze %dma_wait3A_146 : memref<1x40x128xf32, #tpu.memory_space<vmem>> -> memref<40x128xf32, #tpu.memory_space<vmem>>
        %dma_wait3A_148 = arith.constant 0 : i32
        %dma_wait3A_149 = tpu.memref_slice %arg11[%mul3A_120, %dma_wait3A_148] : memref<5008x128xf32, #tpu.memory_space<vmem_shared>> -> memref<40x128xf32, #tpu.memory_space<vmem_shared>>
        tpu.wait_dma2 semaphore(%run_scoped3A_127 : memref<!tpu.dma_semaphore, #tpu.memory_space<semaphore_mem>>) src(%dma_wait3A_149 : memref<40x128xf32, #tpu.memory_space<vmem_shared>>) dst(%dma_wait3A_147 : memref<40x128xf32, #tpu.memory_space<vmem>>)
        tpu.yield
      }) : () -> ()
      %mul3A_121 = arith.constant 5000 : i32
      %mul3A_122 = arith.muli %arg0, %mul3A_121 : i32
      %mul3A_123 = arith.constant 40 : i32
      %mul3A_124 = arith.muli %add3A_85, %mul3A_123 : i32
      %add3A_125 = arith.addi %mul3A_122, %mul3A_124 : i32
      %run_scoped3A_126 = arith.constant 0 : i32
      "tpu.region"() ({
        %run_scoped3A_127 = tpu.sem_alloc : memref<!tpu.dma_semaphore, #tpu.memory_space<semaphore_mem>>
        %dma_start3A = arith.constant 0 : i32
        %dma_start3A_128 = arith.constant 0 : i32
        %dma_start3A_129 = tpu.memref_slice %arg10[%run_scoped3A_126, %dma_start3A, %dma_start3A_128] : memref<2x40x128xf32, #tpu.memory_space<vmem>> -> memref<1x40x128xf32, #tpu.memory_space<vmem>>
        %dma_start3A_130 = tpu.memref_squeeze %dma_start3A_129 : memref<1x40x128xf32, #tpu.memory_space<vmem>> -> memref<40x128xf32, #tpu.memory_space<vmem>>
        %dma_start3A_131 = arith.constant 0 : i32
        %dma_start3A_132 = tpu.memref_slice %arg5[%add3A_125, %dma_start3A_131] : memref<10000x128xf32, #tpu.memory_space<hbm>> -> memref<40x128xf32, #tpu.memory_space<hbm>>
        %dma_start3A_133 = arith.constant 0 : i32
        %dma_start3A_134 = tpu.memref_slice %arg5[%add3A_125, %dma_start3A_133] : memref<10000x128xf32, #tpu.memory_space<hbm>> -> memref<40x128xf32, #tpu.memory_space<hbm>>
        %dma_start3A_135 = arith.constant 0 : i32
        %dma_start3A_136 = arith.constant 0 : i32
        %dma_start3A_137 = tpu.memref_slice %arg10[%run_scoped3A_126, %dma_start3A_135, %dma_start3A_136] : memref<2x40x128xf32, #tpu.memory_space<vmem>> -> memref<1x40x128xf32, #tpu.memory_space<vmem>>
        %dma_start3A_138 = tpu.memref_squeeze %dma_start3A_137 : memref<1x40x128xf32, #tpu.memory_space<vmem>> -> memref<40x128xf32, #tpu.memory_space<vmem>>
        tpu.enqueue_dma source(%dma_start3A_138 : memref<40x128xf32, #tpu.memory_space<vmem>>) target(%dma_start3A_134 : memref<40x128xf32, #tpu.memory_space<hbm>>) target_semaphore(%run_scoped3A_127 : memref<!tpu.dma_semaphore, #tpu.memory_space<semaphore_mem>>)
        %dma_wait3A = arith.constant 0 : i32
        %dma_wait3A_139 = arith.constant 0 : i32
        %dma_wait3A_140 = tpu.memref_slice %arg10[%run_scoped3A_126, %dma_wait3A, %dma_wait3A_139] : memref<2x40x128xf32, #tpu.memory_space<vmem>> -> memref<1x40x128xf32, #tpu.memory_space<vmem>>
        %dma_wait3A_141 = tpu.memref_squeeze %dma_wait3A_140 : memref<1x40x128xf32, #tpu.memory_space<vmem>> -> memref<40x128xf32, #tpu.memory_space<vmem>>
        %dma_wait3A_142 = arith.constant 0 : i32
        %dma_wait3A_143 = tpu.memref_slice %arg5[%add3A_125, %dma_wait3A_142] : memref<10000x128xf32, #tpu.memory_space<hbm>> -> memref<40x128xf32, #tpu.memory_space<hbm>>
        %dma_wait3A_144 = arith.constant 0 : i32
        %dma_wait3A_145 = tpu.memref_slice %arg5[%add3A_125, %dma_wait3A_144] : memref<10000x128xf32, #tpu.memory_space<hbm>> -> memref<40x128xf32, #tpu.memory_space<hbm>>
        %dma_wait3A_146 = arith.constant 0 : i32
        %dma_wait3A_147 = arith.constant 0 : i32
        %dma_wait3A_148 = tpu.memref_slice %arg10[%run_scoped3A_126, %dma_wait3A_146, %dma_wait3A_147] : memref<2x40x128xf32, #tpu.memory_space<vmem>> -> memref<1x40x128xf32, #tpu.memory_space<vmem>>
        %dma_wait3A_149 = tpu.memref_squeeze %dma_wait3A_148 : memref<1x40x128xf32, #tpu.memory_space<vmem>> -> memref<40x128xf32, #tpu.memory_space<vmem>>
        tpu.wait_dma2 semaphore(%run_scoped3A_127 : memref<!tpu.dma_semaphore, #tpu.memory_space<semaphore_mem>>) src(%dma_wait3A_149 : memref<40x128xf32, #tpu.memory_space<vmem>>) dst(%dma_wait3A_145 : memref<40x128xf32, #tpu.memory_space<hbm>>)
        tpu.yield
      }) : () -> ()
    } else {
    }
    %add3A_91 = arith.constant 64 : i32
    %add3A_92 = arith.addi %arg1, %add3A_91 : i32
    %lt3A_93 = arith.constant 125 : i32
    %lt3A_94 = arith.cmpi slt, %add3A_92, %lt3A_93 : i32
    %convert_element_type3A_95 = arith.extui %lt3A_94 : i1 to i32
    %cond3A_96 = arith.constant 0 : i32
    %cond3A_97 = arith.cmpi ne, %convert_element_type3A_95, %cond3A_96 : i32
    scf.if %cond3A_97 {
      %mul3A_119 = arith.constant 40 : i32
      %mul3A_120 = arith.muli %add3A_92, %mul3A_119 : i32
      %run_scoped3A = arith.constant 0 : i32
      "tpu.region"() ({
        %run_scoped3A_127 = tpu.sem_alloc : memref<!tpu.dma_semaphore, #tpu.memory_space<semaphore_mem>>
        %dma_start3A = arith.constant 0 : i32
        %dma_start3A_128 = arith.constant 0 : i32
        %dma_start3A_129 = tpu.memref_slice %arg10[%run_scoped3A, %dma_start3A, %dma_start3A_128] : memref<2x40x128xf32, #tpu.memory_space<vmem>> -> memref<1x40x128xf32, #tpu.memory_space<vmem>>
        %dma_start3A_130 = tpu.memref_squeeze %dma_start3A_129 : memref<1x40x128xf32, #tpu.memory_space<vmem>> -> memref<40x128xf32, #tpu.memory_space<vmem>>
        %dma_start3A_131 = arith.constant 0 : i32
        %dma_start3A_132 = tpu.memref_slice %arg11[%mul3A_120, %dma_start3A_131] : memref<5008x128xf32, #tpu.memory_space<vmem_shared>> -> memref<40x128xf32, #tpu.memory_space<vmem_shared>>
        %dma_start3A_133 = arith.constant 0 : i32
        %dma_start3A_134 = arith.constant 0 : i32
        %dma_start3A_135 = tpu.memref_slice %arg10[%run_scoped3A, %dma_start3A_133, %dma_start3A_134] : memref<2x40x128xf32, #tpu.memory_space<vmem>> -> memref<1x40x128xf32, #tpu.memory_space<vmem>>
        %dma_start3A_136 = tpu.memref_squeeze %dma_start3A_135 : memref<1x40x128xf32, #tpu.memory_space<vmem>> -> memref<40x128xf32, #tpu.memory_space<vmem>>
        %dma_start3A_137 = arith.constant 0 : i32
        %dma_start3A_138 = tpu.memref_slice %arg11[%mul3A_120, %dma_start3A_137] : memref<5008x128xf32, #tpu.memory_space<vmem_shared>> -> memref<40x128xf32, #tpu.memory_space<vmem_shared>>
        tpu.enqueue_dma source(%dma_start3A_138 : memref<40x128xf32, #tpu.memory_space<vmem_shared>>) target(%dma_start3A_136 : memref<40x128xf32, #tpu.memory_space<vmem>>) target_semaphore(%run_scoped3A_127 : memref<!tpu.dma_semaphore, #tpu.memory_space<semaphore_mem>>)
        %dma_wait3A = arith.constant 0 : i32
        %dma_wait3A_139 = arith.constant 0 : i32
        %dma_wait3A_140 = tpu.memref_slice %arg10[%run_scoped3A, %dma_wait3A, %dma_wait3A_139] : memref<2x40x128xf32, #tpu.memory_space<vmem>> -> memref<1x40x128xf32, #tpu.memory_space<vmem>>
        %dma_wait3A_141 = tpu.memref_squeeze %dma_wait3A_140 : memref<1x40x128xf32, #tpu.memory_space<vmem>> -> memref<40x128xf32, #tpu.memory_space<vmem>>
        %dma_wait3A_142 = arith.constant 0 : i32
        %dma_wait3A_143 = tpu.memref_slice %arg11[%mul3A_120, %dma_wait3A_142] : memref<5008x128xf32, #tpu.memory_space<vmem_shared>> -> memref<40x128xf32, #tpu.memory_space<vmem_shared>>
        %dma_wait3A_144 = arith.constant 0 : i32
        %dma_wait3A_145 = arith.constant 0 : i32
        %dma_wait3A_146 = tpu.memref_slice %arg10[%run_scoped3A, %dma_wait3A_144, %dma_wait3A_145] : memref<2x40x128xf32, #tpu.memory_space<vmem>> -> memref<1x40x128xf32, #tpu.memory_space<vmem>>
        %dma_wait3A_147 = tpu.memref_squeeze %dma_wait3A_146 : memref<1x40x128xf32, #tpu.memory_space<vmem>> -> memref<40x128xf32, #tpu.memory_space<vmem>>
        %dma_wait3A_148 = arith.constant 0 : i32
        %dma_wait3A_149 = tpu.memref_slice %arg11[%mul3A_120, %dma_wait3A_148] : memref<5008x128xf32, #tpu.memory_space<vmem_shared>> -> memref<40x128xf32, #tpu.memory_space<vmem_shared>>
        tpu.wait_dma2 semaphore(%run_scoped3A_127 : memref<!tpu.dma_semaphore, #tpu.memory_space<semaphore_mem>>) src(%dma_wait3A_149 : memref<40x128xf32, #tpu.memory_space<vmem_shared>>) dst(%dma_wait3A_147 : memref<40x128xf32, #tpu.memory_space<vmem>>)
        tpu.yield
      }) : () -> ()
      %mul3A_121 = arith.constant 5000 : i32
      %mul3A_122 = arith.muli %arg0, %mul3A_121 : i32
      %mul3A_123 = arith.constant 40 : i32
      %mul3A_124 = arith.muli %add3A_92, %mul3A_123 : i32
      %add3A_125 = arith.addi %mul3A_122, %mul3A_124 : i32
      %run_scoped3A_126 = arith.constant 0 : i32
      "tpu.region"() ({
        %run_scoped3A_127 = tpu.sem_alloc : memref<!tpu.dma_semaphore, #tpu.memory_space<semaphore_mem>>
        %dma_start3A = arith.constant 0 : i32
        %dma_start3A_128 = arith.constant 0 : i32
        %dma_start3A_129 = tpu.memref_slice %arg10[%run_scoped3A_126, %dma_start3A, %dma_start3A_128] : memref<2x40x128xf32, #tpu.memory_space<vmem>> -> memref<1x40x128xf32, #tpu.memory_space<vmem>>
        %dma_start3A_130 = tpu.memref_squeeze %dma_start3A_129 : memref<1x40x128xf32, #tpu.memory_space<vmem>> -> memref<40x128xf32, #tpu.memory_space<vmem>>
        %dma_start3A_131 = arith.constant 0 : i32
        %dma_start3A_132 = tpu.memref_slice %arg5[%add3A_125, %dma_start3A_131] : memref<10000x128xf32, #tpu.memory_space<hbm>> -> memref<40x128xf32, #tpu.memory_space<hbm>>
        %dma_start3A_133 = arith.constant 0 : i32
        %dma_start3A_134 = tpu.memref_slice %arg5[%add3A_125, %dma_start3A_133] : memref<10000x128xf32, #tpu.memory_space<hbm>> -> memref<40x128xf32, #tpu.memory_space<hbm>>
        %dma_start3A_135 = arith.constant 0 : i32
        %dma_start3A_136 = arith.constant 0 : i32
        %dma_start3A_137 = tpu.memref_slice %arg10[%run_scoped3A_126, %dma_start3A_135, %dma_start3A_136] : memref<2x40x128xf32, #tpu.memory_space<vmem>> -> memref<1x40x128xf32, #tpu.memory_space<vmem>>
        %dma_start3A_138 = tpu.memref_squeeze %dma_start3A_137 : memref<1x40x128xf32, #tpu.memory_space<vmem>> -> memref<40x128xf32, #tpu.memory_space<vmem>>
        tpu.enqueue_dma source(%dma_start3A_138 : memref<40x128xf32, #tpu.memory_space<vmem>>) target(%dma_start3A_134 : memref<40x128xf32, #tpu.memory_space<hbm>>) target_semaphore(%run_scoped3A_127 : memref<!tpu.dma_semaphore, #tpu.memory_space<semaphore_mem>>)
        %dma_wait3A = arith.constant 0 : i32
        %dma_wait3A_139 = arith.constant 0 : i32
        %dma_wait3A_140 = tpu.memref_slice %arg10[%run_scoped3A_126, %dma_wait3A, %dma_wait3A_139] : memref<2x40x128xf32, #tpu.memory_space<vmem>> -> memref<1x40x128xf32, #tpu.memory_space<vmem>>
        %dma_wait3A_141 = tpu.memref_squeeze %dma_wait3A_140 : memref<1x40x128xf32, #tpu.memory_space<vmem>> -> memref<40x128xf32, #tpu.memory_space<vmem>>
        %dma_wait3A_142 = arith.constant 0 : i32
        %dma_wait3A_143 = tpu.memref_slice %arg5[%add3A_125, %dma_wait3A_142] : memref<10000x128xf32, #tpu.memory_space<hbm>> -> memref<40x128xf32, #tpu.memory_space<hbm>>
        %dma_wait3A_144 = arith.constant 0 : i32
        %dma_wait3A_145 = tpu.memref_slice %arg5[%add3A_125, %dma_wait3A_144] : memref<10000x128xf32, #tpu.memory_space<hbm>> -> memref<40x128xf32, #tpu.memory_space<hbm>>
        %dma_wait3A_146 = arith.constant 0 : i32
        %dma_wait3A_147 = arith.constant 0 : i32
        %dma_wait3A_148 = tpu.memref_slice %arg10[%run_scoped3A_126, %dma_wait3A_146, %dma_wait3A_147] : memref<2x40x128xf32, #tpu.memory_space<vmem>> -> memref<1x40x128xf32, #tpu.memory_space<vmem>>
        %dma_wait3A_149 = tpu.memref_squeeze %dma_wait3A_148 : memref<1x40x128xf32, #tpu.memory_space<vmem>> -> memref<40x128xf32, #tpu.memory_space<vmem>>
        tpu.wait_dma2 semaphore(%run_scoped3A_127 : memref<!tpu.dma_semaphore, #tpu.memory_space<semaphore_mem>>) src(%dma_wait3A_149 : memref<40x128xf32, #tpu.memory_space<vmem>>) dst(%dma_wait3A_145 : memref<40x128xf32, #tpu.memory_space<hbm>>)
        tpu.yield
      }) : () -> ()
    } else {
    }
    %add3A_98 = arith.constant 80 : i32
    %add3A_99 = arith.addi %arg1, %add3A_98 : i32
    %lt3A_100 = arith.constant 125 : i32
    %lt3A_101 = arith.cmpi slt, %add3A_99, %lt3A_100 : i32
    %convert_element_type3A_102 = arith.extui %lt3A_101 : i1 to i32
    %cond3A_103 = arith.constant 0 : i32
    %cond3A_104 = arith.cmpi ne, %convert_element_type3A_102, %cond3A_103 : i32
    scf.if %cond3A_104 {
      %mul3A_119 = arith.constant 40 : i32
      %mul3A_120 = arith.muli %add3A_99, %mul3A_119 : i32
      %run_scoped3A = arith.constant 0 : i32
      "tpu.region"() ({
        %run_scoped3A_127 = tpu.sem_alloc : memref<!tpu.dma_semaphore, #tpu.memory_space<semaphore_mem>>
        %dma_start3A = arith.constant 0 : i32
        %dma_start3A_128 = arith.constant 0 : i32
        %dma_start3A_129 = tpu.memref_slice %arg10[%run_scoped3A, %dma_start3A, %dma_start3A_128] : memref<2x40x128xf32, #tpu.memory_space<vmem>> -> memref<1x40x128xf32, #tpu.memory_space<vmem>>
        %dma_start3A_130 = tpu.memref_squeeze %dma_start3A_129 : memref<1x40x128xf32, #tpu.memory_space<vmem>> -> memref<40x128xf32, #tpu.memory_space<vmem>>
        %dma_start3A_131 = arith.constant 0 : i32
        %dma_start3A_132 = tpu.memref_slice %arg11[%mul3A_120, %dma_start3A_131] : memref<5008x128xf32, #tpu.memory_space<vmem_shared>> -> memref<40x128xf32, #tpu.memory_space<vmem_shared>>
        %dma_start3A_133 = arith.constant 0 : i32
        %dma_start3A_134 = arith.constant 0 : i32
        %dma_start3A_135 = tpu.memref_slice %arg10[%run_scoped3A, %dma_start3A_133, %dma_start3A_134] : memref<2x40x128xf32, #tpu.memory_space<vmem>> -> memref<1x40x128xf32, #tpu.memory_space<vmem>>
        %dma_start3A_136 = tpu.memref_squeeze %dma_start3A_135 : memref<1x40x128xf32, #tpu.memory_space<vmem>> -> memref<40x128xf32, #tpu.memory_space<vmem>>
        %dma_start3A_137 = arith.constant 0 : i32
        %dma_start3A_138 = tpu.memref_slice %arg11[%mul3A_120, %dma_start3A_137] : memref<5008x128xf32, #tpu.memory_space<vmem_shared>> -> memref<40x128xf32, #tpu.memory_space<vmem_shared>>
        tpu.enqueue_dma source(%dma_start3A_138 : memref<40x128xf32, #tpu.memory_space<vmem_shared>>) target(%dma_start3A_136 : memref<40x128xf32, #tpu.memory_space<vmem>>) target_semaphore(%run_scoped3A_127 : memref<!tpu.dma_semaphore, #tpu.memory_space<semaphore_mem>>)
        %dma_wait3A = arith.constant 0 : i32
        %dma_wait3A_139 = arith.constant 0 : i32
        %dma_wait3A_140 = tpu.memref_slice %arg10[%run_scoped3A, %dma_wait3A, %dma_wait3A_139] : memref<2x40x128xf32, #tpu.memory_space<vmem>> -> memref<1x40x128xf32, #tpu.memory_space<vmem>>
        %dma_wait3A_141 = tpu.memref_squeeze %dma_wait3A_140 : memref<1x40x128xf32, #tpu.memory_space<vmem>> -> memref<40x128xf32, #tpu.memory_space<vmem>>
        %dma_wait3A_142 = arith.constant 0 : i32
        %dma_wait3A_143 = tpu.memref_slice %arg11[%mul3A_120, %dma_wait3A_142] : memref<5008x128xf32, #tpu.memory_space<vmem_shared>> -> memref<40x128xf32, #tpu.memory_space<vmem_shared>>
        %dma_wait3A_144 = arith.constant 0 : i32
        %dma_wait3A_145 = arith.constant 0 : i32
        %dma_wait3A_146 = tpu.memref_slice %arg10[%run_scoped3A, %dma_wait3A_144, %dma_wait3A_145] : memref<2x40x128xf32, #tpu.memory_space<vmem>> -> memref<1x40x128xf32, #tpu.memory_space<vmem>>
        %dma_wait3A_147 = tpu.memref_squeeze %dma_wait3A_146 : memref<1x40x128xf32, #tpu.memory_space<vmem>> -> memref<40x128xf32, #tpu.memory_space<vmem>>
        %dma_wait3A_148 = arith.constant 0 : i32
        %dma_wait3A_149 = tpu.memref_slice %arg11[%mul3A_120, %dma_wait3A_148] : memref<5008x128xf32, #tpu.memory_space<vmem_shared>> -> memref<40x128xf32, #tpu.memory_space<vmem_shared>>
        tpu.wait_dma2 semaphore(%run_scoped3A_127 : memref<!tpu.dma_semaphore, #tpu.memory_space<semaphore_mem>>) src(%dma_wait3A_149 : memref<40x128xf32, #tpu.memory_space<vmem_shared>>) dst(%dma_wait3A_147 : memref<40x128xf32, #tpu.memory_space<vmem>>)
        tpu.yield
      }) : () -> ()
      %mul3A_121 = arith.constant 5000 : i32
      %mul3A_122 = arith.muli %arg0, %mul3A_121 : i32
      %mul3A_123 = arith.constant 40 : i32
      %mul3A_124 = arith.muli %add3A_99, %mul3A_123 : i32
      %add3A_125 = arith.addi %mul3A_122, %mul3A_124 : i32
      %run_scoped3A_126 = arith.constant 0 : i32
      "tpu.region"() ({
        %run_scoped3A_127 = tpu.sem_alloc : memref<!tpu.dma_semaphore, #tpu.memory_space<semaphore_mem>>
        %dma_start3A = arith.constant 0 : i32
        %dma_start3A_128 = arith.constant 0 : i32
        %dma_start3A_129 = tpu.memref_slice %arg10[%run_scoped3A_126, %dma_start3A, %dma_start3A_128] : memref<2x40x128xf32, #tpu.memory_space<vmem>> -> memref<1x40x128xf32, #tpu.memory_space<vmem>>
        %dma_start3A_130 = tpu.memref_squeeze %dma_start3A_129 : memref<1x40x128xf32, #tpu.memory_space<vmem>> -> memref<40x128xf32, #tpu.memory_space<vmem>>
        %dma_start3A_131 = arith.constant 0 : i32
        %dma_start3A_132 = tpu.memref_slice %arg5[%add3A_125, %dma_start3A_131] : memref<10000x128xf32, #tpu.memory_space<hbm>> -> memref<40x128xf32, #tpu.memory_space<hbm>>
        %dma_start3A_133 = arith.constant 0 : i32
        %dma_start3A_134 = tpu.memref_slice %arg5[%add3A_125, %dma_start3A_133] : memref<10000x128xf32, #tpu.memory_space<hbm>> -> memref<40x128xf32, #tpu.memory_space<hbm>>
        %dma_start3A_135 = arith.constant 0 : i32
        %dma_start3A_136 = arith.constant 0 : i32
        %dma_start3A_137 = tpu.memref_slice %arg10[%run_scoped3A_126, %dma_start3A_135, %dma_start3A_136] : memref<2x40x128xf32, #tpu.memory_space<vmem>> -> memref<1x40x128xf32, #tpu.memory_space<vmem>>
        %dma_start3A_138 = tpu.memref_squeeze %dma_start3A_137 : memref<1x40x128xf32, #tpu.memory_space<vmem>> -> memref<40x128xf32, #tpu.memory_space<vmem>>
        tpu.enqueue_dma source(%dma_start3A_138 : memref<40x128xf32, #tpu.memory_space<vmem>>) target(%dma_start3A_134 : memref<40x128xf32, #tpu.memory_space<hbm>>) target_semaphore(%run_scoped3A_127 : memref<!tpu.dma_semaphore, #tpu.memory_space<semaphore_mem>>)
        %dma_wait3A = arith.constant 0 : i32
        %dma_wait3A_139 = arith.constant 0 : i32
        %dma_wait3A_140 = tpu.memref_slice %arg10[%run_scoped3A_126, %dma_wait3A, %dma_wait3A_139] : memref<2x40x128xf32, #tpu.memory_space<vmem>> -> memref<1x40x128xf32, #tpu.memory_space<vmem>>
        %dma_wait3A_141 = tpu.memref_squeeze %dma_wait3A_140 : memref<1x40x128xf32, #tpu.memory_space<vmem>> -> memref<40x128xf32, #tpu.memory_space<vmem>>
        %dma_wait3A_142 = arith.constant 0 : i32
        %dma_wait3A_143 = tpu.memref_slice %arg5[%add3A_125, %dma_wait3A_142] : memref<10000x128xf32, #tpu.memory_space<hbm>> -> memref<40x128xf32, #tpu.memory_space<hbm>>
        %dma_wait3A_144 = arith.constant 0 : i32
        %dma_wait3A_145 = tpu.memref_slice %arg5[%add3A_125, %dma_wait3A_144] : memref<10000x128xf32, #tpu.memory_space<hbm>> -> memref<40x128xf32, #tpu.memory_space<hbm>>
        %dma_wait3A_146 = arith.constant 0 : i32
        %dma_wait3A_147 = arith.constant 0 : i32
        %dma_wait3A_148 = tpu.memref_slice %arg10[%run_scoped3A_126, %dma_wait3A_146, %dma_wait3A_147] : memref<2x40x128xf32, #tpu.memory_space<vmem>> -> memref<1x40x128xf32, #tpu.memory_space<vmem>>
        %dma_wait3A_149 = tpu.memref_squeeze %dma_wait3A_148 : memref<1x40x128xf32, #tpu.memory_space<vmem>> -> memref<40x128xf32, #tpu.memory_space<vmem>>
        tpu.wait_dma2 semaphore(%run_scoped3A_127 : memref<!tpu.dma_semaphore, #tpu.memory_space<semaphore_mem>>) src(%dma_wait3A_149 : memref<40x128xf32, #tpu.memory_space<vmem>>) dst(%dma_wait3A_145 : memref<40x128xf32, #tpu.memory_space<hbm>>)
        tpu.yield
      }) : () -> ()
    } else {
    }
    %add3A_105 = arith.constant 96 : i32
    %add3A_106 = arith.addi %arg1, %add3A_105 : i32
    %lt3A_107 = arith.constant 125 : i32
    %lt3A_108 = arith.cmpi slt, %add3A_106, %lt3A_107 : i32
    %convert_element_type3A_109 = arith.extui %lt3A_108 : i1 to i32
    %cond3A_110 = arith.constant 0 : i32
    %cond3A_111 = arith.cmpi ne, %convert_element_type3A_109, %cond3A_110 : i32
    scf.if %cond3A_111 {
      %mul3A_119 = arith.constant 40 : i32
      %mul3A_120 = arith.muli %add3A_106, %mul3A_119 : i32
      %run_scoped3A = arith.constant 0 : i32
      "tpu.region"() ({
        %run_scoped3A_127 = tpu.sem_alloc : memref<!tpu.dma_semaphore, #tpu.memory_space<semaphore_mem>>
        %dma_start3A = arith.constant 0 : i32
        %dma_start3A_128 = arith.constant 0 : i32
        %dma_start3A_129 = tpu.memref_slice %arg10[%run_scoped3A, %dma_start3A, %dma_start3A_128] : memref<2x40x128xf32, #tpu.memory_space<vmem>> -> memref<1x40x128xf32, #tpu.memory_space<vmem>>
        %dma_start3A_130 = tpu.memref_squeeze %dma_start3A_129 : memref<1x40x128xf32, #tpu.memory_space<vmem>> -> memref<40x128xf32, #tpu.memory_space<vmem>>
        %dma_start3A_131 = arith.constant 0 : i32
        %dma_start3A_132 = tpu.memref_slice %arg11[%mul3A_120, %dma_start3A_131] : memref<5008x128xf32, #tpu.memory_space<vmem_shared>> -> memref<40x128xf32, #tpu.memory_space<vmem_shared>>
        %dma_start3A_133 = arith.constant 0 : i32
        %dma_start3A_134 = arith.constant 0 : i32
        %dma_start3A_135 = tpu.memref_slice %arg10[%run_scoped3A, %dma_start3A_133, %dma_start3A_134] : memref<2x40x128xf32, #tpu.memory_space<vmem>> -> memref<1x40x128xf32, #tpu.memory_space<vmem>>
        %dma_start3A_136 = tpu.memref_squeeze %dma_start3A_135 : memref<1x40x128xf32, #tpu.memory_space<vmem>> -> memref<40x128xf32, #tpu.memory_space<vmem>>
        %dma_start3A_137 = arith.constant 0 : i32
        %dma_start3A_138 = tpu.memref_slice %arg11[%mul3A_120, %dma_start3A_137] : memref<5008x128xf32, #tpu.memory_space<vmem_shared>> -> memref<40x128xf32, #tpu.memory_space<vmem_shared>>
        tpu.enqueue_dma source(%dma_start3A_138 : memref<40x128xf32, #tpu.memory_space<vmem_shared>>) target(%dma_start3A_136 : memref<40x128xf32, #tpu.memory_space<vmem>>) target_semaphore(%run_scoped3A_127 : memref<!tpu.dma_semaphore, #tpu.memory_space<semaphore_mem>>)
        %dma_wait3A = arith.constant 0 : i32
        %dma_wait3A_139 = arith.constant 0 : i32
        %dma_wait3A_140 = tpu.memref_slice %arg10[%run_scoped3A, %dma_wait3A, %dma_wait3A_139] : memref<2x40x128xf32, #tpu.memory_space<vmem>> -> memref<1x40x128xf32, #tpu.memory_space<vmem>>
        %dma_wait3A_141 = tpu.memref_squeeze %dma_wait3A_140 : memref<1x40x128xf32, #tpu.memory_space<vmem>> -> memref<40x128xf32, #tpu.memory_space<vmem>>
        %dma_wait3A_142 = arith.constant 0 : i32
        %dma_wait3A_143 = tpu.memref_slice %arg11[%mul3A_120, %dma_wait3A_142] : memref<5008x128xf32, #tpu.memory_space<vmem_shared>> -> memref<40x128xf32, #tpu.memory_space<vmem_shared>>
        %dma_wait3A_144 = arith.constant 0 : i32
        %dma_wait3A_145 = arith.constant 0 : i32
        %dma_wait3A_146 = tpu.memref_slice %arg10[%run_scoped3A, %dma_wait3A_144, %dma_wait3A_145] : memref<2x40x128xf32, #tpu.memory_space<vmem>> -> memref<1x40x128xf32, #tpu.memory_space<vmem>>
        %dma_wait3A_147 = tpu.memref_squeeze %dma_wait3A_146 : memref<1x40x128xf32, #tpu.memory_space<vmem>> -> memref<40x128xf32, #tpu.memory_space<vmem>>
        %dma_wait3A_148 = arith.constant 0 : i32
        %dma_wait3A_149 = tpu.memref_slice %arg11[%mul3A_120, %dma_wait3A_148] : memref<5008x128xf32, #tpu.memory_space<vmem_shared>> -> memref<40x128xf32, #tpu.memory_space<vmem_shared>>
        tpu.wait_dma2 semaphore(%run_scoped3A_127 : memref<!tpu.dma_semaphore, #tpu.memory_space<semaphore_mem>>) src(%dma_wait3A_149 : memref<40x128xf32, #tpu.memory_space<vmem_shared>>) dst(%dma_wait3A_147 : memref<40x128xf32, #tpu.memory_space<vmem>>)
        tpu.yield
      }) : () -> ()
      %mul3A_121 = arith.constant 5000 : i32
      %mul3A_122 = arith.muli %arg0, %mul3A_121 : i32
      %mul3A_123 = arith.constant 40 : i32
      %mul3A_124 = arith.muli %add3A_106, %mul3A_123 : i32
      %add3A_125 = arith.addi %mul3A_122, %mul3A_124 : i32
      %run_scoped3A_126 = arith.constant 0 : i32
      "tpu.region"() ({
        %run_scoped3A_127 = tpu.sem_alloc : memref<!tpu.dma_semaphore, #tpu.memory_space<semaphore_mem>>
        %dma_start3A = arith.constant 0 : i32
        %dma_start3A_128 = arith.constant 0 : i32
        %dma_start3A_129 = tpu.memref_slice %arg10[%run_scoped3A_126, %dma_start3A, %dma_start3A_128] : memref<2x40x128xf32, #tpu.memory_space<vmem>> -> memref<1x40x128xf32, #tpu.memory_space<vmem>>
        %dma_start3A_130 = tpu.memref_squeeze %dma_start3A_129 : memref<1x40x128xf32, #tpu.memory_space<vmem>> -> memref<40x128xf32, #tpu.memory_space<vmem>>
        %dma_start3A_131 = arith.constant 0 : i32
        %dma_start3A_132 = tpu.memref_slice %arg5[%add3A_125, %dma_start3A_131] : memref<10000x128xf32, #tpu.memory_space<hbm>> -> memref<40x128xf32, #tpu.memory_space<hbm>>
        %dma_start3A_133 = arith.constant 0 : i32
        %dma_start3A_134 = tpu.memref_slice %arg5[%add3A_125, %dma_start3A_133] : memref<10000x128xf32, #tpu.memory_space<hbm>> -> memref<40x128xf32, #tpu.memory_space<hbm>>
        %dma_start3A_135 = arith.constant 0 : i32
        %dma_start3A_136 = arith.constant 0 : i32
        %dma_start3A_137 = tpu.memref_slice %arg10[%run_scoped3A_126, %dma_start3A_135, %dma_start3A_136] : memref<2x40x128xf32, #tpu.memory_space<vmem>> -> memref<1x40x128xf32, #tpu.memory_space<vmem>>
        %dma_start3A_138 = tpu.memref_squeeze %dma_start3A_137 : memref<1x40x128xf32, #tpu.memory_space<vmem>> -> memref<40x128xf32, #tpu.memory_space<vmem>>
        tpu.enqueue_dma source(%dma_start3A_138 : memref<40x128xf32, #tpu.memory_space<vmem>>) target(%dma_start3A_134 : memref<40x128xf32, #tpu.memory_space<hbm>>) target_semaphore(%run_scoped3A_127 : memref<!tpu.dma_semaphore, #tpu.memory_space<semaphore_mem>>)
        %dma_wait3A = arith.constant 0 : i32
        %dma_wait3A_139 = arith.constant 0 : i32
        %dma_wait3A_140 = tpu.memref_slice %arg10[%run_scoped3A_126, %dma_wait3A, %dma_wait3A_139] : memref<2x40x128xf32, #tpu.memory_space<vmem>> -> memref<1x40x128xf32, #tpu.memory_space<vmem>>
        %dma_wait3A_141 = tpu.memref_squeeze %dma_wait3A_140 : memref<1x40x128xf32, #tpu.memory_space<vmem>> -> memref<40x128xf32, #tpu.memory_space<vmem>>
        %dma_wait3A_142 = arith.constant 0 : i32
        %dma_wait3A_143 = tpu.memref_slice %arg5[%add3A_125, %dma_wait3A_142] : memref<10000x128xf32, #tpu.memory_space<hbm>> -> memref<40x128xf32, #tpu.memory_space<hbm>>
        %dma_wait3A_144 = arith.constant 0 : i32
        %dma_wait3A_145 = tpu.memref_slice %arg5[%add3A_125, %dma_wait3A_144] : memref<10000x128xf32, #tpu.memory_space<hbm>> -> memref<40x128xf32, #tpu.memory_space<hbm>>
        %dma_wait3A_146 = arith.constant 0 : i32
        %dma_wait3A_147 = arith.constant 0 : i32
        %dma_wait3A_148 = tpu.memref_slice %arg10[%run_scoped3A_126, %dma_wait3A_146, %dma_wait3A_147] : memref<2x40x128xf32, #tpu.memory_space<vmem>> -> memref<1x40x128xf32, #tpu.memory_space<vmem>>
        %dma_wait3A_149 = tpu.memref_squeeze %dma_wait3A_148 : memref<1x40x128xf32, #tpu.memory_space<vmem>> -> memref<40x128xf32, #tpu.memory_space<vmem>>
        tpu.wait_dma2 semaphore(%run_scoped3A_127 : memref<!tpu.dma_semaphore, #tpu.memory_space<semaphore_mem>>) src(%dma_wait3A_149 : memref<40x128xf32, #tpu.memory_space<vmem>>) dst(%dma_wait3A_145 : memref<40x128xf32, #tpu.memory_space<hbm>>)
        tpu.yield
      }) : () -> ()
    } else {
    }
    %add3A_112 = arith.constant 112 : i32
    %add3A_113 = arith.addi %arg1, %add3A_112 : i32
    %lt3A_114 = arith.constant 125 : i32
    %lt3A_115 = arith.cmpi slt, %add3A_113, %lt3A_114 : i32
    %convert_element_type3A_116 = arith.extui %lt3A_115 : i1 to i32
    %cond3A_117 = arith.constant 0 : i32
    %cond3A_118 = arith.cmpi ne, %convert_element_type3A_116, %cond3A_117 : i32
    scf.if %cond3A_118 {
      %mul3A_119 = arith.constant 40 : i32
      %mul3A_120 = arith.muli %add3A_113, %mul3A_119 : i32
      %run_scoped3A = arith.constant 0 : i32
      "tpu.region"() ({
        %run_scoped3A_127 = tpu.sem_alloc : memref<!tpu.dma_semaphore, #tpu.memory_space<semaphore_mem>>
        %dma_start3A = arith.constant 0 : i32
        %dma_start3A_128 = arith.constant 0 : i32
        %dma_start3A_129 = tpu.memref_slice %arg10[%run_scoped3A, %dma_start3A, %dma_start3A_128] : memref<2x40x128xf32, #tpu.memory_space<vmem>> -> memref<1x40x128xf32, #tpu.memory_space<vmem>>
        %dma_start3A_130 = tpu.memref_squeeze %dma_start3A_129 : memref<1x40x128xf32, #tpu.memory_space<vmem>> -> memref<40x128xf32, #tpu.memory_space<vmem>>
        %dma_start3A_131 = arith.constant 0 : i32
        %dma_start3A_132 = tpu.memref_slice %arg11[%mul3A_120, %dma_start3A_131] : memref<5008x128xf32, #tpu.memory_space<vmem_shared>> -> memref<40x128xf32, #tpu.memory_space<vmem_shared>>
        %dma_start3A_133 = arith.constant 0 : i32
        %dma_start3A_134 = arith.constant 0 : i32
        %dma_start3A_135 = tpu.memref_slice %arg10[%run_scoped3A, %dma_start3A_133, %dma_start3A_134] : memref<2x40x128xf32, #tpu.memory_space<vmem>> -> memref<1x40x128xf32, #tpu.memory_space<vmem>>
        %dma_start3A_136 = tpu.memref_squeeze %dma_start3A_135 : memref<1x40x128xf32, #tpu.memory_space<vmem>> -> memref<40x128xf32, #tpu.memory_space<vmem>>
        %dma_start3A_137 = arith.constant 0 : i32
        %dma_start3A_138 = tpu.memref_slice %arg11[%mul3A_120, %dma_start3A_137] : memref<5008x128xf32, #tpu.memory_space<vmem_shared>> -> memref<40x128xf32, #tpu.memory_space<vmem_shared>>
        tpu.enqueue_dma source(%dma_start3A_138 : memref<40x128xf32, #tpu.memory_space<vmem_shared>>) target(%dma_start3A_136 : memref<40x128xf32, #tpu.memory_space<vmem>>) target_semaphore(%run_scoped3A_127 : memref<!tpu.dma_semaphore, #tpu.memory_space<semaphore_mem>>)
        %dma_wait3A = arith.constant 0 : i32
        %dma_wait3A_139 = arith.constant 0 : i32
        %dma_wait3A_140 = tpu.memref_slice %arg10[%run_scoped3A, %dma_wait3A, %dma_wait3A_139] : memref<2x40x128xf32, #tpu.memory_space<vmem>> -> memref<1x40x128xf32, #tpu.memory_space<vmem>>
        %dma_wait3A_141 = tpu.memref_squeeze %dma_wait3A_140 : memref<1x40x128xf32, #tpu.memory_space<vmem>> -> memref<40x128xf32, #tpu.memory_space<vmem>>
        %dma_wait3A_142 = arith.constant 0 : i32
        %dma_wait3A_143 = tpu.memref_slice %arg11[%mul3A_120, %dma_wait3A_142] : memref<5008x128xf32, #tpu.memory_space<vmem_shared>> -> memref<40x128xf32, #tpu.memory_space<vmem_shared>>
        %dma_wait3A_144 = arith.constant 0 : i32
        %dma_wait3A_145 = arith.constant 0 : i32
        %dma_wait3A_146 = tpu.memref_slice %arg10[%run_scoped3A, %dma_wait3A_144, %dma_wait3A_145] : memref<2x40x128xf32, #tpu.memory_space<vmem>> -> memref<1x40x128xf32, #tpu.memory_space<vmem>>
        %dma_wait3A_147 = tpu.memref_squeeze %dma_wait3A_146 : memref<1x40x128xf32, #tpu.memory_space<vmem>> -> memref<40x128xf32, #tpu.memory_space<vmem>>
        %dma_wait3A_148 = arith.constant 0 : i32
        %dma_wait3A_149 = tpu.memref_slice %arg11[%mul3A_120, %dma_wait3A_148] : memref<5008x128xf32, #tpu.memory_space<vmem_shared>> -> memref<40x128xf32, #tpu.memory_space<vmem_shared>>
        tpu.wait_dma2 semaphore(%run_scoped3A_127 : memref<!tpu.dma_semaphore, #tpu.memory_space<semaphore_mem>>) src(%dma_wait3A_149 : memref<40x128xf32, #tpu.memory_space<vmem_shared>>) dst(%dma_wait3A_147 : memref<40x128xf32, #tpu.memory_space<vmem>>)
        tpu.yield
      }) : () -> ()
      %mul3A_121 = arith.constant 5000 : i32
      %mul3A_122 = arith.muli %arg0, %mul3A_121 : i32
      %mul3A_123 = arith.constant 40 : i32
      %mul3A_124 = arith.muli %add3A_113, %mul3A_123 : i32
      %add3A_125 = arith.addi %mul3A_122, %mul3A_124 : i32
      %run_scoped3A_126 = arith.constant 0 : i32
      "tpu.region"() ({
        %run_scoped3A_127 = tpu.sem_alloc : memref<!tpu.dma_semaphore, #tpu.memory_space<semaphore_mem>>
        %dma_start3A = arith.constant 0 : i32
        %dma_start3A_128 = arith.constant 0 : i32
        %dma_start3A_129 = tpu.memref_slice %arg10[%run_scoped3A_126, %dma_start3A, %dma_start3A_128] : memref<2x40x128xf32, #tpu.memory_space<vmem>> -> memref<1x40x128xf32, #tpu.memory_space<vmem>>
        %dma_start3A_130 = tpu.memref_squeeze %dma_start3A_129 : memref<1x40x128xf32, #tpu.memory_space<vmem>> -> memref<40x128xf32, #tpu.memory_space<vmem>>
        %dma_start3A_131 = arith.constant 0 : i32
        %dma_start3A_132 = tpu.memref_slice %arg5[%add3A_125, %dma_start3A_131] : memref<10000x128xf32, #tpu.memory_space<hbm>> -> memref<40x128xf32, #tpu.memory_space<hbm>>
        %dma_start3A_133 = arith.constant 0 : i32
        %dma_start3A_134 = tpu.memref_slice %arg5[%add3A_125, %dma_start3A_133] : memref<10000x128xf32, #tpu.memory_space<hbm>> -> memref<40x128xf32, #tpu.memory_space<hbm>>
        %dma_start3A_135 = arith.constant 0 : i32
        %dma_start3A_136 = arith.constant 0 : i32
        %dma_start3A_137 = tpu.memref_slice %arg10[%run_scoped3A_126, %dma_start3A_135, %dma_start3A_136] : memref<2x40x128xf32, #tpu.memory_space<vmem>> -> memref<1x40x128xf32, #tpu.memory_space<vmem>>
        %dma_start3A_138 = tpu.memref_squeeze %dma_start3A_137 : memref<1x40x128xf32, #tpu.memory_space<vmem>> -> memref<40x128xf32, #tpu.memory_space<vmem>>
        tpu.enqueue_dma source(%dma_start3A_138 : memref<40x128xf32, #tpu.memory_space<vmem>>) target(%dma_start3A_134 : memref<40x128xf32, #tpu.memory_space<hbm>>) target_semaphore(%run_scoped3A_127 : memref<!tpu.dma_semaphore, #tpu.memory_space<semaphore_mem>>)
        %dma_wait3A = arith.constant 0 : i32
        %dma_wait3A_139 = arith.constant 0 : i32
        %dma_wait3A_140 = tpu.memref_slice %arg10[%run_scoped3A_126, %dma_wait3A, %dma_wait3A_139] : memref<2x40x128xf32, #tpu.memory_space<vmem>> -> memref<1x40x128xf32, #tpu.memory_space<vmem>>
        %dma_wait3A_141 = tpu.memref_squeeze %dma_wait3A_140 : memref<1x40x128xf32, #tpu.memory_space<vmem>> -> memref<40x128xf32, #tpu.memory_space<vmem>>
        %dma_wait3A_142 = arith.constant 0 : i32
        %dma_wait3A_143 = tpu.memref_slice %arg5[%add3A_125, %dma_wait3A_142] : memref<10000x128xf32, #tpu.memory_space<hbm>> -> memref<40x128xf32, #tpu.memory_space<hbm>>
        %dma_wait3A_144 = arith.constant 0 : i32
        %dma_wait3A_145 = tpu.memref_slice %arg5[%add3A_125, %dma_wait3A_144] : memref<10000x128xf32, #tpu.memory_space<hbm>> -> memref<40x128xf32, #tpu.memory_space<hbm>>
        %dma_wait3A_146 = arith.constant 0 : i32
        %dma_wait3A_147 = arith.constant 0 : i32
        %dma_wait3A_148 = tpu.memref_slice %arg10[%run_scoped3A_126, %dma_wait3A_146, %dma_wait3A_147] : memref<2x40x128xf32, #tpu.memory_space<vmem>> -> memref<1x40x128xf32, #tpu.memory_space<vmem>>
        %dma_wait3A_149 = tpu.memref_squeeze %dma_wait3A_148 : memref<1x40x128xf32, #tpu.memory_space<vmem>> -> memref<40x128xf32, #tpu.memory_space<vmem>>
        tpu.wait_dma2 semaphore(%run_scoped3A_127 : memref<!tpu.dma_semaphore, #tpu.memory_space<semaphore_mem>>) src(%dma_wait3A_149 : memref<40x128xf32, #tpu.memory_space<vmem>>) dst(%dma_wait3A_145 : memref<40x128xf32, #tpu.memory_space<hbm>>)
        tpu.yield
      }) : () -> ()
    } else {
    }
    return
  }
}

#map = affine_map<(d0, d1) -> (0, 0)>
#map1 = affine_map<(d0, d1) -> (0)>
module attributes {stable_mosaic.version = 14 : i64} {
  func.func @_sc_spmm(%arg0: i32, %arg1: i32, %arg2: memref<10000x128xf32, #tpu.memory_space<hbm>>, %arg3: memref<320000xi32, #tpu.memory_space<hbm>>, %arg4: memref<320000xi32, #tpu.memory_space<hbm>>, %arg5: memref<10000x128xf32, #tpu.memory_space<hbm>>, %arg6: memref<2000xi32, #tpu.memory_space<vmem>>, %arg7: memref<2000xi32, #tpu.memory_space<vmem>>, %arg8: memref<1240xi32, #tpu.memory_space<vmem>>, %arg9: memref<1240xi32, #tpu.memory_space<vmem>>, %arg10: memref<2x40x128xf32, #tpu.memory_space<vmem>>, %arg11: memref<5008x128xf32, #tpu.memory_space<vmem_shared>>, %arg12: memref<2x!tpu.dma_semaphore, #tpu.memory_space<semaphore_mem>>) attributes {dimension_semantics = [#tpu.dimension_semantics<core_parallel>, #tpu.dimension_semantics<subcore_parallel>], iteration_bounds = array<i64: 2, 16>, scalar_prefetch = 0 : i64, scratch_operands = 7 : i64, tpu.core_type = #tpu.core_type<sc_vector_subcore>, window_params = [{transform_indices = #map}, {transform_indices = #map1}, {transform_indices = #map1}, {transform_indices = #map}]} {
    %mul3A = arith.constant 5000 : i32
    %mul3A_0 = arith.muli %arg0, %mul3A : i32
    %scan3A = arith.constant 0 : i32
    %scan3A_1 = arith.constant 40 : i32
    %scan3A_2 = arith.addi %scan3A, %scan3A_1 : i32
    %scan3A_3 = arith.constant 1 : i32
    scf.for %scan3A_119 = %scan3A to %scan3A_2 step %scan3A_3  : i32 {
      %mul3A_120 = arith.constant 1 : i32
      %mul3A_121 = arith.muli %scan3A_119, %mul3A_120 : i32
      %add3A_122 = arith.constant 0 : i32
      %add3A_123 = arith.addi %add3A_122, %mul3A_121 : i32
      %broadcast_in_dim3A = arith.constant 0.000000e+00 : f32
      %broadcast_in_dim3A_124 = vector.broadcast %broadcast_in_dim3A : f32 to vector<16xf32>
      %swap3A = arith.constant 0 : i32
      %swap3A_125 = arith.index_cast %swap3A : i32 to index
      %swap3A_126 = arith.index_cast %add3A_123 : i32 to index
      %swap3A_127 = arith.constant 0 : index
      %swap3A_128 = tpu.vector_load %arg10[%swap3A_125, %swap3A_126, %swap3A_127] {strides = array<i32>} : memref<2x40x128xf32, #tpu.memory_space<vmem>>, vector<16xf32>,
      tpu.vector_store %arg10[%swap3A_125, %swap3A_126, %swap3A_127], %broadcast_in_dim3A_124 {strides = array<i32>} : memref<2x40x128xf32, #tpu.memory_space<vmem>>, vector<16xf32>,
      %broadcast_in_dim3A_129 = arith.constant 0.000000e+00 : f32
      %broadcast_in_dim3A_130 = vector.broadcast %broadcast_in_dim3A_129 : f32 to vector<16xf32>
      %swap3A_131 = arith.constant 0 : i32
      %swap3A_132 = arith.index_cast %swap3A_131 : i32 to index
      %swap3A_133 = arith.index_cast %add3A_123 : i32 to index
      %swap3A_134 = arith.constant 16 : index
      %swap3A_135 = tpu.vector_load %arg10[%swap3A_132, %swap3A_133, %swap3A_134] {strides = array<i32>} : memref<2x40x128xf32, #tpu.memory_space<vmem>>, vector<16xf32>,
      tpu.vector_store %arg10[%swap3A_132, %swap3A_133, %swap3A_134], %broadcast_in_dim3A_130 {strides = array<i32>} : memref<2x40x128xf32, #tpu.memory_space<vmem>>, vector<16xf32>,
      %broadcast_in_dim3A_136 = arith.constant 0.000000e+00 : f32
      %broadcast_in_dim3A_137 = vector.broadcast %broadcast_in_dim3A_136 : f32 to vector<16xf32>
      %swap3A_138 = arith.constant 0 : i32
      %swap3A_139 = arith.index_cast %swap3A_138 : i32 to index
      %swap3A_140 = arith.index_cast %add3A_123 : i32 to index
      %swap3A_141 = arith.constant 32 : index
      %swap3A_142 = tpu.vector_load %arg10[%swap3A_139, %swap3A_140, %swap3A_141] {strides = array<i32>} : memref<2x40x128xf32, #tpu.memory_space<vmem>>, vector<16xf32>,
      tpu.vector_store %arg10[%swap3A_139, %swap3A_140, %swap3A_141], %broadcast_in_dim3A_137 {strides = array<i32>} : memref<2x40x128xf32, #tpu.memory_space<vmem>>, vector<16xf32>,
      %broadcast_in_dim3A_143 = arith.constant 0.000000e+00 : f32
      %broadcast_in_dim3A_144 = vector.broadcast %broadcast_in_dim3A_143 : f32 to vector<16xf32>
      %swap3A_145 = arith.constant 0 : i32
      %swap3A_146 = arith.index_cast %swap3A_145 : i32 to index
      %swap3A_147 = arith.index_cast %add3A_123 : i32 to index
      %swap3A_148 = arith.constant 48 : index
      %swap3A_149 = tpu.vector_load %arg10[%swap3A_146, %swap3A_147, %swap3A_148] {strides = array<i32>} : memref<2x40x128xf32, #tpu.memory_space<vmem>>, vector<16xf32>,
      tpu.vector_store %arg10[%swap3A_146, %swap3A_147, %swap3A_148], %broadcast_in_dim3A_144 {strides = array<i32>} : memref<2x40x128xf32, #tpu.memory_space<vmem>>, vector<16xf32>,
      %broadcast_in_dim3A_150 = arith.constant 0.000000e+00 : f32
      %broadcast_in_dim3A_151 = vector.broadcast %broadcast_in_dim3A_150 : f32 to vector<16xf32>
      %swap3A_152 = arith.constant 0 : i32
      %swap3A_153 = arith.index_cast %swap3A_152 : i32 to index
      %swap3A_154 = arith.index_cast %add3A_123 : i32 to index
      %swap3A_155 = arith.constant 64 : index
      %swap3A_156 = tpu.vector_load %arg10[%swap3A_153, %swap3A_154, %swap3A_155] {strides = array<i32>} : memref<2x40x128xf32, #tpu.memory_space<vmem>>, vector<16xf32>,
      tpu.vector_store %arg10[%swap3A_153, %swap3A_154, %swap3A_155], %broadcast_in_dim3A_151 {strides = array<i32>} : memref<2x40x128xf32, #tpu.memory_space<vmem>>, vector<16xf32>,
      %broadcast_in_dim3A_157 = arith.constant 0.000000e+00 : f32
      %broadcast_in_dim3A_158 = vector.broadcast %broadcast_in_dim3A_157 : f32 to vector<16xf32>
      %swap3A_159 = arith.constant 0 : i32
      %swap3A_160 = arith.index_cast %swap3A_159 : i32 to index
      %swap3A_161 = arith.index_cast %add3A_123 : i32 to index
      %swap3A_162 = arith.constant 80 : index
      %swap3A_163 = tpu.vector_load %arg10[%swap3A_160, %swap3A_161, %swap3A_162] {strides = array<i32>} : memref<2x40x128xf32, #tpu.memory_space<vmem>>, vector<16xf32>,
      tpu.vector_store %arg10[%swap3A_160, %swap3A_161, %swap3A_162], %broadcast_in_dim3A_158 {strides = array<i32>} : memref<2x40x128xf32, #tpu.memory_space<vmem>>, vector<16xf32>,
      %broadcast_in_dim3A_164 = arith.constant 0.000000e+00 : f32
      %broadcast_in_dim3A_165 = vector.broadcast %broadcast_in_dim3A_164 : f32 to vector<16xf32>
      %swap3A_166 = arith.constant 0 : i32
      %swap3A_167 = arith.index_cast %swap3A_166 : i32 to index
      %swap3A_168 = arith.index_cast %add3A_123 : i32 to index
      %swap3A_169 = arith.constant 96 : index
      %swap3A_170 = tpu.vector_load %arg10[%swap3A_167, %swap3A_168, %swap3A_169] {strides = array<i32>} : memref<2x40x128xf32, #tpu.memory_space<vmem>>, vector<16xf32>,
      tpu.vector_store %arg10[%swap3A_167, %swap3A_168, %swap3A_169], %broadcast_in_dim3A_165 {strides = array<i32>} : memref<2x40x128xf32, #tpu.memory_space<vmem>>, vector<16xf32>,
      %broadcast_in_dim3A_171 = arith.constant 0.000000e+00 : f32
      %broadcast_in_dim3A_172 = vector.broadcast %broadcast_in_dim3A_171 : f32 to vector<16xf32>
      %swap3A_173 = arith.constant 0 : i32
      %swap3A_174 = arith.index_cast %swap3A_173 : i32 to index
      %swap3A_175 = arith.index_cast %add3A_123 : i32 to index
      %swap3A_176 = arith.constant 112 : index
      %swap3A_177 = tpu.vector_load %arg10[%swap3A_174, %swap3A_175, %swap3A_176] {strides = array<i32>} : memref<2x40x128xf32, #tpu.memory_space<vmem>>, vector<16xf32>,
      tpu.vector_store %arg10[%swap3A_174, %swap3A_175, %swap3A_176], %broadcast_in_dim3A_172 {strides = array<i32>} : memref<2x40x128xf32, #tpu.memory_space<vmem>>, vector<16xf32>,
    }
    %scan3A_4 = arith.constant 40 : i32
    %add3A = arith.constant 0 : i32
    %add3A_5 = arith.addi %arg1, %add3A : i32
    %lt3A = arith.constant 125 : i32
    %lt3A_6 = arith.cmpi slt, %add3A_5, %lt3A : i32
    %convert_element_type3A = arith.extui %lt3A_6 : i1 to i32
    %cond3A = arith.constant 0 : i32
    %cond3A_7 = arith.cmpi ne, %convert_element_type3A, %cond3A : i32
    scf.if %cond3A_7 {
      %mul3A_119 = arith.constant 40 : i32
      %mul3A_120 = arith.muli %add3A_5, %mul3A_119 : i32
      %run_scoped3A = arith.constant 0 : i32
      "tpu.region"() ({
        %run_scoped3A_121 = tpu.sem_alloc : memref<!tpu.dma_semaphore, #tpu.memory_space<semaphore_mem>>
        %dma_start3A = arith.constant 0 : i32
        %dma_start3A_122 = arith.constant 0 : i32
        %dma_start3A_123 = tpu.memref_slice %arg10[%run_scoped3A, %dma_start3A, %dma_start3A_122] : memref<2x40x128xf32, #tpu.memory_space<vmem>> -> memref<1x40x128xf32, #tpu.memory_space<vmem>>
        %dma_start3A_124 = tpu.memref_squeeze %dma_start3A_123 : memref<1x40x128xf32, #tpu.memory_space<vmem>> -> memref<40x128xf32, #tpu.memory_space<vmem>>
        %dma_start3A_125 = arith.constant 0 : i32
        %dma_start3A_126 = tpu.memref_slice %arg11[%mul3A_120, %dma_start3A_125] : memref<5008x128xf32, #tpu.memory_space<vmem_shared>> -> memref<40x128xf32, #tpu.memory_space<vmem_shared>>
        %dma_start3A_127 = arith.constant 0 : i32
        %dma_start3A_128 = tpu.memref_slice %arg11[%mul3A_120, %dma_start3A_127] : memref<5008x128xf32, #tpu.memory_space<vmem_shared>> -> memref<40x128xf32, #tpu.memory_space<vmem_shared>>
        %dma_start3A_129 = arith.constant 0 : i32
        %dma_start3A_130 = arith.constant 0 : i32
        %dma_start3A_131 = tpu.memref_slice %arg10[%run_scoped3A, %dma_start3A_129, %dma_start3A_130] : memref<2x40x128xf32, #tpu.memory_space<vmem>> -> memref<1x40x128xf32, #tpu.memory_space<vmem>>
        %dma_start3A_132 = tpu.memref_squeeze %dma_start3A_131 : memref<1x40x128xf32, #tpu.memory_space<vmem>> -> memref<40x128xf32, #tpu.memory_space<vmem>>
        tpu.enqueue_dma source(%dma_start3A_132 : memref<40x128xf32, #tpu.memory_space<vmem>>) target(%dma_start3A_128 : memref<40x128xf32, #tpu.memory_space<vmem_shared>>) target_semaphore(%run_scoped3A_121 : memref<!tpu.dma_semaphore, #tpu.memory_space<semaphore_mem>>)
        %dma_wait3A = arith.constant 0 : i32
        %dma_wait3A_133 = arith.constant 0 : i32
        %dma_wait3A_134 = tpu.memref_slice %arg10[%run_scoped3A, %dma_wait3A, %dma_wait3A_133] : memref<2x40x128xf32, #tpu.memory_space<vmem>> -> memref<1x40x128xf32, #tpu.memory_space<vmem>>
        %dma_wait3A_135 = tpu.memref_squeeze %dma_wait3A_134 : memref<1x40x128xf32, #tpu.memory_space<vmem>> -> memref<40x128xf32, #tpu.memory_space<vmem>>
        %dma_wait3A_136 = arith.constant 0 : i32
        %dma_wait3A_137 = tpu.memref_slice %arg11[%mul3A_120, %dma_wait3A_136] : memref<5008x128xf32, #tpu.memory_space<vmem_shared>> -> memref<40x128xf32, #tpu.memory_space<vmem_shared>>
        %dma_wait3A_138 = arith.constant 0 : i32
        %dma_wait3A_139 = tpu.memref_slice %arg11[%mul3A_120, %dma_wait3A_138] : memref<5008x128xf32, #tpu.memory_space<vmem_shared>> -> memref<40x128xf32, #tpu.memory_space<vmem_shared>>
        %dma_wait3A_140 = arith.constant 0 : i32
        %dma_wait3A_141 = arith.constant 0 : i32
        %dma_wait3A_142 = tpu.memref_slice %arg10[%run_scoped3A, %dma_wait3A_140, %dma_wait3A_141] : memref<2x40x128xf32, #tpu.memory_space<vmem>> -> memref<1x40x128xf32, #tpu.memory_space<vmem>>
        %dma_wait3A_143 = tpu.memref_squeeze %dma_wait3A_142 : memref<1x40x128xf32, #tpu.memory_space<vmem>> -> memref<40x128xf32, #tpu.memory_space<vmem>>
        tpu.wait_dma2 semaphore(%run_scoped3A_121 : memref<!tpu.dma_semaphore, #tpu.memory_space<semaphore_mem>>) src(%dma_wait3A_143 : memref<40x128xf32, #tpu.memory_space<vmem>>) dst(%dma_wait3A_139 : memref<40x128xf32, #tpu.memory_space<vmem_shared>>)
        tpu.yield
      }) : () -> ()
    } else {
    }
    %add3A_8 = arith.constant 16 : i32
    %add3A_9 = arith.addi %arg1, %add3A_8 : i32
    %lt3A_10 = arith.constant 125 : i32
    %lt3A_11 = arith.cmpi slt, %add3A_9, %lt3A_10 : i32
    %convert_element_type3A_12 = arith.extui %lt3A_11 : i1 to i32
    %cond3A_13 = arith.constant 0 : i32
    %cond3A_14 = arith.cmpi ne, %convert_element_type3A_12, %cond3A_13 : i32
    scf.if %cond3A_14 {
      %mul3A_119 = arith.constant 40 : i32
      %mul3A_120 = arith.muli %add3A_9, %mul3A_119 : i32
      %run_scoped3A = arith.constant 0 : i32
      "tpu.region"() ({
        %run_scoped3A_121 = tpu.sem_alloc : memref<!tpu.dma_semaphore, #tpu.memory_space<semaphore_mem>>
        %dma_start3A = arith.constant 0 : i32
        %dma_start3A_122 = arith.constant 0 : i32
        %dma_start3A_123 = tpu.memref_slice %arg10[%run_scoped3A, %dma_start3A, %dma_start3A_122] : memref<2x40x128xf32, #tpu.memory_space<vmem>> -> memref<1x40x128xf32, #tpu.memory_space<vmem>>
        %dma_start3A_124 = tpu.memref_squeeze %dma_start3A_123 : memref<1x40x128xf32, #tpu.memory_space<vmem>> -> memref<40x128xf32, #tpu.memory_space<vmem>>
        %dma_start3A_125 = arith.constant 0 : i32
        %dma_start3A_126 = tpu.memref_slice %arg11[%mul3A_120, %dma_start3A_125] : memref<5008x128xf32, #tpu.memory_space<vmem_shared>> -> memref<40x128xf32, #tpu.memory_space<vmem_shared>>
        %dma_start3A_127 = arith.constant 0 : i32
        %dma_start3A_128 = tpu.memref_slice %arg11[%mul3A_120, %dma_start3A_127] : memref<5008x128xf32, #tpu.memory_space<vmem_shared>> -> memref<40x128xf32, #tpu.memory_space<vmem_shared>>
        %dma_start3A_129 = arith.constant 0 : i32
        %dma_start3A_130 = arith.constant 0 : i32
        %dma_start3A_131 = tpu.memref_slice %arg10[%run_scoped3A, %dma_start3A_129, %dma_start3A_130] : memref<2x40x128xf32, #tpu.memory_space<vmem>> -> memref<1x40x128xf32, #tpu.memory_space<vmem>>
        %dma_start3A_132 = tpu.memref_squeeze %dma_start3A_131 : memref<1x40x128xf32, #tpu.memory_space<vmem>> -> memref<40x128xf32, #tpu.memory_space<vmem>>
        tpu.enqueue_dma source(%dma_start3A_132 : memref<40x128xf32, #tpu.memory_space<vmem>>) target(%dma_start3A_128 : memref<40x128xf32, #tpu.memory_space<vmem_shared>>) target_semaphore(%run_scoped3A_121 : memref<!tpu.dma_semaphore, #tpu.memory_space<semaphore_mem>>)
        %dma_wait3A = arith.constant 0 : i32
        %dma_wait3A_133 = arith.constant 0 : i32
        %dma_wait3A_134 = tpu.memref_slice %arg10[%run_scoped3A, %dma_wait3A, %dma_wait3A_133] : memref<2x40x128xf32, #tpu.memory_space<vmem>> -> memref<1x40x128xf32, #tpu.memory_space<vmem>>
        %dma_wait3A_135 = tpu.memref_squeeze %dma_wait3A_134 : memref<1x40x128xf32, #tpu.memory_space<vmem>> -> memref<40x128xf32, #tpu.memory_space<vmem>>
        %dma_wait3A_136 = arith.constant 0 : i32
        %dma_wait3A_137 = tpu.memref_slice %arg11[%mul3A_120, %dma_wait3A_136] : memref<5008x128xf32, #tpu.memory_space<vmem_shared>> -> memref<40x128xf32, #tpu.memory_space<vmem_shared>>
        %dma_wait3A_138 = arith.constant 0 : i32
        %dma_wait3A_139 = tpu.memref_slice %arg11[%mul3A_120, %dma_wait3A_138] : memref<5008x128xf32, #tpu.memory_space<vmem_shared>> -> memref<40x128xf32, #tpu.memory_space<vmem_shared>>
        %dma_wait3A_140 = arith.constant 0 : i32
        %dma_wait3A_141 = arith.constant 0 : i32
        %dma_wait3A_142 = tpu.memref_slice %arg10[%run_scoped3A, %dma_wait3A_140, %dma_wait3A_141] : memref<2x40x128xf32, #tpu.memory_space<vmem>> -> memref<1x40x128xf32, #tpu.memory_space<vmem>>
        %dma_wait3A_143 = tpu.memref_squeeze %dma_wait3A_142 : memref<1x40x128xf32, #tpu.memory_space<vmem>> -> memref<40x128xf32, #tpu.memory_space<vmem>>
        tpu.wait_dma2 semaphore(%run_scoped3A_121 : memref<!tpu.dma_semaphore, #tpu.memory_space<semaphore_mem>>) src(%dma_wait3A_143 : memref<40x128xf32, #tpu.memory_space<vmem>>) dst(%dma_wait3A_139 : memref<40x128xf32, #tpu.memory_space<vmem_shared>>)
        tpu.yield
      }) : () -> ()
    } else {
    }
    %add3A_15 = arith.constant 32 : i32
    %add3A_16 = arith.addi %arg1, %add3A_15 : i32
    %lt3A_17 = arith.constant 125 : i32
    %lt3A_18 = arith.cmpi slt, %add3A_16, %lt3A_17 : i32
    %convert_element_type3A_19 = arith.extui %lt3A_18 : i1 to i32
    %cond3A_20 = arith.constant 0 : i32
    %cond3A_21 = arith.cmpi ne, %convert_element_type3A_19, %cond3A_20 : i32
    scf.if %cond3A_21 {
      %mul3A_119 = arith.constant 40 : i32
      %mul3A_120 = arith.muli %add3A_16, %mul3A_119 : i32
      %run_scoped3A = arith.constant 0 : i32
      "tpu.region"() ({
        %run_scoped3A_121 = tpu.sem_alloc : memref<!tpu.dma_semaphore, #tpu.memory_space<semaphore_mem>>
        %dma_start3A = arith.constant 0 : i32
        %dma_start3A_122 = arith.constant 0 : i32
        %dma_start3A_123 = tpu.memref_slice %arg10[%run_scoped3A, %dma_start3A, %dma_start3A_122] : memref<2x40x128xf32, #tpu.memory_space<vmem>> -> memref<1x40x128xf32, #tpu.memory_space<vmem>>
        %dma_start3A_124 = tpu.memref_squeeze %dma_start3A_123 : memref<1x40x128xf32, #tpu.memory_space<vmem>> -> memref<40x128xf32, #tpu.memory_space<vmem>>
        %dma_start3A_125 = arith.constant 0 : i32
        %dma_start3A_126 = tpu.memref_slice %arg11[%mul3A_120, %dma_start3A_125] : memref<5008x128xf32, #tpu.memory_space<vmem_shared>> -> memref<40x128xf32, #tpu.memory_space<vmem_shared>>
        %dma_start3A_127 = arith.constant 0 : i32
        %dma_start3A_128 = tpu.memref_slice %arg11[%mul3A_120, %dma_start3A_127] : memref<5008x128xf32, #tpu.memory_space<vmem_shared>> -> memref<40x128xf32, #tpu.memory_space<vmem_shared>>
        %dma_start3A_129 = arith.constant 0 : i32
        %dma_start3A_130 = arith.constant 0 : i32
        %dma_start3A_131 = tpu.memref_slice %arg10[%run_scoped3A, %dma_start3A_129, %dma_start3A_130] : memref<2x40x128xf32, #tpu.memory_space<vmem>> -> memref<1x40x128xf32, #tpu.memory_space<vmem>>
        %dma_start3A_132 = tpu.memref_squeeze %dma_start3A_131 : memref<1x40x128xf32, #tpu.memory_space<vmem>> -> memref<40x128xf32, #tpu.memory_space<vmem>>
        tpu.enqueue_dma source(%dma_start3A_132 : memref<40x128xf32, #tpu.memory_space<vmem>>) target(%dma_start3A_128 : memref<40x128xf32, #tpu.memory_space<vmem_shared>>) target_semaphore(%run_scoped3A_121 : memref<!tpu.dma_semaphore, #tpu.memory_space<semaphore_mem>>)
        %dma_wait3A = arith.constant 0 : i32
        %dma_wait3A_133 = arith.constant 0 : i32
        %dma_wait3A_134 = tpu.memref_slice %arg10[%run_scoped3A, %dma_wait3A, %dma_wait3A_133] : memref<2x40x128xf32, #tpu.memory_space<vmem>> -> memref<1x40x128xf32, #tpu.memory_space<vmem>>
        %dma_wait3A_135 = tpu.memref_squeeze %dma_wait3A_134 : memref<1x40x128xf32, #tpu.memory_space<vmem>> -> memref<40x128xf32, #tpu.memory_space<vmem>>
        %dma_wait3A_136 = arith.constant 0 : i32
        %dma_wait3A_137 = tpu.memref_slice %arg11[%mul3A_120, %dma_wait3A_136] : memref<5008x128xf32, #tpu.memory_space<vmem_shared>> -> memref<40x128xf32, #tpu.memory_space<vmem_shared>>
        %dma_wait3A_138 = arith.constant 0 : i32
        %dma_wait3A_139 = tpu.memref_slice %arg11[%mul3A_120, %dma_wait3A_138] : memref<5008x128xf32, #tpu.memory_space<vmem_shared>> -> memref<40x128xf32, #tpu.memory_space<vmem_shared>>
        %dma_wait3A_140 = arith.constant 0 : i32
        %dma_wait3A_141 = arith.constant 0 : i32
        %dma_wait3A_142 = tpu.memref_slice %arg10[%run_scoped3A, %dma_wait3A_140, %dma_wait3A_141] : memref<2x40x128xf32, #tpu.memory_space<vmem>> -> memref<1x40x128xf32, #tpu.memory_space<vmem>>
        %dma_wait3A_143 = tpu.memref_squeeze %dma_wait3A_142 : memref<1x40x128xf32, #tpu.memory_space<vmem>> -> memref<40x128xf32, #tpu.memory_space<vmem>>
        tpu.wait_dma2 semaphore(%run_scoped3A_121 : memref<!tpu.dma_semaphore, #tpu.memory_space<semaphore_mem>>) src(%dma_wait3A_143 : memref<40x128xf32, #tpu.memory_space<vmem>>) dst(%dma_wait3A_139 : memref<40x128xf32, #tpu.memory_space<vmem_shared>>)
        tpu.yield
      }) : () -> ()
    } else {
    }
    %add3A_22 = arith.constant 48 : i32
    %add3A_23 = arith.addi %arg1, %add3A_22 : i32
    %lt3A_24 = arith.constant 125 : i32
    %lt3A_25 = arith.cmpi slt, %add3A_23, %lt3A_24 : i32
    %convert_element_type3A_26 = arith.extui %lt3A_25 : i1 to i32
    %cond3A_27 = arith.constant 0 : i32
    %cond3A_28 = arith.cmpi ne, %convert_element_type3A_26, %cond3A_27 : i32
    scf.if %cond3A_28 {
      %mul3A_119 = arith.constant 40 : i32
      %mul3A_120 = arith.muli %add3A_23, %mul3A_119 : i32
      %run_scoped3A = arith.constant 0 : i32
      "tpu.region"() ({
        %run_scoped3A_121 = tpu.sem_alloc : memref<!tpu.dma_semaphore, #tpu.memory_space<semaphore_mem>>
        %dma_start3A = arith.constant 0 : i32
        %dma_start3A_122 = arith.constant 0 : i32
        %dma_start3A_123 = tpu.memref_slice %arg10[%run_scoped3A, %dma_start3A, %dma_start3A_122] : memref<2x40x128xf32, #tpu.memory_space<vmem>> -> memref<1x40x128xf32, #tpu.memory_space<vmem>>
        %dma_start3A_124 = tpu.memref_squeeze %dma_start3A_123 : memref<1x40x128xf32, #tpu.memory_space<vmem>> -> memref<40x128xf32, #tpu.memory_space<vmem>>
        %dma_start3A_125 = arith.constant 0 : i32
        %dma_start3A_126 = tpu.memref_slice %arg11[%mul3A_120, %dma_start3A_125] : memref<5008x128xf32, #tpu.memory_space<vmem_shared>> -> memref<40x128xf32, #tpu.memory_space<vmem_shared>>
        %dma_start3A_127 = arith.constant 0 : i32
        %dma_start3A_128 = tpu.memref_slice %arg11[%mul3A_120, %dma_start3A_127] : memref<5008x128xf32, #tpu.memory_space<vmem_shared>> -> memref<40x128xf32, #tpu.memory_space<vmem_shared>>
        %dma_start3A_129 = arith.constant 0 : i32
        %dma_start3A_130 = arith.constant 0 : i32
        %dma_start3A_131 = tpu.memref_slice %arg10[%run_scoped3A, %dma_start3A_129, %dma_start3A_130] : memref<2x40x128xf32, #tpu.memory_space<vmem>> -> memref<1x40x128xf32, #tpu.memory_space<vmem>>
        %dma_start3A_132 = tpu.memref_squeeze %dma_start3A_131 : memref<1x40x128xf32, #tpu.memory_space<vmem>> -> memref<40x128xf32, #tpu.memory_space<vmem>>
        tpu.enqueue_dma source(%dma_start3A_132 : memref<40x128xf32, #tpu.memory_space<vmem>>) target(%dma_start3A_128 : memref<40x128xf32, #tpu.memory_space<vmem_shared>>) target_semaphore(%run_scoped3A_121 : memref<!tpu.dma_semaphore, #tpu.memory_space<semaphore_mem>>)
        %dma_wait3A = arith.constant 0 : i32
        %dma_wait3A_133 = arith.constant 0 : i32
        %dma_wait3A_134 = tpu.memref_slice %arg10[%run_scoped3A, %dma_wait3A, %dma_wait3A_133] : memref<2x40x128xf32, #tpu.memory_space<vmem>> -> memref<1x40x128xf32, #tpu.memory_space<vmem>>
        %dma_wait3A_135 = tpu.memref_squeeze %dma_wait3A_134 : memref<1x40x128xf32, #tpu.memory_space<vmem>> -> memref<40x128xf32, #tpu.memory_space<vmem>>
        %dma_wait3A_136 = arith.constant 0 : i32
        %dma_wait3A_137 = tpu.memref_slice %arg11[%mul3A_120, %dma_wait3A_136] : memref<5008x128xf32, #tpu.memory_space<vmem_shared>> -> memref<40x128xf32, #tpu.memory_space<vmem_shared>>
        %dma_wait3A_138 = arith.constant 0 : i32
        %dma_wait3A_139 = tpu.memref_slice %arg11[%mul3A_120, %dma_wait3A_138] : memref<5008x128xf32, #tpu.memory_space<vmem_shared>> -> memref<40x128xf32, #tpu.memory_space<vmem_shared>>
        %dma_wait3A_140 = arith.constant 0 : i32
        %dma_wait3A_141 = arith.constant 0 : i32
        %dma_wait3A_142 = tpu.memref_slice %arg10[%run_scoped3A, %dma_wait3A_140, %dma_wait3A_141] : memref<2x40x128xf32, #tpu.memory_space<vmem>> -> memref<1x40x128xf32, #tpu.memory_space<vmem>>
        %dma_wait3A_143 = tpu.memref_squeeze %dma_wait3A_142 : memref<1x40x128xf32, #tpu.memory_space<vmem>> -> memref<40x128xf32, #tpu.memory_space<vmem>>
        tpu.wait_dma2 semaphore(%run_scoped3A_121 : memref<!tpu.dma_semaphore, #tpu.memory_space<semaphore_mem>>) src(%dma_wait3A_143 : memref<40x128xf32, #tpu.memory_space<vmem>>) dst(%dma_wait3A_139 : memref<40x128xf32, #tpu.memory_space<vmem_shared>>)
        tpu.yield
      }) : () -> ()
    } else {
    }
    %add3A_29 = arith.constant 64 : i32
    %add3A_30 = arith.addi %arg1, %add3A_29 : i32
    %lt3A_31 = arith.constant 125 : i32
    %lt3A_32 = arith.cmpi slt, %add3A_30, %lt3A_31 : i32
    %convert_element_type3A_33 = arith.extui %lt3A_32 : i1 to i32
    %cond3A_34 = arith.constant 0 : i32
    %cond3A_35 = arith.cmpi ne, %convert_element_type3A_33, %cond3A_34 : i32
    scf.if %cond3A_35 {
      %mul3A_119 = arith.constant 40 : i32
      %mul3A_120 = arith.muli %add3A_30, %mul3A_119 : i32
      %run_scoped3A = arith.constant 0 : i32
      "tpu.region"() ({
        %run_scoped3A_121 = tpu.sem_alloc : memref<!tpu.dma_semaphore, #tpu.memory_space<semaphore_mem>>
        %dma_start3A = arith.constant 0 : i32
        %dma_start3A_122 = arith.constant 0 : i32
        %dma_start3A_123 = tpu.memref_slice %arg10[%run_scoped3A, %dma_start3A, %dma_start3A_122] : memref<2x40x128xf32, #tpu.memory_space<vmem>> -> memref<1x40x128xf32, #tpu.memory_space<vmem>>
        %dma_start3A_124 = tpu.memref_squeeze %dma_start3A_123 : memref<1x40x128xf32, #tpu.memory_space<vmem>> -> memref<40x128xf32, #tpu.memory_space<vmem>>
        %dma_start3A_125 = arith.constant 0 : i32
        %dma_start3A_126 = tpu.memref_slice %arg11[%mul3A_120, %dma_start3A_125] : memref<5008x128xf32, #tpu.memory_space<vmem_shared>> -> memref<40x128xf32, #tpu.memory_space<vmem_shared>>
        %dma_start3A_127 = arith.constant 0 : i32
        %dma_start3A_128 = tpu.memref_slice %arg11[%mul3A_120, %dma_start3A_127] : memref<5008x128xf32, #tpu.memory_space<vmem_shared>> -> memref<40x128xf32, #tpu.memory_space<vmem_shared>>
        %dma_start3A_129 = arith.constant 0 : i32
        %dma_start3A_130 = arith.constant 0 : i32
        %dma_start3A_131 = tpu.memref_slice %arg10[%run_scoped3A, %dma_start3A_129, %dma_start3A_130] : memref<2x40x128xf32, #tpu.memory_space<vmem>> -> memref<1x40x128xf32, #tpu.memory_space<vmem>>
        %dma_start3A_132 = tpu.memref_squeeze %dma_start3A_131 : memref<1x40x128xf32, #tpu.memory_space<vmem>> -> memref<40x128xf32, #tpu.memory_space<vmem>>
        tpu.enqueue_dma source(%dma_start3A_132 : memref<40x128xf32, #tpu.memory_space<vmem>>) target(%dma_start3A_128 : memref<40x128xf32, #tpu.memory_space<vmem_shared>>) target_semaphore(%run_scoped3A_121 : memref<!tpu.dma_semaphore, #tpu.memory_space<semaphore_mem>>)
        %dma_wait3A = arith.constant 0 : i32
        %dma_wait3A_133 = arith.constant 0 : i32
        %dma_wait3A_134 = tpu.memref_slice %arg10[%run_scoped3A, %dma_wait3A, %dma_wait3A_133] : memref<2x40x128xf32, #tpu.memory_space<vmem>> -> memref<1x40x128xf32, #tpu.memory_space<vmem>>
        %dma_wait3A_135 = tpu.memref_squeeze %dma_wait3A_134 : memref<1x40x128xf32, #tpu.memory_space<vmem>> -> memref<40x128xf32, #tpu.memory_space<vmem>>
        %dma_wait3A_136 = arith.constant 0 : i32
        %dma_wait3A_137 = tpu.memref_slice %arg11[%mul3A_120, %dma_wait3A_136] : memref<5008x128xf32, #tpu.memory_space<vmem_shared>> -> memref<40x128xf32, #tpu.memory_space<vmem_shared>>
        %dma_wait3A_138 = arith.constant 0 : i32
        %dma_wait3A_139 = tpu.memref_slice %arg11[%mul3A_120, %dma_wait3A_138] : memref<5008x128xf32, #tpu.memory_space<vmem_shared>> -> memref<40x128xf32, #tpu.memory_space<vmem_shared>>
        %dma_wait3A_140 = arith.constant 0 : i32
        %dma_wait3A_141 = arith.constant 0 : i32
        %dma_wait3A_142 = tpu.memref_slice %arg10[%run_scoped3A, %dma_wait3A_140, %dma_wait3A_141] : memref<2x40x128xf32, #tpu.memory_space<vmem>> -> memref<1x40x128xf32, #tpu.memory_space<vmem>>
        %dma_wait3A_143 = tpu.memref_squeeze %dma_wait3A_142 : memref<1x40x128xf32, #tpu.memory_space<vmem>> -> memref<40x128xf32, #tpu.memory_space<vmem>>
        tpu.wait_dma2 semaphore(%run_scoped3A_121 : memref<!tpu.dma_semaphore, #tpu.memory_space<semaphore_mem>>) src(%dma_wait3A_143 : memref<40x128xf32, #tpu.memory_space<vmem>>) dst(%dma_wait3A_139 : memref<40x128xf32, #tpu.memory_space<vmem_shared>>)
        tpu.yield
      }) : () -> ()
    } else {
    }
    %add3A_36 = arith.constant 80 : i32
    %add3A_37 = arith.addi %arg1, %add3A_36 : i32
    %lt3A_38 = arith.constant 125 : i32
    %lt3A_39 = arith.cmpi slt, %add3A_37, %lt3A_38 : i32
    %convert_element_type3A_40 = arith.extui %lt3A_39 : i1 to i32
    %cond3A_41 = arith.constant 0 : i32
    %cond3A_42 = arith.cmpi ne, %convert_element_type3A_40, %cond3A_41 : i32
    scf.if %cond3A_42 {
      %mul3A_119 = arith.constant 40 : i32
      %mul3A_120 = arith.muli %add3A_37, %mul3A_119 : i32
      %run_scoped3A = arith.constant 0 : i32
      "tpu.region"() ({
        %run_scoped3A_121 = tpu.sem_alloc : memref<!tpu.dma_semaphore, #tpu.memory_space<semaphore_mem>>
        %dma_start3A = arith.constant 0 : i32
        %dma_start3A_122 = arith.constant 0 : i32
        %dma_start3A_123 = tpu.memref_slice %arg10[%run_scoped3A, %dma_start3A, %dma_start3A_122] : memref<2x40x128xf32, #tpu.memory_space<vmem>> -> memref<1x40x128xf32, #tpu.memory_space<vmem>>
        %dma_start3A_124 = tpu.memref_squeeze %dma_start3A_123 : memref<1x40x128xf32, #tpu.memory_space<vmem>> -> memref<40x128xf32, #tpu.memory_space<vmem>>
        %dma_start3A_125 = arith.constant 0 : i32
        %dma_start3A_126 = tpu.memref_slice %arg11[%mul3A_120, %dma_start3A_125] : memref<5008x128xf32, #tpu.memory_space<vmem_shared>> -> memref<40x128xf32, #tpu.memory_space<vmem_shared>>
        %dma_start3A_127 = arith.constant 0 : i32
        %dma_start3A_128 = tpu.memref_slice %arg11[%mul3A_120, %dma_start3A_127] : memref<5008x128xf32, #tpu.memory_space<vmem_shared>> -> memref<40x128xf32, #tpu.memory_space<vmem_shared>>
        %dma_start3A_129 = arith.constant 0 : i32
        %dma_start3A_130 = arith.constant 0 : i32
        %dma_start3A_131 = tpu.memref_slice %arg10[%run_scoped3A, %dma_start3A_129, %dma_start3A_130] : memref<2x40x128xf32, #tpu.memory_space<vmem>> -> memref<1x40x128xf32, #tpu.memory_space<vmem>>
        %dma_start3A_132 = tpu.memref_squeeze %dma_start3A_131 : memref<1x40x128xf32, #tpu.memory_space<vmem>> -> memref<40x128xf32, #tpu.memory_space<vmem>>
        tpu.enqueue_dma source(%dma_start3A_132 : memref<40x128xf32, #tpu.memory_space<vmem>>) target(%dma_start3A_128 : memref<40x128xf32, #tpu.memory_space<vmem_shared>>) target_semaphore(%run_scoped3A_121 : memref<!tpu.dma_semaphore, #tpu.memory_space<semaphore_mem>>)
        %dma_wait3A = arith.constant 0 : i32
        %dma_wait3A_133 = arith.constant 0 : i32
        %dma_wait3A_134 = tpu.memref_slice %arg10[%run_scoped3A, %dma_wait3A, %dma_wait3A_133] : memref<2x40x128xf32, #tpu.memory_space<vmem>> -> memref<1x40x128xf32, #tpu.memory_space<vmem>>
        %dma_wait3A_135 = tpu.memref_squeeze %dma_wait3A_134 : memref<1x40x128xf32, #tpu.memory_space<vmem>> -> memref<40x128xf32, #tpu.memory_space<vmem>>
        %dma_wait3A_136 = arith.constant 0 : i32
        %dma_wait3A_137 = tpu.memref_slice %arg11[%mul3A_120, %dma_wait3A_136] : memref<5008x128xf32, #tpu.memory_space<vmem_shared>> -> memref<40x128xf32, #tpu.memory_space<vmem_shared>>
        %dma_wait3A_138 = arith.constant 0 : i32
        %dma_wait3A_139 = tpu.memref_slice %arg11[%mul3A_120, %dma_wait3A_138] : memref<5008x128xf32, #tpu.memory_space<vmem_shared>> -> memref<40x128xf32, #tpu.memory_space<vmem_shared>>
        %dma_wait3A_140 = arith.constant 0 : i32
        %dma_wait3A_141 = arith.constant 0 : i32
        %dma_wait3A_142 = tpu.memref_slice %arg10[%run_scoped3A, %dma_wait3A_140, %dma_wait3A_141] : memref<2x40x128xf32, #tpu.memory_space<vmem>> -> memref<1x40x128xf32, #tpu.memory_space<vmem>>
        %dma_wait3A_143 = tpu.memref_squeeze %dma_wait3A_142 : memref<1x40x128xf32, #tpu.memory_space<vmem>> -> memref<40x128xf32, #tpu.memory_space<vmem>>
        tpu.wait_dma2 semaphore(%run_scoped3A_121 : memref<!tpu.dma_semaphore, #tpu.memory_space<semaphore_mem>>) src(%dma_wait3A_143 : memref<40x128xf32, #tpu.memory_space<vmem>>) dst(%dma_wait3A_139 : memref<40x128xf32, #tpu.memory_space<vmem_shared>>)
        tpu.yield
      }) : () -> ()
    } else {
    }
    %add3A_43 = arith.constant 96 : i32
    %add3A_44 = arith.addi %arg1, %add3A_43 : i32
    %lt3A_45 = arith.constant 125 : i32
    %lt3A_46 = arith.cmpi slt, %add3A_44, %lt3A_45 : i32
    %convert_element_type3A_47 = arith.extui %lt3A_46 : i1 to i32
    %cond3A_48 = arith.constant 0 : i32
    %cond3A_49 = arith.cmpi ne, %convert_element_type3A_47, %cond3A_48 : i32
    scf.if %cond3A_49 {
      %mul3A_119 = arith.constant 40 : i32
      %mul3A_120 = arith.muli %add3A_44, %mul3A_119 : i32
      %run_scoped3A = arith.constant 0 : i32
      "tpu.region"() ({
        %run_scoped3A_121 = tpu.sem_alloc : memref<!tpu.dma_semaphore, #tpu.memory_space<semaphore_mem>>
        %dma_start3A = arith.constant 0 : i32
        %dma_start3A_122 = arith.constant 0 : i32
        %dma_start3A_123 = tpu.memref_slice %arg10[%run_scoped3A, %dma_start3A, %dma_start3A_122] : memref<2x40x128xf32, #tpu.memory_space<vmem>> -> memref<1x40x128xf32, #tpu.memory_space<vmem>>
        %dma_start3A_124 = tpu.memref_squeeze %dma_start3A_123 : memref<1x40x128xf32, #tpu.memory_space<vmem>> -> memref<40x128xf32, #tpu.memory_space<vmem>>
        %dma_start3A_125 = arith.constant 0 : i32
        %dma_start3A_126 = tpu.memref_slice %arg11[%mul3A_120, %dma_start3A_125] : memref<5008x128xf32, #tpu.memory_space<vmem_shared>> -> memref<40x128xf32, #tpu.memory_space<vmem_shared>>
        %dma_start3A_127 = arith.constant 0 : i32
        %dma_start3A_128 = tpu.memref_slice %arg11[%mul3A_120, %dma_start3A_127] : memref<5008x128xf32, #tpu.memory_space<vmem_shared>> -> memref<40x128xf32, #tpu.memory_space<vmem_shared>>
        %dma_start3A_129 = arith.constant 0 : i32
        %dma_start3A_130 = arith.constant 0 : i32
        %dma_start3A_131 = tpu.memref_slice %arg10[%run_scoped3A, %dma_start3A_129, %dma_start3A_130] : memref<2x40x128xf32, #tpu.memory_space<vmem>> -> memref<1x40x128xf32, #tpu.memory_space<vmem>>
        %dma_start3A_132 = tpu.memref_squeeze %dma_start3A_131 : memref<1x40x128xf32, #tpu.memory_space<vmem>> -> memref<40x128xf32, #tpu.memory_space<vmem>>
        tpu.enqueue_dma source(%dma_start3A_132 : memref<40x128xf32, #tpu.memory_space<vmem>>) target(%dma_start3A_128 : memref<40x128xf32, #tpu.memory_space<vmem_shared>>) target_semaphore(%run_scoped3A_121 : memref<!tpu.dma_semaphore, #tpu.memory_space<semaphore_mem>>)
        %dma_wait3A = arith.constant 0 : i32
        %dma_wait3A_133 = arith.constant 0 : i32
        %dma_wait3A_134 = tpu.memref_slice %arg10[%run_scoped3A, %dma_wait3A, %dma_wait3A_133] : memref<2x40x128xf32, #tpu.memory_space<vmem>> -> memref<1x40x128xf32, #tpu.memory_space<vmem>>
        %dma_wait3A_135 = tpu.memref_squeeze %dma_wait3A_134 : memref<1x40x128xf32, #tpu.memory_space<vmem>> -> memref<40x128xf32, #tpu.memory_space<vmem>>
        %dma_wait3A_136 = arith.constant 0 : i32
        %dma_wait3A_137 = tpu.memref_slice %arg11[%mul3A_120, %dma_wait3A_136] : memref<5008x128xf32, #tpu.memory_space<vmem_shared>> -> memref<40x128xf32, #tpu.memory_space<vmem_shared>>
        %dma_wait3A_138 = arith.constant 0 : i32
        %dma_wait3A_139 = tpu.memref_slice %arg11[%mul3A_120, %dma_wait3A_138] : memref<5008x128xf32, #tpu.memory_space<vmem_shared>> -> memref<40x128xf32, #tpu.memory_space<vmem_shared>>
        %dma_wait3A_140 = arith.constant 0 : i32
        %dma_wait3A_141 = arith.constant 0 : i32
        %dma_wait3A_142 = tpu.memref_slice %arg10[%run_scoped3A, %dma_wait3A_140, %dma_wait3A_141] : memref<2x40x128xf32, #tpu.memory_space<vmem>> -> memref<1x40x128xf32, #tpu.memory_space<vmem>>
        %dma_wait3A_143 = tpu.memref_squeeze %dma_wait3A_142 : memref<1x40x128xf32, #tpu.memory_space<vmem>> -> memref<40x128xf32, #tpu.memory_space<vmem>>
        tpu.wait_dma2 semaphore(%run_scoped3A_121 : memref<!tpu.dma_semaphore, #tpu.memory_space<semaphore_mem>>) src(%dma_wait3A_143 : memref<40x128xf32, #tpu.memory_space<vmem>>) dst(%dma_wait3A_139 : memref<40x128xf32, #tpu.memory_space<vmem_shared>>)
        tpu.yield
      }) : () -> ()
    } else {
    }
    %add3A_50 = arith.constant 112 : i32
    %add3A_51 = arith.addi %arg1, %add3A_50 : i32
    %lt3A_52 = arith.constant 125 : i32
    %lt3A_53 = arith.cmpi slt, %add3A_51, %lt3A_52 : i32
    %convert_element_type3A_54 = arith.extui %lt3A_53 : i1 to i32
    %cond3A_55 = arith.constant 0 : i32
    %cond3A_56 = arith.cmpi ne, %convert_element_type3A_54, %cond3A_55 : i32
    scf.if %cond3A_56 {
      %mul3A_119 = arith.constant 40 : i32
      %mul3A_120 = arith.muli %add3A_51, %mul3A_119 : i32
      %run_scoped3A = arith.constant 0 : i32
      "tpu.region"() ({
        %run_scoped3A_121 = tpu.sem_alloc : memref<!tpu.dma_semaphore, #tpu.memory_space<semaphore_mem>>
        %dma_start3A = arith.constant 0 : i32
        %dma_start3A_122 = arith.constant 0 : i32
        %dma_start3A_123 = tpu.memref_slice %arg10[%run_scoped3A, %dma_start3A, %dma_start3A_122] : memref<2x40x128xf32, #tpu.memory_space<vmem>> -> memref<1x40x128xf32, #tpu.memory_space<vmem>>
        %dma_start3A_124 = tpu.memref_squeeze %dma_start3A_123 : memref<1x40x128xf32, #tpu.memory_space<vmem>> -> memref<40x128xf32, #tpu.memory_space<vmem>>
        %dma_start3A_125 = arith.constant 0 : i32
        %dma_start3A_126 = tpu.memref_slice %arg11[%mul3A_120, %dma_start3A_125] : memref<5008x128xf32, #tpu.memory_space<vmem_shared>> -> memref<40x128xf32, #tpu.memory_space<vmem_shared>>
        %dma_start3A_127 = arith.constant 0 : i32
        %dma_start3A_128 = tpu.memref_slice %arg11[%mul3A_120, %dma_start3A_127] : memref<5008x128xf32, #tpu.memory_space<vmem_shared>> -> memref<40x128xf32, #tpu.memory_space<vmem_shared>>
        %dma_start3A_129 = arith.constant 0 : i32
        %dma_start3A_130 = arith.constant 0 : i32
        %dma_start3A_131 = tpu.memref_slice %arg10[%run_scoped3A, %dma_start3A_129, %dma_start3A_130] : memref<2x40x128xf32, #tpu.memory_space<vmem>> -> memref<1x40x128xf32, #tpu.memory_space<vmem>>
        %dma_start3A_132 = tpu.memref_squeeze %dma_start3A_131 : memref<1x40x128xf32, #tpu.memory_space<vmem>> -> memref<40x128xf32, #tpu.memory_space<vmem>>
        tpu.enqueue_dma source(%dma_start3A_132 : memref<40x128xf32, #tpu.memory_space<vmem>>) target(%dma_start3A_128 : memref<40x128xf32, #tpu.memory_space<vmem_shared>>) target_semaphore(%run_scoped3A_121 : memref<!tpu.dma_semaphore, #tpu.memory_space<semaphore_mem>>)
        %dma_wait3A = arith.constant 0 : i32
        %dma_wait3A_133 = arith.constant 0 : i32
        %dma_wait3A_134 = tpu.memref_slice %arg10[%run_scoped3A, %dma_wait3A, %dma_wait3A_133] : memref<2x40x128xf32, #tpu.memory_space<vmem>> -> memref<1x40x128xf32, #tpu.memory_space<vmem>>
        %dma_wait3A_135 = tpu.memref_squeeze %dma_wait3A_134 : memref<1x40x128xf32, #tpu.memory_space<vmem>> -> memref<40x128xf32, #tpu.memory_space<vmem>>
        %dma_wait3A_136 = arith.constant 0 : i32
        %dma_wait3A_137 = tpu.memref_slice %arg11[%mul3A_120, %dma_wait3A_136] : memref<5008x128xf32, #tpu.memory_space<vmem_shared>> -> memref<40x128xf32, #tpu.memory_space<vmem_shared>>
        %dma_wait3A_138 = arith.constant 0 : i32
        %dma_wait3A_139 = tpu.memref_slice %arg11[%mul3A_120, %dma_wait3A_138] : memref<5008x128xf32, #tpu.memory_space<vmem_shared>> -> memref<40x128xf32, #tpu.memory_space<vmem_shared>>
        %dma_wait3A_140 = arith.constant 0 : i32
        %dma_wait3A_141 = arith.constant 0 : i32
        %dma_wait3A_142 = tpu.memref_slice %arg10[%run_scoped3A, %dma_wait3A_140, %dma_wait3A_141] : memref<2x40x128xf32, #tpu.memory_space<vmem>> -> memref<1x40x128xf32, #tpu.memory_space<vmem>>
        %dma_wait3A_143 = tpu.memref_squeeze %dma_wait3A_142 : memref<1x40x128xf32, #tpu.memory_space<vmem>> -> memref<40x128xf32, #tpu.memory_space<vmem>>
        tpu.wait_dma2 semaphore(%run_scoped3A_121 : memref<!tpu.dma_semaphore, #tpu.memory_space<semaphore_mem>>) src(%dma_wait3A_143 : memref<40x128xf32, #tpu.memory_space<vmem>>) dst(%dma_wait3A_139 : memref<40x128xf32, #tpu.memory_space<vmem_shared>>)
        tpu.yield
      }) : () -> ()
    } else {
    }
    %barrier3A = arith.constant 0 : index
    tpu.barrier barrier_id(%barrier3A)
    %iota3A = tpu.iota {dimensions = array<i32: 0>} : vector<16xi32>
    %scan3A_57 = arith.constant 0 : i32
    %scan3A_58 = arith.constant 10 : i32
    %scan3A_59 = arith.addi %scan3A_57, %scan3A_58 : i32
    %scan3A_60 = arith.constant 1 : i32
    scf.for %scan3A_119 = %scan3A_57 to %scan3A_59 step %scan3A_60  : i32 {
      %mul3A_120 = arith.constant 1 : i32
      %mul3A_121 = arith.muli %scan3A_119, %mul3A_120 : i32
      %add3A_122 = arith.constant 0 : i32
      %add3A_123 = arith.addi %add3A_122, %mul3A_121 : i32
      %mul3A_124 = arith.constant 20000 : i32
      %mul3A_125 = arith.muli %arg1, %mul3A_124 : i32
      %mul3A_126 = arith.constant 2000 : i32
      %mul3A_127 = arith.muli %add3A_123, %mul3A_126 : i32
      %add3A_128 = arith.addi %mul3A_125, %mul3A_127 : i32
      "tpu.region"() ({
        %run_scoped3A = tpu.sem_alloc : memref<!tpu.dma_semaphore, #tpu.memory_space<semaphore_mem>>
        %dma_start3A = tpu.memref_slice %arg3[%add3A_128] : memref<320000xi32, #tpu.memory_space<hbm>> -> memref<2000xi32, #tpu.memory_space<hbm>>
        %dma_start3A_174 = tpu.memref_slice %arg3[%add3A_128] : memref<320000xi32, #tpu.memory_space<hbm>> -> memref<2000xi32, #tpu.memory_space<hbm>>
        tpu.enqueue_dma source(%dma_start3A_174 : memref<2000xi32, #tpu.memory_space<hbm>>) target(%arg6 : memref<2000xi32, #tpu.memory_space<vmem>>) target_semaphore(%run_scoped3A : memref<!tpu.dma_semaphore, #tpu.memory_space<semaphore_mem>>)
        %dma_wait3A = tpu.memref_slice %arg3[%add3A_128] : memref<320000xi32, #tpu.memory_space<hbm>> -> memref<2000xi32, #tpu.memory_space<hbm>>
        %dma_wait3A_175 = tpu.memref_slice %arg3[%add3A_128] : memref<320000xi32, #tpu.memory_space<hbm>> -> memref<2000xi32, #tpu.memory_space<hbm>>
        tpu.wait_dma2 semaphore(%run_scoped3A : memref<!tpu.dma_semaphore, #tpu.memory_space<semaphore_mem>>) src(%dma_wait3A_175 : memref<2000xi32, #tpu.memory_space<hbm>>) dst(%arg6 : memref<2000xi32, #tpu.memory_space<vmem>>)
        tpu.yield
      }) : () -> ()
      %mul3A_129 = arith.constant 20000 : i32
      %mul3A_130 = arith.muli %arg1, %mul3A_129 : i32
      %mul3A_131 = arith.constant 2000 : i32
      %mul3A_132 = arith.muli %add3A_123, %mul3A_131 : i32
      %add3A_133 = arith.addi %mul3A_130, %mul3A_132 : i32
      "tpu.region"() ({
        %run_scoped3A = tpu.sem_alloc : memref<!tpu.dma_semaphore, #tpu.memory_space<semaphore_mem>>
        %dma_start3A = tpu.memref_slice %arg4[%add3A_133] : memref<320000xi32, #tpu.memory_space<hbm>> -> memref<2000xi32, #tpu.memory_space<hbm>>
        %dma_start3A_174 = tpu.memref_slice %arg4[%add3A_133] : memref<320000xi32, #tpu.memory_space<hbm>> -> memref<2000xi32, #tpu.memory_space<hbm>>
        tpu.enqueue_dma source(%dma_start3A_174 : memref<2000xi32, #tpu.memory_space<hbm>>) target(%arg7 : memref<2000xi32, #tpu.memory_space<vmem>>) target_semaphore(%run_scoped3A : memref<!tpu.dma_semaphore, #tpu.memory_space<semaphore_mem>>)
        %dma_wait3A = tpu.memref_slice %arg4[%add3A_133] : memref<320000xi32, #tpu.memory_space<hbm>> -> memref<2000xi32, #tpu.memory_space<hbm>>
        %dma_wait3A_175 = tpu.memref_slice %arg4[%add3A_133] : memref<320000xi32, #tpu.memory_space<hbm>> -> memref<2000xi32, #tpu.memory_space<hbm>>
        tpu.wait_dma2 semaphore(%run_scoped3A : memref<!tpu.dma_semaphore, #tpu.memory_space<semaphore_mem>>) src(%dma_wait3A_175 : memref<2000xi32, #tpu.memory_space<hbm>>) dst(%arg7 : memref<2000xi32, #tpu.memory_space<vmem>>)
        tpu.yield
      }) : () -> ()
      %scan3A_134 = arith.constant 0 : i32
      %scan3A_135 = arith.constant 77 : i32
      %scan3A_136 = arith.addi %scan3A_134, %scan3A_135 : i32
      %scan3A_137 = arith.constant 1 : i32
      scf.for %scan3A_174 = %scan3A_134 to %scan3A_136 step %scan3A_137  : i32 {
        %mul3A_175 = arith.constant 1 : i32
        %mul3A_176 = arith.muli %scan3A_174, %mul3A_175 : i32
        %add3A_177 = arith.constant 0 : i32
        %add3A_178 = arith.addi %add3A_177, %mul3A_176 : i32
        %mul3A_179 = arith.constant 16 : i32
        %mul3A_180 = arith.muli %add3A_178, %mul3A_179 : i32
        %swap3A = arith.index_cast %mul3A_180 : i32 to index
        %swap3A_181 = tpu.vector_load %arg8[%swap3A] {strides = array<i32>} : memref<1240xi32, #tpu.memory_space<vmem>>, vector<16xi32>,
        tpu.vector_store %arg8[%swap3A], %iota3A {strides = array<i32>} : memref<1240xi32, #tpu.memory_space<vmem>>, vector<16xi32>,
        %and3A = arith.constant 7 : i32
        %and3A_182 = vector.broadcast %and3A : i32 to vector<16xi32>
        %and3A_183 = arith.andi %iota3A, %and3A_182 : vector<16xi32>
        %add3A_184 = arith.constant 5000 : i32
        %add3A_185 = vector.broadcast %add3A_184 : i32 to vector<16xi32>
        %add3A_186 = arith.addi %add3A_185, %and3A_183 : vector<16xi32>
        %mul3A_187 = arith.constant 16 : i32
        %mul3A_188 = arith.muli %add3A_178, %mul3A_187 : i32
        %swap3A_189 = arith.index_cast %mul3A_188 : i32 to index
        %swap3A_190 = tpu.vector_load %arg9[%swap3A_189] {strides = array<i32>} : memref<1240xi32, #tpu.memory_space<vmem>>, vector<16xi32>,
        tpu.vector_store %arg9[%swap3A_189], %add3A_186 {strides = array<i32>} : memref<1240xi32, #tpu.memory_space<vmem>>, vector<16xi32>,
      }
      %scan3A_138 = arith.constant 77 : i32
      %scan3A_139 = arith.constant 0 : i32
      %scan3A_140 = arith.constant 0 : i32
      %scan3A_141 = arith.constant 125 : i32
      %scan3A_142 = arith.addi %scan3A_140, %scan3A_141 : i32
      %scan3A_143 = arith.constant 1 : i32
      %scan3A_144 = scf.for %scan3A_174 = %scan3A_140 to %scan3A_142 step %scan3A_143 iter_args(%scan3A_175 = %scan3A_139) -> (i32)  : i32 {
        %mul3A_176 = arith.constant 1 : i32
        %mul3A_177 = arith.muli %scan3A_174, %mul3A_176 : i32
        %add3A_178 = arith.constant 0 : i32
        %add3A_179 = arith.addi %add3A_178, %mul3A_177 : i32
        %mul3A_180 = arith.constant 16 : i32
        %mul3A_181 = arith.muli %add3A_179, %mul3A_180 : i32
        %get3A = arith.index_cast %mul3A_181 : i32 to index
        %get3A_182 = tpu.vector_load %arg6[%get3A] {strides = array<i32>} : memref<2000xi32, #tpu.memory_space<vmem>>, vector<16xi32>,
        %mul3A_183 = arith.constant 16 : i32
        %mul3A_184 = arith.muli %add3A_179, %mul3A_183 : i32
        %get3A_185 = arith.index_cast %mul3A_184 : i32 to index
        %get3A_186 = tpu.vector_load %arg7[%get3A_185] {strides = array<i32>} : memref<2000xi32, #tpu.memory_space<vmem>>, vector<16xi32>,
        %sub3A_187 = vector.broadcast %mul3A_0 : i32 to vector<16xi32>
        %sub3A_188 = arith.subi %get3A_186, %sub3A_187 : vector<16xi32>
        %ge3A = arith.constant 0 : i32
        %ge3A_189 = vector.broadcast %ge3A : i32 to vector<16xi32>
        %ge3A_190 = arith.cmpi sge, %sub3A_188, %ge3A_189 : vector<16xi32>
        %lt3A_191 = arith.constant 5000 : i32
        %lt3A_192 = vector.broadcast %lt3A_191 : i32 to vector<16xi32>
        %lt3A_193 = arith.cmpi slt, %sub3A_188, %lt3A_192 : vector<16xi32>
        %and3A = arith.andi %ge3A_190, %lt3A_193 : vector<16xi1>
        %swap3A = arith.index_cast %scan3A_175 : i32 to index
        %swap3A_194 = tpu.vector_load %arg8[%swap3A] masked %and3A {strides = array<i32>} : memref<1240xi32, #tpu.memory_space<vmem>>, vector<16xi32>, vector<16xi1>
        tpu.vector_store %arg8[%swap3A], %get3A_182 masked %and3A {strides = array<i32>} : memref<1240xi32, #tpu.memory_space<vmem>>, vector<16xi32>, vector<16xi1>
        %swap3A_195 = arith.index_cast %scan3A_175 : i32 to index
        %swap3A_196 = tpu.vector_load %arg9[%swap3A_195] masked %and3A {strides = array<i32>} : memref<1240xi32, #tpu.memory_space<vmem>>, vector<16xi32>, vector<16xi1>
        tpu.vector_store %arg9[%swap3A_195], %sub3A_188 masked %and3A {strides = array<i32>} : memref<1240xi32, #tpu.memory_space<vmem>>, vector<16xi32>, vector<16xi1>
        %all_reduce_population_count3A = tpu.all_reduce %and3A {dim = 0 : i64, kind = #tpu.reduction_kind<sum>} : vector<16xi1> -> vector<16xi32>
        %slice3A = vector.extract_strided_slice %all_reduce_population_count3A {offsets = [0], sizes = [1], strides = [1]} : vector<16xi32> to vector<1xi32>
        %squeeze3A = vector.extract %slice3A[0] : i32 from vector<1xi32>
        %add3A_197 = arith.addi %scan3A_175, %squeeze3A : i32
        scf.yield %add3A_197 : i32
      }
      %scan3A_145 = arith.constant 125 : i32
      %add3A_146 = arith.constant 39 : i32
      %add3A_147 = arith.addi %scan3A_144, %add3A_146 : i32
      %div3A = arith.constant 40 : i32
      %div3A_148 = arith.divsi %add3A_147, %div3A : i32
      %gt3A = arith.constant 0 : i32
      %gt3A_149 = arith.cmpi sgt, %div3A_148, %gt3A : i32
      %convert_element_type3A_150 = arith.extui %gt3A_149 : i1 to i32
      %cond3A_151 = arith.constant 0 : i32
      %cond3A_152 = arith.cmpi ne, %convert_element_type3A_150, %cond3A_151 : i32
      scf.if %cond3A_152 {
        %dma_start3A = arith.constant 0 : i32
        %dma_start3A_174 = arith.constant 0 : i32
        %dma_start3A_175 = arith.constant 0 : i32
        %dma_start3A_176 = arith.constant 0 : i32
        %dma_start3A_177 = tpu.memref_slice %arg10[%dma_start3A, %dma_start3A_175, %dma_start3A_176] : memref<2x40x128xf32, #tpu.memory_space<vmem>> -> memref<1x40x128xf32, #tpu.memory_space<vmem>>
        %dma_start3A_178 = tpu.memref_squeeze %dma_start3A_177 : memref<1x40x128xf32, #tpu.memory_space<vmem>> -> memref<40x128xf32, #tpu.memory_space<vmem>>
        %dma_start3A_179 = arith.constant 0 : i32
        %dma_start3A_180 = tpu.memref_slice %arg8[%dma_start3A_179] : memref<1240xi32, #tpu.memory_space<vmem>> -> memref<40xi32, #tpu.memory_space<vmem>>
        %dma_start3A_181 = arith.constant 0 : i32
        %dma_start3A_182 = arith.constant 0 : i32
        %dma_start3A_183 = tpu.memref_slice %arg2[%dma_start3A_181, %dma_start3A_182] : memref<10000x128xf32, #tpu.memory_space<hbm>> -> memref<10000x128xf32, #tpu.memory_space<hbm>>
        %dma_start3A_184 = tpu.memref_slice %arg12[%dma_start3A_174] : memref<2x!tpu.dma_semaphore, #tpu.memory_space<semaphore_mem>> -> memref<1x!tpu.dma_semaphore, #tpu.memory_space<semaphore_mem>>
        %dma_start3A_185 = tpu.memref_squeeze %dma_start3A_184 : memref<1x!tpu.dma_semaphore, #tpu.memory_space<semaphore_mem>> -> memref<!tpu.dma_semaphore, #tpu.memory_space<semaphore_mem>>
        tpu.enqueue_indirect_dma source(%dma_start3A_183 : memref<10000x128xf32, #tpu.memory_space<hbm>>) target(%dma_start3A_178 : memref<40x128xf32, #tpu.memory_space<vmem>>) offsets(%dma_start3A_180 : memref<40xi32, #tpu.memory_space<vmem>>) semaphore(%dma_start3A_185 : memref<!tpu.dma_semaphore, #tpu.memory_space<semaphore_mem>>)
      } else {
      }
      %add3A_153 = arith.constant 1 : i32
      %add3A_154 = arith.addi %div3A_148, %add3A_153 : i32
      %div3A_155 = arith.constant 2 : i32
      %div3A_156 = arith.divsi %add3A_154, %div3A_155 : i32
      %sub3A = arith.constant 0 : i32
      %sub3A_157 = arith.subi %div3A_156, %sub3A : i32
      %sub3A_158 = arith.constant 1 : i32
      %sub3A_159 = arith.constant 1 : i32
      %sub3A_160 = arith.subi %sub3A_158, %sub3A_159 : i32
      %add3A_161 = arith.addi %sub3A_157, %sub3A_160 : i32
      %div3A_162 = arith.constant 1 : i32
      %div3A_163 = arith.divsi %add3A_161, %div3A_162 : i32
      %while3A = arith.constant 1 : i32
      %while3A_164 = arith.constant 0 : i32
      %while3A_165 = arith.constant 0 : i32
      %while3A_166 = arith.subi %div3A_163, %while3A_165 : i32
      %while3A_167 = arith.addi %while3A_165, %while3A_166 : i32
      %while3A_168 = arith.constant 1 : i32
      %while3A_169 = arith.divsi %while3A_166, %while3A_168 : i32
      %while3A_170 = arith.muli %while3A_169, %while3A_168 : i32
      %while3A_171 = arith.addi %while3A_165, %while3A_170 : i32
      %while3A_172 = arith.constant 1 : i32
      scf.for %while3A_174 = %while3A_165 to %while3A_171 step %while3A_172  : i32 {
        %mul3A_175 = arith.muli %while3A_174, %while3A : i32
        %add3A_176 = arith.addi %while3A_164, %mul3A_175 : i32
        %mul3A_177 = arith.constant 2 : i32
        %mul3A_178 = arith.muli %add3A_176, %mul3A_177 : i32
        %add3A_179 = arith.constant 1 : i32
        %add3A_180 = arith.addi %mul3A_178, %add3A_179 : i32
        %lt3A_181 = arith.cmpi slt, %add3A_180, %div3A_148 : i32
        %convert_element_type3A_182 = arith.extui %lt3A_181 : i1 to i32
        %cond3A_183 = arith.constant 0 : i32
        %cond3A_184 = arith.cmpi ne, %convert_element_type3A_182, %cond3A_183 : i32
        scf.if %cond3A_184 {
          %add3A_212 = arith.constant 1 : i32
          %add3A_213 = arith.addi %mul3A_178, %add3A_212 : i32
          %mul3A_214 = arith.constant 40 : i32
          %mul3A_215 = arith.muli %add3A_213, %mul3A_214 : i32
          %dma_start3A = arith.constant 1 : i32
          %dma_start3A_216 = arith.constant 1 : i32
          %dma_start3A_217 = arith.constant 0 : i32
          %dma_start3A_218 = arith.constant 0 : i32
          %dma_start3A_219 = tpu.memref_slice %arg10[%dma_start3A, %dma_start3A_217, %dma_start3A_218] : memref<2x40x128xf32, #tpu.memory_space<vmem>> -> memref<1x40x128xf32, #tpu.memory_space<vmem>>
          %dma_start3A_220 = tpu.memref_squeeze %dma_start3A_219 : memref<1x40x128xf32, #tpu.memory_space<vmem>> -> memref<40x128xf32, #tpu.memory_space<vmem>>
          %dma_start3A_221 = tpu.memref_slice %arg8[%mul3A_215] : memref<1240xi32, #tpu.memory_space<vmem>> -> memref<40xi32, #tpu.memory_space<vmem>>
          %dma_start3A_222 = arith.constant 0 : i32
          %dma_start3A_223 = arith.constant 0 : i32
          %dma_start3A_224 = tpu.memref_slice %arg2[%dma_start3A_222, %dma_start3A_223] : memref<10000x128xf32, #tpu.memory_space<hbm>> -> memref<10000x128xf32, #tpu.memory_space<hbm>>
          %dma_start3A_225 = tpu.memref_slice %arg12[%dma_start3A_216] : memref<2x!tpu.dma_semaphore, #tpu.memory_space<semaphore_mem>> -> memref<1x!tpu.dma_semaphore, #tpu.memory_space<semaphore_mem>>
          %dma_start3A_226 = tpu.memref_squeeze %dma_start3A_225 : memref<1x!tpu.dma_semaphore, #tpu.memory_space<semaphore_mem>> -> memref<!tpu.dma_semaphore, #tpu.memory_space<semaphore_mem>>
          tpu.enqueue_indirect_dma source(%dma_start3A_224 : memref<10000x128xf32, #tpu.memory_space<hbm>>) target(%dma_start3A_220 : memref<40x128xf32, #tpu.memory_space<vmem>>) offsets(%dma_start3A_221 : memref<40xi32, #tpu.memory_space<vmem>>) semaphore(%dma_start3A_226 : memref<!tpu.dma_semaphore, #tpu.memory_space<semaphore_mem>>)
        } else {
        }
        %mul3A_185 = arith.constant 40 : i32
        %mul3A_186 = arith.muli %mul3A_178, %mul3A_185 : i32
        %dma_wait3A = arith.constant 0 : i32
        %dma_wait3A_187 = arith.constant 0 : i32
        %dma_wait3A_188 = arith.constant 0 : i32
        %dma_wait3A_189 = arith.constant 0 : i32
        %dma_wait3A_190 = tpu.memref_slice %arg10[%dma_wait3A, %dma_wait3A_188, %dma_wait3A_189] : memref<2x40x128xf32, #tpu.memory_space<vmem>> -> memref<1x40x128xf32, #tpu.memory_space<vmem>>
        %dma_wait3A_191 = tpu.memref_squeeze %dma_wait3A_190 : memref<1x40x128xf32, #tpu.memory_space<vmem>> -> memref<40x128xf32, #tpu.memory_space<vmem>>
        %dma_wait3A_192 = tpu.memref_slice %arg8[%mul3A_186] : memref<1240xi32, #tpu.memory_space<vmem>> -> memref<40xi32, #tpu.memory_space<vmem>>
        %dma_wait3A_193 = arith.constant 0 : i32
        %dma_wait3A_194 = arith.constant 0 : i32
        %dma_wait3A_195 = tpu.memref_slice %arg2[%dma_wait3A_193, %dma_wait3A_194] : memref<10000x128xf32, #tpu.memory_space<hbm>> -> memref<10000x128xf32, #tpu.memory_space<hbm>>
        %dma_wait3A_196 = tpu.memref_slice %arg12[%dma_wait3A_187] : memref<2x!tpu.dma_semaphore, #tpu.memory_space<semaphore_mem>> -> memref<1x!tpu.dma_semaphore, #tpu.memory_space<semaphore_mem>>
        %dma_wait3A_197 = tpu.memref_squeeze %dma_wait3A_196 : memref<1x!tpu.dma_semaphore, #tpu.memory_space<semaphore_mem>> -> memref<!tpu.dma_semaphore, #tpu.memory_space<semaphore_mem>>
        tpu.wait_indirect_dma semaphore(%dma_wait3A_197 : memref<!tpu.dma_semaphore, #tpu.memory_space<semaphore_mem>>) src(%dma_wait3A_195 : memref<10000x128xf32, #tpu.memory_space<hbm>>) dst(%dma_wait3A_191 : memref<40x128xf32, #tpu.memory_space<vmem>>)
        %mul3A_198 = arith.constant 40 : i32
        %mul3A_199 = arith.muli %mul3A_178, %mul3A_198 : i32
        %run_scoped3A = arith.constant 0 : i32
        "tpu.region"() ({
          %run_scoped3A_212 = tpu.sem_alloc : memref<!tpu.dma_semaphore, #tpu.memory_space<semaphore_mem>>
          %dma_start3A = arith.constant 0 : i32
          %dma_start3A_213 = arith.constant 0 : i32
          %dma_start3A_214 = tpu.memref_slice %arg10[%run_scoped3A, %dma_start3A, %dma_start3A_213] : memref<2x40x128xf32, #tpu.memory_space<vmem>> -> memref<1x40x128xf32, #tpu.memory_space<vmem>>
          %dma_start3A_215 = tpu.memref_squeeze %dma_start3A_214 : memref<1x40x128xf32, #tpu.memory_space<vmem>> -> memref<40x128xf32, #tpu.memory_space<vmem>>
          %dma_start3A_216 = tpu.memref_slice %arg9[%mul3A_199] : memref<1240xi32, #tpu.memory_space<vmem>> -> memref<40xi32, #tpu.memory_space<vmem>>
          %dma_start3A_217 = arith.constant 0 : i32
          %dma_start3A_218 = arith.constant 0 : i32
          %dma_start3A_219 = tpu.memref_slice %arg11[%dma_start3A_217, %dma_start3A_218] : memref<5008x128xf32, #tpu.memory_space<vmem_shared>> -> memref<5008x128xf32, #tpu.memory_space<vmem_shared>>
          tpu.enqueue_indirect_dma source(%dma_start3A_215 : memref<40x128xf32, #tpu.memory_space<vmem>>) target(%dma_start3A_219 : memref<5008x128xf32, #tpu.memory_space<vmem_shared>>) offsets(%dma_start3A_216 : memref<40xi32, #tpu.memory_space<vmem>>) semaphore(%run_scoped3A_212 : memref<!tpu.dma_semaphore, #tpu.memory_space<semaphore_mem>>) {add = true}
          %dma_wait3A_220 = arith.constant 0 : i32
          %dma_wait3A_221 = arith.constant 0 : i32
          %dma_wait3A_222 = tpu.memref_slice %arg10[%run_scoped3A, %dma_wait3A_220, %dma_wait3A_221] : memref<2x40x128xf32, #tpu.memory_space<vmem>> -> memref<1x40x128xf32, #tpu.memory_space<vmem>>
          %dma_wait3A_223 = tpu.memref_squeeze %dma_wait3A_222 : memref<1x40x128xf32, #tpu.memory_space<vmem>> -> memref<40x128xf32, #tpu.memory_space<vmem>>
          %dma_wait3A_224 = tpu.memref_slice %arg9[%mul3A_199] : memref<1240xi32, #tpu.memory_space<vmem>> -> memref<40xi32, #tpu.memory_space<vmem>>
          %dma_wait3A_225 = arith.constant 0 : i32
          %dma_wait3A_226 = arith.constant 0 : i32
          %dma_wait3A_227 = tpu.memref_slice %arg11[%dma_wait3A_225, %dma_wait3A_226] : memref<5008x128xf32, #tpu.memory_space<vmem_shared>> -> memref<5008x128xf32, #tpu.memory_space<vmem_shared>>
          tpu.wait_indirect_dma semaphore(%run_scoped3A_212 : memref<!tpu.dma_semaphore, #tpu.memory_space<semaphore_mem>>) src(%dma_wait3A_223 : memref<40x128xf32, #tpu.memory_space<vmem>>) dst(%dma_wait3A_227 : memref<5008x128xf32, #tpu.memory_space<vmem_shared>>)
          tpu.yield
        }) : () -> ()
        %add3A_200 = arith.constant 2 : i32
        %add3A_201 = arith.addi %mul3A_178, %add3A_200 : i32
        %lt3A_202 = arith.cmpi slt, %add3A_201, %div3A_148 : i32
        %convert_element_type3A_203 = arith.extui %lt3A_202 : i1 to i32
        %cond3A_204 = arith.constant 0 : i32
        %cond3A_205 = arith.cmpi ne, %convert_element_type3A_203, %cond3A_204 : i32
        scf.if %cond3A_205 {
          %add3A_212 = arith.constant 2 : i32
          %add3A_213 = arith.addi %mul3A_178, %add3A_212 : i32
          %mul3A_214 = arith.constant 40 : i32
          %mul3A_215 = arith.muli %add3A_213, %mul3A_214 : i32
          %dma_start3A = arith.constant 0 : i32
          %dma_start3A_216 = arith.constant 0 : i32
          %dma_start3A_217 = arith.constant 0 : i32
          %dma_start3A_218 = arith.constant 0 : i32
          %dma_start3A_219 = tpu.memref_slice %arg10[%dma_start3A, %dma_start3A_217, %dma_start3A_218] : memref<2x40x128xf32, #tpu.memory_space<vmem>> -> memref<1x40x128xf32, #tpu.memory_space<vmem>>
          %dma_start3A_220 = tpu.memref_squeeze %dma_start3A_219 : memref<1x40x128xf32, #tpu.memory_space<vmem>> -> memref<40x128xf32, #tpu.memory_space<vmem>>
          %dma_start3A_221 = tpu.memref_slice %arg8[%mul3A_215] : memref<1240xi32, #tpu.memory_space<vmem>> -> memref<40xi32, #tpu.memory_space<vmem>>
          %dma_start3A_222 = arith.constant 0 : i32
          %dma_start3A_223 = arith.constant 0 : i32
          %dma_start3A_224 = tpu.memref_slice %arg2[%dma_start3A_222, %dma_start3A_223] : memref<10000x128xf32, #tpu.memory_space<hbm>> -> memref<10000x128xf32, #tpu.memory_space<hbm>>
          %dma_start3A_225 = tpu.memref_slice %arg12[%dma_start3A_216] : memref<2x!tpu.dma_semaphore, #tpu.memory_space<semaphore_mem>> -> memref<1x!tpu.dma_semaphore, #tpu.memory_space<semaphore_mem>>
          %dma_start3A_226 = tpu.memref_squeeze %dma_start3A_225 : memref<1x!tpu.dma_semaphore, #tpu.memory_space<semaphore_mem>> -> memref<!tpu.dma_semaphore, #tpu.memory_space<semaphore_mem>>
          tpu.enqueue_indirect_dma source(%dma_start3A_224 : memref<10000x128xf32, #tpu.memory_space<hbm>>) target(%dma_start3A_220 : memref<40x128xf32, #tpu.memory_space<vmem>>) offsets(%dma_start3A_221 : memref<40xi32, #tpu.memory_space<vmem>>) semaphore(%dma_start3A_226 : memref<!tpu.dma_semaphore, #tpu.memory_space<semaphore_mem>>)
        } else {
        }
        %add3A_206 = arith.constant 1 : i32
        %add3A_207 = arith.addi %mul3A_178, %add3A_206 : i32
        %lt3A_208 = arith.cmpi slt, %add3A_207, %div3A_148 : i32
        %convert_element_type3A_209 = arith.extui %lt3A_208 : i1 to i32
        %cond3A_210 = arith.constant 0 : i32
        %cond3A_211 = arith.cmpi ne, %convert_element_type3A_209, %cond3A_210 : i32
        scf.if %cond3A_211 {
          %add3A_212 = arith.constant 1 : i32
          %add3A_213 = arith.addi %mul3A_178, %add3A_212 : i32
          %mul3A_214 = arith.constant 40 : i32
          %mul3A_215 = arith.muli %add3A_213, %mul3A_214 : i32
          %dma_wait3A_216 = arith.constant 1 : i32
          %dma_wait3A_217 = arith.constant 1 : i32
          %dma_wait3A_218 = arith.constant 0 : i32
          %dma_wait3A_219 = arith.constant 0 : i32
          %dma_wait3A_220 = tpu.memref_slice %arg10[%dma_wait3A_216, %dma_wait3A_218, %dma_wait3A_219] : memref<2x40x128xf32, #tpu.memory_space<vmem>> -> memref<1x40x128xf32, #tpu.memory_space<vmem>>
          %dma_wait3A_221 = tpu.memref_squeeze %dma_wait3A_220 : memref<1x40x128xf32, #tpu.memory_space<vmem>> -> memref<40x128xf32, #tpu.memory_space<vmem>>
          %dma_wait3A_222 = tpu.memref_slice %arg8[%mul3A_215] : memref<1240xi32, #tpu.memory_space<vmem>> -> memref<40xi32, #tpu.memory_space<vmem>>
          %dma_wait3A_223 = arith.constant 0 : i32
          %dma_wait3A_224 = arith.constant 0 : i32
          %dma_wait3A_225 = tpu.memref_slice %arg2[%dma_wait3A_223, %dma_wait3A_224] : memref<10000x128xf32, #tpu.memory_space<hbm>> -> memref<10000x128xf32, #tpu.memory_space<hbm>>
          %dma_wait3A_226 = tpu.memref_slice %arg12[%dma_wait3A_217] : memref<2x!tpu.dma_semaphore, #tpu.memory_space<semaphore_mem>> -> memref<1x!tpu.dma_semaphore, #tpu.memory_space<semaphore_mem>>
          %dma_wait3A_227 = tpu.memref_squeeze %dma_wait3A_226 : memref<1x!tpu.dma_semaphore, #tpu.memory_space<semaphore_mem>> -> memref<!tpu.dma_semaphore, #tpu.memory_space<semaphore_mem>>
          tpu.wait_indirect_dma semaphore(%dma_wait3A_227 : memref<!tpu.dma_semaphore, #tpu.memory_space<semaphore_mem>>) src(%dma_wait3A_225 : memref<10000x128xf32, #tpu.memory_space<hbm>>) dst(%dma_wait3A_221 : memref<40x128xf32, #tpu.memory_space<vmem>>)
          %add3A_228 = arith.constant 1 : i32
          %add3A_229 = arith.addi %mul3A_178, %add3A_228 : i32
          %mul3A_230 = arith.constant 40 : i32
          %mul3A_231 = arith.muli %add3A_229, %mul3A_230 : i32
          %run_scoped3A_232 = arith.constant 1 : i32
          "tpu.region"() ({
            %run_scoped3A_233 = tpu.sem_alloc : memref<!tpu.dma_semaphore, #tpu.memory_space<semaphore_mem>>
            %dma_start3A = arith.constant 0 : i32
            %dma_start3A_234 = arith.constant 0 : i32
            %dma_start3A_235 = tpu.memref_slice %arg10[%run_scoped3A_232, %dma_start3A, %dma_start3A_234] : memref<2x40x128xf32, #tpu.memory_space<vmem>> -> memref<1x40x128xf32, #tpu.memory_space<vmem>>
            %dma_start3A_236 = tpu.memref_squeeze %dma_start3A_235 : memref<1x40x128xf32, #tpu.memory_space<vmem>> -> memref<40x128xf32, #tpu.memory_space<vmem>>
            %dma_start3A_237 = tpu.memref_slice %arg9[%mul3A_231] : memref<1240xi32, #tpu.memory_space<vmem>> -> memref<40xi32, #tpu.memory_space<vmem>>
            %dma_start3A_238 = arith.constant 0 : i32
            %dma_start3A_239 = arith.constant 0 : i32
            %dma_start3A_240 = tpu.memref_slice %arg11[%dma_start3A_238, %dma_start3A_239] : memref<5008x128xf32, #tpu.memory_space<vmem_shared>> -> memref<5008x128xf32, #tpu.memory_space<vmem_shared>>
            tpu.enqueue_indirect_dma source(%dma_start3A_236 : memref<40x128xf32, #tpu.memory_space<vmem>>) target(%dma_start3A_240 : memref<5008x128xf32, #tpu.memory_space<vmem_shared>>) offsets(%dma_start3A_237 : memref<40xi32, #tpu.memory_space<vmem>>) semaphore(%run_scoped3A_233 : memref<!tpu.dma_semaphore, #tpu.memory_space<semaphore_mem>>) {add = true}
            %dma_wait3A_241 = arith.constant 0 : i32
            %dma_wait3A_242 = arith.constant 0 : i32
            %dma_wait3A_243 = tpu.memref_slice %arg10[%run_scoped3A_232, %dma_wait3A_241, %dma_wait3A_242] : memref<2x40x128xf32, #tpu.memory_space<vmem>> -> memref<1x40x128xf32, #tpu.memory_space<vmem>>
            %dma_wait3A_244 = tpu.memref_squeeze %dma_wait3A_243 : memref<1x40x128xf32, #tpu.memory_space<vmem>> -> memref<40x128xf32, #tpu.memory_space<vmem>>
            %dma_wait3A_245 = tpu.memref_slice %arg9[%mul3A_231] : memref<1240xi32, #tpu.memory_space<vmem>> -> memref<40xi32, #tpu.memory_space<vmem>>
            %dma_wait3A_246 = arith.constant 0 : i32
            %dma_wait3A_247 = arith.constant 0 : i32
            %dma_wait3A_248 = tpu.memref_slice %arg11[%dma_wait3A_246, %dma_wait3A_247] : memref<5008x128xf32, #tpu.memory_space<vmem_shared>> -> memref<5008x128xf32, #tpu.memory_space<vmem_shared>>
            tpu.wait_indirect_dma semaphore(%run_scoped3A_233 : memref<!tpu.dma_semaphore, #tpu.memory_space<semaphore_mem>>) src(%dma_wait3A_244 : memref<40x128xf32, #tpu.memory_space<vmem>>) dst(%dma_wait3A_248 : memref<5008x128xf32, #tpu.memory_space<vmem_shared>>)
            tpu.yield
          }) : () -> ()
        } else {
        }
      }
      %while3A_173 = arith.constant 1 : i32
      scf.for %while3A_174 = %while3A_171 to %while3A_167 step %while3A_173  : i32 {
        %mul3A_175 = arith.muli %while3A_174, %while3A : i32
        %add3A_176 = arith.addi %while3A_164, %mul3A_175 : i32
        %mul3A_177 = arith.constant 2 : i32
        %mul3A_178 = arith.muli %add3A_176, %mul3A_177 : i32
        %add3A_179 = arith.constant 1 : i32
        %add3A_180 = arith.addi %mul3A_178, %add3A_179 : i32
        %lt3A_181 = arith.cmpi slt, %add3A_180, %div3A_148 : i32
        %convert_element_type3A_182 = arith.extui %lt3A_181 : i1 to i32
        %cond3A_183 = arith.constant 0 : i32
        %cond3A_184 = arith.cmpi ne, %convert_element_type3A_182, %cond3A_183 : i32
        scf.if %cond3A_184 {
          %add3A_212 = arith.constant 1 : i32
          %add3A_213 = arith.addi %mul3A_178, %add3A_212 : i32
          %mul3A_214 = arith.constant 40 : i32
          %mul3A_215 = arith.muli %add3A_213, %mul3A_214 : i32
          %dma_start3A = arith.constant 1 : i32
          %dma_start3A_216 = arith.constant 1 : i32
          %dma_start3A_217 = arith.constant 0 : i32
          %dma_start3A_218 = arith.constant 0 : i32
          %dma_start3A_219 = tpu.memref_slice %arg10[%dma_start3A, %dma_start3A_217, %dma_start3A_218] : memref<2x40x128xf32, #tpu.memory_space<vmem>> -> memref<1x40x128xf32, #tpu.memory_space<vmem>>
          %dma_start3A_220 = tpu.memref_squeeze %dma_start3A_219 : memref<1x40x128xf32, #tpu.memory_space<vmem>> -> memref<40x128xf32, #tpu.memory_space<vmem>>
          %dma_start3A_221 = tpu.memref_slice %arg8[%mul3A_215] : memref<1240xi32, #tpu.memory_space<vmem>> -> memref<40xi32, #tpu.memory_space<vmem>>
          %dma_start3A_222 = arith.constant 0 : i32
          %dma_start3A_223 = arith.constant 0 : i32
          %dma_start3A_224 = tpu.memref_slice %arg2[%dma_start3A_222, %dma_start3A_223] : memref<10000x128xf32, #tpu.memory_space<hbm>> -> memref<10000x128xf32, #tpu.memory_space<hbm>>
          %dma_start3A_225 = tpu.memref_slice %arg12[%dma_start3A_216] : memref<2x!tpu.dma_semaphore, #tpu.memory_space<semaphore_mem>> -> memref<1x!tpu.dma_semaphore, #tpu.memory_space<semaphore_mem>>
          %dma_start3A_226 = tpu.memref_squeeze %dma_start3A_225 : memref<1x!tpu.dma_semaphore, #tpu.memory_space<semaphore_mem>> -> memref<!tpu.dma_semaphore, #tpu.memory_space<semaphore_mem>>
          tpu.enqueue_indirect_dma source(%dma_start3A_224 : memref<10000x128xf32, #tpu.memory_space<hbm>>) target(%dma_start3A_220 : memref<40x128xf32, #tpu.memory_space<vmem>>) offsets(%dma_start3A_221 : memref<40xi32, #tpu.memory_space<vmem>>) semaphore(%dma_start3A_226 : memref<!tpu.dma_semaphore, #tpu.memory_space<semaphore_mem>>)
        } else {
        }
        %mul3A_185 = arith.constant 40 : i32
        %mul3A_186 = arith.muli %mul3A_178, %mul3A_185 : i32
        %dma_wait3A = arith.constant 0 : i32
        %dma_wait3A_187 = arith.constant 0 : i32
        %dma_wait3A_188 = arith.constant 0 : i32
        %dma_wait3A_189 = arith.constant 0 : i32
        %dma_wait3A_190 = tpu.memref_slice %arg10[%dma_wait3A, %dma_wait3A_188, %dma_wait3A_189] : memref<2x40x128xf32, #tpu.memory_space<vmem>> -> memref<1x40x128xf32, #tpu.memory_space<vmem>>
        %dma_wait3A_191 = tpu.memref_squeeze %dma_wait3A_190 : memref<1x40x128xf32, #tpu.memory_space<vmem>> -> memref<40x128xf32, #tpu.memory_space<vmem>>
        %dma_wait3A_192 = tpu.memref_slice %arg8[%mul3A_186] : memref<1240xi32, #tpu.memory_space<vmem>> -> memref<40xi32, #tpu.memory_space<vmem>>
        %dma_wait3A_193 = arith.constant 0 : i32
        %dma_wait3A_194 = arith.constant 0 : i32
        %dma_wait3A_195 = tpu.memref_slice %arg2[%dma_wait3A_193, %dma_wait3A_194] : memref<10000x128xf32, #tpu.memory_space<hbm>> -> memref<10000x128xf32, #tpu.memory_space<hbm>>
        %dma_wait3A_196 = tpu.memref_slice %arg12[%dma_wait3A_187] : memref<2x!tpu.dma_semaphore, #tpu.memory_space<semaphore_mem>> -> memref<1x!tpu.dma_semaphore, #tpu.memory_space<semaphore_mem>>
        %dma_wait3A_197 = tpu.memref_squeeze %dma_wait3A_196 : memref<1x!tpu.dma_semaphore, #tpu.memory_space<semaphore_mem>> -> memref<!tpu.dma_semaphore, #tpu.memory_space<semaphore_mem>>
        tpu.wait_indirect_dma semaphore(%dma_wait3A_197 : memref<!tpu.dma_semaphore, #tpu.memory_space<semaphore_mem>>) src(%dma_wait3A_195 : memref<10000x128xf32, #tpu.memory_space<hbm>>) dst(%dma_wait3A_191 : memref<40x128xf32, #tpu.memory_space<vmem>>)
        %mul3A_198 = arith.constant 40 : i32
        %mul3A_199 = arith.muli %mul3A_178, %mul3A_198 : i32
        %run_scoped3A = arith.constant 0 : i32
        "tpu.region"() ({
          %run_scoped3A_212 = tpu.sem_alloc : memref<!tpu.dma_semaphore, #tpu.memory_space<semaphore_mem>>
          %dma_start3A = arith.constant 0 : i32
          %dma_start3A_213 = arith.constant 0 : i32
          %dma_start3A_214 = tpu.memref_slice %arg10[%run_scoped3A, %dma_start3A, %dma_start3A_213] : memref<2x40x128xf32, #tpu.memory_space<vmem>> -> memref<1x40x128xf32, #tpu.memory_space<vmem>>
          %dma_start3A_215 = tpu.memref_squeeze %dma_start3A_214 : memref<1x40x128xf32, #tpu.memory_space<vmem>> -> memref<40x128xf32, #tpu.memory_space<vmem>>
          %dma_start3A_216 = tpu.memref_slice %arg9[%mul3A_199] : memref<1240xi32, #tpu.memory_space<vmem>> -> memref<40xi32, #tpu.memory_space<vmem>>
          %dma_start3A_217 = arith.constant 0 : i32
          %dma_start3A_218 = arith.constant 0 : i32
          %dma_start3A_219 = tpu.memref_slice %arg11[%dma_start3A_217, %dma_start3A_218] : memref<5008x128xf32, #tpu.memory_space<vmem_shared>> -> memref<5008x128xf32, #tpu.memory_space<vmem_shared>>
          tpu.enqueue_indirect_dma source(%dma_start3A_215 : memref<40x128xf32, #tpu.memory_space<vmem>>) target(%dma_start3A_219 : memref<5008x128xf32, #tpu.memory_space<vmem_shared>>) offsets(%dma_start3A_216 : memref<40xi32, #tpu.memory_space<vmem>>) semaphore(%run_scoped3A_212 : memref<!tpu.dma_semaphore, #tpu.memory_space<semaphore_mem>>) {add = true}
          %dma_wait3A_220 = arith.constant 0 : i32
          %dma_wait3A_221 = arith.constant 0 : i32
          %dma_wait3A_222 = tpu.memref_slice %arg10[%run_scoped3A, %dma_wait3A_220, %dma_wait3A_221] : memref<2x40x128xf32, #tpu.memory_space<vmem>> -> memref<1x40x128xf32, #tpu.memory_space<vmem>>
          %dma_wait3A_223 = tpu.memref_squeeze %dma_wait3A_222 : memref<1x40x128xf32, #tpu.memory_space<vmem>> -> memref<40x128xf32, #tpu.memory_space<vmem>>
          %dma_wait3A_224 = tpu.memref_slice %arg9[%mul3A_199] : memref<1240xi32, #tpu.memory_space<vmem>> -> memref<40xi32, #tpu.memory_space<vmem>>
          %dma_wait3A_225 = arith.constant 0 : i32
          %dma_wait3A_226 = arith.constant 0 : i32
          %dma_wait3A_227 = tpu.memref_slice %arg11[%dma_wait3A_225, %dma_wait3A_226] : memref<5008x128xf32, #tpu.memory_space<vmem_shared>> -> memref<5008x128xf32, #tpu.memory_space<vmem_shared>>
          tpu.wait_indirect_dma semaphore(%run_scoped3A_212 : memref<!tpu.dma_semaphore, #tpu.memory_space<semaphore_mem>>) src(%dma_wait3A_223 : memref<40x128xf32, #tpu.memory_space<vmem>>) dst(%dma_wait3A_227 : memref<5008x128xf32, #tpu.memory_space<vmem_shared>>)
          tpu.yield
        }) : () -> ()
        %add3A_200 = arith.constant 2 : i32
        %add3A_201 = arith.addi %mul3A_178, %add3A_200 : i32
        %lt3A_202 = arith.cmpi slt, %add3A_201, %div3A_148 : i32
        %convert_element_type3A_203 = arith.extui %lt3A_202 : i1 to i32
        %cond3A_204 = arith.constant 0 : i32
        %cond3A_205 = arith.cmpi ne, %convert_element_type3A_203, %cond3A_204 : i32
        scf.if %cond3A_205 {
          %add3A_212 = arith.constant 2 : i32
          %add3A_213 = arith.addi %mul3A_178, %add3A_212 : i32
          %mul3A_214 = arith.constant 40 : i32
          %mul3A_215 = arith.muli %add3A_213, %mul3A_214 : i32
          %dma_start3A = arith.constant 0 : i32
          %dma_start3A_216 = arith.constant 0 : i32
          %dma_start3A_217 = arith.constant 0 : i32
          %dma_start3A_218 = arith.constant 0 : i32
          %dma_start3A_219 = tpu.memref_slice %arg10[%dma_start3A, %dma_start3A_217, %dma_start3A_218] : memref<2x40x128xf32, #tpu.memory_space<vmem>> -> memref<1x40x128xf32, #tpu.memory_space<vmem>>
          %dma_start3A_220 = tpu.memref_squeeze %dma_start3A_219 : memref<1x40x128xf32, #tpu.memory_space<vmem>> -> memref<40x128xf32, #tpu.memory_space<vmem>>
          %dma_start3A_221 = tpu.memref_slice %arg8[%mul3A_215] : memref<1240xi32, #tpu.memory_space<vmem>> -> memref<40xi32, #tpu.memory_space<vmem>>
          %dma_start3A_222 = arith.constant 0 : i32
          %dma_start3A_223 = arith.constant 0 : i32
          %dma_start3A_224 = tpu.memref_slice %arg2[%dma_start3A_222, %dma_start3A_223] : memref<10000x128xf32, #tpu.memory_space<hbm>> -> memref<10000x128xf32, #tpu.memory_space<hbm>>
          %dma_start3A_225 = tpu.memref_slice %arg12[%dma_start3A_216] : memref<2x!tpu.dma_semaphore, #tpu.memory_space<semaphore_mem>> -> memref<1x!tpu.dma_semaphore, #tpu.memory_space<semaphore_mem>>
          %dma_start3A_226 = tpu.memref_squeeze %dma_start3A_225 : memref<1x!tpu.dma_semaphore, #tpu.memory_space<semaphore_mem>> -> memref<!tpu.dma_semaphore, #tpu.memory_space<semaphore_mem>>
          tpu.enqueue_indirect_dma source(%dma_start3A_224 : memref<10000x128xf32, #tpu.memory_space<hbm>>) target(%dma_start3A_220 : memref<40x128xf32, #tpu.memory_space<vmem>>) offsets(%dma_start3A_221 : memref<40xi32, #tpu.memory_space<vmem>>) semaphore(%dma_start3A_226 : memref<!tpu.dma_semaphore, #tpu.memory_space<semaphore_mem>>)
        } else {
        }
        %add3A_206 = arith.constant 1 : i32
        %add3A_207 = arith.addi %mul3A_178, %add3A_206 : i32
        %lt3A_208 = arith.cmpi slt, %add3A_207, %div3A_148 : i32
        %convert_element_type3A_209 = arith.extui %lt3A_208 : i1 to i32
        %cond3A_210 = arith.constant 0 : i32
        %cond3A_211 = arith.cmpi ne, %convert_element_type3A_209, %cond3A_210 : i32
        scf.if %cond3A_211 {
          %add3A_212 = arith.constant 1 : i32
          %add3A_213 = arith.addi %mul3A_178, %add3A_212 : i32
          %mul3A_214 = arith.constant 40 : i32
          %mul3A_215 = arith.muli %add3A_213, %mul3A_214 : i32
          %dma_wait3A_216 = arith.constant 1 : i32
          %dma_wait3A_217 = arith.constant 1 : i32
          %dma_wait3A_218 = arith.constant 0 : i32
          %dma_wait3A_219 = arith.constant 0 : i32
          %dma_wait3A_220 = tpu.memref_slice %arg10[%dma_wait3A_216, %dma_wait3A_218, %dma_wait3A_219] : memref<2x40x128xf32, #tpu.memory_space<vmem>> -> memref<1x40x128xf32, #tpu.memory_space<vmem>>
          %dma_wait3A_221 = tpu.memref_squeeze %dma_wait3A_220 : memref<1x40x128xf32, #tpu.memory_space<vmem>> -> memref<40x128xf32, #tpu.memory_space<vmem>>
          %dma_wait3A_222 = tpu.memref_slice %arg8[%mul3A_215] : memref<1240xi32, #tpu.memory_space<vmem>> -> memref<40xi32, #tpu.memory_space<vmem>>
          %dma_wait3A_223 = arith.constant 0 : i32
          %dma_wait3A_224 = arith.constant 0 : i32
          %dma_wait3A_225 = tpu.memref_slice %arg2[%dma_wait3A_223, %dma_wait3A_224] : memref<10000x128xf32, #tpu.memory_space<hbm>> -> memref<10000x128xf32, #tpu.memory_space<hbm>>
          %dma_wait3A_226 = tpu.memref_slice %arg12[%dma_wait3A_217] : memref<2x!tpu.dma_semaphore, #tpu.memory_space<semaphore_mem>> -> memref<1x!tpu.dma_semaphore, #tpu.memory_space<semaphore_mem>>
          %dma_wait3A_227 = tpu.memref_squeeze %dma_wait3A_226 : memref<1x!tpu.dma_semaphore, #tpu.memory_space<semaphore_mem>> -> memref<!tpu.dma_semaphore, #tpu.memory_space<semaphore_mem>>
          tpu.wait_indirect_dma semaphore(%dma_wait3A_227 : memref<!tpu.dma_semaphore, #tpu.memory_space<semaphore_mem>>) src(%dma_wait3A_225 : memref<10000x128xf32, #tpu.memory_space<hbm>>) dst(%dma_wait3A_221 : memref<40x128xf32, #tpu.memory_space<vmem>>)
          %add3A_228 = arith.constant 1 : i32
          %add3A_229 = arith.addi %mul3A_178, %add3A_228 : i32
          %mul3A_230 = arith.constant 40 : i32
          %mul3A_231 = arith.muli %add3A_229, %mul3A_230 : i32
          %run_scoped3A_232 = arith.constant 1 : i32
          "tpu.region"() ({
            %run_scoped3A_233 = tpu.sem_alloc : memref<!tpu.dma_semaphore, #tpu.memory_space<semaphore_mem>>
            %dma_start3A = arith.constant 0 : i32
            %dma_start3A_234 = arith.constant 0 : i32
            %dma_start3A_235 = tpu.memref_slice %arg10[%run_scoped3A_232, %dma_start3A, %dma_start3A_234] : memref<2x40x128xf32, #tpu.memory_space<vmem>> -> memref<1x40x128xf32, #tpu.memory_space<vmem>>
            %dma_start3A_236 = tpu.memref_squeeze %dma_start3A_235 : memref<1x40x128xf32, #tpu.memory_space<vmem>> -> memref<40x128xf32, #tpu.memory_space<vmem>>
            %dma_start3A_237 = tpu.memref_slice %arg9[%mul3A_231] : memref<1240xi32, #tpu.memory_space<vmem>> -> memref<40xi32, #tpu.memory_space<vmem>>
            %dma_start3A_238 = arith.constant 0 : i32
            %dma_start3A_239 = arith.constant 0 : i32
            %dma_start3A_240 = tpu.memref_slice %arg11[%dma_start3A_238, %dma_start3A_239] : memref<5008x128xf32, #tpu.memory_space<vmem_shared>> -> memref<5008x128xf32, #tpu.memory_space<vmem_shared>>
            tpu.enqueue_indirect_dma source(%dma_start3A_236 : memref<40x128xf32, #tpu.memory_space<vmem>>) target(%dma_start3A_240 : memref<5008x128xf32, #tpu.memory_space<vmem_shared>>) offsets(%dma_start3A_237 : memref<40xi32, #tpu.memory_space<vmem>>) semaphore(%run_scoped3A_233 : memref<!tpu.dma_semaphore, #tpu.memory_space<semaphore_mem>>) {add = true}
            %dma_wait3A_241 = arith.constant 0 : i32
            %dma_wait3A_242 = arith.constant 0 : i32
            %dma_wait3A_243 = tpu.memref_slice %arg10[%run_scoped3A_232, %dma_wait3A_241, %dma_wait3A_242] : memref<2x40x128xf32, #tpu.memory_space<vmem>> -> memref<1x40x128xf32, #tpu.memory_space<vmem>>
            %dma_wait3A_244 = tpu.memref_squeeze %dma_wait3A_243 : memref<1x40x128xf32, #tpu.memory_space<vmem>> -> memref<40x128xf32, #tpu.memory_space<vmem>>
            %dma_wait3A_245 = tpu.memref_slice %arg9[%mul3A_231] : memref<1240xi32, #tpu.memory_space<vmem>> -> memref<40xi32, #tpu.memory_space<vmem>>
            %dma_wait3A_246 = arith.constant 0 : i32
            %dma_wait3A_247 = arith.constant 0 : i32
            %dma_wait3A_248 = tpu.memref_slice %arg11[%dma_wait3A_246, %dma_wait3A_247] : memref<5008x128xf32, #tpu.memory_space<vmem_shared>> -> memref<5008x128xf32, #tpu.memory_space<vmem_shared>>
            tpu.wait_indirect_dma semaphore(%run_scoped3A_233 : memref<!tpu.dma_semaphore, #tpu.memory_space<semaphore_mem>>) src(%dma_wait3A_244 : memref<40x128xf32, #tpu.memory_space<vmem>>) dst(%dma_wait3A_248 : memref<5008x128xf32, #tpu.memory_space<vmem_shared>>)
            tpu.yield
          }) : () -> ()
        } else {
        }
      }
    }
    %scan3A_61 = arith.constant 10 : i32
    %barrier3A_62 = arith.constant 0 : index
    tpu.barrier barrier_id(%barrier3A_62)
    %add3A_63 = arith.constant 0 : i32
    %add3A_64 = arith.addi %arg1, %add3A_63 : i32
    %lt3A_65 = arith.constant 125 : i32
    %lt3A_66 = arith.cmpi slt, %add3A_64, %lt3A_65 : i32
    %convert_element_type3A_67 = arith.extui %lt3A_66 : i1 to i32
    %cond3A_68 = arith.constant 0 : i32
    %cond3A_69 = arith.cmpi ne, %convert_element_type3A_67, %cond3A_68 : i32
    scf.if %cond3A_69 {
      %mul3A_119 = arith.constant 40 : i32
      %mul3A_120 = arith.muli %add3A_64, %mul3A_119 : i32
      %run_scoped3A = arith.constant 0 : i32
      "tpu.region"() ({
        %run_scoped3A_127 = tpu.sem_alloc : memref<!tpu.dma_semaphore, #tpu.memory_space<semaphore_mem>>
        %dma_start3A = arith.constant 0 : i32
        %dma_start3A_128 = arith.constant 0 : i32
        %dma_start3A_129 = tpu.memref_slice %arg10[%run_scoped3A, %dma_start3A, %dma_start3A_128] : memref<2x40x128xf32, #tpu.memory_space<vmem>> -> memref<1x40x128xf32, #tpu.memory_space<vmem>>
        %dma_start3A_130 = tpu.memref_squeeze %dma_start3A_129 : memref<1x40x128xf32, #tpu.memory_space<vmem>> -> memref<40x128xf32, #tpu.memory_space<vmem>>
        %dma_start3A_131 = arith.constant 0 : i32
        %dma_start3A_132 = tpu.memref_slice %arg11[%mul3A_120, %dma_start3A_131] : memref<5008x128xf32, #tpu.memory_space<vmem_shared>> -> memref<40x128xf32, #tpu.memory_space<vmem_shared>>
        %dma_start3A_133 = arith.constant 0 : i32
        %dma_start3A_134 = arith.constant 0 : i32
        %dma_start3A_135 = tpu.memref_slice %arg10[%run_scoped3A, %dma_start3A_133, %dma_start3A_134] : memref<2x40x128xf32, #tpu.memory_space<vmem>> -> memref<1x40x128xf32, #tpu.memory_space<vmem>>
        %dma_start3A_136 = tpu.memref_squeeze %dma_start3A_135 : memref<1x40x128xf32, #tpu.memory_space<vmem>> -> memref<40x128xf32, #tpu.memory_space<vmem>>
        %dma_start3A_137 = arith.constant 0 : i32
        %dma_start3A_138 = tpu.memref_slice %arg11[%mul3A_120, %dma_start3A_137] : memref<5008x128xf32, #tpu.memory_space<vmem_shared>> -> memref<40x128xf32, #tpu.memory_space<vmem_shared>>
        tpu.enqueue_dma source(%dma_start3A_138 : memref<40x128xf32, #tpu.memory_space<vmem_shared>>) target(%dma_start3A_136 : memref<40x128xf32, #tpu.memory_space<vmem>>) target_semaphore(%run_scoped3A_127 : memref<!tpu.dma_semaphore, #tpu.memory_space<semaphore_mem>>)
        %dma_wait3A = arith.constant 0 : i32
        %dma_wait3A_139 = arith.constant 0 : i32
        %dma_wait3A_140 = tpu.memref_slice %arg10[%run_scoped3A, %dma_wait3A, %dma_wait3A_139] : memref<2x40x128xf32, #tpu.memory_space<vmem>> -> memref<1x40x128xf32, #tpu.memory_space<vmem>>
        %dma_wait3A_141 = tpu.memref_squeeze %dma_wait3A_140 : memref<1x40x128xf32, #tpu.memory_space<vmem>> -> memref<40x128xf32, #tpu.memory_space<vmem>>
        %dma_wait3A_142 = arith.constant 0 : i32
        %dma_wait3A_143 = tpu.memref_slice %arg11[%mul3A_120, %dma_wait3A_142] : memref<5008x128xf32, #tpu.memory_space<vmem_shared>> -> memref<40x128xf32, #tpu.memory_space<vmem_shared>>
        %dma_wait3A_144 = arith.constant 0 : i32
        %dma_wait3A_145 = arith.constant 0 : i32
        %dma_wait3A_146 = tpu.memref_slice %arg10[%run_scoped3A, %dma_wait3A_144, %dma_wait3A_145] : memref<2x40x128xf32, #tpu.memory_space<vmem>> -> memref<1x40x128xf32, #tpu.memory_space<vmem>>
        %dma_wait3A_147 = tpu.memref_squeeze %dma_wait3A_146 : memref<1x40x128xf32, #tpu.memory_space<vmem>> -> memref<40x128xf32, #tpu.memory_space<vmem>>
        %dma_wait3A_148 = arith.constant 0 : i32
        %dma_wait3A_149 = tpu.memref_slice %arg11[%mul3A_120, %dma_wait3A_148] : memref<5008x128xf32, #tpu.memory_space<vmem_shared>> -> memref<40x128xf32, #tpu.memory_space<vmem_shared>>
        tpu.wait_dma2 semaphore(%run_scoped3A_127 : memref<!tpu.dma_semaphore, #tpu.memory_space<semaphore_mem>>) src(%dma_wait3A_149 : memref<40x128xf32, #tpu.memory_space<vmem_shared>>) dst(%dma_wait3A_147 : memref<40x128xf32, #tpu.memory_space<vmem>>)
        tpu.yield
      }) : () -> ()
      %mul3A_121 = arith.constant 5000 : i32
      %mul3A_122 = arith.muli %arg0, %mul3A_121 : i32
      %mul3A_123 = arith.constant 40 : i32
      %mul3A_124 = arith.muli %add3A_64, %mul3A_123 : i32
      %add3A_125 = arith.addi %mul3A_122, %mul3A_124 : i32
      %run_scoped3A_126 = arith.constant 0 : i32
      "tpu.region"() ({
        %run_scoped3A_127 = tpu.sem_alloc : memref<!tpu.dma_semaphore, #tpu.memory_space<semaphore_mem>>
        %dma_start3A = arith.constant 0 : i32
        %dma_start3A_128 = arith.constant 0 : i32
        %dma_start3A_129 = tpu.memref_slice %arg10[%run_scoped3A_126, %dma_start3A, %dma_start3A_128] : memref<2x40x128xf32, #tpu.memory_space<vmem>> -> memref<1x40x128xf32, #tpu.memory_space<vmem>>
        %dma_start3A_130 = tpu.memref_squeeze %dma_start3A_129 : memref<1x40x128xf32, #tpu.memory_space<vmem>> -> memref<40x128xf32, #tpu.memory_space<vmem>>
        %dma_start3A_131 = arith.constant 0 : i32
        %dma_start3A_132 = tpu.memref_slice %arg5[%add3A_125, %dma_start3A_131] : memref<10000x128xf32, #tpu.memory_space<hbm>> -> memref<40x128xf32, #tpu.memory_space<hbm>>
        %dma_start3A_133 = arith.constant 0 : i32
        %dma_start3A_134 = tpu.memref_slice %arg5[%add3A_125, %dma_start3A_133] : memref<10000x128xf32, #tpu.memory_space<hbm>> -> memref<40x128xf32, #tpu.memory_space<hbm>>
        %dma_start3A_135 = arith.constant 0 : i32
        %dma_start3A_136 = arith.constant 0 : i32
        %dma_start3A_137 = tpu.memref_slice %arg10[%run_scoped3A_126, %dma_start3A_135, %dma_start3A_136] : memref<2x40x128xf32, #tpu.memory_space<vmem>> -> memref<1x40x128xf32, #tpu.memory_space<vmem>>
        %dma_start3A_138 = tpu.memref_squeeze %dma_start3A_137 : memref<1x40x128xf32, #tpu.memory_space<vmem>> -> memref<40x128xf32, #tpu.memory_space<vmem>>
        tpu.enqueue_dma source(%dma_start3A_138 : memref<40x128xf32, #tpu.memory_space<vmem>>) target(%dma_start3A_134 : memref<40x128xf32, #tpu.memory_space<hbm>>) target_semaphore(%run_scoped3A_127 : memref<!tpu.dma_semaphore, #tpu.memory_space<semaphore_mem>>)
        %dma_wait3A = arith.constant 0 : i32
        %dma_wait3A_139 = arith.constant 0 : i32
        %dma_wait3A_140 = tpu.memref_slice %arg10[%run_scoped3A_126, %dma_wait3A, %dma_wait3A_139] : memref<2x40x128xf32, #tpu.memory_space<vmem>> -> memref<1x40x128xf32, #tpu.memory_space<vmem>>
        %dma_wait3A_141 = tpu.memref_squeeze %dma_wait3A_140 : memref<1x40x128xf32, #tpu.memory_space<vmem>> -> memref<40x128xf32, #tpu.memory_space<vmem>>
        %dma_wait3A_142 = arith.constant 0 : i32
        %dma_wait3A_143 = tpu.memref_slice %arg5[%add3A_125, %dma_wait3A_142] : memref<10000x128xf32, #tpu.memory_space<hbm>> -> memref<40x128xf32, #tpu.memory_space<hbm>>
        %dma_wait3A_144 = arith.constant 0 : i32
        %dma_wait3A_145 = tpu.memref_slice %arg5[%add3A_125, %dma_wait3A_144] : memref<10000x128xf32, #tpu.memory_space<hbm>> -> memref<40x128xf32, #tpu.memory_space<hbm>>
        %dma_wait3A_146 = arith.constant 0 : i32
        %dma_wait3A_147 = arith.constant 0 : i32
        %dma_wait3A_148 = tpu.memref_slice %arg10[%run_scoped3A_126, %dma_wait3A_146, %dma_wait3A_147] : memref<2x40x128xf32, #tpu.memory_space<vmem>> -> memref<1x40x128xf32, #tpu.memory_space<vmem>>
        %dma_wait3A_149 = tpu.memref_squeeze %dma_wait3A_148 : memref<1x40x128xf32, #tpu.memory_space<vmem>> -> memref<40x128xf32, #tpu.memory_space<vmem>>
        tpu.wait_dma2 semaphore(%run_scoped3A_127 : memref<!tpu.dma_semaphore, #tpu.memory_space<semaphore_mem>>) src(%dma_wait3A_149 : memref<40x128xf32, #tpu.memory_space<vmem>>) dst(%dma_wait3A_145 : memref<40x128xf32, #tpu.memory_space<hbm>>)
        tpu.yield
      }) : () -> ()
    } else {
    }
    %add3A_70 = arith.constant 16 : i32
    %add3A_71 = arith.addi %arg1, %add3A_70 : i32
    %lt3A_72 = arith.constant 125 : i32
    %lt3A_73 = arith.cmpi slt, %add3A_71, %lt3A_72 : i32
    %convert_element_type3A_74 = arith.extui %lt3A_73 : i1 to i32
    %cond3A_75 = arith.constant 0 : i32
    %cond3A_76 = arith.cmpi ne, %convert_element_type3A_74, %cond3A_75 : i32
    scf.if %cond3A_76 {
      %mul3A_119 = arith.constant 40 : i32
      %mul3A_120 = arith.muli %add3A_71, %mul3A_119 : i32
      %run_scoped3A = arith.constant 0 : i32
      "tpu.region"() ({
        %run_scoped3A_127 = tpu.sem_alloc : memref<!tpu.dma_semaphore, #tpu.memory_space<semaphore_mem>>
        %dma_start3A = arith.constant 0 : i32
        %dma_start3A_128 = arith.constant 0 : i32
        %dma_start3A_129 = tpu.memref_slice %arg10[%run_scoped3A, %dma_start3A, %dma_start3A_128] : memref<2x40x128xf32, #tpu.memory_space<vmem>> -> memref<1x40x128xf32, #tpu.memory_space<vmem>>
        %dma_start3A_130 = tpu.memref_squeeze %dma_start3A_129 : memref<1x40x128xf32, #tpu.memory_space<vmem>> -> memref<40x128xf32, #tpu.memory_space<vmem>>
        %dma_start3A_131 = arith.constant 0 : i32
        %dma_start3A_132 = tpu.memref_slice %arg11[%mul3A_120, %dma_start3A_131] : memref<5008x128xf32, #tpu.memory_space<vmem_shared>> -> memref<40x128xf32, #tpu.memory_space<vmem_shared>>
        %dma_start3A_133 = arith.constant 0 : i32
        %dma_start3A_134 = arith.constant 0 : i32
        %dma_start3A_135 = tpu.memref_slice %arg10[%run_scoped3A, %dma_start3A_133, %dma_start3A_134] : memref<2x40x128xf32, #tpu.memory_space<vmem>> -> memref<1x40x128xf32, #tpu.memory_space<vmem>>
        %dma_start3A_136 = tpu.memref_squeeze %dma_start3A_135 : memref<1x40x128xf32, #tpu.memory_space<vmem>> -> memref<40x128xf32, #tpu.memory_space<vmem>>
        %dma_start3A_137 = arith.constant 0 : i32
        %dma_start3A_138 = tpu.memref_slice %arg11[%mul3A_120, %dma_start3A_137] : memref<5008x128xf32, #tpu.memory_space<vmem_shared>> -> memref<40x128xf32, #tpu.memory_space<vmem_shared>>
        tpu.enqueue_dma source(%dma_start3A_138 : memref<40x128xf32, #tpu.memory_space<vmem_shared>>) target(%dma_start3A_136 : memref<40x128xf32, #tpu.memory_space<vmem>>) target_semaphore(%run_scoped3A_127 : memref<!tpu.dma_semaphore, #tpu.memory_space<semaphore_mem>>)
        %dma_wait3A = arith.constant 0 : i32
        %dma_wait3A_139 = arith.constant 0 : i32
        %dma_wait3A_140 = tpu.memref_slice %arg10[%run_scoped3A, %dma_wait3A, %dma_wait3A_139] : memref<2x40x128xf32, #tpu.memory_space<vmem>> -> memref<1x40x128xf32, #tpu.memory_space<vmem>>
        %dma_wait3A_141 = tpu.memref_squeeze %dma_wait3A_140 : memref<1x40x128xf32, #tpu.memory_space<vmem>> -> memref<40x128xf32, #tpu.memory_space<vmem>>
        %dma_wait3A_142 = arith.constant 0 : i32
        %dma_wait3A_143 = tpu.memref_slice %arg11[%mul3A_120, %dma_wait3A_142] : memref<5008x128xf32, #tpu.memory_space<vmem_shared>> -> memref<40x128xf32, #tpu.memory_space<vmem_shared>>
        %dma_wait3A_144 = arith.constant 0 : i32
        %dma_wait3A_145 = arith.constant 0 : i32
        %dma_wait3A_146 = tpu.memref_slice %arg10[%run_scoped3A, %dma_wait3A_144, %dma_wait3A_145] : memref<2x40x128xf32, #tpu.memory_space<vmem>> -> memref<1x40x128xf32, #tpu.memory_space<vmem>>
        %dma_wait3A_147 = tpu.memref_squeeze %dma_wait3A_146 : memref<1x40x128xf32, #tpu.memory_space<vmem>> -> memref<40x128xf32, #tpu.memory_space<vmem>>
        %dma_wait3A_148 = arith.constant 0 : i32
        %dma_wait3A_149 = tpu.memref_slice %arg11[%mul3A_120, %dma_wait3A_148] : memref<5008x128xf32, #tpu.memory_space<vmem_shared>> -> memref<40x128xf32, #tpu.memory_space<vmem_shared>>
        tpu.wait_dma2 semaphore(%run_scoped3A_127 : memref<!tpu.dma_semaphore, #tpu.memory_space<semaphore_mem>>) src(%dma_wait3A_149 : memref<40x128xf32, #tpu.memory_space<vmem_shared>>) dst(%dma_wait3A_147 : memref<40x128xf32, #tpu.memory_space<vmem>>)
        tpu.yield
      }) : () -> ()
      %mul3A_121 = arith.constant 5000 : i32
      %mul3A_122 = arith.muli %arg0, %mul3A_121 : i32
      %mul3A_123 = arith.constant 40 : i32
      %mul3A_124 = arith.muli %add3A_71, %mul3A_123 : i32
      %add3A_125 = arith.addi %mul3A_122, %mul3A_124 : i32
      %run_scoped3A_126 = arith.constant 0 : i32
      "tpu.region"() ({
        %run_scoped3A_127 = tpu.sem_alloc : memref<!tpu.dma_semaphore, #tpu.memory_space<semaphore_mem>>
        %dma_start3A = arith.constant 0 : i32
        %dma_start3A_128 = arith.constant 0 : i32
        %dma_start3A_129 = tpu.memref_slice %arg10[%run_scoped3A_126, %dma_start3A, %dma_start3A_128] : memref<2x40x128xf32, #tpu.memory_space<vmem>> -> memref<1x40x128xf32, #tpu.memory_space<vmem>>
        %dma_start3A_130 = tpu.memref_squeeze %dma_start3A_129 : memref<1x40x128xf32, #tpu.memory_space<vmem>> -> memref<40x128xf32, #tpu.memory_space<vmem>>
        %dma_start3A_131 = arith.constant 0 : i32
        %dma_start3A_132 = tpu.memref_slice %arg5[%add3A_125, %dma_start3A_131] : memref<10000x128xf32, #tpu.memory_space<hbm>> -> memref<40x128xf32, #tpu.memory_space<hbm>>
        %dma_start3A_133 = arith.constant 0 : i32
        %dma_start3A_134 = tpu.memref_slice %arg5[%add3A_125, %dma_start3A_133] : memref<10000x128xf32, #tpu.memory_space<hbm>> -> memref<40x128xf32, #tpu.memory_space<hbm>>
        %dma_start3A_135 = arith.constant 0 : i32
        %dma_start3A_136 = arith.constant 0 : i32
        %dma_start3A_137 = tpu.memref_slice %arg10[%run_scoped3A_126, %dma_start3A_135, %dma_start3A_136] : memref<2x40x128xf32, #tpu.memory_space<vmem>> -> memref<1x40x128xf32, #tpu.memory_space<vmem>>
        %dma_start3A_138 = tpu.memref_squeeze %dma_start3A_137 : memref<1x40x128xf32, #tpu.memory_space<vmem>> -> memref<40x128xf32, #tpu.memory_space<vmem>>
        tpu.enqueue_dma source(%dma_start3A_138 : memref<40x128xf32, #tpu.memory_space<vmem>>) target(%dma_start3A_134 : memref<40x128xf32, #tpu.memory_space<hbm>>) target_semaphore(%run_scoped3A_127 : memref<!tpu.dma_semaphore, #tpu.memory_space<semaphore_mem>>)
        %dma_wait3A = arith.constant 0 : i32
        %dma_wait3A_139 = arith.constant 0 : i32
        %dma_wait3A_140 = tpu.memref_slice %arg10[%run_scoped3A_126, %dma_wait3A, %dma_wait3A_139] : memref<2x40x128xf32, #tpu.memory_space<vmem>> -> memref<1x40x128xf32, #tpu.memory_space<vmem>>
        %dma_wait3A_141 = tpu.memref_squeeze %dma_wait3A_140 : memref<1x40x128xf32, #tpu.memory_space<vmem>> -> memref<40x128xf32, #tpu.memory_space<vmem>>
        %dma_wait3A_142 = arith.constant 0 : i32
        %dma_wait3A_143 = tpu.memref_slice %arg5[%add3A_125, %dma_wait3A_142] : memref<10000x128xf32, #tpu.memory_space<hbm>> -> memref<40x128xf32, #tpu.memory_space<hbm>>
        %dma_wait3A_144 = arith.constant 0 : i32
        %dma_wait3A_145 = tpu.memref_slice %arg5[%add3A_125, %dma_wait3A_144] : memref<10000x128xf32, #tpu.memory_space<hbm>> -> memref<40x128xf32, #tpu.memory_space<hbm>>
        %dma_wait3A_146 = arith.constant 0 : i32
        %dma_wait3A_147 = arith.constant 0 : i32
        %dma_wait3A_148 = tpu.memref_slice %arg10[%run_scoped3A_126, %dma_wait3A_146, %dma_wait3A_147] : memref<2x40x128xf32, #tpu.memory_space<vmem>> -> memref<1x40x128xf32, #tpu.memory_space<vmem>>
        %dma_wait3A_149 = tpu.memref_squeeze %dma_wait3A_148 : memref<1x40x128xf32, #tpu.memory_space<vmem>> -> memref<40x128xf32, #tpu.memory_space<vmem>>
        tpu.wait_dma2 semaphore(%run_scoped3A_127 : memref<!tpu.dma_semaphore, #tpu.memory_space<semaphore_mem>>) src(%dma_wait3A_149 : memref<40x128xf32, #tpu.memory_space<vmem>>) dst(%dma_wait3A_145 : memref<40x128xf32, #tpu.memory_space<hbm>>)
        tpu.yield
      }) : () -> ()
    } else {
    }
    %add3A_77 = arith.constant 32 : i32
    %add3A_78 = arith.addi %arg1, %add3A_77 : i32
    %lt3A_79 = arith.constant 125 : i32
    %lt3A_80 = arith.cmpi slt, %add3A_78, %lt3A_79 : i32
    %convert_element_type3A_81 = arith.extui %lt3A_80 : i1 to i32
    %cond3A_82 = arith.constant 0 : i32
    %cond3A_83 = arith.cmpi ne, %convert_element_type3A_81, %cond3A_82 : i32
    scf.if %cond3A_83 {
      %mul3A_119 = arith.constant 40 : i32
      %mul3A_120 = arith.muli %add3A_78, %mul3A_119 : i32
      %run_scoped3A = arith.constant 0 : i32
      "tpu.region"() ({
        %run_scoped3A_127 = tpu.sem_alloc : memref<!tpu.dma_semaphore, #tpu.memory_space<semaphore_mem>>
        %dma_start3A = arith.constant 0 : i32
        %dma_start3A_128 = arith.constant 0 : i32
        %dma_start3A_129 = tpu.memref_slice %arg10[%run_scoped3A, %dma_start3A, %dma_start3A_128] : memref<2x40x128xf32, #tpu.memory_space<vmem>> -> memref<1x40x128xf32, #tpu.memory_space<vmem>>
        %dma_start3A_130 = tpu.memref_squeeze %dma_start3A_129 : memref<1x40x128xf32, #tpu.memory_space<vmem>> -> memref<40x128xf32, #tpu.memory_space<vmem>>
        %dma_start3A_131 = arith.constant 0 : i32
        %dma_start3A_132 = tpu.memref_slice %arg11[%mul3A_120, %dma_start3A_131] : memref<5008x128xf32, #tpu.memory_space<vmem_shared>> -> memref<40x128xf32, #tpu.memory_space<vmem_shared>>
        %dma_start3A_133 = arith.constant 0 : i32
        %dma_start3A_134 = arith.constant 0 : i32
        %dma_start3A_135 = tpu.memref_slice %arg10[%run_scoped3A, %dma_start3A_133, %dma_start3A_134] : memref<2x40x128xf32, #tpu.memory_space<vmem>> -> memref<1x40x128xf32, #tpu.memory_space<vmem>>
        %dma_start3A_136 = tpu.memref_squeeze %dma_start3A_135 : memref<1x40x128xf32, #tpu.memory_space<vmem>> -> memref<40x128xf32, #tpu.memory_space<vmem>>
        %dma_start3A_137 = arith.constant 0 : i32
        %dma_start3A_138 = tpu.memref_slice %arg11[%mul3A_120, %dma_start3A_137] : memref<5008x128xf32, #tpu.memory_space<vmem_shared>> -> memref<40x128xf32, #tpu.memory_space<vmem_shared>>
        tpu.enqueue_dma source(%dma_start3A_138 : memref<40x128xf32, #tpu.memory_space<vmem_shared>>) target(%dma_start3A_136 : memref<40x128xf32, #tpu.memory_space<vmem>>) target_semaphore(%run_scoped3A_127 : memref<!tpu.dma_semaphore, #tpu.memory_space<semaphore_mem>>)
        %dma_wait3A = arith.constant 0 : i32
        %dma_wait3A_139 = arith.constant 0 : i32
        %dma_wait3A_140 = tpu.memref_slice %arg10[%run_scoped3A, %dma_wait3A, %dma_wait3A_139] : memref<2x40x128xf32, #tpu.memory_space<vmem>> -> memref<1x40x128xf32, #tpu.memory_space<vmem>>
        %dma_wait3A_141 = tpu.memref_squeeze %dma_wait3A_140 : memref<1x40x128xf32, #tpu.memory_space<vmem>> -> memref<40x128xf32, #tpu.memory_space<vmem>>
        %dma_wait3A_142 = arith.constant 0 : i32
        %dma_wait3A_143 = tpu.memref_slice %arg11[%mul3A_120, %dma_wait3A_142] : memref<5008x128xf32, #tpu.memory_space<vmem_shared>> -> memref<40x128xf32, #tpu.memory_space<vmem_shared>>
        %dma_wait3A_144 = arith.constant 0 : i32
        %dma_wait3A_145 = arith.constant 0 : i32
        %dma_wait3A_146 = tpu.memref_slice %arg10[%run_scoped3A, %dma_wait3A_144, %dma_wait3A_145] : memref<2x40x128xf32, #tpu.memory_space<vmem>> -> memref<1x40x128xf32, #tpu.memory_space<vmem>>
        %dma_wait3A_147 = tpu.memref_squeeze %dma_wait3A_146 : memref<1x40x128xf32, #tpu.memory_space<vmem>> -> memref<40x128xf32, #tpu.memory_space<vmem>>
        %dma_wait3A_148 = arith.constant 0 : i32
        %dma_wait3A_149 = tpu.memref_slice %arg11[%mul3A_120, %dma_wait3A_148] : memref<5008x128xf32, #tpu.memory_space<vmem_shared>> -> memref<40x128xf32, #tpu.memory_space<vmem_shared>>
        tpu.wait_dma2 semaphore(%run_scoped3A_127 : memref<!tpu.dma_semaphore, #tpu.memory_space<semaphore_mem>>) src(%dma_wait3A_149 : memref<40x128xf32, #tpu.memory_space<vmem_shared>>) dst(%dma_wait3A_147 : memref<40x128xf32, #tpu.memory_space<vmem>>)
        tpu.yield
      }) : () -> ()
      %mul3A_121 = arith.constant 5000 : i32
      %mul3A_122 = arith.muli %arg0, %mul3A_121 : i32
      %mul3A_123 = arith.constant 40 : i32
      %mul3A_124 = arith.muli %add3A_78, %mul3A_123 : i32
      %add3A_125 = arith.addi %mul3A_122, %mul3A_124 : i32
      %run_scoped3A_126 = arith.constant 0 : i32
      "tpu.region"() ({
        %run_scoped3A_127 = tpu.sem_alloc : memref<!tpu.dma_semaphore, #tpu.memory_space<semaphore_mem>>
        %dma_start3A = arith.constant 0 : i32
        %dma_start3A_128 = arith.constant 0 : i32
        %dma_start3A_129 = tpu.memref_slice %arg10[%run_scoped3A_126, %dma_start3A, %dma_start3A_128] : memref<2x40x128xf32, #tpu.memory_space<vmem>> -> memref<1x40x128xf32, #tpu.memory_space<vmem>>
        %dma_start3A_130 = tpu.memref_squeeze %dma_start3A_129 : memref<1x40x128xf32, #tpu.memory_space<vmem>> -> memref<40x128xf32, #tpu.memory_space<vmem>>
        %dma_start3A_131 = arith.constant 0 : i32
        %dma_start3A_132 = tpu.memref_slice %arg5[%add3A_125, %dma_start3A_131] : memref<10000x128xf32, #tpu.memory_space<hbm>> -> memref<40x128xf32, #tpu.memory_space<hbm>>
        %dma_start3A_133 = arith.constant 0 : i32
        %dma_start3A_134 = tpu.memref_slice %arg5[%add3A_125, %dma_start3A_133] : memref<10000x128xf32, #tpu.memory_space<hbm>> -> memref<40x128xf32, #tpu.memory_space<hbm>>
        %dma_start3A_135 = arith.constant 0 : i32
        %dma_start3A_136 = arith.constant 0 : i32
        %dma_start3A_137 = tpu.memref_slice %arg10[%run_scoped3A_126, %dma_start3A_135, %dma_start3A_136] : memref<2x40x128xf32, #tpu.memory_space<vmem>> -> memref<1x40x128xf32, #tpu.memory_space<vmem>>
        %dma_start3A_138 = tpu.memref_squeeze %dma_start3A_137 : memref<1x40x128xf32, #tpu.memory_space<vmem>> -> memref<40x128xf32, #tpu.memory_space<vmem>>
        tpu.enqueue_dma source(%dma_start3A_138 : memref<40x128xf32, #tpu.memory_space<vmem>>) target(%dma_start3A_134 : memref<40x128xf32, #tpu.memory_space<hbm>>) target_semaphore(%run_scoped3A_127 : memref<!tpu.dma_semaphore, #tpu.memory_space<semaphore_mem>>)
        %dma_wait3A = arith.constant 0 : i32
        %dma_wait3A_139 = arith.constant 0 : i32
        %dma_wait3A_140 = tpu.memref_slice %arg10[%run_scoped3A_126, %dma_wait3A, %dma_wait3A_139] : memref<2x40x128xf32, #tpu.memory_space<vmem>> -> memref<1x40x128xf32, #tpu.memory_space<vmem>>
        %dma_wait3A_141 = tpu.memref_squeeze %dma_wait3A_140 : memref<1x40x128xf32, #tpu.memory_space<vmem>> -> memref<40x128xf32, #tpu.memory_space<vmem>>
        %dma_wait3A_142 = arith.constant 0 : i32
        %dma_wait3A_143 = tpu.memref_slice %arg5[%add3A_125, %dma_wait3A_142] : memref<10000x128xf32, #tpu.memory_space<hbm>> -> memref<40x128xf32, #tpu.memory_space<hbm>>
        %dma_wait3A_144 = arith.constant 0 : i32
        %dma_wait3A_145 = tpu.memref_slice %arg5[%add3A_125, %dma_wait3A_144] : memref<10000x128xf32, #tpu.memory_space<hbm>> -> memref<40x128xf32, #tpu.memory_space<hbm>>
        %dma_wait3A_146 = arith.constant 0 : i32
        %dma_wait3A_147 = arith.constant 0 : i32
        %dma_wait3A_148 = tpu.memref_slice %arg10[%run_scoped3A_126, %dma_wait3A_146, %dma_wait3A_147] : memref<2x40x128xf32, #tpu.memory_space<vmem>> -> memref<1x40x128xf32, #tpu.memory_space<vmem>>
        %dma_wait3A_149 = tpu.memref_squeeze %dma_wait3A_148 : memref<1x40x128xf32, #tpu.memory_space<vmem>> -> memref<40x128xf32, #tpu.memory_space<vmem>>
        tpu.wait_dma2 semaphore(%run_scoped3A_127 : memref<!tpu.dma_semaphore, #tpu.memory_space<semaphore_mem>>) src(%dma_wait3A_149 : memref<40x128xf32, #tpu.memory_space<vmem>>) dst(%dma_wait3A_145 : memref<40x128xf32, #tpu.memory_space<hbm>>)
        tpu.yield
      }) : () -> ()
    } else {
    }
    %add3A_84 = arith.constant 48 : i32
    %add3A_85 = arith.addi %arg1, %add3A_84 : i32
    %lt3A_86 = arith.constant 125 : i32
    %lt3A_87 = arith.cmpi slt, %add3A_85, %lt3A_86 : i32
    %convert_element_type3A_88 = arith.extui %lt3A_87 : i1 to i32
    %cond3A_89 = arith.constant 0 : i32
    %cond3A_90 = arith.cmpi ne, %convert_element_type3A_88, %cond3A_89 : i32
    scf.if %cond3A_90 {
      %mul3A_119 = arith.constant 40 : i32
      %mul3A_120 = arith.muli %add3A_85, %mul3A_119 : i32
      %run_scoped3A = arith.constant 0 : i32
      "tpu.region"() ({
        %run_scoped3A_127 = tpu.sem_alloc : memref<!tpu.dma_semaphore, #tpu.memory_space<semaphore_mem>>
        %dma_start3A = arith.constant 0 : i32
        %dma_start3A_128 = arith.constant 0 : i32
        %dma_start3A_129 = tpu.memref_slice %arg10[%run_scoped3A, %dma_start3A, %dma_start3A_128] : memref<2x40x128xf32, #tpu.memory_space<vmem>> -> memref<1x40x128xf32, #tpu.memory_space<vmem>>
        %dma_start3A_130 = tpu.memref_squeeze %dma_start3A_129 : memref<1x40x128xf32, #tpu.memory_space<vmem>> -> memref<40x128xf32, #tpu.memory_space<vmem>>
        %dma_start3A_131 = arith.constant 0 : i32
        %dma_start3A_132 = tpu.memref_slice %arg11[%mul3A_120, %dma_start3A_131] : memref<5008x128xf32, #tpu.memory_space<vmem_shared>> -> memref<40x128xf32, #tpu.memory_space<vmem_shared>>
        %dma_start3A_133 = arith.constant 0 : i32
        %dma_start3A_134 = arith.constant 0 : i32
        %dma_start3A_135 = tpu.memref_slice %arg10[%run_scoped3A, %dma_start3A_133, %dma_start3A_134] : memref<2x40x128xf32, #tpu.memory_space<vmem>> -> memref<1x40x128xf32, #tpu.memory_space<vmem>>
        %dma_start3A_136 = tpu.memref_squeeze %dma_start3A_135 : memref<1x40x128xf32, #tpu.memory_space<vmem>> -> memref<40x128xf32, #tpu.memory_space<vmem>>
        %dma_start3A_137 = arith.constant 0 : i32
        %dma_start3A_138 = tpu.memref_slice %arg11[%mul3A_120, %dma_start3A_137] : memref<5008x128xf32, #tpu.memory_space<vmem_shared>> -> memref<40x128xf32, #tpu.memory_space<vmem_shared>>
        tpu.enqueue_dma source(%dma_start3A_138 : memref<40x128xf32, #tpu.memory_space<vmem_shared>>) target(%dma_start3A_136 : memref<40x128xf32, #tpu.memory_space<vmem>>) target_semaphore(%run_scoped3A_127 : memref<!tpu.dma_semaphore, #tpu.memory_space<semaphore_mem>>)
        %dma_wait3A = arith.constant 0 : i32
        %dma_wait3A_139 = arith.constant 0 : i32
        %dma_wait3A_140 = tpu.memref_slice %arg10[%run_scoped3A, %dma_wait3A, %dma_wait3A_139] : memref<2x40x128xf32, #tpu.memory_space<vmem>> -> memref<1x40x128xf32, #tpu.memory_space<vmem>>
        %dma_wait3A_141 = tpu.memref_squeeze %dma_wait3A_140 : memref<1x40x128xf32, #tpu.memory_space<vmem>> -> memref<40x128xf32, #tpu.memory_space<vmem>>
        %dma_wait3A_142 = arith.constant 0 : i32
        %dma_wait3A_143 = tpu.memref_slice %arg11[%mul3A_120, %dma_wait3A_142] : memref<5008x128xf32, #tpu.memory_space<vmem_shared>> -> memref<40x128xf32, #tpu.memory_space<vmem_shared>>
        %dma_wait3A_144 = arith.constant 0 : i32
        %dma_wait3A_145 = arith.constant 0 : i32
        %dma_wait3A_146 = tpu.memref_slice %arg10[%run_scoped3A, %dma_wait3A_144, %dma_wait3A_145] : memref<2x40x128xf32, #tpu.memory_space<vmem>> -> memref<1x40x128xf32, #tpu.memory_space<vmem>>
        %dma_wait3A_147 = tpu.memref_squeeze %dma_wait3A_146 : memref<1x40x128xf32, #tpu.memory_space<vmem>> -> memref<40x128xf32, #tpu.memory_space<vmem>>
        %dma_wait3A_148 = arith.constant 0 : i32
        %dma_wait3A_149 = tpu.memref_slice %arg11[%mul3A_120, %dma_wait3A_148] : memref<5008x128xf32, #tpu.memory_space<vmem_shared>> -> memref<40x128xf32, #tpu.memory_space<vmem_shared>>
        tpu.wait_dma2 semaphore(%run_scoped3A_127 : memref<!tpu.dma_semaphore, #tpu.memory_space<semaphore_mem>>) src(%dma_wait3A_149 : memref<40x128xf32, #tpu.memory_space<vmem_shared>>) dst(%dma_wait3A_147 : memref<40x128xf32, #tpu.memory_space<vmem>>)
        tpu.yield
      }) : () -> ()
      %mul3A_121 = arith.constant 5000 : i32
      %mul3A_122 = arith.muli %arg0, %mul3A_121 : i32
      %mul3A_123 = arith.constant 40 : i32
      %mul3A_124 = arith.muli %add3A_85, %mul3A_123 : i32
      %add3A_125 = arith.addi %mul3A_122, %mul3A_124 : i32
      %run_scoped3A_126 = arith.constant 0 : i32
      "tpu.region"() ({
        %run_scoped3A_127 = tpu.sem_alloc : memref<!tpu.dma_semaphore, #tpu.memory_space<semaphore_mem>>
        %dma_start3A = arith.constant 0 : i32
        %dma_start3A_128 = arith.constant 0 : i32
        %dma_start3A_129 = tpu.memref_slice %arg10[%run_scoped3A_126, %dma_start3A, %dma_start3A_128] : memref<2x40x128xf32, #tpu.memory_space<vmem>> -> memref<1x40x128xf32, #tpu.memory_space<vmem>>
        %dma_start3A_130 = tpu.memref_squeeze %dma_start3A_129 : memref<1x40x128xf32, #tpu.memory_space<vmem>> -> memref<40x128xf32, #tpu.memory_space<vmem>>
        %dma_start3A_131 = arith.constant 0 : i32
        %dma_start3A_132 = tpu.memref_slice %arg5[%add3A_125, %dma_start3A_131] : memref<10000x128xf32, #tpu.memory_space<hbm>> -> memref<40x128xf32, #tpu.memory_space<hbm>>
        %dma_start3A_133 = arith.constant 0 : i32
        %dma_start3A_134 = tpu.memref_slice %arg5[%add3A_125, %dma_start3A_133] : memref<10000x128xf32, #tpu.memory_space<hbm>> -> memref<40x128xf32, #tpu.memory_space<hbm>>
        %dma_start3A_135 = arith.constant 0 : i32
        %dma_start3A_136 = arith.constant 0 : i32
        %dma_start3A_137 = tpu.memref_slice %arg10[%run_scoped3A_126, %dma_start3A_135, %dma_start3A_136] : memref<2x40x128xf32, #tpu.memory_space<vmem>> -> memref<1x40x128xf32, #tpu.memory_space<vmem>>
        %dma_start3A_138 = tpu.memref_squeeze %dma_start3A_137 : memref<1x40x128xf32, #tpu.memory_space<vmem>> -> memref<40x128xf32, #tpu.memory_space<vmem>>
        tpu.enqueue_dma source(%dma_start3A_138 : memref<40x128xf32, #tpu.memory_space<vmem>>) target(%dma_start3A_134 : memref<40x128xf32, #tpu.memory_space<hbm>>) target_semaphore(%run_scoped3A_127 : memref<!tpu.dma_semaphore, #tpu.memory_space<semaphore_mem>>)
        %dma_wait3A = arith.constant 0 : i32
        %dma_wait3A_139 = arith.constant 0 : i32
        %dma_wait3A_140 = tpu.memref_slice %arg10[%run_scoped3A_126, %dma_wait3A, %dma_wait3A_139] : memref<2x40x128xf32, #tpu.memory_space<vmem>> -> memref<1x40x128xf32, #tpu.memory_space<vmem>>
        %dma_wait3A_141 = tpu.memref_squeeze %dma_wait3A_140 : memref<1x40x128xf32, #tpu.memory_space<vmem>> -> memref<40x128xf32, #tpu.memory_space<vmem>>
        %dma_wait3A_142 = arith.constant 0 : i32
        %dma_wait3A_143 = tpu.memref_slice %arg5[%add3A_125, %dma_wait3A_142] : memref<10000x128xf32, #tpu.memory_space<hbm>> -> memref<40x128xf32, #tpu.memory_space<hbm>>
        %dma_wait3A_144 = arith.constant 0 : i32
        %dma_wait3A_145 = tpu.memref_slice %arg5[%add3A_125, %dma_wait3A_144] : memref<10000x128xf32, #tpu.memory_space<hbm>> -> memref<40x128xf32, #tpu.memory_space<hbm>>
        %dma_wait3A_146 = arith.constant 0 : i32
        %dma_wait3A_147 = arith.constant 0 : i32
        %dma_wait3A_148 = tpu.memref_slice %arg10[%run_scoped3A_126, %dma_wait3A_146, %dma_wait3A_147] : memref<2x40x128xf32, #tpu.memory_space<vmem>> -> memref<1x40x128xf32, #tpu.memory_space<vmem>>
        %dma_wait3A_149 = tpu.memref_squeeze %dma_wait3A_148 : memref<1x40x128xf32, #tpu.memory_space<vmem>> -> memref<40x128xf32, #tpu.memory_space<vmem>>
        tpu.wait_dma2 semaphore(%run_scoped3A_127 : memref<!tpu.dma_semaphore, #tpu.memory_space<semaphore_mem>>) src(%dma_wait3A_149 : memref<40x128xf32, #tpu.memory_space<vmem>>) dst(%dma_wait3A_145 : memref<40x128xf32, #tpu.memory_space<hbm>>)
        tpu.yield
      }) : () -> ()
    } else {
    }
    %add3A_91 = arith.constant 64 : i32
    %add3A_92 = arith.addi %arg1, %add3A_91 : i32
    %lt3A_93 = arith.constant 125 : i32
    %lt3A_94 = arith.cmpi slt, %add3A_92, %lt3A_93 : i32
    %convert_element_type3A_95 = arith.extui %lt3A_94 : i1 to i32
    %cond3A_96 = arith.constant 0 : i32
    %cond3A_97 = arith.cmpi ne, %convert_element_type3A_95, %cond3A_96 : i32
    scf.if %cond3A_97 {
      %mul3A_119 = arith.constant 40 : i32
      %mul3A_120 = arith.muli %add3A_92, %mul3A_119 : i32
      %run_scoped3A = arith.constant 0 : i32
      "tpu.region"() ({
        %run_scoped3A_127 = tpu.sem_alloc : memref<!tpu.dma_semaphore, #tpu.memory_space<semaphore_mem>>
        %dma_start3A = arith.constant 0 : i32
        %dma_start3A_128 = arith.constant 0 : i32
        %dma_start3A_129 = tpu.memref_slice %arg10[%run_scoped3A, %dma_start3A, %dma_start3A_128] : memref<2x40x128xf32, #tpu.memory_space<vmem>> -> memref<1x40x128xf32, #tpu.memory_space<vmem>>
        %dma_start3A_130 = tpu.memref_squeeze %dma_start3A_129 : memref<1x40x128xf32, #tpu.memory_space<vmem>> -> memref<40x128xf32, #tpu.memory_space<vmem>>
        %dma_start3A_131 = arith.constant 0 : i32
        %dma_start3A_132 = tpu.memref_slice %arg11[%mul3A_120, %dma_start3A_131] : memref<5008x128xf32, #tpu.memory_space<vmem_shared>> -> memref<40x128xf32, #tpu.memory_space<vmem_shared>>
        %dma_start3A_133 = arith.constant 0 : i32
        %dma_start3A_134 = arith.constant 0 : i32
        %dma_start3A_135 = tpu.memref_slice %arg10[%run_scoped3A, %dma_start3A_133, %dma_start3A_134] : memref<2x40x128xf32, #tpu.memory_space<vmem>> -> memref<1x40x128xf32, #tpu.memory_space<vmem>>
        %dma_start3A_136 = tpu.memref_squeeze %dma_start3A_135 : memref<1x40x128xf32, #tpu.memory_space<vmem>> -> memref<40x128xf32, #tpu.memory_space<vmem>>
        %dma_start3A_137 = arith.constant 0 : i32
        %dma_start3A_138 = tpu.memref_slice %arg11[%mul3A_120, %dma_start3A_137] : memref<5008x128xf32, #tpu.memory_space<vmem_shared>> -> memref<40x128xf32, #tpu.memory_space<vmem_shared>>
        tpu.enqueue_dma source(%dma_start3A_138 : memref<40x128xf32, #tpu.memory_space<vmem_shared>>) target(%dma_start3A_136 : memref<40x128xf32, #tpu.memory_space<vmem>>) target_semaphore(%run_scoped3A_127 : memref<!tpu.dma_semaphore, #tpu.memory_space<semaphore_mem>>)
        %dma_wait3A = arith.constant 0 : i32
        %dma_wait3A_139 = arith.constant 0 : i32
        %dma_wait3A_140 = tpu.memref_slice %arg10[%run_scoped3A, %dma_wait3A, %dma_wait3A_139] : memref<2x40x128xf32, #tpu.memory_space<vmem>> -> memref<1x40x128xf32, #tpu.memory_space<vmem>>
        %dma_wait3A_141 = tpu.memref_squeeze %dma_wait3A_140 : memref<1x40x128xf32, #tpu.memory_space<vmem>> -> memref<40x128xf32, #tpu.memory_space<vmem>>
        %dma_wait3A_142 = arith.constant 0 : i32
        %dma_wait3A_143 = tpu.memref_slice %arg11[%mul3A_120, %dma_wait3A_142] : memref<5008x128xf32, #tpu.memory_space<vmem_shared>> -> memref<40x128xf32, #tpu.memory_space<vmem_shared>>
        %dma_wait3A_144 = arith.constant 0 : i32
        %dma_wait3A_145 = arith.constant 0 : i32
        %dma_wait3A_146 = tpu.memref_slice %arg10[%run_scoped3A, %dma_wait3A_144, %dma_wait3A_145] : memref<2x40x128xf32, #tpu.memory_space<vmem>> -> memref<1x40x128xf32, #tpu.memory_space<vmem>>
        %dma_wait3A_147 = tpu.memref_squeeze %dma_wait3A_146 : memref<1x40x128xf32, #tpu.memory_space<vmem>> -> memref<40x128xf32, #tpu.memory_space<vmem>>
        %dma_wait3A_148 = arith.constant 0 : i32
        %dma_wait3A_149 = tpu.memref_slice %arg11[%mul3A_120, %dma_wait3A_148] : memref<5008x128xf32, #tpu.memory_space<vmem_shared>> -> memref<40x128xf32, #tpu.memory_space<vmem_shared>>
        tpu.wait_dma2 semaphore(%run_scoped3A_127 : memref<!tpu.dma_semaphore, #tpu.memory_space<semaphore_mem>>) src(%dma_wait3A_149 : memref<40x128xf32, #tpu.memory_space<vmem_shared>>) dst(%dma_wait3A_147 : memref<40x128xf32, #tpu.memory_space<vmem>>)
        tpu.yield
      }) : () -> ()
      %mul3A_121 = arith.constant 5000 : i32
      %mul3A_122 = arith.muli %arg0, %mul3A_121 : i32
      %mul3A_123 = arith.constant 40 : i32
      %mul3A_124 = arith.muli %add3A_92, %mul3A_123 : i32
      %add3A_125 = arith.addi %mul3A_122, %mul3A_124 : i32
      %run_scoped3A_126 = arith.constant 0 : i32
      "tpu.region"() ({
        %run_scoped3A_127 = tpu.sem_alloc : memref<!tpu.dma_semaphore, #tpu.memory_space<semaphore_mem>>
        %dma_start3A = arith.constant 0 : i32
        %dma_start3A_128 = arith.constant 0 : i32
        %dma_start3A_129 = tpu.memref_slice %arg10[%run_scoped3A_126, %dma_start3A, %dma_start3A_128] : memref<2x40x128xf32, #tpu.memory_space<vmem>> -> memref<1x40x128xf32, #tpu.memory_space<vmem>>
        %dma_start3A_130 = tpu.memref_squeeze %dma_start3A_129 : memref<1x40x128xf32, #tpu.memory_space<vmem>> -> memref<40x128xf32, #tpu.memory_space<vmem>>
        %dma_start3A_131 = arith.constant 0 : i32
        %dma_start3A_132 = tpu.memref_slice %arg5[%add3A_125, %dma_start3A_131] : memref<10000x128xf32, #tpu.memory_space<hbm>> -> memref<40x128xf32, #tpu.memory_space<hbm>>
        %dma_start3A_133 = arith.constant 0 : i32
        %dma_start3A_134 = tpu.memref_slice %arg5[%add3A_125, %dma_start3A_133] : memref<10000x128xf32, #tpu.memory_space<hbm>> -> memref<40x128xf32, #tpu.memory_space<hbm>>
        %dma_start3A_135 = arith.constant 0 : i32
        %dma_start3A_136 = arith.constant 0 : i32
        %dma_start3A_137 = tpu.memref_slice %arg10[%run_scoped3A_126, %dma_start3A_135, %dma_start3A_136] : memref<2x40x128xf32, #tpu.memory_space<vmem>> -> memref<1x40x128xf32, #tpu.memory_space<vmem>>
        %dma_start3A_138 = tpu.memref_squeeze %dma_start3A_137 : memref<1x40x128xf32, #tpu.memory_space<vmem>> -> memref<40x128xf32, #tpu.memory_space<vmem>>
        tpu.enqueue_dma source(%dma_start3A_138 : memref<40x128xf32, #tpu.memory_space<vmem>>) target(%dma_start3A_134 : memref<40x128xf32, #tpu.memory_space<hbm>>) target_semaphore(%run_scoped3A_127 : memref<!tpu.dma_semaphore, #tpu.memory_space<semaphore_mem>>)
        %dma_wait3A = arith.constant 0 : i32
        %dma_wait3A_139 = arith.constant 0 : i32
        %dma_wait3A_140 = tpu.memref_slice %arg10[%run_scoped3A_126, %dma_wait3A, %dma_wait3A_139] : memref<2x40x128xf32, #tpu.memory_space<vmem>> -> memref<1x40x128xf32, #tpu.memory_space<vmem>>
        %dma_wait3A_141 = tpu.memref_squeeze %dma_wait3A_140 : memref<1x40x128xf32, #tpu.memory_space<vmem>> -> memref<40x128xf32, #tpu.memory_space<vmem>>
        %dma_wait3A_142 = arith.constant 0 : i32
        %dma_wait3A_143 = tpu.memref_slice %arg5[%add3A_125, %dma_wait3A_142] : memref<10000x128xf32, #tpu.memory_space<hbm>> -> memref<40x128xf32, #tpu.memory_space<hbm>>
        %dma_wait3A_144 = arith.constant 0 : i32
        %dma_wait3A_145 = tpu.memref_slice %arg5[%add3A_125, %dma_wait3A_144] : memref<10000x128xf32, #tpu.memory_space<hbm>> -> memref<40x128xf32, #tpu.memory_space<hbm>>
        %dma_wait3A_146 = arith.constant 0 : i32
        %dma_wait3A_147 = arith.constant 0 : i32
        %dma_wait3A_148 = tpu.memref_slice %arg10[%run_scoped3A_126, %dma_wait3A_146, %dma_wait3A_147] : memref<2x40x128xf32, #tpu.memory_space<vmem>> -> memref<1x40x128xf32, #tpu.memory_space<vmem>>
        %dma_wait3A_149 = tpu.memref_squeeze %dma_wait3A_148 : memref<1x40x128xf32, #tpu.memory_space<vmem>> -> memref<40x128xf32, #tpu.memory_space<vmem>>
        tpu.wait_dma2 semaphore(%run_scoped3A_127 : memref<!tpu.dma_semaphore, #tpu.memory_space<semaphore_mem>>) src(%dma_wait3A_149 : memref<40x128xf32, #tpu.memory_space<vmem>>) dst(%dma_wait3A_145 : memref<40x128xf32, #tpu.memory_space<hbm>>)
        tpu.yield
      }) : () -> ()
    } else {
    }
    %add3A_98 = arith.constant 80 : i32
    %add3A_99 = arith.addi %arg1, %add3A_98 : i32
    %lt3A_100 = arith.constant 125 : i32
    %lt3A_101 = arith.cmpi slt, %add3A_99, %lt3A_100 : i32
    %convert_element_type3A_102 = arith.extui %lt3A_101 : i1 to i32
    %cond3A_103 = arith.constant 0 : i32
    %cond3A_104 = arith.cmpi ne, %convert_element_type3A_102, %cond3A_103 : i32
    scf.if %cond3A_104 {
      %mul3A_119 = arith.constant 40 : i32
      %mul3A_120 = arith.muli %add3A_99, %mul3A_119 : i32
      %run_scoped3A = arith.constant 0 : i32
      "tpu.region"() ({
        %run_scoped3A_127 = tpu.sem_alloc : memref<!tpu.dma_semaphore, #tpu.memory_space<semaphore_mem>>
        %dma_start3A = arith.constant 0 : i32
        %dma_start3A_128 = arith.constant 0 : i32
        %dma_start3A_129 = tpu.memref_slice %arg10[%run_scoped3A, %dma_start3A, %dma_start3A_128] : memref<2x40x128xf32, #tpu.memory_space<vmem>> -> memref<1x40x128xf32, #tpu.memory_space<vmem>>
        %dma_start3A_130 = tpu.memref_squeeze %dma_start3A_129 : memref<1x40x128xf32, #tpu.memory_space<vmem>> -> memref<40x128xf32, #tpu.memory_space<vmem>>
        %dma_start3A_131 = arith.constant 0 : i32
        %dma_start3A_132 = tpu.memref_slice %arg11[%mul3A_120, %dma_start3A_131] : memref<5008x128xf32, #tpu.memory_space<vmem_shared>> -> memref<40x128xf32, #tpu.memory_space<vmem_shared>>
        %dma_start3A_133 = arith.constant 0 : i32
        %dma_start3A_134 = arith.constant 0 : i32
        %dma_start3A_135 = tpu.memref_slice %arg10[%run_scoped3A, %dma_start3A_133, %dma_start3A_134] : memref<2x40x128xf32, #tpu.memory_space<vmem>> -> memref<1x40x128xf32, #tpu.memory_space<vmem>>
        %dma_start3A_136 = tpu.memref_squeeze %dma_start3A_135 : memref<1x40x128xf32, #tpu.memory_space<vmem>> -> memref<40x128xf32, #tpu.memory_space<vmem>>
        %dma_start3A_137 = arith.constant 0 : i32
        %dma_start3A_138 = tpu.memref_slice %arg11[%mul3A_120, %dma_start3A_137] : memref<5008x128xf32, #tpu.memory_space<vmem_shared>> -> memref<40x128xf32, #tpu.memory_space<vmem_shared>>
        tpu.enqueue_dma source(%dma_start3A_138 : memref<40x128xf32, #tpu.memory_space<vmem_shared>>) target(%dma_start3A_136 : memref<40x128xf32, #tpu.memory_space<vmem>>) target_semaphore(%run_scoped3A_127 : memref<!tpu.dma_semaphore, #tpu.memory_space<semaphore_mem>>)
        %dma_wait3A = arith.constant 0 : i32
        %dma_wait3A_139 = arith.constant 0 : i32
        %dma_wait3A_140 = tpu.memref_slice %arg10[%run_scoped3A, %dma_wait3A, %dma_wait3A_139] : memref<2x40x128xf32, #tpu.memory_space<vmem>> -> memref<1x40x128xf32, #tpu.memory_space<vmem>>
        %dma_wait3A_141 = tpu.memref_squeeze %dma_wait3A_140 : memref<1x40x128xf32, #tpu.memory_space<vmem>> -> memref<40x128xf32, #tpu.memory_space<vmem>>
        %dma_wait3A_142 = arith.constant 0 : i32
        %dma_wait3A_143 = tpu.memref_slice %arg11[%mul3A_120, %dma_wait3A_142] : memref<5008x128xf32, #tpu.memory_space<vmem_shared>> -> memref<40x128xf32, #tpu.memory_space<vmem_shared>>
        %dma_wait3A_144 = arith.constant 0 : i32
        %dma_wait3A_145 = arith.constant 0 : i32
        %dma_wait3A_146 = tpu.memref_slice %arg10[%run_scoped3A, %dma_wait3A_144, %dma_wait3A_145] : memref<2x40x128xf32, #tpu.memory_space<vmem>> -> memref<1x40x128xf32, #tpu.memory_space<vmem>>
        %dma_wait3A_147 = tpu.memref_squeeze %dma_wait3A_146 : memref<1x40x128xf32, #tpu.memory_space<vmem>> -> memref<40x128xf32, #tpu.memory_space<vmem>>
        %dma_wait3A_148 = arith.constant 0 : i32
        %dma_wait3A_149 = tpu.memref_slice %arg11[%mul3A_120, %dma_wait3A_148] : memref<5008x128xf32, #tpu.memory_space<vmem_shared>> -> memref<40x128xf32, #tpu.memory_space<vmem_shared>>
        tpu.wait_dma2 semaphore(%run_scoped3A_127 : memref<!tpu.dma_semaphore, #tpu.memory_space<semaphore_mem>>) src(%dma_wait3A_149 : memref<40x128xf32, #tpu.memory_space<vmem_shared>>) dst(%dma_wait3A_147 : memref<40x128xf32, #tpu.memory_space<vmem>>)
        tpu.yield
      }) : () -> ()
      %mul3A_121 = arith.constant 5000 : i32
      %mul3A_122 = arith.muli %arg0, %mul3A_121 : i32
      %mul3A_123 = arith.constant 40 : i32
      %mul3A_124 = arith.muli %add3A_99, %mul3A_123 : i32
      %add3A_125 = arith.addi %mul3A_122, %mul3A_124 : i32
      %run_scoped3A_126 = arith.constant 0 : i32
      "tpu.region"() ({
        %run_scoped3A_127 = tpu.sem_alloc : memref<!tpu.dma_semaphore, #tpu.memory_space<semaphore_mem>>
        %dma_start3A = arith.constant 0 : i32
        %dma_start3A_128 = arith.constant 0 : i32
        %dma_start3A_129 = tpu.memref_slice %arg10[%run_scoped3A_126, %dma_start3A, %dma_start3A_128] : memref<2x40x128xf32, #tpu.memory_space<vmem>> -> memref<1x40x128xf32, #tpu.memory_space<vmem>>
        %dma_start3A_130 = tpu.memref_squeeze %dma_start3A_129 : memref<1x40x128xf32, #tpu.memory_space<vmem>> -> memref<40x128xf32, #tpu.memory_space<vmem>>
        %dma_start3A_131 = arith.constant 0 : i32
        %dma_start3A_132 = tpu.memref_slice %arg5[%add3A_125, %dma_start3A_131] : memref<10000x128xf32, #tpu.memory_space<hbm>> -> memref<40x128xf32, #tpu.memory_space<hbm>>
        %dma_start3A_133 = arith.constant 0 : i32
        %dma_start3A_134 = tpu.memref_slice %arg5[%add3A_125, %dma_start3A_133] : memref<10000x128xf32, #tpu.memory_space<hbm>> -> memref<40x128xf32, #tpu.memory_space<hbm>>
        %dma_start3A_135 = arith.constant 0 : i32
        %dma_start3A_136 = arith.constant 0 : i32
        %dma_start3A_137 = tpu.memref_slice %arg10[%run_scoped3A_126, %dma_start3A_135, %dma_start3A_136] : memref<2x40x128xf32, #tpu.memory_space<vmem>> -> memref<1x40x128xf32, #tpu.memory_space<vmem>>
        %dma_start3A_138 = tpu.memref_squeeze %dma_start3A_137 : memref<1x40x128xf32, #tpu.memory_space<vmem>> -> memref<40x128xf32, #tpu.memory_space<vmem>>
        tpu.enqueue_dma source(%dma_start3A_138 : memref<40x128xf32, #tpu.memory_space<vmem>>) target(%dma_start3A_134 : memref<40x128xf32, #tpu.memory_space<hbm>>) target_semaphore(%run_scoped3A_127 : memref<!tpu.dma_semaphore, #tpu.memory_space<semaphore_mem>>)
        %dma_wait3A = arith.constant 0 : i32
        %dma_wait3A_139 = arith.constant 0 : i32
        %dma_wait3A_140 = tpu.memref_slice %arg10[%run_scoped3A_126, %dma_wait3A, %dma_wait3A_139] : memref<2x40x128xf32, #tpu.memory_space<vmem>> -> memref<1x40x128xf32, #tpu.memory_space<vmem>>
        %dma_wait3A_141 = tpu.memref_squeeze %dma_wait3A_140 : memref<1x40x128xf32, #tpu.memory_space<vmem>> -> memref<40x128xf32, #tpu.memory_space<vmem>>
        %dma_wait3A_142 = arith.constant 0 : i32
        %dma_wait3A_143 = tpu.memref_slice %arg5[%add3A_125, %dma_wait3A_142] : memref<10000x128xf32, #tpu.memory_space<hbm>> -> memref<40x128xf32, #tpu.memory_space<hbm>>
        %dma_wait3A_144 = arith.constant 0 : i32
        %dma_wait3A_145 = tpu.memref_slice %arg5[%add3A_125, %dma_wait3A_144] : memref<10000x128xf32, #tpu.memory_space<hbm>> -> memref<40x128xf32, #tpu.memory_space<hbm>>
        %dma_wait3A_146 = arith.constant 0 : i32
        %dma_wait3A_147 = arith.constant 0 : i32
        %dma_wait3A_148 = tpu.memref_slice %arg10[%run_scoped3A_126, %dma_wait3A_146, %dma_wait3A_147] : memref<2x40x128xf32, #tpu.memory_space<vmem>> -> memref<1x40x128xf32, #tpu.memory_space<vmem>>
        %dma_wait3A_149 = tpu.memref_squeeze %dma_wait3A_148 : memref<1x40x128xf32, #tpu.memory_space<vmem>> -> memref<40x128xf32, #tpu.memory_space<vmem>>
        tpu.wait_dma2 semaphore(%run_scoped3A_127 : memref<!tpu.dma_semaphore, #tpu.memory_space<semaphore_mem>>) src(%dma_wait3A_149 : memref<40x128xf32, #tpu.memory_space<vmem>>) dst(%dma_wait3A_145 : memref<40x128xf32, #tpu.memory_space<hbm>>)
        tpu.yield
      }) : () -> ()
    } else {
    }
    %add3A_105 = arith.constant 96 : i32
    %add3A_106 = arith.addi %arg1, %add3A_105 : i32
    %lt3A_107 = arith.constant 125 : i32
    %lt3A_108 = arith.cmpi slt, %add3A_106, %lt3A_107 : i32
    %convert_element_type3A_109 = arith.extui %lt3A_108 : i1 to i32
    %cond3A_110 = arith.constant 0 : i32
    %cond3A_111 = arith.cmpi ne, %convert_element_type3A_109, %cond3A_110 : i32
    scf.if %cond3A_111 {
      %mul3A_119 = arith.constant 40 : i32
      %mul3A_120 = arith.muli %add3A_106, %mul3A_119 : i32
      %run_scoped3A = arith.constant 0 : i32
      "tpu.region"() ({
        %run_scoped3A_127 = tpu.sem_alloc : memref<!tpu.dma_semaphore, #tpu.memory_space<semaphore_mem>>
        %dma_start3A = arith.constant 0 : i32
        %dma_start3A_128 = arith.constant 0 : i32
        %dma_start3A_129 = tpu.memref_slice %arg10[%run_scoped3A, %dma_start3A, %dma_start3A_128] : memref<2x40x128xf32, #tpu.memory_space<vmem>> -> memref<1x40x128xf32, #tpu.memory_space<vmem>>
        %dma_start3A_130 = tpu.memref_squeeze %dma_start3A_129 : memref<1x40x128xf32, #tpu.memory_space<vmem>> -> memref<40x128xf32, #tpu.memory_space<vmem>>
        %dma_start3A_131 = arith.constant 0 : i32
        %dma_start3A_132 = tpu.memref_slice %arg11[%mul3A_120, %dma_start3A_131] : memref<5008x128xf32, #tpu.memory_space<vmem_shared>> -> memref<40x128xf32, #tpu.memory_space<vmem_shared>>
        %dma_start3A_133 = arith.constant 0 : i32
        %dma_start3A_134 = arith.constant 0 : i32
        %dma_start3A_135 = tpu.memref_slice %arg10[%run_scoped3A, %dma_start3A_133, %dma_start3A_134] : memref<2x40x128xf32, #tpu.memory_space<vmem>> -> memref<1x40x128xf32, #tpu.memory_space<vmem>>
        %dma_start3A_136 = tpu.memref_squeeze %dma_start3A_135 : memref<1x40x128xf32, #tpu.memory_space<vmem>> -> memref<40x128xf32, #tpu.memory_space<vmem>>
        %dma_start3A_137 = arith.constant 0 : i32
        %dma_start3A_138 = tpu.memref_slice %arg11[%mul3A_120, %dma_start3A_137] : memref<5008x128xf32, #tpu.memory_space<vmem_shared>> -> memref<40x128xf32, #tpu.memory_space<vmem_shared>>
        tpu.enqueue_dma source(%dma_start3A_138 : memref<40x128xf32, #tpu.memory_space<vmem_shared>>) target(%dma_start3A_136 : memref<40x128xf32, #tpu.memory_space<vmem>>) target_semaphore(%run_scoped3A_127 : memref<!tpu.dma_semaphore, #tpu.memory_space<semaphore_mem>>)
        %dma_wait3A = arith.constant 0 : i32
        %dma_wait3A_139 = arith.constant 0 : i32
        %dma_wait3A_140 = tpu.memref_slice %arg10[%run_scoped3A, %dma_wait3A, %dma_wait3A_139] : memref<2x40x128xf32, #tpu.memory_space<vmem>> -> memref<1x40x128xf32, #tpu.memory_space<vmem>>
        %dma_wait3A_141 = tpu.memref_squeeze %dma_wait3A_140 : memref<1x40x128xf32, #tpu.memory_space<vmem>> -> memref<40x128xf32, #tpu.memory_space<vmem>>
        %dma_wait3A_142 = arith.constant 0 : i32
        %dma_wait3A_143 = tpu.memref_slice %arg11[%mul3A_120, %dma_wait3A_142] : memref<5008x128xf32, #tpu.memory_space<vmem_shared>> -> memref<40x128xf32, #tpu.memory_space<vmem_shared>>
        %dma_wait3A_144 = arith.constant 0 : i32
        %dma_wait3A_145 = arith.constant 0 : i32
        %dma_wait3A_146 = tpu.memref_slice %arg10[%run_scoped3A, %dma_wait3A_144, %dma_wait3A_145] : memref<2x40x128xf32, #tpu.memory_space<vmem>> -> memref<1x40x128xf32, #tpu.memory_space<vmem>>
        %dma_wait3A_147 = tpu.memref_squeeze %dma_wait3A_146 : memref<1x40x128xf32, #tpu.memory_space<vmem>> -> memref<40x128xf32, #tpu.memory_space<vmem>>
        %dma_wait3A_148 = arith.constant 0 : i32
        %dma_wait3A_149 = tpu.memref_slice %arg11[%mul3A_120, %dma_wait3A_148] : memref<5008x128xf32, #tpu.memory_space<vmem_shared>> -> memref<40x128xf32, #tpu.memory_space<vmem_shared>>
        tpu.wait_dma2 semaphore(%run_scoped3A_127 : memref<!tpu.dma_semaphore, #tpu.memory_space<semaphore_mem>>) src(%dma_wait3A_149 : memref<40x128xf32, #tpu.memory_space<vmem_shared>>) dst(%dma_wait3A_147 : memref<40x128xf32, #tpu.memory_space<vmem>>)
        tpu.yield
      }) : () -> ()
      %mul3A_121 = arith.constant 5000 : i32
      %mul3A_122 = arith.muli %arg0, %mul3A_121 : i32
      %mul3A_123 = arith.constant 40 : i32
      %mul3A_124 = arith.muli %add3A_106, %mul3A_123 : i32
      %add3A_125 = arith.addi %mul3A_122, %mul3A_124 : i32
      %run_scoped3A_126 = arith.constant 0 : i32
      "tpu.region"() ({
        %run_scoped3A_127 = tpu.sem_alloc : memref<!tpu.dma_semaphore, #tpu.memory_space<semaphore_mem>>
        %dma_start3A = arith.constant 0 : i32
        %dma_start3A_128 = arith.constant 0 : i32
        %dma_start3A_129 = tpu.memref_slice %arg10[%run_scoped3A_126, %dma_start3A, %dma_start3A_128] : memref<2x40x128xf32, #tpu.memory_space<vmem>> -> memref<1x40x128xf32, #tpu.memory_space<vmem>>
        %dma_start3A_130 = tpu.memref_squeeze %dma_start3A_129 : memref<1x40x128xf32, #tpu.memory_space<vmem>> -> memref<40x128xf32, #tpu.memory_space<vmem>>
        %dma_start3A_131 = arith.constant 0 : i32
        %dma_start3A_132 = tpu.memref_slice %arg5[%add3A_125, %dma_start3A_131] : memref<10000x128xf32, #tpu.memory_space<hbm>> -> memref<40x128xf32, #tpu.memory_space<hbm>>
        %dma_start3A_133 = arith.constant 0 : i32
        %dma_start3A_134 = tpu.memref_slice %arg5[%add3A_125, %dma_start3A_133] : memref<10000x128xf32, #tpu.memory_space<hbm>> -> memref<40x128xf32, #tpu.memory_space<hbm>>
        %dma_start3A_135 = arith.constant 0 : i32
        %dma_start3A_136 = arith.constant 0 : i32
        %dma_start3A_137 = tpu.memref_slice %arg10[%run_scoped3A_126, %dma_start3A_135, %dma_start3A_136] : memref<2x40x128xf32, #tpu.memory_space<vmem>> -> memref<1x40x128xf32, #tpu.memory_space<vmem>>
        %dma_start3A_138 = tpu.memref_squeeze %dma_start3A_137 : memref<1x40x128xf32, #tpu.memory_space<vmem>> -> memref<40x128xf32, #tpu.memory_space<vmem>>
        tpu.enqueue_dma source(%dma_start3A_138 : memref<40x128xf32, #tpu.memory_space<vmem>>) target(%dma_start3A_134 : memref<40x128xf32, #tpu.memory_space<hbm>>) target_semaphore(%run_scoped3A_127 : memref<!tpu.dma_semaphore, #tpu.memory_space<semaphore_mem>>)
        %dma_wait3A = arith.constant 0 : i32
        %dma_wait3A_139 = arith.constant 0 : i32
        %dma_wait3A_140 = tpu.memref_slice %arg10[%run_scoped3A_126, %dma_wait3A, %dma_wait3A_139] : memref<2x40x128xf32, #tpu.memory_space<vmem>> -> memref<1x40x128xf32, #tpu.memory_space<vmem>>
        %dma_wait3A_141 = tpu.memref_squeeze %dma_wait3A_140 : memref<1x40x128xf32, #tpu.memory_space<vmem>> -> memref<40x128xf32, #tpu.memory_space<vmem>>
        %dma_wait3A_142 = arith.constant 0 : i32
        %dma_wait3A_143 = tpu.memref_slice %arg5[%add3A_125, %dma_wait3A_142] : memref<10000x128xf32, #tpu.memory_space<hbm>> -> memref<40x128xf32, #tpu.memory_space<hbm>>
        %dma_wait3A_144 = arith.constant 0 : i32
        %dma_wait3A_145 = tpu.memref_slice %arg5[%add3A_125, %dma_wait3A_144] : memref<10000x128xf32, #tpu.memory_space<hbm>> -> memref<40x128xf32, #tpu.memory_space<hbm>>
        %dma_wait3A_146 = arith.constant 0 : i32
        %dma_wait3A_147 = arith.constant 0 : i32
        %dma_wait3A_148 = tpu.memref_slice %arg10[%run_scoped3A_126, %dma_wait3A_146, %dma_wait3A_147] : memref<2x40x128xf32, #tpu.memory_space<vmem>> -> memref<1x40x128xf32, #tpu.memory_space<vmem>>
        %dma_wait3A_149 = tpu.memref_squeeze %dma_wait3A_148 : memref<1x40x128xf32, #tpu.memory_space<vmem>> -> memref<40x128xf32, #tpu.memory_space<vmem>>
        tpu.wait_dma2 semaphore(%run_scoped3A_127 : memref<!tpu.dma_semaphore, #tpu.memory_space<semaphore_mem>>) src(%dma_wait3A_149 : memref<40x128xf32, #tpu.memory_space<vmem>>) dst(%dma_wait3A_145 : memref<40x128xf32, #tpu.memory_space<hbm>>)
        tpu.yield
      }) : () -> ()
    } else {
    }
    %add3A_112 = arith.constant 112 : i32
    %add3A_113 = arith.addi %arg1, %add3A_112 : i32
    %lt3A_114 = arith.constant 125 : i32
    %lt3A_115 = arith.cmpi slt, %add3A_113, %lt3A_114 : i32
    %convert_element_type3A_116 = arith.extui %lt3A_115 : i1 to i32
    %cond3A_117 = arith.constant 0 : i32
    %cond3A_118 = arith.cmpi ne, %convert_element_type3A_116, %cond3A_117 : i32
    scf.if %cond3A_118 {
      %mul3A_119 = arith.constant 40 : i32
      %mul3A_120 = arith.muli %add3A_113, %mul3A_119 : i32
      %run_scoped3A = arith.constant 0 : i32
      "tpu.region"() ({
        %run_scoped3A_127 = tpu.sem_alloc : memref<!tpu.dma_semaphore, #tpu.memory_space<semaphore_mem>>
        %dma_start3A = arith.constant 0 : i32
        %dma_start3A_128 = arith.constant 0 : i32
        %dma_start3A_129 = tpu.memref_slice %arg10[%run_scoped3A, %dma_start3A, %dma_start3A_128] : memref<2x40x128xf32, #tpu.memory_space<vmem>> -> memref<1x40x128xf32, #tpu.memory_space<vmem>>
        %dma_start3A_130 = tpu.memref_squeeze %dma_start3A_129 : memref<1x40x128xf32, #tpu.memory_space<vmem>> -> memref<40x128xf32, #tpu.memory_space<vmem>>
        %dma_start3A_131 = arith.constant 0 : i32
        %dma_start3A_132 = tpu.memref_slice %arg11[%mul3A_120, %dma_start3A_131] : memref<5008x128xf32, #tpu.memory_space<vmem_shared>> -> memref<40x128xf32, #tpu.memory_space<vmem_shared>>
        %dma_start3A_133 = arith.constant 0 : i32
        %dma_start3A_134 = arith.constant 0 : i32
        %dma_start3A_135 = tpu.memref_slice %arg10[%run_scoped3A, %dma_start3A_133, %dma_start3A_134] : memref<2x40x128xf32, #tpu.memory_space<vmem>> -> memref<1x40x128xf32, #tpu.memory_space<vmem>>
        %dma_start3A_136 = tpu.memref_squeeze %dma_start3A_135 : memref<1x40x128xf32, #tpu.memory_space<vmem>> -> memref<40x128xf32, #tpu.memory_space<vmem>>
        %dma_start3A_137 = arith.constant 0 : i32
        %dma_start3A_138 = tpu.memref_slice %arg11[%mul3A_120, %dma_start3A_137] : memref<5008x128xf32, #tpu.memory_space<vmem_shared>> -> memref<40x128xf32, #tpu.memory_space<vmem_shared>>
        tpu.enqueue_dma source(%dma_start3A_138 : memref<40x128xf32, #tpu.memory_space<vmem_shared>>) target(%dma_start3A_136 : memref<40x128xf32, #tpu.memory_space<vmem>>) target_semaphore(%run_scoped3A_127 : memref<!tpu.dma_semaphore, #tpu.memory_space<semaphore_mem>>)
        %dma_wait3A = arith.constant 0 : i32
        %dma_wait3A_139 = arith.constant 0 : i32
        %dma_wait3A_140 = tpu.memref_slice %arg10[%run_scoped3A, %dma_wait3A, %dma_wait3A_139] : memref<2x40x128xf32, #tpu.memory_space<vmem>> -> memref<1x40x128xf32, #tpu.memory_space<vmem>>
        %dma_wait3A_141 = tpu.memref_squeeze %dma_wait3A_140 : memref<1x40x128xf32, #tpu.memory_space<vmem>> -> memref<40x128xf32, #tpu.memory_space<vmem>>
        %dma_wait3A_142 = arith.constant 0 : i32
        %dma_wait3A_143 = tpu.memref_slice %arg11[%mul3A_120, %dma_wait3A_142] : memref<5008x128xf32, #tpu.memory_space<vmem_shared>> -> memref<40x128xf32, #tpu.memory_space<vmem_shared>>
        %dma_wait3A_144 = arith.constant 0 : i32
        %dma_wait3A_145 = arith.constant 0 : i32
        %dma_wait3A_146 = tpu.memref_slice %arg10[%run_scoped3A, %dma_wait3A_144, %dma_wait3A_145] : memref<2x40x128xf32, #tpu.memory_space<vmem>> -> memref<1x40x128xf32, #tpu.memory_space<vmem>>
        %dma_wait3A_147 = tpu.memref_squeeze %dma_wait3A_146 : memref<1x40x128xf32, #tpu.memory_space<vmem>> -> memref<40x128xf32, #tpu.memory_space<vmem>>
        %dma_wait3A_148 = arith.constant 0 : i32
        %dma_wait3A_149 = tpu.memref_slice %arg11[%mul3A_120, %dma_wait3A_148] : memref<5008x128xf32, #tpu.memory_space<vmem_shared>> -> memref<40x128xf32, #tpu.memory_space<vmem_shared>>
        tpu.wait_dma2 semaphore(%run_scoped3A_127 : memref<!tpu.dma_semaphore, #tpu.memory_space<semaphore_mem>>) src(%dma_wait3A_149 : memref<40x128xf32, #tpu.memory_space<vmem_shared>>) dst(%dma_wait3A_147 : memref<40x128xf32, #tpu.memory_space<vmem>>)
        tpu.yield
      }) : () -> ()
      %mul3A_121 = arith.constant 5000 : i32
      %mul3A_122 = arith.muli %arg0, %mul3A_121 : i32
      %mul3A_123 = arith.constant 40 : i32
      %mul3A_124 = arith.muli %add3A_113, %mul3A_123 : i32
      %add3A_125 = arith.addi %mul3A_122, %mul3A_124 : i32
      %run_scoped3A_126 = arith.constant 0 : i32
      "tpu.region"() ({
        %run_scoped3A_127 = tpu.sem_alloc : memref<!tpu.dma_semaphore, #tpu.memory_space<semaphore_mem>>
        %dma_start3A = arith.constant 0 : i32
        %dma_start3A_128 = arith.constant 0 : i32
        %dma_start3A_129 = tpu.memref_slice %arg10[%run_scoped3A_126, %dma_start3A, %dma_start3A_128] : memref<2x40x128xf32, #tpu.memory_space<vmem>> -> memref<1x40x128xf32, #tpu.memory_space<vmem>>
        %dma_start3A_130 = tpu.memref_squeeze %dma_start3A_129 : memref<1x40x128xf32, #tpu.memory_space<vmem>> -> memref<40x128xf32, #tpu.memory_space<vmem>>
        %dma_start3A_131 = arith.constant 0 : i32
        %dma_start3A_132 = tpu.memref_slice %arg5[%add3A_125, %dma_start3A_131] : memref<10000x128xf32, #tpu.memory_space<hbm>> -> memref<40x128xf32, #tpu.memory_space<hbm>>
        %dma_start3A_133 = arith.constant 0 : i32
        %dma_start3A_134 = tpu.memref_slice %arg5[%add3A_125, %dma_start3A_133] : memref<10000x128xf32, #tpu.memory_space<hbm>> -> memref<40x128xf32, #tpu.memory_space<hbm>>
        %dma_start3A_135 = arith.constant 0 : i32
        %dma_start3A_136 = arith.constant 0 : i32
        %dma_start3A_137 = tpu.memref_slice %arg10[%run_scoped3A_126, %dma_start3A_135, %dma_start3A_136] : memref<2x40x128xf32, #tpu.memory_space<vmem>> -> memref<1x40x128xf32, #tpu.memory_space<vmem>>
        %dma_start3A_138 = tpu.memref_squeeze %dma_start3A_137 : memref<1x40x128xf32, #tpu.memory_space<vmem>> -> memref<40x128xf32, #tpu.memory_space<vmem>>
        tpu.enqueue_dma source(%dma_start3A_138 : memref<40x128xf32, #tpu.memory_space<vmem>>) target(%dma_start3A_134 : memref<40x128xf32, #tpu.memory_space<hbm>>) target_semaphore(%run_scoped3A_127 : memref<!tpu.dma_semaphore, #tpu.memory_space<semaphore_mem>>)
        %dma_wait3A = arith.constant 0 : i32
        %dma_wait3A_139 = arith.constant 0 : i32
        %dma_wait3A_140 = tpu.memref_slice %arg10[%run_scoped3A_126, %dma_wait3A, %dma_wait3A_139] : memref<2x40x128xf32, #tpu.memory_space<vmem>> -> memref<1x40x128xf32, #tpu.memory_space<vmem>>
        %dma_wait3A_141 = tpu.memref_squeeze %dma_wait3A_140 : memref<1x40x128xf32, #tpu.memory_space<vmem>> -> memref<40x128xf32, #tpu.memory_space<vmem>>
        %dma_wait3A_142 = arith.constant 0 : i32
        %dma_wait3A_143 = tpu.memref_slice %arg5[%add3A_125, %dma_wait3A_142] : memref<10000x128xf32, #tpu.memory_space<hbm>> -> memref<40x128xf32, #tpu.memory_space<hbm>>
        %dma_wait3A_144 = arith.constant 0 : i32
        %dma_wait3A_145 = tpu.memref_slice %arg5[%add3A_125, %dma_wait3A_144] : memref<10000x128xf32, #tpu.memory_space<hbm>> -> memref<40x128xf32, #tpu.memory_space<hbm>>
        %dma_wait3A_146 = arith.constant 0 : i32
        %dma_wait3A_147 = arith.constant 0 : i32
        %dma_wait3A_148 = tpu.memref_slice %arg10[%run_scoped3A_126, %dma_wait3A_146, %dma_wait3A_147] : memref<2x40x128xf32, #tpu.memory_space<vmem>> -> memref<1x40x128xf32, #tpu.memory_space<vmem>>
        %dma_wait3A_149 = tpu.memref_squeeze %dma_wait3A_148 : memref<1x40x128xf32, #tpu.memory_space<vmem>> -> memref<40x128xf32, #tpu.memory_space<vmem>>
        tpu.wait_dma2 semaphore(%run_scoped3A_127 : memref<!tpu.dma_semaphore, #tpu.memory_space<semaphore_mem>>) src(%dma_wait3A_149 : memref<40x128xf32, #tpu.memory_space<vmem>>) dst(%dma_wait3A_145 : memref<40x128xf32, #tpu.memory_space<hbm>>)
        tpu.yield
      }) : () -> ()
    } else {
    }
    return
  }
}

#map = affine_map<(d0, d1) -> (0)>
#map1 = affine_map<(d0, d1) -> (0, 0)>
module attributes {stable_mosaic.version = 14 : i64} {
  func.func @_sc_deg_gather(%arg0: i32, %arg1: i32, %arg2: memref<320000xi32, #tpu.memory_space<hbm>>, %arg3: memref<320000xi32, #tpu.memory_space<hbm>>, %arg4: memref<10000xi32, #tpu.memory_space<hbm>>, %arg5: memref<512x128xf32, #tpu.memory_space<hbm>>, %arg6: memref<640000xf32, #tpu.memory_space<hbm>>, %arg7: memref<10000x128xf32, #tpu.memory_space<hbm>>, %arg8: memref<400xi32, #tpu.memory_space<vmem>>, %arg9: memref<40xi32, #tpu.memory_space<vmem>>, %arg10: memref<40x128xf32, #tpu.memory_space<vmem>>, %arg11: memref<10000xf32, #tpu.memory_space<vmem>>, %arg12: memref<!tpu.dma_semaphore, #tpu.memory_space<semaphore_mem>>) attributes {dimension_semantics = [#tpu.dimension_semantics<core_parallel>, #tpu.dimension_semantics<subcore_parallel>], iteration_bounds = array<i64: 2, 16>, scalar_prefetch = 0 : i64, scratch_operands = 5 : i64, tpu.core_type = #tpu.core_type<sc_vector_subcore>, window_params = [{transform_indices = #map}, {transform_indices = #map}, {transform_indices = #map}, {transform_indices = #map1}, {transform_indices = #map}, {transform_indices = #map1}]} {
    %mul3A = arith.constant 2 : i32
    %mul3A_0 = arith.muli %arg1, %mul3A : i32
    %add3A = arith.addi %mul3A_0, %arg0 : i32
    %scan3A = arith.constant 0 : i32
    %scan3A_1 = arith.constant 625 : i32
    %scan3A_2 = arith.addi %scan3A, %scan3A_1 : i32
    %scan3A_3 = arith.constant 1 : i32
    scf.for %scan3A_81 = %scan3A to %scan3A_2 step %scan3A_3  : i32 {
      %mul3A_82 = arith.constant 1 : i32
      %mul3A_83 = arith.muli %scan3A_81, %mul3A_82 : i32
      %add3A_84 = arith.constant 0 : i32
      %add3A_85 = arith.addi %add3A_84, %mul3A_83 : i32
      %broadcast_in_dim3A = arith.constant 0.000000e+00 : f32
      %broadcast_in_dim3A_86 = vector.broadcast %broadcast_in_dim3A : f32 to vector<16xf32>
      %mul3A_87 = arith.constant 16 : i32
      %mul3A_88 = arith.muli %add3A_85, %mul3A_87 : i32
      %swap3A = arith.index_cast %mul3A_88 : i32 to index
      %swap3A_89 = tpu.vector_load %arg11[%swap3A] {strides = array<i32>} : memref<10000xf32, #tpu.memory_space<vmem>>, vector<16xf32>,
      tpu.vector_store %arg11[%swap3A], %broadcast_in_dim3A_86 {strides = array<i32>} : memref<10000xf32, #tpu.memory_space<vmem>>, vector<16xf32>,
    }
    %scan3A_4 = arith.constant 625 : i32
    %scan3A_5 = arith.constant 0 : i32
    %scan3A_6 = arith.constant 25 : i32
    %scan3A_7 = arith.addi %scan3A_5, %scan3A_6 : i32
    %scan3A_8 = arith.constant 1 : i32
    scf.for %scan3A_81 = %scan3A_5 to %scan3A_7 step %scan3A_8  : i32 {
      %mul3A_82 = arith.constant 1 : i32
      %mul3A_83 = arith.muli %scan3A_81, %mul3A_82 : i32
      %add3A_84 = arith.constant 0 : i32
      %add3A_85 = arith.addi %add3A_84, %mul3A_83 : i32
      %mul3A_86 = arith.constant 10000 : i32
      %mul3A_87 = arith.muli %add3A, %mul3A_86 : i32
      %mul3A_88 = arith.constant 400 : i32
      %mul3A_89 = arith.muli %add3A_85, %mul3A_88 : i32
      %add3A_90 = arith.addi %mul3A_87, %mul3A_89 : i32
      "tpu.region"() ({
        %run_scoped3A = tpu.sem_alloc : memref<!tpu.dma_semaphore, #tpu.memory_space<semaphore_mem>>
        %dma_start3A = tpu.memref_slice %arg2[%add3A_90] : memref<320000xi32, #tpu.memory_space<hbm>> -> memref<400xi32, #tpu.memory_space<hbm>>
        %dma_start3A_96 = tpu.memref_slice %arg2[%add3A_90] : memref<320000xi32, #tpu.memory_space<hbm>> -> memref<400xi32, #tpu.memory_space<hbm>>
        tpu.enqueue_dma source(%dma_start3A_96 : memref<400xi32, #tpu.memory_space<hbm>>) target(%arg8 : memref<400xi32, #tpu.memory_space<vmem>>) target_semaphore(%run_scoped3A : memref<!tpu.dma_semaphore, #tpu.memory_space<semaphore_mem>>)
        %dma_wait3A = tpu.memref_slice %arg2[%add3A_90] : memref<320000xi32, #tpu.memory_space<hbm>> -> memref<400xi32, #tpu.memory_space<hbm>>
        %dma_wait3A_97 = tpu.memref_slice %arg2[%add3A_90] : memref<320000xi32, #tpu.memory_space<hbm>> -> memref<400xi32, #tpu.memory_space<hbm>>
        tpu.wait_dma2 semaphore(%run_scoped3A : memref<!tpu.dma_semaphore, #tpu.memory_space<semaphore_mem>>) src(%dma_wait3A_97 : memref<400xi32, #tpu.memory_space<hbm>>) dst(%arg8 : memref<400xi32, #tpu.memory_space<vmem>>)
        tpu.yield
      }) : () -> ()
      %scan3A_91 = arith.constant 0 : i32
      %scan3A_92 = arith.constant 25 : i32
      %scan3A_93 = arith.addi %scan3A_91, %scan3A_92 : i32
      %scan3A_94 = arith.constant 1 : i32
      scf.for %scan3A_96 = %scan3A_91 to %scan3A_93 step %scan3A_94  : i32 {
        %mul3A_97 = arith.constant 1 : i32
        %mul3A_98 = arith.muli %scan3A_96, %mul3A_97 : i32
        %add3A_99 = arith.constant 0 : i32
        %add3A_100 = arith.addi %add3A_99, %mul3A_98 : i32
        %mul3A_101 = arith.constant 16 : i32
        %mul3A_102 = arith.muli %add3A_100, %mul3A_101 : i32
        %get3A = arith.index_cast %mul3A_102 : i32 to index
        %get3A_103 = tpu.vector_load %arg8[%get3A] {strides = array<i32>} : memref<400xi32, #tpu.memory_space<vmem>>, vector<16xi32>,
        %broadcast_in_dim3A = arith.constant true
        %broadcast_in_dim3A_104 = vector.broadcast %broadcast_in_dim3A : i1 to vector<16xi1>
        %unique3A, %unique3A_105 = tpu.scan_count mask(%broadcast_in_dim3A_104 : vector<16xi1>) value(%get3A_103 : vector<16xi32>) : vector<16xi1>, vector<16xi32>
        %convert_element_type3A_106 = arith.sitofp %unique3A_105 : vector<16xi32> to vector<16xf32>
        tpu.vector_store_idx %arg11[%get3A_103], %convert_element_type3A_106 masked %unique3A {add = true} : memref<10000xf32, #tpu.memory_space<vmem>>[vector<16xi32>], vector<16xf32>, vector<16xi1>
      }
      %scan3A_95 = arith.constant 25 : i32
    }
    %scan3A_9 = arith.constant 25 : i32
    %add3A_10 = arith.constant 0 : i32
    %add3A_11 = arith.addi %add3A_10, %add3A : i32
    %mul3A_12 = arith.constant 10000 : i32
    %mul3A_13 = arith.muli %add3A_11, %mul3A_12 : i32
    "tpu.region"() ({
      %run_scoped3A = tpu.sem_alloc : memref<!tpu.dma_semaphore, #tpu.memory_space<semaphore_mem>>
      %dma_start3A = tpu.memref_slice %arg6[%mul3A_13] : memref<640000xf32, #tpu.memory_space<hbm>> -> memref<10000xf32, #tpu.memory_space<hbm>>
      %dma_start3A_81 = tpu.memref_slice %arg6[%mul3A_13] : memref<640000xf32, #tpu.memory_space<hbm>> -> memref<10000xf32, #tpu.memory_space<hbm>>
      tpu.enqueue_dma source(%arg11 : memref<10000xf32, #tpu.memory_space<vmem>>) target(%dma_start3A_81 : memref<10000xf32, #tpu.memory_space<hbm>>) target_semaphore(%run_scoped3A : memref<!tpu.dma_semaphore, #tpu.memory_space<semaphore_mem>>)
      %dma_wait3A = tpu.memref_slice %arg6[%mul3A_13] : memref<640000xf32, #tpu.memory_space<hbm>> -> memref<10000xf32, #tpu.memory_space<hbm>>
      %dma_wait3A_82 = tpu.memref_slice %arg6[%mul3A_13] : memref<640000xf32, #tpu.memory_space<hbm>> -> memref<10000xf32, #tpu.memory_space<hbm>>
      tpu.wait_dma2 semaphore(%run_scoped3A : memref<!tpu.dma_semaphore, #tpu.memory_space<semaphore_mem>>) src(%arg11 : memref<10000xf32, #tpu.memory_space<vmem>>) dst(%dma_wait3A_82 : memref<10000xf32, #tpu.memory_space<hbm>>)
      tpu.yield
    }) : () -> ()
    %scan3A_14 = arith.constant 0 : i32
    %scan3A_15 = arith.constant 625 : i32
    %scan3A_16 = arith.addi %scan3A_14, %scan3A_15 : i32
    %scan3A_17 = arith.constant 1 : i32
    scf.for %scan3A_81 = %scan3A_14 to %scan3A_16 step %scan3A_17  : i32 {
      %mul3A_82 = arith.constant 1 : i32
      %mul3A_83 = arith.muli %scan3A_81, %mul3A_82 : i32
      %add3A_84 = arith.constant 0 : i32
      %add3A_85 = arith.addi %add3A_84, %mul3A_83 : i32
      %broadcast_in_dim3A = arith.constant 0.000000e+00 : f32
      %broadcast_in_dim3A_86 = vector.broadcast %broadcast_in_dim3A : f32 to vector<16xf32>
      %mul3A_87 = arith.constant 16 : i32
      %mul3A_88 = arith.muli %add3A_85, %mul3A_87 : i32
      %swap3A = arith.index_cast %mul3A_88 : i32 to index
      %swap3A_89 = tpu.vector_load %arg11[%swap3A] {strides = array<i32>} : memref<10000xf32, #tpu.memory_space<vmem>>, vector<16xf32>,
      tpu.vector_store %arg11[%swap3A], %broadcast_in_dim3A_86 {strides = array<i32>} : memref<10000xf32, #tpu.memory_space<vmem>>, vector<16xf32>,
    }
    %scan3A_18 = arith.constant 625 : i32
    %scan3A_19 = arith.constant 0 : i32
    %scan3A_20 = arith.constant 25 : i32
    %scan3A_21 = arith.addi %scan3A_19, %scan3A_20 : i32
    %scan3A_22 = arith.constant 1 : i32
    scf.for %scan3A_81 = %scan3A_19 to %scan3A_21 step %scan3A_22  : i32 {
      %mul3A_82 = arith.constant 1 : i32
      %mul3A_83 = arith.muli %scan3A_81, %mul3A_82 : i32
      %add3A_84 = arith.constant 0 : i32
      %add3A_85 = arith.addi %add3A_84, %mul3A_83 : i32
      %mul3A_86 = arith.constant 10000 : i32
      %mul3A_87 = arith.muli %add3A, %mul3A_86 : i32
      %mul3A_88 = arith.constant 400 : i32
      %mul3A_89 = arith.muli %add3A_85, %mul3A_88 : i32
      %add3A_90 = arith.addi %mul3A_87, %mul3A_89 : i32
      "tpu.region"() ({
        %run_scoped3A = tpu.sem_alloc : memref<!tpu.dma_semaphore, #tpu.memory_space<semaphore_mem>>
        %dma_start3A = tpu.memref_slice %arg3[%add3A_90] : memref<320000xi32, #tpu.memory_space<hbm>> -> memref<400xi32, #tpu.memory_space<hbm>>
        %dma_start3A_96 = tpu.memref_slice %arg3[%add3A_90] : memref<320000xi32, #tpu.memory_space<hbm>> -> memref<400xi32, #tpu.memory_space<hbm>>
        tpu.enqueue_dma source(%dma_start3A_96 : memref<400xi32, #tpu.memory_space<hbm>>) target(%arg8 : memref<400xi32, #tpu.memory_space<vmem>>) target_semaphore(%run_scoped3A : memref<!tpu.dma_semaphore, #tpu.memory_space<semaphore_mem>>)
        %dma_wait3A = tpu.memref_slice %arg3[%add3A_90] : memref<320000xi32, #tpu.memory_space<hbm>> -> memref<400xi32, #tpu.memory_space<hbm>>
        %dma_wait3A_97 = tpu.memref_slice %arg3[%add3A_90] : memref<320000xi32, #tpu.memory_space<hbm>> -> memref<400xi32, #tpu.memory_space<hbm>>
        tpu.wait_dma2 semaphore(%run_scoped3A : memref<!tpu.dma_semaphore, #tpu.memory_space<semaphore_mem>>) src(%dma_wait3A_97 : memref<400xi32, #tpu.memory_space<hbm>>) dst(%arg8 : memref<400xi32, #tpu.memory_space<vmem>>)
        tpu.yield
      }) : () -> ()
      %scan3A_91 = arith.constant 0 : i32
      %scan3A_92 = arith.constant 25 : i32
      %scan3A_93 = arith.addi %scan3A_91, %scan3A_92 : i32
      %scan3A_94 = arith.constant 1 : i32
      scf.for %scan3A_96 = %scan3A_91 to %scan3A_93 step %scan3A_94  : i32 {
        %mul3A_97 = arith.constant 1 : i32
        %mul3A_98 = arith.muli %scan3A_96, %mul3A_97 : i32
        %add3A_99 = arith.constant 0 : i32
        %add3A_100 = arith.addi %add3A_99, %mul3A_98 : i32
        %mul3A_101 = arith.constant 16 : i32
        %mul3A_102 = arith.muli %add3A_100, %mul3A_101 : i32
        %get3A = arith.index_cast %mul3A_102 : i32 to index
        %get3A_103 = tpu.vector_load %arg8[%get3A] {strides = array<i32>} : memref<400xi32, #tpu.memory_space<vmem>>, vector<16xi32>,
        %broadcast_in_dim3A = arith.constant true
        %broadcast_in_dim3A_104 = vector.broadcast %broadcast_in_dim3A : i1 to vector<16xi1>
        %unique3A, %unique3A_105 = tpu.scan_count mask(%broadcast_in_dim3A_104 : vector<16xi1>) value(%get3A_103 : vector<16xi32>) : vector<16xi1>, vector<16xi32>
        %convert_element_type3A_106 = arith.sitofp %unique3A_105 : vector<16xi32> to vector<16xf32>
        tpu.vector_store_idx %arg11[%get3A_103], %convert_element_type3A_106 masked %unique3A {add = true} : memref<10000xf32, #tpu.memory_space<vmem>>[vector<16xi32>], vector<16xf32>, vector<16xi1>
      }
      %scan3A_95 = arith.constant 25 : i32
    }
    %scan3A_23 = arith.constant 25 : i32
    %add3A_24 = arith.constant 32 : i32
    %add3A_25 = arith.addi %add3A_24, %add3A : i32
    %mul3A_26 = arith.constant 10000 : i32
    %mul3A_27 = arith.muli %add3A_25, %mul3A_26 : i32
    "tpu.region"() ({
      %run_scoped3A = tpu.sem_alloc : memref<!tpu.dma_semaphore, #tpu.memory_space<semaphore_mem>>
      %dma_start3A = tpu.memref_slice %arg6[%mul3A_27] : memref<640000xf32, #tpu.memory_space<hbm>> -> memref<10000xf32, #tpu.memory_space<hbm>>
      %dma_start3A_81 = tpu.memref_slice %arg6[%mul3A_27] : memref<640000xf32, #tpu.memory_space<hbm>> -> memref<10000xf32, #tpu.memory_space<hbm>>
      tpu.enqueue_dma source(%arg11 : memref<10000xf32, #tpu.memory_space<vmem>>) target(%dma_start3A_81 : memref<10000xf32, #tpu.memory_space<hbm>>) target_semaphore(%run_scoped3A : memref<!tpu.dma_semaphore, #tpu.memory_space<semaphore_mem>>)
      %dma_wait3A = tpu.memref_slice %arg6[%mul3A_27] : memref<640000xf32, #tpu.memory_space<hbm>> -> memref<10000xf32, #tpu.memory_space<hbm>>
      %dma_wait3A_82 = tpu.memref_slice %arg6[%mul3A_27] : memref<640000xf32, #tpu.memory_space<hbm>> -> memref<10000xf32, #tpu.memory_space<hbm>>
      tpu.wait_dma2 semaphore(%run_scoped3A : memref<!tpu.dma_semaphore, #tpu.memory_space<semaphore_mem>>) src(%arg11 : memref<10000xf32, #tpu.memory_space<vmem>>) dst(%dma_wait3A_82 : memref<10000xf32, #tpu.memory_space<hbm>>)
      tpu.yield
    }) : () -> ()
    %add3A_28 = arith.constant 0 : i32
    %add3A_29 = arith.addi %add3A, %add3A_28 : i32
    %lt3A = arith.constant 250 : i32
    %lt3A_30 = arith.cmpi slt, %add3A_29, %lt3A : i32
    %convert_element_type3A = arith.extui %lt3A_30 : i1 to i32
    %cond3A = arith.constant 0 : i32
    %cond3A_31 = arith.cmpi ne, %convert_element_type3A, %cond3A : i32
    scf.if %cond3A_31 {
      %mul3A_81 = arith.constant 40 : i32
      %mul3A_82 = arith.muli %add3A_29, %mul3A_81 : i32
      "tpu.region"() ({
        %run_scoped3A = tpu.sem_alloc : memref<!tpu.dma_semaphore, #tpu.memory_space<semaphore_mem>>
        %dma_start3A_89 = tpu.memref_slice %arg4[%mul3A_82] : memref<10000xi32, #tpu.memory_space<hbm>> -> memref<40xi32, #tpu.memory_space<hbm>>
        %dma_start3A_90 = tpu.memref_slice %arg4[%mul3A_82] : memref<10000xi32, #tpu.memory_space<hbm>> -> memref<40xi32, #tpu.memory_space<hbm>>
        tpu.enqueue_dma source(%dma_start3A_90 : memref<40xi32, #tpu.memory_space<hbm>>) target(%arg9 : memref<40xi32, #tpu.memory_space<vmem>>) target_semaphore(%run_scoped3A : memref<!tpu.dma_semaphore, #tpu.memory_space<semaphore_mem>>)
        %dma_wait3A_91 = tpu.memref_slice %arg4[%mul3A_82] : memref<10000xi32, #tpu.memory_space<hbm>> -> memref<40xi32, #tpu.memory_space<hbm>>
        %dma_wait3A_92 = tpu.memref_slice %arg4[%mul3A_82] : memref<10000xi32, #tpu.memory_space<hbm>> -> memref<40xi32, #tpu.memory_space<hbm>>
        tpu.wait_dma2 semaphore(%run_scoped3A : memref<!tpu.dma_semaphore, #tpu.memory_space<semaphore_mem>>) src(%dma_wait3A_92 : memref<40xi32, #tpu.memory_space<hbm>>) dst(%arg9 : memref<40xi32, #tpu.memory_space<vmem>>)
        tpu.yield
      }) : () -> ()
      %dma_start3A = arith.constant 0 : i32
      %dma_start3A_83 = arith.constant 0 : i32
      %dma_start3A_84 = tpu.memref_slice %arg5[%dma_start3A, %dma_start3A_83] : memref<512x128xf32, #tpu.memory_space<hbm>> -> memref<512x128xf32, #tpu.memory_space<hbm>>
      tpu.enqueue_indirect_dma source(%dma_start3A_84 : memref<512x128xf32, #tpu.memory_space<hbm>>) target(%arg10 : memref<40x128xf32, #tpu.memory_space<vmem>>) offsets(%arg9 : memref<40xi32, #tpu.memory_space<vmem>>) semaphore(%arg12 : memref<!tpu.dma_semaphore, #tpu.memory_space<semaphore_mem>>)
      %dma_wait3A = arith.constant 0 : i32
      %dma_wait3A_85 = arith.constant 0 : i32
      %dma_wait3A_86 = tpu.memref_slice %arg5[%dma_wait3A, %dma_wait3A_85] : memref<512x128xf32, #tpu.memory_space<hbm>> -> memref<512x128xf32, #tpu.memory_space<hbm>>
      tpu.wait_indirect_dma semaphore(%arg12 : memref<!tpu.dma_semaphore, #tpu.memory_space<semaphore_mem>>) src(%dma_wait3A_86 : memref<512x128xf32, #tpu.memory_space<hbm>>) dst(%arg10 : memref<40x128xf32, #tpu.memory_space<vmem>>)
      %mul3A_87 = arith.constant 40 : i32
      %mul3A_88 = arith.muli %add3A_29, %mul3A_87 : i32
      "tpu.region"() ({
        %run_scoped3A = tpu.sem_alloc : memref<!tpu.dma_semaphore, #tpu.memory_space<semaphore_mem>>
        %dma_start3A_89 = arith.constant 0 : i32
        %dma_start3A_90 = tpu.memref_slice %arg7[%mul3A_88, %dma_start3A_89] : memref<10000x128xf32, #tpu.memory_space<hbm>> -> memref<40x128xf32, #tpu.memory_space<hbm>>
        %dma_start3A_91 = arith.constant 0 : i32
        %dma_start3A_92 = tpu.memref_slice %arg7[%mul3A_88, %dma_start3A_91] : memref<10000x128xf32, #tpu.memory_space<hbm>> -> memref<40x128xf32, #tpu.memory_space<hbm>>
        tpu.enqueue_dma source(%arg10 : memref<40x128xf32, #tpu.memory_space<vmem>>) target(%dma_start3A_92 : memref<40x128xf32, #tpu.memory_space<hbm>>) target_semaphore(%run_scoped3A : memref<!tpu.dma_semaphore, #tpu.memory_space<semaphore_mem>>)
        %dma_wait3A_93 = arith.constant 0 : i32
        %dma_wait3A_94 = tpu.memref_slice %arg7[%mul3A_88, %dma_wait3A_93] : memref<10000x128xf32, #tpu.memory_space<hbm>> -> memref<40x128xf32, #tpu.memory_space<hbm>>
        %dma_wait3A_95 = arith.constant 0 : i32
        %dma_wait3A_96 = tpu.memref_slice %arg7[%mul3A_88, %dma_wait3A_95] : memref<10000x128xf32, #tpu.memory_space<hbm>> -> memref<40x128xf32, #tpu.memory_space<hbm>>
        tpu.wait_dma2 semaphore(%run_scoped3A : memref<!tpu.dma_semaphore, #tpu.memory_space<semaphore_mem>>) src(%arg10 : memref<40x128xf32, #tpu.memory_space<vmem>>) dst(%dma_wait3A_96 : memref<40x128xf32, #tpu.memory_space<hbm>>)
        tpu.yield
      }) : () -> ()
    } else {
    }
    %add3A_32 = arith.constant 32 : i32
    %add3A_33 = arith.addi %add3A, %add3A_32 : i32
    %lt3A_34 = arith.constant 250 : i32
    %lt3A_35 = arith.cmpi slt, %add3A_33, %lt3A_34 : i32
    %convert_element_type3A_36 = arith.extui %lt3A_35 : i1 to i32
    %cond3A_37 = arith.constant 0 : i32
    %cond3A_38 = arith.cmpi ne, %convert_element_type3A_36, %cond3A_37 : i32
    scf.if %cond3A_38 {
      %mul3A_81 = arith.constant 40 : i32
      %mul3A_82 = arith.muli %add3A_33, %mul3A_81 : i32
      "tpu.region"() ({
        %run_scoped3A = tpu.sem_alloc : memref<!tpu.dma_semaphore, #tpu.memory_space<semaphore_mem>>
        %dma_start3A_89 = tpu.memref_slice %arg4[%mul3A_82] : memref<10000xi32, #tpu.memory_space<hbm>> -> memref<40xi32, #tpu.memory_space<hbm>>
        %dma_start3A_90 = tpu.memref_slice %arg4[%mul3A_82] : memref<10000xi32, #tpu.memory_space<hbm>> -> memref<40xi32, #tpu.memory_space<hbm>>
        tpu.enqueue_dma source(%dma_start3A_90 : memref<40xi32, #tpu.memory_space<hbm>>) target(%arg9 : memref<40xi32, #tpu.memory_space<vmem>>) target_semaphore(%run_scoped3A : memref<!tpu.dma_semaphore, #tpu.memory_space<semaphore_mem>>)
        %dma_wait3A_91 = tpu.memref_slice %arg4[%mul3A_82] : memref<10000xi32, #tpu.memory_space<hbm>> -> memref<40xi32, #tpu.memory_space<hbm>>
        %dma_wait3A_92 = tpu.memref_slice %arg4[%mul3A_82] : memref<10000xi32, #tpu.memory_space<hbm>> -> memref<40xi32, #tpu.memory_space<hbm>>
        tpu.wait_dma2 semaphore(%run_scoped3A : memref<!tpu.dma_semaphore, #tpu.memory_space<semaphore_mem>>) src(%dma_wait3A_92 : memref<40xi32, #tpu.memory_space<hbm>>) dst(%arg9 : memref<40xi32, #tpu.memory_space<vmem>>)
        tpu.yield
      }) : () -> ()
      %dma_start3A = arith.constant 0 : i32
      %dma_start3A_83 = arith.constant 0 : i32
      %dma_start3A_84 = tpu.memref_slice %arg5[%dma_start3A, %dma_start3A_83] : memref<512x128xf32, #tpu.memory_space<hbm>> -> memref<512x128xf32, #tpu.memory_space<hbm>>
      tpu.enqueue_indirect_dma source(%dma_start3A_84 : memref<512x128xf32, #tpu.memory_space<hbm>>) target(%arg10 : memref<40x128xf32, #tpu.memory_space<vmem>>) offsets(%arg9 : memref<40xi32, #tpu.memory_space<vmem>>) semaphore(%arg12 : memref<!tpu.dma_semaphore, #tpu.memory_space<semaphore_mem>>)
      %dma_wait3A = arith.constant 0 : i32
      %dma_wait3A_85 = arith.constant 0 : i32
      %dma_wait3A_86 = tpu.memref_slice %arg5[%dma_wait3A, %dma_wait3A_85] : memref<512x128xf32, #tpu.memory_space<hbm>> -> memref<512x128xf32, #tpu.memory_space<hbm>>
      tpu.wait_indirect_dma semaphore(%arg12 : memref<!tpu.dma_semaphore, #tpu.memory_space<semaphore_mem>>) src(%dma_wait3A_86 : memref<512x128xf32, #tpu.memory_space<hbm>>) dst(%arg10 : memref<40x128xf32, #tpu.memory_space<vmem>>)
      %mul3A_87 = arith.constant 40 : i32
      %mul3A_88 = arith.muli %add3A_33, %mul3A_87 : i32
      "tpu.region"() ({
        %run_scoped3A = tpu.sem_alloc : memref<!tpu.dma_semaphore, #tpu.memory_space<semaphore_mem>>
        %dma_start3A_89 = arith.constant 0 : i32
        %dma_start3A_90 = tpu.memref_slice %arg7[%mul3A_88, %dma_start3A_89] : memref<10000x128xf32, #tpu.memory_space<hbm>> -> memref<40x128xf32, #tpu.memory_space<hbm>>
        %dma_start3A_91 = arith.constant 0 : i32
        %dma_start3A_92 = tpu.memref_slice %arg7[%mul3A_88, %dma_start3A_91] : memref<10000x128xf32, #tpu.memory_space<hbm>> -> memref<40x128xf32, #tpu.memory_space<hbm>>
        tpu.enqueue_dma source(%arg10 : memref<40x128xf32, #tpu.memory_space<vmem>>) target(%dma_start3A_92 : memref<40x128xf32, #tpu.memory_space<hbm>>) target_semaphore(%run_scoped3A : memref<!tpu.dma_semaphore, #tpu.memory_space<semaphore_mem>>)
        %dma_wait3A_93 = arith.constant 0 : i32
        %dma_wait3A_94 = tpu.memref_slice %arg7[%mul3A_88, %dma_wait3A_93] : memref<10000x128xf32, #tpu.memory_space<hbm>> -> memref<40x128xf32, #tpu.memory_space<hbm>>
        %dma_wait3A_95 = arith.constant 0 : i32
        %dma_wait3A_96 = tpu.memref_slice %arg7[%mul3A_88, %dma_wait3A_95] : memref<10000x128xf32, #tpu.memory_space<hbm>> -> memref<40x128xf32, #tpu.memory_space<hbm>>
        tpu.wait_dma2 semaphore(%run_scoped3A : memref<!tpu.dma_semaphore, #tpu.memory_space<semaphore_mem>>) src(%arg10 : memref<40x128xf32, #tpu.memory_space<vmem>>) dst(%dma_wait3A_96 : memref<40x128xf32, #tpu.memory_space<hbm>>)
        tpu.yield
      }) : () -> ()
    } else {
    }
    %add3A_39 = arith.constant 64 : i32
    %add3A_40 = arith.addi %add3A, %add3A_39 : i32
    %lt3A_41 = arith.constant 250 : i32
    %lt3A_42 = arith.cmpi slt, %add3A_40, %lt3A_41 : i32
    %convert_element_type3A_43 = arith.extui %lt3A_42 : i1 to i32
    %cond3A_44 = arith.constant 0 : i32
    %cond3A_45 = arith.cmpi ne, %convert_element_type3A_43, %cond3A_44 : i32
    scf.if %cond3A_45 {
      %mul3A_81 = arith.constant 40 : i32
      %mul3A_82 = arith.muli %add3A_40, %mul3A_81 : i32
      "tpu.region"() ({
        %run_scoped3A = tpu.sem_alloc : memref<!tpu.dma_semaphore, #tpu.memory_space<semaphore_mem>>
        %dma_start3A_89 = tpu.memref_slice %arg4[%mul3A_82] : memref<10000xi32, #tpu.memory_space<hbm>> -> memref<40xi32, #tpu.memory_space<hbm>>
        %dma_start3A_90 = tpu.memref_slice %arg4[%mul3A_82] : memref<10000xi32, #tpu.memory_space<hbm>> -> memref<40xi32, #tpu.memory_space<hbm>>
        tpu.enqueue_dma source(%dma_start3A_90 : memref<40xi32, #tpu.memory_space<hbm>>) target(%arg9 : memref<40xi32, #tpu.memory_space<vmem>>) target_semaphore(%run_scoped3A : memref<!tpu.dma_semaphore, #tpu.memory_space<semaphore_mem>>)
        %dma_wait3A_91 = tpu.memref_slice %arg4[%mul3A_82] : memref<10000xi32, #tpu.memory_space<hbm>> -> memref<40xi32, #tpu.memory_space<hbm>>
        %dma_wait3A_92 = tpu.memref_slice %arg4[%mul3A_82] : memref<10000xi32, #tpu.memory_space<hbm>> -> memref<40xi32, #tpu.memory_space<hbm>>
        tpu.wait_dma2 semaphore(%run_scoped3A : memref<!tpu.dma_semaphore, #tpu.memory_space<semaphore_mem>>) src(%dma_wait3A_92 : memref<40xi32, #tpu.memory_space<hbm>>) dst(%arg9 : memref<40xi32, #tpu.memory_space<vmem>>)
        tpu.yield
      }) : () -> ()
      %dma_start3A = arith.constant 0 : i32
      %dma_start3A_83 = arith.constant 0 : i32
      %dma_start3A_84 = tpu.memref_slice %arg5[%dma_start3A, %dma_start3A_83] : memref<512x128xf32, #tpu.memory_space<hbm>> -> memref<512x128xf32, #tpu.memory_space<hbm>>
      tpu.enqueue_indirect_dma source(%dma_start3A_84 : memref<512x128xf32, #tpu.memory_space<hbm>>) target(%arg10 : memref<40x128xf32, #tpu.memory_space<vmem>>) offsets(%arg9 : memref<40xi32, #tpu.memory_space<vmem>>) semaphore(%arg12 : memref<!tpu.dma_semaphore, #tpu.memory_space<semaphore_mem>>)
      %dma_wait3A = arith.constant 0 : i32
      %dma_wait3A_85 = arith.constant 0 : i32
      %dma_wait3A_86 = tpu.memref_slice %arg5[%dma_wait3A, %dma_wait3A_85] : memref<512x128xf32, #tpu.memory_space<hbm>> -> memref<512x128xf32, #tpu.memory_space<hbm>>
      tpu.wait_indirect_dma semaphore(%arg12 : memref<!tpu.dma_semaphore, #tpu.memory_space<semaphore_mem>>) src(%dma_wait3A_86 : memref<512x128xf32, #tpu.memory_space<hbm>>) dst(%arg10 : memref<40x128xf32, #tpu.memory_space<vmem>>)
      %mul3A_87 = arith.constant 40 : i32
      %mul3A_88 = arith.muli %add3A_40, %mul3A_87 : i32
      "tpu.region"() ({
        %run_scoped3A = tpu.sem_alloc : memref<!tpu.dma_semaphore, #tpu.memory_space<semaphore_mem>>
        %dma_start3A_89 = arith.constant 0 : i32
        %dma_start3A_90 = tpu.memref_slice %arg7[%mul3A_88, %dma_start3A_89] : memref<10000x128xf32, #tpu.memory_space<hbm>> -> memref<40x128xf32, #tpu.memory_space<hbm>>
        %dma_start3A_91 = arith.constant 0 : i32
        %dma_start3A_92 = tpu.memref_slice %arg7[%mul3A_88, %dma_start3A_91] : memref<10000x128xf32, #tpu.memory_space<hbm>> -> memref<40x128xf32, #tpu.memory_space<hbm>>
        tpu.enqueue_dma source(%arg10 : memref<40x128xf32, #tpu.memory_space<vmem>>) target(%dma_start3A_92 : memref<40x128xf32, #tpu.memory_space<hbm>>) target_semaphore(%run_scoped3A : memref<!tpu.dma_semaphore, #tpu.memory_space<semaphore_mem>>)
        %dma_wait3A_93 = arith.constant 0 : i32
        %dma_wait3A_94 = tpu.memref_slice %arg7[%mul3A_88, %dma_wait3A_93] : memref<10000x128xf32, #tpu.memory_space<hbm>> -> memref<40x128xf32, #tpu.memory_space<hbm>>
        %dma_wait3A_95 = arith.constant 0 : i32
        %dma_wait3A_96 = tpu.memref_slice %arg7[%mul3A_88, %dma_wait3A_95] : memref<10000x128xf32, #tpu.memory_space<hbm>> -> memref<40x128xf32, #tpu.memory_space<hbm>>
        tpu.wait_dma2 semaphore(%run_scoped3A : memref<!tpu.dma_semaphore, #tpu.memory_space<semaphore_mem>>) src(%arg10 : memref<40x128xf32, #tpu.memory_space<vmem>>) dst(%dma_wait3A_96 : memref<40x128xf32, #tpu.memory_space<hbm>>)
        tpu.yield
      }) : () -> ()
    } else {
    }
    %add3A_46 = arith.constant 96 : i32
    %add3A_47 = arith.addi %add3A, %add3A_46 : i32
    %lt3A_48 = arith.constant 250 : i32
    %lt3A_49 = arith.cmpi slt, %add3A_47, %lt3A_48 : i32
    %convert_element_type3A_50 = arith.extui %lt3A_49 : i1 to i32
    %cond3A_51 = arith.constant 0 : i32
    %cond3A_52 = arith.cmpi ne, %convert_element_type3A_50, %cond3A_51 : i32
    scf.if %cond3A_52 {
      %mul3A_81 = arith.constant 40 : i32
      %mul3A_82 = arith.muli %add3A_47, %mul3A_81 : i32
      "tpu.region"() ({
        %run_scoped3A = tpu.sem_alloc : memref<!tpu.dma_semaphore, #tpu.memory_space<semaphore_mem>>
        %dma_start3A_89 = tpu.memref_slice %arg4[%mul3A_82] : memref<10000xi32, #tpu.memory_space<hbm>> -> memref<40xi32, #tpu.memory_space<hbm>>
        %dma_start3A_90 = tpu.memref_slice %arg4[%mul3A_82] : memref<10000xi32, #tpu.memory_space<hbm>> -> memref<40xi32, #tpu.memory_space<hbm>>
        tpu.enqueue_dma source(%dma_start3A_90 : memref<40xi32, #tpu.memory_space<hbm>>) target(%arg9 : memref<40xi32, #tpu.memory_space<vmem>>) target_semaphore(%run_scoped3A : memref<!tpu.dma_semaphore, #tpu.memory_space<semaphore_mem>>)
        %dma_wait3A_91 = tpu.memref_slice %arg4[%mul3A_82] : memref<10000xi32, #tpu.memory_space<hbm>> -> memref<40xi32, #tpu.memory_space<hbm>>
        %dma_wait3A_92 = tpu.memref_slice %arg4[%mul3A_82] : memref<10000xi32, #tpu.memory_space<hbm>> -> memref<40xi32, #tpu.memory_space<hbm>>
        tpu.wait_dma2 semaphore(%run_scoped3A : memref<!tpu.dma_semaphore, #tpu.memory_space<semaphore_mem>>) src(%dma_wait3A_92 : memref<40xi32, #tpu.memory_space<hbm>>) dst(%arg9 : memref<40xi32, #tpu.memory_space<vmem>>)
        tpu.yield
      }) : () -> ()
      %dma_start3A = arith.constant 0 : i32
      %dma_start3A_83 = arith.constant 0 : i32
      %dma_start3A_84 = tpu.memref_slice %arg5[%dma_start3A, %dma_start3A_83] : memref<512x128xf32, #tpu.memory_space<hbm>> -> memref<512x128xf32, #tpu.memory_space<hbm>>
      tpu.enqueue_indirect_dma source(%dma_start3A_84 : memref<512x128xf32, #tpu.memory_space<hbm>>) target(%arg10 : memref<40x128xf32, #tpu.memory_space<vmem>>) offsets(%arg9 : memref<40xi32, #tpu.memory_space<vmem>>) semaphore(%arg12 : memref<!tpu.dma_semaphore, #tpu.memory_space<semaphore_mem>>)
      %dma_wait3A = arith.constant 0 : i32
      %dma_wait3A_85 = arith.constant 0 : i32
      %dma_wait3A_86 = tpu.memref_slice %arg5[%dma_wait3A, %dma_wait3A_85] : memref<512x128xf32, #tpu.memory_space<hbm>> -> memref<512x128xf32, #tpu.memory_space<hbm>>
      tpu.wait_indirect_dma semaphore(%arg12 : memref<!tpu.dma_semaphore, #tpu.memory_space<semaphore_mem>>) src(%dma_wait3A_86 : memref<512x128xf32, #tpu.memory_space<hbm>>) dst(%arg10 : memref<40x128xf32, #tpu.memory_space<vmem>>)
      %mul3A_87 = arith.constant 40 : i32
      %mul3A_88 = arith.muli %add3A_47, %mul3A_87 : i32
      "tpu.region"() ({
        %run_scoped3A = tpu.sem_alloc : memref<!tpu.dma_semaphore, #tpu.memory_space<semaphore_mem>>
        %dma_start3A_89 = arith.constant 0 : i32
        %dma_start3A_90 = tpu.memref_slice %arg7[%mul3A_88, %dma_start3A_89] : memref<10000x128xf32, #tpu.memory_space<hbm>> -> memref<40x128xf32, #tpu.memory_space<hbm>>
        %dma_start3A_91 = arith.constant 0 : i32
        %dma_start3A_92 = tpu.memref_slice %arg7[%mul3A_88, %dma_start3A_91] : memref<10000x128xf32, #tpu.memory_space<hbm>> -> memref<40x128xf32, #tpu.memory_space<hbm>>
        tpu.enqueue_dma source(%arg10 : memref<40x128xf32, #tpu.memory_space<vmem>>) target(%dma_start3A_92 : memref<40x128xf32, #tpu.memory_space<hbm>>) target_semaphore(%run_scoped3A : memref<!tpu.dma_semaphore, #tpu.memory_space<semaphore_mem>>)
        %dma_wait3A_93 = arith.constant 0 : i32
        %dma_wait3A_94 = tpu.memref_slice %arg7[%mul3A_88, %dma_wait3A_93] : memref<10000x128xf32, #tpu.memory_space<hbm>> -> memref<40x128xf32, #tpu.memory_space<hbm>>
        %dma_wait3A_95 = arith.constant 0 : i32
        %dma_wait3A_96 = tpu.memref_slice %arg7[%mul3A_88, %dma_wait3A_95] : memref<10000x128xf32, #tpu.memory_space<hbm>> -> memref<40x128xf32, #tpu.memory_space<hbm>>
        tpu.wait_dma2 semaphore(%run_scoped3A : memref<!tpu.dma_semaphore, #tpu.memory_space<semaphore_mem>>) src(%arg10 : memref<40x128xf32, #tpu.memory_space<vmem>>) dst(%dma_wait3A_96 : memref<40x128xf32, #tpu.memory_space<hbm>>)
        tpu.yield
      }) : () -> ()
    } else {
    }
    %add3A_53 = arith.constant 128 : i32
    %add3A_54 = arith.addi %add3A, %add3A_53 : i32
    %lt3A_55 = arith.constant 250 : i32
    %lt3A_56 = arith.cmpi slt, %add3A_54, %lt3A_55 : i32
    %convert_element_type3A_57 = arith.extui %lt3A_56 : i1 to i32
    %cond3A_58 = arith.constant 0 : i32
    %cond3A_59 = arith.cmpi ne, %convert_element_type3A_57, %cond3A_58 : i32
    scf.if %cond3A_59 {
      %mul3A_81 = arith.constant 40 : i32
      %mul3A_82 = arith.muli %add3A_54, %mul3A_81 : i32
      "tpu.region"() ({
        %run_scoped3A = tpu.sem_alloc : memref<!tpu.dma_semaphore, #tpu.memory_space<semaphore_mem>>
        %dma_start3A_89 = tpu.memref_slice %arg4[%mul3A_82] : memref<10000xi32, #tpu.memory_space<hbm>> -> memref<40xi32, #tpu.memory_space<hbm>>
        %dma_start3A_90 = tpu.memref_slice %arg4[%mul3A_82] : memref<10000xi32, #tpu.memory_space<hbm>> -> memref<40xi32, #tpu.memory_space<hbm>>
        tpu.enqueue_dma source(%dma_start3A_90 : memref<40xi32, #tpu.memory_space<hbm>>) target(%arg9 : memref<40xi32, #tpu.memory_space<vmem>>) target_semaphore(%run_scoped3A : memref<!tpu.dma_semaphore, #tpu.memory_space<semaphore_mem>>)
        %dma_wait3A_91 = tpu.memref_slice %arg4[%mul3A_82] : memref<10000xi32, #tpu.memory_space<hbm>> -> memref<40xi32, #tpu.memory_space<hbm>>
        %dma_wait3A_92 = tpu.memref_slice %arg4[%mul3A_82] : memref<10000xi32, #tpu.memory_space<hbm>> -> memref<40xi32, #tpu.memory_space<hbm>>
        tpu.wait_dma2 semaphore(%run_scoped3A : memref<!tpu.dma_semaphore, #tpu.memory_space<semaphore_mem>>) src(%dma_wait3A_92 : memref<40xi32, #tpu.memory_space<hbm>>) dst(%arg9 : memref<40xi32, #tpu.memory_space<vmem>>)
        tpu.yield
      }) : () -> ()
      %dma_start3A = arith.constant 0 : i32
      %dma_start3A_83 = arith.constant 0 : i32
      %dma_start3A_84 = tpu.memref_slice %arg5[%dma_start3A, %dma_start3A_83] : memref<512x128xf32, #tpu.memory_space<hbm>> -> memref<512x128xf32, #tpu.memory_space<hbm>>
      tpu.enqueue_indirect_dma source(%dma_start3A_84 : memref<512x128xf32, #tpu.memory_space<hbm>>) target(%arg10 : memref<40x128xf32, #tpu.memory_space<vmem>>) offsets(%arg9 : memref<40xi32, #tpu.memory_space<vmem>>) semaphore(%arg12 : memref<!tpu.dma_semaphore, #tpu.memory_space<semaphore_mem>>)
      %dma_wait3A = arith.constant 0 : i32
      %dma_wait3A_85 = arith.constant 0 : i32
      %dma_wait3A_86 = tpu.memref_slice %arg5[%dma_wait3A, %dma_wait3A_85] : memref<512x128xf32, #tpu.memory_space<hbm>> -> memref<512x128xf32, #tpu.memory_space<hbm>>
      tpu.wait_indirect_dma semaphore(%arg12 : memref<!tpu.dma_semaphore, #tpu.memory_space<semaphore_mem>>) src(%dma_wait3A_86 : memref<512x128xf32, #tpu.memory_space<hbm>>) dst(%arg10 : memref<40x128xf32, #tpu.memory_space<vmem>>)
      %mul3A_87 = arith.constant 40 : i32
      %mul3A_88 = arith.muli %add3A_54, %mul3A_87 : i32
      "tpu.region"() ({
        %run_scoped3A = tpu.sem_alloc : memref<!tpu.dma_semaphore, #tpu.memory_space<semaphore_mem>>
        %dma_start3A_89 = arith.constant 0 : i32
        %dma_start3A_90 = tpu.memref_slice %arg7[%mul3A_88, %dma_start3A_89] : memref<10000x128xf32, #tpu.memory_space<hbm>> -> memref<40x128xf32, #tpu.memory_space<hbm>>
        %dma_start3A_91 = arith.constant 0 : i32
        %dma_start3A_92 = tpu.memref_slice %arg7[%mul3A_88, %dma_start3A_91] : memref<10000x128xf32, #tpu.memory_space<hbm>> -> memref<40x128xf32, #tpu.memory_space<hbm>>
        tpu.enqueue_dma source(%arg10 : memref<40x128xf32, #tpu.memory_space<vmem>>) target(%dma_start3A_92 : memref<40x128xf32, #tpu.memory_space<hbm>>) target_semaphore(%run_scoped3A : memref<!tpu.dma_semaphore, #tpu.memory_space<semaphore_mem>>)
        %dma_wait3A_93 = arith.constant 0 : i32
        %dma_wait3A_94 = tpu.memref_slice %arg7[%mul3A_88, %dma_wait3A_93] : memref<10000x128xf32, #tpu.memory_space<hbm>> -> memref<40x128xf32, #tpu.memory_space<hbm>>
        %dma_wait3A_95 = arith.constant 0 : i32
        %dma_wait3A_96 = tpu.memref_slice %arg7[%mul3A_88, %dma_wait3A_95] : memref<10000x128xf32, #tpu.memory_space<hbm>> -> memref<40x128xf32, #tpu.memory_space<hbm>>
        tpu.wait_dma2 semaphore(%run_scoped3A : memref<!tpu.dma_semaphore, #tpu.memory_space<semaphore_mem>>) src(%arg10 : memref<40x128xf32, #tpu.memory_space<vmem>>) dst(%dma_wait3A_96 : memref<40x128xf32, #tpu.memory_space<hbm>>)
        tpu.yield
      }) : () -> ()
    } else {
    }
    %add3A_60 = arith.constant 160 : i32
    %add3A_61 = arith.addi %add3A, %add3A_60 : i32
    %lt3A_62 = arith.constant 250 : i32
    %lt3A_63 = arith.cmpi slt, %add3A_61, %lt3A_62 : i32
    %convert_element_type3A_64 = arith.extui %lt3A_63 : i1 to i32
    %cond3A_65 = arith.constant 0 : i32
    %cond3A_66 = arith.cmpi ne, %convert_element_type3A_64, %cond3A_65 : i32
    scf.if %cond3A_66 {
      %mul3A_81 = arith.constant 40 : i32
      %mul3A_82 = arith.muli %add3A_61, %mul3A_81 : i32
      "tpu.region"() ({
        %run_scoped3A = tpu.sem_alloc : memref<!tpu.dma_semaphore, #tpu.memory_space<semaphore_mem>>
        %dma_start3A_89 = tpu.memref_slice %arg4[%mul3A_82] : memref<10000xi32, #tpu.memory_space<hbm>> -> memref<40xi32, #tpu.memory_space<hbm>>
        %dma_start3A_90 = tpu.memref_slice %arg4[%mul3A_82] : memref<10000xi32, #tpu.memory_space<hbm>> -> memref<40xi32, #tpu.memory_space<hbm>>
        tpu.enqueue_dma source(%dma_start3A_90 : memref<40xi32, #tpu.memory_space<hbm>>) target(%arg9 : memref<40xi32, #tpu.memory_space<vmem>>) target_semaphore(%run_scoped3A : memref<!tpu.dma_semaphore, #tpu.memory_space<semaphore_mem>>)
        %dma_wait3A_91 = tpu.memref_slice %arg4[%mul3A_82] : memref<10000xi32, #tpu.memory_space<hbm>> -> memref<40xi32, #tpu.memory_space<hbm>>
        %dma_wait3A_92 = tpu.memref_slice %arg4[%mul3A_82] : memref<10000xi32, #tpu.memory_space<hbm>> -> memref<40xi32, #tpu.memory_space<hbm>>
        tpu.wait_dma2 semaphore(%run_scoped3A : memref<!tpu.dma_semaphore, #tpu.memory_space<semaphore_mem>>) src(%dma_wait3A_92 : memref<40xi32, #tpu.memory_space<hbm>>) dst(%arg9 : memref<40xi32, #tpu.memory_space<vmem>>)
        tpu.yield
      }) : () -> ()
      %dma_start3A = arith.constant 0 : i32
      %dma_start3A_83 = arith.constant 0 : i32
      %dma_start3A_84 = tpu.memref_slice %arg5[%dma_start3A, %dma_start3A_83] : memref<512x128xf32, #tpu.memory_space<hbm>> -> memref<512x128xf32, #tpu.memory_space<hbm>>
      tpu.enqueue_indirect_dma source(%dma_start3A_84 : memref<512x128xf32, #tpu.memory_space<hbm>>) target(%arg10 : memref<40x128xf32, #tpu.memory_space<vmem>>) offsets(%arg9 : memref<40xi32, #tpu.memory_space<vmem>>) semaphore(%arg12 : memref<!tpu.dma_semaphore, #tpu.memory_space<semaphore_mem>>)
      %dma_wait3A = arith.constant 0 : i32
      %dma_wait3A_85 = arith.constant 0 : i32
      %dma_wait3A_86 = tpu.memref_slice %arg5[%dma_wait3A, %dma_wait3A_85] : memref<512x128xf32, #tpu.memory_space<hbm>> -> memref<512x128xf32, #tpu.memory_space<hbm>>
      tpu.wait_indirect_dma semaphore(%arg12 : memref<!tpu.dma_semaphore, #tpu.memory_space<semaphore_mem>>) src(%dma_wait3A_86 : memref<512x128xf32, #tpu.memory_space<hbm>>) dst(%arg10 : memref<40x128xf32, #tpu.memory_space<vmem>>)
      %mul3A_87 = arith.constant 40 : i32
      %mul3A_88 = arith.muli %add3A_61, %mul3A_87 : i32
      "tpu.region"() ({
        %run_scoped3A = tpu.sem_alloc : memref<!tpu.dma_semaphore, #tpu.memory_space<semaphore_mem>>
        %dma_start3A_89 = arith.constant 0 : i32
        %dma_start3A_90 = tpu.memref_slice %arg7[%mul3A_88, %dma_start3A_89] : memref<10000x128xf32, #tpu.memory_space<hbm>> -> memref<40x128xf32, #tpu.memory_space<hbm>>
        %dma_start3A_91 = arith.constant 0 : i32
        %dma_start3A_92 = tpu.memref_slice %arg7[%mul3A_88, %dma_start3A_91] : memref<10000x128xf32, #tpu.memory_space<hbm>> -> memref<40x128xf32, #tpu.memory_space<hbm>>
        tpu.enqueue_dma source(%arg10 : memref<40x128xf32, #tpu.memory_space<vmem>>) target(%dma_start3A_92 : memref<40x128xf32, #tpu.memory_space<hbm>>) target_semaphore(%run_scoped3A : memref<!tpu.dma_semaphore, #tpu.memory_space<semaphore_mem>>)
        %dma_wait3A_93 = arith.constant 0 : i32
        %dma_wait3A_94 = tpu.memref_slice %arg7[%mul3A_88, %dma_wait3A_93] : memref<10000x128xf32, #tpu.memory_space<hbm>> -> memref<40x128xf32, #tpu.memory_space<hbm>>
        %dma_wait3A_95 = arith.constant 0 : i32
        %dma_wait3A_96 = tpu.memref_slice %arg7[%mul3A_88, %dma_wait3A_95] : memref<10000x128xf32, #tpu.memory_space<hbm>> -> memref<40x128xf32, #tpu.memory_space<hbm>>
        tpu.wait_dma2 semaphore(%run_scoped3A : memref<!tpu.dma_semaphore, #tpu.memory_space<semaphore_mem>>) src(%arg10 : memref<40x128xf32, #tpu.memory_space<vmem>>) dst(%dma_wait3A_96 : memref<40x128xf32, #tpu.memory_space<hbm>>)
        tpu.yield
      }) : () -> ()
    } else {
    }
    %add3A_67 = arith.constant 192 : i32
    %add3A_68 = arith.addi %add3A, %add3A_67 : i32
    %lt3A_69 = arith.constant 250 : i32
    %lt3A_70 = arith.cmpi slt, %add3A_68, %lt3A_69 : i32
    %convert_element_type3A_71 = arith.extui %lt3A_70 : i1 to i32
    %cond3A_72 = arith.constant 0 : i32
    %cond3A_73 = arith.cmpi ne, %convert_element_type3A_71, %cond3A_72 : i32
    scf.if %cond3A_73 {
      %mul3A_81 = arith.constant 40 : i32
      %mul3A_82 = arith.muli %add3A_68, %mul3A_81 : i32
      "tpu.region"() ({
        %run_scoped3A = tpu.sem_alloc : memref<!tpu.dma_semaphore, #tpu.memory_space<semaphore_mem>>
        %dma_start3A_89 = tpu.memref_slice %arg4[%mul3A_82] : memref<10000xi32, #tpu.memory_space<hbm>> -> memref<40xi32, #tpu.memory_space<hbm>>
        %dma_start3A_90 = tpu.memref_slice %arg4[%mul3A_82] : memref<10000xi32, #tpu.memory_space<hbm>> -> memref<40xi32, #tpu.memory_space<hbm>>
        tpu.enqueue_dma source(%dma_start3A_90 : memref<40xi32, #tpu.memory_space<hbm>>) target(%arg9 : memref<40xi32, #tpu.memory_space<vmem>>) target_semaphore(%run_scoped3A : memref<!tpu.dma_semaphore, #tpu.memory_space<semaphore_mem>>)
        %dma_wait3A_91 = tpu.memref_slice %arg4[%mul3A_82] : memref<10000xi32, #tpu.memory_space<hbm>> -> memref<40xi32, #tpu.memory_space<hbm>>
        %dma_wait3A_92 = tpu.memref_slice %arg4[%mul3A_82] : memref<10000xi32, #tpu.memory_space<hbm>> -> memref<40xi32, #tpu.memory_space<hbm>>
        tpu.wait_dma2 semaphore(%run_scoped3A : memref<!tpu.dma_semaphore, #tpu.memory_space<semaphore_mem>>) src(%dma_wait3A_92 : memref<40xi32, #tpu.memory_space<hbm>>) dst(%arg9 : memref<40xi32, #tpu.memory_space<vmem>>)
        tpu.yield
      }) : () -> ()
      %dma_start3A = arith.constant 0 : i32
      %dma_start3A_83 = arith.constant 0 : i32
      %dma_start3A_84 = tpu.memref_slice %arg5[%dma_start3A, %dma_start3A_83] : memref<512x128xf32, #tpu.memory_space<hbm>> -> memref<512x128xf32, #tpu.memory_space<hbm>>
      tpu.enqueue_indirect_dma source(%dma_start3A_84 : memref<512x128xf32, #tpu.memory_space<hbm>>) target(%arg10 : memref<40x128xf32, #tpu.memory_space<vmem>>) offsets(%arg9 : memref<40xi32, #tpu.memory_space<vmem>>) semaphore(%arg12 : memref<!tpu.dma_semaphore, #tpu.memory_space<semaphore_mem>>)
      %dma_wait3A = arith.constant 0 : i32
      %dma_wait3A_85 = arith.constant 0 : i32
      %dma_wait3A_86 = tpu.memref_slice %arg5[%dma_wait3A, %dma_wait3A_85] : memref<512x128xf32, #tpu.memory_space<hbm>> -> memref<512x128xf32, #tpu.memory_space<hbm>>
      tpu.wait_indirect_dma semaphore(%arg12 : memref<!tpu.dma_semaphore, #tpu.memory_space<semaphore_mem>>) src(%dma_wait3A_86 : memref<512x128xf32, #tpu.memory_space<hbm>>) dst(%arg10 : memref<40x128xf32, #tpu.memory_space<vmem>>)
      %mul3A_87 = arith.constant 40 : i32
      %mul3A_88 = arith.muli %add3A_68, %mul3A_87 : i32
      "tpu.region"() ({
        %run_scoped3A = tpu.sem_alloc : memref<!tpu.dma_semaphore, #tpu.memory_space<semaphore_mem>>
        %dma_start3A_89 = arith.constant 0 : i32
        %dma_start3A_90 = tpu.memref_slice %arg7[%mul3A_88, %dma_start3A_89] : memref<10000x128xf32, #tpu.memory_space<hbm>> -> memref<40x128xf32, #tpu.memory_space<hbm>>
        %dma_start3A_91 = arith.constant 0 : i32
        %dma_start3A_92 = tpu.memref_slice %arg7[%mul3A_88, %dma_start3A_91] : memref<10000x128xf32, #tpu.memory_space<hbm>> -> memref<40x128xf32, #tpu.memory_space<hbm>>
        tpu.enqueue_dma source(%arg10 : memref<40x128xf32, #tpu.memory_space<vmem>>) target(%dma_start3A_92 : memref<40x128xf32, #tpu.memory_space<hbm>>) target_semaphore(%run_scoped3A : memref<!tpu.dma_semaphore, #tpu.memory_space<semaphore_mem>>)
        %dma_wait3A_93 = arith.constant 0 : i32
        %dma_wait3A_94 = tpu.memref_slice %arg7[%mul3A_88, %dma_wait3A_93] : memref<10000x128xf32, #tpu.memory_space<hbm>> -> memref<40x128xf32, #tpu.memory_space<hbm>>
        %dma_wait3A_95 = arith.constant 0 : i32
        %dma_wait3A_96 = tpu.memref_slice %arg7[%mul3A_88, %dma_wait3A_95] : memref<10000x128xf32, #tpu.memory_space<hbm>> -> memref<40x128xf32, #tpu.memory_space<hbm>>
        tpu.wait_dma2 semaphore(%run_scoped3A : memref<!tpu.dma_semaphore, #tpu.memory_space<semaphore_mem>>) src(%arg10 : memref<40x128xf32, #tpu.memory_space<vmem>>) dst(%dma_wait3A_96 : memref<40x128xf32, #tpu.memory_space<hbm>>)
        tpu.yield
      }) : () -> ()
    } else {
    }
    %add3A_74 = arith.constant 224 : i32
    %add3A_75 = arith.addi %add3A, %add3A_74 : i32
    %lt3A_76 = arith.constant 250 : i32
    %lt3A_77 = arith.cmpi slt, %add3A_75, %lt3A_76 : i32
    %convert_element_type3A_78 = arith.extui %lt3A_77 : i1 to i32
    %cond3A_79 = arith.constant 0 : i32
    %cond3A_80 = arith.cmpi ne, %convert_element_type3A_78, %cond3A_79 : i32
    scf.if %cond3A_80 {
      %mul3A_81 = arith.constant 40 : i32
      %mul3A_82 = arith.muli %add3A_75, %mul3A_81 : i32
      "tpu.region"() ({
        %run_scoped3A = tpu.sem_alloc : memref<!tpu.dma_semaphore, #tpu.memory_space<semaphore_mem>>
        %dma_start3A_89 = tpu.memref_slice %arg4[%mul3A_82] : memref<10000xi32, #tpu.memory_space<hbm>> -> memref<40xi32, #tpu.memory_space<hbm>>
        %dma_start3A_90 = tpu.memref_slice %arg4[%mul3A_82] : memref<10000xi32, #tpu.memory_space<hbm>> -> memref<40xi32, #tpu.memory_space<hbm>>
        tpu.enqueue_dma source(%dma_start3A_90 : memref<40xi32, #tpu.memory_space<hbm>>) target(%arg9 : memref<40xi32, #tpu.memory_space<vmem>>) target_semaphore(%run_scoped3A : memref<!tpu.dma_semaphore, #tpu.memory_space<semaphore_mem>>)
        %dma_wait3A_91 = tpu.memref_slice %arg4[%mul3A_82] : memref<10000xi32, #tpu.memory_space<hbm>> -> memref<40xi32, #tpu.memory_space<hbm>>
        %dma_wait3A_92 = tpu.memref_slice %arg4[%mul3A_82] : memref<10000xi32, #tpu.memory_space<hbm>> -> memref<40xi32, #tpu.memory_space<hbm>>
        tpu.wait_dma2 semaphore(%run_scoped3A : memref<!tpu.dma_semaphore, #tpu.memory_space<semaphore_mem>>) src(%dma_wait3A_92 : memref<40xi32, #tpu.memory_space<hbm>>) dst(%arg9 : memref<40xi32, #tpu.memory_space<vmem>>)
        tpu.yield
      }) : () -> ()
      %dma_start3A = arith.constant 0 : i32
      %dma_start3A_83 = arith.constant 0 : i32
      %dma_start3A_84 = tpu.memref_slice %arg5[%dma_start3A, %dma_start3A_83] : memref<512x128xf32, #tpu.memory_space<hbm>> -> memref<512x128xf32, #tpu.memory_space<hbm>>
      tpu.enqueue_indirect_dma source(%dma_start3A_84 : memref<512x128xf32, #tpu.memory_space<hbm>>) target(%arg10 : memref<40x128xf32, #tpu.memory_space<vmem>>) offsets(%arg9 : memref<40xi32, #tpu.memory_space<vmem>>) semaphore(%arg12 : memref<!tpu.dma_semaphore, #tpu.memory_space<semaphore_mem>>)
      %dma_wait3A = arith.constant 0 : i32
      %dma_wait3A_85 = arith.constant 0 : i32
      %dma_wait3A_86 = tpu.memref_slice %arg5[%dma_wait3A, %dma_wait3A_85] : memref<512x128xf32, #tpu.memory_space<hbm>> -> memref<512x128xf32, #tpu.memory_space<hbm>>
      tpu.wait_indirect_dma semaphore(%arg12 : memref<!tpu.dma_semaphore, #tpu.memory_space<semaphore_mem>>) src(%dma_wait3A_86 : memref<512x128xf32, #tpu.memory_space<hbm>>) dst(%arg10 : memref<40x128xf32, #tpu.memory_space<vmem>>)
      %mul3A_87 = arith.constant 40 : i32
      %mul3A_88 = arith.muli %add3A_75, %mul3A_87 : i32
      "tpu.region"() ({
        %run_scoped3A = tpu.sem_alloc : memref<!tpu.dma_semaphore, #tpu.memory_space<semaphore_mem>>
        %dma_start3A_89 = arith.constant 0 : i32
        %dma_start3A_90 = tpu.memref_slice %arg7[%mul3A_88, %dma_start3A_89] : memref<10000x128xf32, #tpu.memory_space<hbm>> -> memref<40x128xf32, #tpu.memory_space<hbm>>
        %dma_start3A_91 = arith.constant 0 : i32
        %dma_start3A_92 = tpu.memref_slice %arg7[%mul3A_88, %dma_start3A_91] : memref<10000x128xf32, #tpu.memory_space<hbm>> -> memref<40x128xf32, #tpu.memory_space<hbm>>
        tpu.enqueue_dma source(%arg10 : memref<40x128xf32, #tpu.memory_space<vmem>>) target(%dma_start3A_92 : memref<40x128xf32, #tpu.memory_space<hbm>>) target_semaphore(%run_scoped3A : memref<!tpu.dma_semaphore, #tpu.memory_space<semaphore_mem>>)
        %dma_wait3A_93 = arith.constant 0 : i32
        %dma_wait3A_94 = tpu.memref_slice %arg7[%mul3A_88, %dma_wait3A_93] : memref<10000x128xf32, #tpu.memory_space<hbm>> -> memref<40x128xf32, #tpu.memory_space<hbm>>
        %dma_wait3A_95 = arith.constant 0 : i32
        %dma_wait3A_96 = tpu.memref_slice %arg7[%mul3A_88, %dma_wait3A_95] : memref<10000x128xf32, #tpu.memory_space<hbm>> -> memref<40x128xf32, #tpu.memory_space<hbm>>
        tpu.wait_dma2 semaphore(%run_scoped3A : memref<!tpu.dma_semaphore, #tpu.memory_space<semaphore_mem>>) src(%arg10 : memref<40x128xf32, #tpu.memory_space<vmem>>) dst(%dma_wait3A_96 : memref<40x128xf32, #tpu.memory_space<hbm>>)
        tpu.yield
      }) : () -> ()
    } else {
    }
    return
  }
}

module attributes {stable_mosaic.version = 14 : i64} {
  func.func @_tc_norms(%arg0: i32, %arg1: memref<2x32x10000xf32, #tpu.memory_space<vmem>>, %arg2: memref<10000x1xf32, #tpu.memory_space<vmem>>, %arg3: memref<10000x1xf32, #tpu.memory_space<vmem>>) attributes {dimension_semantics = [#tpu.dimension_semantics<arbitrary>], iteration_bounds = array<i64: 1>, scalar_prefetch = 0 : i64, scratch_operands = 0 : i64, tpu.core_type = #tpu.core_type<tc>, window_params = [{pipeline_mode = #tpu.pipeline_mode<synchronous>, transform_indices = @transform_0, window_bounds = array<i64: 2, 32, 10000>}, {pipeline_mode = #tpu.pipeline_mode<synchronous>, transform_indices = @transform_1, window_bounds = array<i64: 10000, 1>}, {pipeline_mode = #tpu.pipeline_mode<synchronous>, transform_indices = @transform_2, window_bounds = array<i64: 10000, 1>}]} {
    %get3A = arith.constant 0 : index
    %get3A_0 = arith.constant 0 : index
    %get3A_1 = arith.constant 0 : index
    %get3A_2 = vector.load %arg1[%get3A, %get3A_0, %get3A_1] : memref<2x32x10000xf32, #tpu.memory_space<vmem>>, vector<1x32x10000xf32>
    %get3A_3 = vector.shape_cast %get3A_2 : vector<1x32x10000xf32> to vector<32x10000xf32>
    %reduce_sum3A = arith.constant dense<0.000000e+00> : vector<10000xf32>
    %reduce_sum3A_4 = vector.multi_reduction <add>, %get3A_3, %reduce_sum3A [0] : vector<32x10000xf32> to vector<10000xf32>
    %get3A_5 = arith.constant 1 : index
    %get3A_6 = arith.constant 0 : index
    %get3A_7 = arith.constant 0 : index
    %get3A_8 = vector.load %arg1[%get3A_5, %get3A_6, %get3A_7] : memref<2x32x10000xf32, #tpu.memory_space<vmem>>, vector<1x32x10000xf32>
    %get3A_9 = vector.shape_cast %get3A_8 : vector<1x32x10000xf32> to vector<32x10000xf32>
    %reduce_sum3A_10 = arith.constant dense<0.000000e+00> : vector<10000xf32>
    %reduce_sum3A_11 = vector.multi_reduction <add>, %get3A_9, %reduce_sum3A_10 [0] : vector<32x10000xf32> to vector<10000xf32>
    %gt3A = arith.constant 0.000000e+00 : f32
    %gt3A_12 = vector.broadcast %gt3A : f32 to vector<10000xf32>
    %gt3A_13 = arith.cmpf ogt, %reduce_sum3A_4, %gt3A_12 : vector<10000xf32>
    %rsqrt3A = math.rsqrt %reduce_sum3A_4 : vector<10000xf32>
    %jit3A = arith.constant 0.000000e+00 : f32
    %broadcast_in_dim3A = vector.broadcast %jit3A : f32 to vector<10000xf32>
    %select_n3A = arith.select %gt3A_13, %rsqrt3A, %broadcast_in_dim3A : vector<10000xi1>, vector<10000xf32>
    %broadcast_in_dim3A_14 = vector.shape_cast %select_n3A : vector<10000xf32> to vector<10000x1xf32>
    %swap3A = arith.constant 0 : index
    %swap3A_15 = arith.constant 0 : index
    %swap3A_16 = vector.load %arg2[%swap3A, %swap3A_15] : memref<10000x1xf32, #tpu.memory_space<vmem>>, vector<10000x1xf32>
    tpu.vector_store %arg2[%swap3A, %swap3A_15], %broadcast_in_dim3A_14 {strides = array<i32>} : memref<10000x1xf32, #tpu.memory_space<vmem>>, vector<10000x1xf32>,
    %gt3A_17 = arith.constant 0.000000e+00 : f32
    %gt3A_18 = vector.broadcast %gt3A_17 : f32 to vector<10000xf32>
    %gt3A_19 = arith.cmpf ogt, %reduce_sum3A_11, %gt3A_18 : vector<10000xf32>
    %rsqrt3A_20 = math.rsqrt %reduce_sum3A_11 : vector<10000xf32>
    %jit3A_21 = arith.constant 0.000000e+00 : f32
    %broadcast_in_dim3A_22 = vector.broadcast %jit3A_21 : f32 to vector<10000xf32>
    %select_n3A_23 = arith.select %gt3A_19, %rsqrt3A_20, %broadcast_in_dim3A_22 : vector<10000xi1>, vector<10000xf32>
    %broadcast_in_dim3A_24 = vector.shape_cast %select_n3A_23 : vector<10000xf32> to vector<10000x1xf32>
    %swap3A_25 = arith.constant 0 : index
    %swap3A_26 = arith.constant 0 : index
    %swap3A_27 = vector.load %arg3[%swap3A_25, %swap3A_26] : memref<10000x1xf32, #tpu.memory_space<vmem>>, vector<10000x1xf32>
    tpu.vector_store %arg3[%swap3A_25, %swap3A_26], %broadcast_in_dim3A_24 {strides = array<i32>} : memref<10000x1xf32, #tpu.memory_space<vmem>>, vector<10000x1xf32>,
    return
  }
  func.func @transform_0(%arg0: i32) -> (i32, i32, i32) {
    %c0_i32 = arith.constant 0 : i32
    %c0_i32_0 = arith.constant 0 : i32
    %c0_i32_1 = arith.constant 0 : i32
    %c0_i32_2 = arith.constant 0 : i32
    return %c0_i32, %c0_i32_0, %c0_i32_1 : i32, i32, i32
  }
  func.func @transform_1(%arg0: i32) -> (i32, i32) {
    %c0_i32 = arith.constant 0 : i32
    %c0_i32_0 = arith.constant 0 : i32
    %c0_i32_1 = arith.constant 0 : i32
    return %c0_i32, %c0_i32_0 : i32, i32
  }
  func.func @transform_2(%arg0: i32) -> (i32, i32) {
    %c0_i32 = arith.constant 0 : i32
    %c0_i32_0 = arith.constant 0 : i32
    %c0_i32_1 = arith.constant 0 : i32
    return %c0_i32, %c0_i32_0 : i32, i32
  }
}

module attributes {stable_mosaic.version = 14 : i64} {
  func.func @_tc_m0(%arg0: i32, %arg1: memref<2000x128xf32, #tpu.memory_space<vmem>>, %arg2: memref<128x128xf32, #tpu.memory_space<vmem>>, %arg3: memref<2000x1xf32, #tpu.memory_space<vmem>>, %arg4: memref<2000x128xf32, #tpu.memory_space<vmem>>) attributes {dimension_semantics = [#tpu.dimension_semantics<arbitrary>], iteration_bounds = array<i64: 5>, scalar_prefetch = 0 : i64, scratch_operands = 0 : i64, tpu.core_type = #tpu.core_type<tc>, window_params = [{transform_indices = @transform_0, window_bounds = array<i64: 2000, 128>}, {pipeline_mode = #tpu.pipeline_mode<synchronous>, transform_indices = @transform_1, window_bounds = array<i64: 128, 128>}, {transform_indices = @transform_2, window_bounds = array<i64: 2000, 1>}, {transform_indices = @transform_3, window_bounds = array<i64: 2000, 128>}]} {
    %get3A = arith.constant 0 : index
    %get3A_0 = arith.constant 0 : index
    %get3A_1 = vector.load %arg1[%get3A, %get3A_0] : memref<2000x128xf32, #tpu.memory_space<vmem>>, vector<2000x128xf32>
    %get3A_2 = arith.constant 0 : index
    %get3A_3 = arith.constant 0 : index
    %get3A_4 = vector.load %arg2[%get3A_2, %get3A_3] : memref<128x128xf32, #tpu.memory_space<vmem>>, vector<128x128xf32>
    %dot_general3A = arith.constant dense<0.000000e+00> : vector<2000x128xf32>
    %dot_general3A_5 = tpu.matmul %get3A_1, %get3A_4, %dot_general3A {dimension_numbers = #tpu.dot_dimension_numbers<[1], [0], [0], [1], [0, 0, 1, 1], [], []>, transpose_lhs_hint = false} : vector<2000x128xf32>, vector<128x128xf32>, vector<2000x128xf32> -> vector<2000x128xf32>
    %get3A_6 = arith.constant 0 : index
    %get3A_7 = arith.constant 0 : index
    %get3A_8 = vector.load %arg3[%get3A_6, %get3A_7] : memref<2000x1xf32, #tpu.memory_space<vmem>>, vector<2000x1xf32>
    %mul3A = vector.broadcast %get3A_8 : vector<2000x1xf32> to vector<2000x128xf32>
    %mul3A_9 = arith.mulf %dot_general3A_5, %mul3A : vector<2000x128xf32>
    %swap3A = arith.constant 0 : index
    %swap3A_10 = arith.constant 0 : index
    %swap3A_11 = vector.load %arg4[%swap3A, %swap3A_10] : memref<2000x128xf32, #tpu.memory_space<vmem>>, vector<2000x128xf32>
    tpu.vector_store %arg4[%swap3A, %swap3A_10], %mul3A_9 {strides = array<i32>} : memref<2000x128xf32, #tpu.memory_space<vmem>>, vector<2000x128xf32>,
    return
  }
  func.func @transform_0(%arg0: i32) -> (i32, i32) {
    %c0_i32 = arith.constant 0 : i32
    %c0_i32_0 = arith.constant 0 : i32
    return %arg0, %c0_i32 : i32, i32
  }
  func.func @transform_1(%arg0: i32) -> (i32, i32) {
    %c0_i32 = arith.constant 0 : i32
    %c0_i32_0 = arith.constant 0 : i32
    %c0_i32_1 = arith.constant 0 : i32
    return %c0_i32, %c0_i32_0 : i32, i32
  }
  func.func @transform_2(%arg0: i32) -> (i32, i32) {
    %c0_i32 = arith.constant 0 : i32
    %c0_i32_0 = arith.constant 0 : i32
    return %arg0, %c0_i32 : i32, i32
  }
  func.func @transform_3(%arg0: i32) -> (i32, i32) {
    %c0_i32 = arith.constant 0 : i32
    %c0_i32_0 = arith.constant 0 : i32
    return %arg0, %c0_i32 : i32, i32
  }
}

module attributes {stable_mosaic.version = 14 : i64} {
  func.func @_tc_layer(%arg0: i32, %arg1: memref<2000x128xf32, #tpu.memory_space<vmem>>, %arg2: memref<2000x1xf32, #tpu.memory_space<vmem>>, %arg3: memref<2000x1xf32, #tpu.memory_space<vmem>>, %arg4: memref<128x128xf32, #tpu.memory_space<vmem>>, %arg5: memref<1x128xf32, #tpu.memory_space<vmem>>, %arg6: memref<2000x128xf32, #tpu.memory_space<vmem>>) attributes {dimension_semantics = [#tpu.dimension_semantics<arbitrary>], iteration_bounds = array<i64: 5>, scalar_prefetch = 0 : i64, scratch_operands = 0 : i64, tpu.core_type = #tpu.core_type<tc>, window_params = [{transform_indices = @transform_0, window_bounds = array<i64: 2000, 128>}, {transform_indices = @transform_1, window_bounds = array<i64: 2000, 1>}, {transform_indices = @transform_2, window_bounds = array<i64: 2000, 1>}, {pipeline_mode = #tpu.pipeline_mode<synchronous>, transform_indices = @transform_3, window_bounds = array<i64: 128, 128>}, {pipeline_mode = #tpu.pipeline_mode<synchronous>, transform_indices = @transform_4, window_bounds = array<i64: 1, 128>}, {transform_indices = @transform_5, window_bounds = array<i64: 2000, 128>}]} {
    %get3A = arith.constant 0 : index
    %get3A_0 = arith.constant 0 : index
    %get3A_1 = vector.load %arg1[%get3A, %get3A_0] : memref<2000x128xf32, #tpu.memory_space<vmem>>, vector<2000x128xf32>
    %get3A_2 = arith.constant 0 : index
    %get3A_3 = arith.constant 0 : index
    %get3A_4 = vector.load %arg3[%get3A_2, %get3A_3] : memref<2000x1xf32, #tpu.memory_space<vmem>>, vector<2000x1xf32>
    %mul3A = vector.broadcast %get3A_4 : vector<2000x1xf32> to vector<2000x128xf32>
    %mul3A_5 = arith.mulf %get3A_1, %mul3A : vector<2000x128xf32>
    %get3A_6 = arith.constant 0 : index
    %get3A_7 = arith.constant 0 : index
    %get3A_8 = vector.load %arg5[%get3A_6, %get3A_7] : memref<1x128xf32, #tpu.memory_space<vmem>>, vector<1x128xf32>
    %add3A = vector.broadcast %get3A_8 : vector<1x128xf32> to vector<2000x128xf32>
    %add3A_9 = arith.addf %mul3A_5, %add3A : vector<2000x128xf32>
    %max3A = arith.constant 0.000000e+00 : f32
    %max3A_10 = vector.broadcast %max3A : f32 to vector<2000x128xf32>
    %max3A_11 = arith.maximumf %add3A_9, %max3A_10 : vector<2000x128xf32>
    %get3A_12 = arith.constant 0 : index
    %get3A_13 = arith.constant 0 : index
    %get3A_14 = vector.load %arg4[%get3A_12, %get3A_13] : memref<128x128xf32, #tpu.memory_space<vmem>>, vector<128x128xf32>
    %dot_general3A = arith.constant dense<0.000000e+00> : vector<2000x128xf32>
    %dot_general3A_15 = tpu.matmul %max3A_11, %get3A_14, %dot_general3A {dimension_numbers = #tpu.dot_dimension_numbers<[1], [0], [0], [1], [0, 0, 1, 1], [], []>, transpose_lhs_hint = false} : vector<2000x128xf32>, vector<128x128xf32>, vector<2000x128xf32> -> vector<2000x128xf32>
    %get3A_16 = arith.constant 0 : index
    %get3A_17 = arith.constant 0 : index
    %get3A_18 = vector.load %arg2[%get3A_16, %get3A_17] : memref<2000x1xf32, #tpu.memory_space<vmem>>, vector<2000x1xf32>
    %mul3A_19 = vector.broadcast %get3A_18 : vector<2000x1xf32> to vector<2000x128xf32>
    %mul3A_20 = arith.mulf %dot_general3A_15, %mul3A_19 : vector<2000x128xf32>
    %swap3A = arith.constant 0 : index
    %swap3A_21 = arith.constant 0 : index
    %swap3A_22 = vector.load %arg6[%swap3A, %swap3A_21] : memref<2000x128xf32, #tpu.memory_space<vmem>>, vector<2000x128xf32>
    tpu.vector_store %arg6[%swap3A, %swap3A_21], %mul3A_20 {strides = array<i32>} : memref<2000x128xf32, #tpu.memory_space<vmem>>, vector<2000x128xf32>,
    return
  }
  func.func @transform_0(%arg0: i32) -> (i32, i32) {
    %c0_i32 = arith.constant 0 : i32
    %c0_i32_0 = arith.constant 0 : i32
    return %arg0, %c0_i32 : i32, i32
  }
  func.func @transform_1(%arg0: i32) -> (i32, i32) {
    %c0_i32 = arith.constant 0 : i32
    %c0_i32_0 = arith.constant 0 : i32
    return %arg0, %c0_i32 : i32, i32
  }
  func.func @transform_2(%arg0: i32) -> (i32, i32) {
    %c0_i32 = arith.constant 0 : i32
    %c0_i32_0 = arith.constant 0 : i32
    return %arg0, %c0_i32 : i32, i32
  }
  func.func @transform_3(%arg0: i32) -> (i32, i32) {
    %c0_i32 = arith.constant 0 : i32
    %c0_i32_0 = arith.constant 0 : i32
    %c0_i32_1 = arith.constant 0 : i32
    return %c0_i32, %c0_i32_0 : i32, i32
  }
  func.func @transform_4(%arg0: i32) -> (i32, i32) {
    %c0_i32 = arith.constant 0 : i32
    %c0_i32_0 = arith.constant 0 : i32
    %c0_i32_1 = arith.constant 0 : i32
    return %c0_i32, %c0_i32_0 : i32, i32
  }
  func.func @transform_5(%arg0: i32) -> (i32, i32) {
    %c0_i32 = arith.constant 0 : i32
    %c0_i32_0 = arith.constant 0 : i32
    return %arg0, %c0_i32 : i32, i32
  }
}

module attributes {stable_mosaic.version = 14 : i64} {
  func.func @_tc_final(%arg0: i32, %arg1: memref<2000x128xf32, #tpu.memory_space<vmem>>, %arg2: memref<2000x1xf32, #tpu.memory_space<vmem>>, %arg3: memref<1x128xf32, #tpu.memory_space<vmem>>, %arg4: memref<1x128xf32, #tpu.memory_space<vmem>>) attributes {dimension_semantics = [#tpu.dimension_semantics<arbitrary>], iteration_bounds = array<i64: 5>, scalar_prefetch = 0 : i64, scratch_operands = 0 : i64, tpu.core_type = #tpu.core_type<tc>, window_params = [{transform_indices = @transform_0, window_bounds = array<i64: 2000, 128>}, {transform_indices = @transform_1, window_bounds = array<i64: 2000, 1>}, {pipeline_mode = #tpu.pipeline_mode<synchronous>, transform_indices = @transform_2, window_bounds = array<i64: 1, 128>}, {pipeline_mode = #tpu.pipeline_mode<synchronous>, transform_indices = @transform_3, window_bounds = array<i64: 1, 128>}]} {
    %get3A = arith.constant 0 : index
    %get3A_0 = arith.constant 0 : index
    %get3A_1 = vector.load %arg1[%get3A, %get3A_0] : memref<2000x128xf32, #tpu.memory_space<vmem>>, vector<2000x128xf32>
    %get3A_2 = arith.constant 0 : index
    %get3A_3 = arith.constant 0 : index
    %get3A_4 = vector.load %arg2[%get3A_2, %get3A_3] : memref<2000x1xf32, #tpu.memory_space<vmem>>, vector<2000x1xf32>
    %mul3A = vector.broadcast %get3A_4 : vector<2000x1xf32> to vector<2000x128xf32>
    %mul3A_5 = arith.mulf %get3A_1, %mul3A : vector<2000x128xf32>
    %get3A_6 = arith.constant 0 : index
    %get3A_7 = arith.constant 0 : index
    %get3A_8 = vector.load %arg3[%get3A_6, %get3A_7] : memref<1x128xf32, #tpu.memory_space<vmem>>, vector<1x128xf32>
    %add3A = vector.broadcast %get3A_8 : vector<1x128xf32> to vector<2000x128xf32>
    %add3A_9 = arith.addf %mul3A_5, %add3A : vector<2000x128xf32>
    %max3A = arith.constant 0.000000e+00 : f32
    %max3A_10 = vector.broadcast %max3A : f32 to vector<2000x128xf32>
    %max3A_11 = arith.maximumf %add3A_9, %max3A_10 : vector<2000x128xf32>
    %reduce_max3A = arith.constant dense<0xFF800000> : vector<128xf32>
    %reduce_max3A_12 = vector.multi_reduction <maximumf>, %max3A_11, %reduce_max3A [0] : vector<2000x128xf32> to vector<128xf32>
    %broadcast_in_dim3A = vector.shape_cast %reduce_max3A_12 : vector<128xf32> to vector<1x128xf32>
    %eq3A = arith.constant 0 : i32
    %eq3A_13 = arith.cmpi eq, %arg0, %eq3A : i32
    %convert_element_type3A = arith.extui %eq3A_13 : i1 to i32
    %cond3A = arith.constant 0 : i32
    %cond3A_14 = arith.cmpi ne, %convert_element_type3A, %cond3A : i32
    scf.if %cond3A_14 {
      %swap3A = arith.constant 0 : index
      %swap3A_19 = arith.constant 0 : index
      %swap3A_20 = vector.load %arg4[%swap3A, %swap3A_19] : memref<1x128xf32, #tpu.memory_space<vmem>>, vector<1x128xf32>
      tpu.vector_store %arg4[%swap3A, %swap3A_19], %broadcast_in_dim3A {strides = array<i32>} : memref<1x128xf32, #tpu.memory_space<vmem>>, vector<1x128xf32>,
    } else {
    }
    %gt3A = arith.constant 0 : i32
    %gt3A_15 = arith.cmpi sgt, %arg0, %gt3A : i32
    %convert_element_type3A_16 = arith.extui %gt3A_15 : i1 to i32
    %cond3A_17 = arith.constant 0 : i32
    %cond3A_18 = arith.cmpi ne, %convert_element_type3A_16, %cond3A_17 : i32
    scf.if %cond3A_18 {
      %get3A_19 = arith.constant 0 : index
      %get3A_20 = arith.constant 0 : index
      %get3A_21 = vector.load %arg4[%get3A_19, %get3A_20] : memref<1x128xf32, #tpu.memory_space<vmem>>, vector<1x128xf32>
      %max3A_22 = arith.maximumf %get3A_21, %broadcast_in_dim3A : vector<1x128xf32>
      %swap3A = arith.constant 0 : index
      %swap3A_23 = arith.constant 0 : index
      %swap3A_24 = vector.load %arg4[%swap3A, %swap3A_23] : memref<1x128xf32, #tpu.memory_space<vmem>>, vector<1x128xf32>
      tpu.vector_store %arg4[%swap3A, %swap3A_23], %max3A_22 {strides = array<i32>} : memref<1x128xf32, #tpu.memory_space<vmem>>, vector<1x128xf32>,
    } else {
    }
    return
  }
  func.func @transform_0(%arg0: i32) -> (i32, i32) {
    %c0_i32 = arith.constant 0 : i32
    %c0_i32_0 = arith.constant 0 : i32
    return %arg0, %c0_i32 : i32, i32
  }
  func.func @transform_1(%arg0: i32) -> (i32, i32) {
    %c0_i32 = arith.constant 0 : i32
    %c0_i32_0 = arith.constant 0 : i32
    return %arg0, %c0_i32 : i32, i32
  }
  func.func @transform_2(%arg0: i32) -> (i32, i32) {
    %c0_i32 = arith.constant 0 : i32
    %c0_i32_0 = arith.constant 0 : i32
    %c0_i32_1 = arith.constant 0 : i32
    return %c0_i32, %c0_i32_0 : i32, i32
  }
  func.func @transform_3(%arg0: i32) -> (i32, i32) {
    %c0_i32 = arith.constant 0 : i32
    %c0_i32_0 = arith.constant 0 : i32
    %c0_i32_1 = arith.constant 0 : i32
    return %c0_i32, %c0_i32_0 : i32, i32
  }
}

</mosaic_0001>

<sc_bundles>
// kernel: kernel.12.cloned.1.call-start
scs
__scs_entry_jumppad:
0x0: {  	(pc) =	sbr.rel $0x88, $3  }
0x1: {  	(tag) =	ssettag $0x0;
	lr =	simm.s32 $0x1  }
0x2: {  	[smem:$0x3F9A] =	sst lr;
	_ =	strace $0xD0000000  }
0x3: {  	_ = 	snop  }
0x4: {  	_ = 	snop  }
0x5: {  	_ = 	snop  }
0x6: {  	_ = 	snop  }
0x7: {  	_ = 	snop  }
__scs_overlays_trampoline_lowered:
0x8: {  	[smem:$0x3FA9] =	sst s0  }
0x9: {  	[smem:$0x3FAA] =	sst s1  }
0xa: {  	[smem:$0x3FAB] =	sst s2  }
0xb: {  	[smem:$0x3FAC] =	sst s3  }
0xc: {  	[smem:$0x3FAD] =	sst s4  }
0xd: {  	[smem:$0x3FAE] =	sst s5  }
0xe: {  	[smem:$0x3FAF] =	sst s6  }
0xf: {  	[smem:$0x3FB0] =	sst s7  }
0x10: {  	[smem:$0x3FB1] =	sst s8  }
0x11: {  	[smem:$0x3FB2] =	sst s9;
	s0 =	simm.s32 @!p0 $0x0  }
0x12: {  	s1 =	sld [smem:$0x3F98];
	s0 =	simm.s32 @p0 $0x1  }
0x13: {  	[smem:$0x3FB3] =	sst s0;
	s0 =	simm.s32 @!p1 $0x0  }
0x14: {  	s2 =	sld [smem:$0x3F97];
	s0 =	simm.s32 @p1 $0x1  }
0x15: {  	[smem:$0x3FB4] =	sst s0;
	s0 =	simm.s32 @!p2 $0x0  }
0x16: {  	s3 =	sld [smem:$0x3FDB];
	s0 =	simm.s32 @p2 $0x1  }
0x17: {  	s4 =	simm.s32 $0x1BF5;
	[smem:$0x3FB6] =	sst s0  }
0x18: {  	s0 =	sld [smem:$0x3F99];
	_ =	swait.ge [sflag:s4], $0x0  }
0x19: {  	s7 =	sld [smem:$0x3F9A]  }
0x1a: {  	s8 =	sadd.s32 $0xFFFFE003, lr  }
0x1b: {  	s9 =	sadd.s32 $0xFFFFFEF7, lr;
	s5 =	simm.s32 $0xFFFFFFFF;
	p2 =	slt.u32 s8, $0xFFFFF086  }
0x1c: {  	p1 =	slt.u32 s9, $0xF7A;
	s5 =	simm.s32 @!p2 $0x0  }
0x1d: {  	s5 =	simm.s32 @p1 $0x1;
	p0 =	seq.s32 s7, s2  }
0x1e: {  	s7 =	smul.u32 @!p0 $0xF7A, s2;
	p2 =	seq.s32 @!p0 s5, $0x0  }
0x1f: {  	s9 =	smul.u32 $0xF7A, s1;
	s8 =	simm.s32 @!p0 $0x1BF5;
	p2 =	por !p2, p0  }
0x20: {  	[sflag:s8] =	ssyncset.s32 @!p0 $0xFFFFF086;
	s6 =	sadd.s32 @!p0 s3, s7;
	s7 =	simm.s32 @!p0 $0x108  }
0x21: {  	s3 =	sadd.s32 s3, s9;
	s6 =	sadd.s32 @!p0 $0x88, s6;
	s7 =	simm.s32 @p2 $0x1082  }
0x22: {  	[simem:s7], [sflag:s8] =	dma.local @!p0 [hbm:s6], $0xF7A  }
0x23: {  	s9 =	sor.u32 $0xD0000000, s2;
	s6 =	simm.s32 $0x108;
	_ =	swait.ge @!p0 [sflag:s8], $0x0  }
0x24: {  	s3 =	sadd.s32 $0x88, s3;
	s6 =	simm.s32 @!p1 $0x1082;
	[sflag:s4] =	ssyncset.s32 $0xFFFFF086  }
0x25: {  	[simem:s6], [sflag:s4] =	dma.local [hbm:s3], $0xF7A  }
0x26: {  	[smem:$0x3F9A] =	sst s1;
	(tag) =	ssettag s2;
	_ =	strace s9  }
0x27: {  	s1 =	sld [smem:$0x3FAA]  }
0x28: {  	s2 =	sld [smem:$0x3FAB]  }
0x29: {  	s4 =	sld [smem:$0x3FAD]  }
0x2a: {  	p0 =	seq.s32 s5, $0x0;
	s5 =	sld [smem:$0x3FAE]  }
0x2b: {  	s6 =	sld [smem:$0x3FAF]  }
0x2c: {  	s7 =	sld [smem:$0x3FB0]  }
0x2d: {  	s3 =	simm.s32 $0x108;
	s8 =	sld [smem:$0x3FB1]  }
0x2e: {  	s3 =	simm.s32 @!p0 $0x1082;
	s9 =	sld [smem:$0x3FB2]  }
0x2f: {  	lr =	sadd.s32 s0, s3;
	s0 =	sld [smem:$0x3FA9]  }
0x30: {  	s3 =	sld [smem:$0x3FAC]  }
0x31: {  	[smem:$0x3FB5] =	sst s10  }
0x32: {  	s10 =	sld [smem:$0x3FB3];
	_ =	sdelay $0x3  }
0x33: {  	p0 =	seq.s32 s10, $0x1;
	s10 =	sld [smem:$0x3FB5];
	_ =	sdelay $0x3  }
0x34: {  	[smem:$0x3FB5] =	sst s10  }
0x35: {  	s10 =	sld [smem:$0x3FB4];
	_ =	sdelay $0x3  }
0x36: {  	p1 =	seq.s32 s10, $0x1;
	s10 =	sld [smem:$0x3FB5];
	_ =	sdelay $0x3  }
0x37: {  	[smem:$0x3FB5] =	sst s10  }
0x38: {  	s10 =	sld [smem:$0x3FB6]  }
0x39: {  	_ = 	snop;
	(pc) =	sbr.ind lr, $3  }
0x3a: {  	_ = 	snop  }
0x3b: {  	_ = 	snop  }
0x3c: {  	p2 =	seq.s32 s10, $0x1;
	s10 =	sld [smem:$0x3FB5]  }
0x3d: {  	_ =	shalt  }
0x3e: {  	_ =	shalt  }
0x3f: {  	_ =	shalt  }
0x40: {  	_ =	shalt  }
0x41: {  	_ =	shalt  }
0x42: {  	_ =	shalt  }
0x43: {  	_ =	shalt  }
0x44: {  	_ =	shalt  }
0x45: {  	_ =	shalt  }
0x46: {  	_ =	shalt  }
0x47: {  	_ =	shalt  }
0x48: {  	_ =	shalt  }
0x49: {  	_ =	shalt  }
0x4a: {  	_ =	shalt  }
0x4b: {  	_ =	shalt  }
0x4c: {  	_ =	shalt  }
0x4d: {  	_ =	shalt  }
0x4e: {  	_ =	shalt  }
0x4f: {  	_ =	shalt  }
0x50: {  	_ =	shalt  }
0x51: {  	_ =	shalt  }
0x52: {  	_ =	shalt  }
0x53: {  	_ =	shalt  }
0x54: {  	_ =	shalt  }
0x55: {  	_ =	shalt  }
0x56: {  	_ =	shalt  }
0x57: {  	_ =	shalt  }
0x58: {  	_ =	shalt  }
0x59: {  	_ =	shalt  }
0x5a: {  	_ =	shalt  }
0x5b: {  	_ =	shalt  }
0x5c: {  	_ =	shalt  }
0x5d: {  	_ =	shalt  }
0x5e: {  	_ =	shalt  }
0x5f: {  	_ =	shalt  }
0x60: {  	_ =	shalt  }
0x61: {  	_ =	shalt  }
0x62: {  	_ =	shalt  }
0x63: {  	_ =	shalt  }
0x64: {  	_ =	shalt  }
0x65: {  	_ =	shalt  }
0x66: {  	_ =	shalt  }
0x67: {  	_ =	shalt  }
0x68: {  	_ =	shalt  }
0x69: {  	_ =	shalt  }
0x6a: {  	_ =	shalt  }
0x6b: {  	_ =	shalt  }
0x6c: {  	_ =	shalt  }
0x6d: {  	_ =	shalt  }
0x6e: {  	_ =	shalt  }
0x6f: {  	_ =	shalt  }
0x70: {  	_ =	shalt  }
0x71: {  	_ =	shalt  }
0x72: {  	_ =	shalt  }
0x73: {  	_ =	shalt  }
0x74: {  	_ =	shalt  }
0x75: {  	_ =	shalt  }
0x76: {  	_ =	shalt  }
0x77: {  	_ =	shalt  }
0x78: {  	_ =	shalt  }
0x79: {  	_ =	shalt  }
0x7a: {  	_ =	shalt  }
0x7b: {  	_ =	shalt  }
0x7c: {  	_ =	shalt  }
0x7d: {  	_ =	shalt  }
0x7e: {  	_ =	shalt  }
0x7f: {  	_ =	shalt  }
0x80: {  	_ =	shalt  }
0x81: {  	_ =	shalt  }
0x82: {  	_ =	shalt  }
0x83: {  	_ =	shalt  }
0x84: {  	_ =	shalt  }
0x85: {  	_ =	shalt  }
0x86: {  	_ =	shalt  }
0x87: {  	_ =	shalt  }
.Lfunc_end0:
.L_simem_size_0:
called_computation.1_lowered:
.L_overlay_start_0:
0x88: {  	s2 =	sld [smem:$0x3FD9]  }
0x89: {  	s3 =	sld [smem:$0x3FFE];
	_ =	sdelay $0x1  }
0x8a: {  	s1 =	srdreg.scid  }
0x8b: {  	s0 =	sand.u32 $0x1, s1  }
0x8c: {  	s16 =	sshll.u32 s0, $0xA;
	s2 =	sadd.s32 s3, s2  }
0x8d: {  	s2 =	sadd.s32 s2, s16  }
0x8e: {  	[smem:$0x3FC1] =	sst s2  }
0x8f: {  	_ = 	snop  }
0x90: {  	(tm) =	ssettm $0x1  }
0x91: {  	s17 =	sld [smem:$0x3FFB];
	_ =	sdelay $0x3  }
0x92: {  	_ =	strace s17  }
0x93: {  	s2 =	sld [smem:$0x3FFC];
	_ =	sdelay $0x3  }
0x94: {  	_ =	strace s2  }
0x95: {  	s2 =	sld [smem:$0x3FFD];
	_ =	sdelay $0x3  }
0x96: {  	_ =	strace s2  }
0x97: {  	_ =	strace $0x8FFFFFFF  }
0x98: {  	s18 =	sld [smem:$0x3FDB];
	_ =	sdelay $0x1  }
0x99: {  	s19 =	simm.s32 $_scs_section_size  }
0x9a: {  	s4 =	simm.s32 $_size__tile_overlayer_lowered;
	s5 =	simm.s32 $_tile_overlayer_lowered  }
0x9b: {  	s22 =	simm.s32 $0x1BFF;
	s21 =	sshll.u32 s5, $0x1;
	s2 =	sadd.s32 s19, s18  }
0x9c: {  	s6 =	simm.s32 $0x0;
	s20 =	sshll.u32 s4, $0x1;
	s4 =	sadd.s32 s21, s2  }
0x9d: {  	[timem:s6], [sflag:s22] =	dma.local [hbm:s4], s20  }
0x9e: {  	_ =	swait.ge [sflag:s22], s20  }
0x9f: {  	s3 =	ssub.s32 $0x0, s20;
	[sflag:s22] =	ssyncset.done $0x0  }
0xa0: {  	[sflag:s22] =	ssyncadd.s32 s3;
	_ =	sdelay $0x1  }
0xa1: {  	s23 =	simm.s32 $0x1B8B  }
0xa2: {  	_ =	swait.ge [sflag:s23], $0x1  }
0xa3: {  	[sflag:s23] =	ssyncset.done $0x0  }
0xa4: {  	s25 =	simm.s32 $0x1B8E;
	s24 =	sld [smem:$0x3FFE];
	[sflag:s23] =	ssyncadd.s32 $0xFFFFFFFF  }
0xa5: {  	s26 =	simm.s32 $execute0_lowered;
	[smem:$0x3FD2] =	sst s25  }
0xa6: {  	s4 =	sshll.u32 s26, $0x1;
	_ =	strace $0x80000049;
	[dreg:$0x1] =	wrdreg $0xFFFFFFFF  }
0xa7: {  	s28 =	simm.s32 $_size_execute0_lowered;
	s2 =	sadd.s32 s2, s4;
	[dreg:$0x0] =	wrdreg $0x0  }
0xa8: {  	s4 =	sshll.u32 s28, $0x1;
	[dreg:$0x2] =	wrdreg s2  }
0xa9: {  	[dreg:$0x3] =	wrdreg s4  }
0xaa: {  	[dreg:$0x4] =	wrdreg $0xC0  }
0xab: {  	_ =	task [dreg:s6], $0x5FFFF  }
0xac: {  	[dreg:$0x1] =	wrdreg $0xFFFFFFFF  }
0xad: {  	[dreg:$0x0] =	wrdreg $0x60  }
0xae: {  	[dreg:$0x2] =	wrdreg s24  }
0xaf: {  	[dreg:$0x3] =	wrdreg $0x42000  }
0xb0: {  	[dreg:$0x4] =	wrdreg $0x9  }
0xb1: {  	_ =	task.clear_ibuf [dreg:s6], $0x5FFFF;
	_ =	strace $0x90000049  }
0xb2: {  	s29 =	simm.s32 $0x9;
	_ =	strace $0x8000004B  }
0xb3: {  	_ =	swait.ge [sflag:s29], $0x1  }
0xb4: {  	[sflag:s29] =	ssyncadd.s32 $0xFFFFFFFF  }
0xb5: {  	_ =	strace $0x9000004B  }
0xb6: {  	_ =	sfence  }
0xb7: {  	s30 =	sld [smem:$0x0];
	_ =	sdelay $0x2  }
0xb8: {  	s31 =	sshll.u32 s1, $0xD;
	s1 =	sshrl.u32 s1, $0x2  }
0xb9: {  	s3 =	sand.u32 $0x4000, s31;
	s1 =	sadd.s32 s1, s30  }
0xba: {  	s0 =	sor.u32 s3, s0;
	s1 =	sshll.u32 s1, $0x11  }
0xbb: {  	s0 =	sor.u32 s1, s0  }
0xbc: {  	s0 =	sadd.s32 $0x8F2B, s0  }
0xbd: {  	[sflag:s0] =	ssyncadd.remote.s32 $0x1  }
0xbe: {  	_ =	sfence.sel $0xFFFF  }
0xbf: {  	[dreg:$0x0] =	wrdreg $0xFFFFFFFF;
	(pc) =	sbr.abs _section_cstart, $3  }
0xc0: {  	[dreg:$0x1] =	wrdreg $0xFFFFFFFF  }
0xc1: {  	_ =	task.clear_ibuf [dreg:s6], $0x2FFFF;
	_ =	strace $0x9FFFFFFF  }
0xc2: {  	(tm) =	ssettm $0x7FFFFFFF  }
0xc3: {  	_ =	shalt  }
tec
execute0_lowered:
.L_overlay_start_1:
0x0: {  	(tag) =	ssettag $0x1  }
0x1: {  	s0 =	rddreg [dreg:$0x0]  }
0x2: {  	s1 =	rddreg [dreg:$0x1]  }
0x3: {  	s2 =	simm.s32 $0x0;
	s3 =	srdreg.scid;
	s25 =	stileid.u32  }
0x4: {  	s28 =	simm.s32 $0x800;
	s4 =	sadd.s32 $0x15800, s0;
	s5 =	sadd.s32 $0xBA00, s0  }
0x5: {  	s7 =	sand.u32 $0x1, s3;
	s6 =	sadd.s32 $0x1C00, s0;
	s9 =	smul.u32 $0x5000, s25  }
0x6: {  	s3 =	sadd.s32 $0x3CA00, s0;
	s14 =	sor.u32 $0x10, s25;
	s0 =	smul.u32 $0x1388, s7  }
0x7: {  	s29 =	simm.s32 $0x28;
	s16 =	sor.u32 $0x20, s25;
	s21 =	smul.u32 $0x5000, s14  }
0x8: {  	s30 =	simm.s32 $0x1000;
	s17 =	sor.u32 $0x30, s25;
	s22 =	smul.u32 $0x5000, s16  }
0x9: {  	s31 =	simm.s32 $0x1;
	s18 =	sor.u32 $0x40, s25;
	s10 =	smul.u32 $0x5000, s17  }
0xa: {  	[smem:$0x7FF] =	sst s2;
	p0 =	sgt.u32 s25, $0xC;
	s11 =	smul.u32 $0x5000, s18  }
0xb: {  	_ =	strace $0x8000004A;
	s8 =	ssub.s32 $0x2, s7;
	s16 =	smul.u32 $0x28, s16  }
0xc: {  	s17 =	smul.u32 $0x28, s17;
	s19 =	sshrl.u32 s8, $0x1;
	s20 =	sshrl.u32 s9, $0x2  }
0xd: {  	s18 =	smul.u32 $0x28, s18;
	s15 =	ssub.s32 s8, s19;
	s7 =	sadd.s32 s20, s1  }
0xe: {  	s8 =	sshrl.u32 s21, $0x2;
	s9 =	sshrl.u32 s22, $0x2;
	s10 =	sshrl.u32 s10, $0x2  }
0xf: {  	s19 =	sor.u32 $0x50, s25;
	s11 =	sshrl.u32 s11, $0x2;
	s20 =	sor.u32 $0x60, s25  }
0x10: {  	s21 =	sor.u32 $0x70, s25;
	s22 =	smul.u32 $0x28, s25;
	s16 =	sadd.s32 s0, s16  }
0x11: {  	s18 =	sadd.s32 s0, s18;
	[dreg:$0x3] =	wrdreg s7;
	s23 =	sadd.s32 s8, s1  }
0x12: {  	s24 =	sadd.s32 s9, s1;
	s12 =	smul.u32 $0x5000, s19;
	s26 =	sadd.s32 s10, s1  }
0x13: {  	s11 =	sadd.s32 s11, s1;
	s13 =	smul.u32 $0x5000, s20;
	[dreg:$0x4] =	wrdreg s23  }
0x14: {  	s16 =	sshll.u32 s16, $0x4;
	[dreg:$0x5] =	wrdreg s24;
	s23 =	smul.u32 $0x5000, s21  }
0x15: {  	[dreg:$0x6] =	wrdreg s26;
	s22 =	sadd.s32 s22, s0;
	s24 =	smul.u32 $0x28, s14  }
0x16: {  	s26 =	smul.u32 $0x28, s20;
	s12 =	sshrl.u32 s12, $0x2;
	s13 =	sshrl.u32 s13, $0x2  }
0x17: {  	s22 =	sshll.u32 s22, $0x4;
	s12 =	sadd.s32 s12, s1;
	s13 =	sadd.s32 s13, s1  }
0x18: {  	s7 =	sshrl.u32 s23, $0x2;
	s8 =	sadd.s32 s3, s22;
	s9 =	sadd.s32 s0, s24  }
0x19: {  	s23 =	sadd.s32 s0, s17;
	s24 =	smul.u32 $0x28, s19;
	s22 =	sshll.u32 s9, $0x4  }
0x1a: {  	s14 =	sadd.s32 s7, s1;
	[dreg:$0x7] =	wrdreg s8;
	s10 =	sadd.s32 s3, s22  }
0x1b: {  	s9 =	sshll.u32 s18, $0x4;
	s22 =	sadd.s32 s3, s16;
	[dreg:$0x8] =	wrdreg s10  }
0x1c: {  	s16 =	sshll.u32 s23, $0x4;
	s20 =	sadd.s32 s0, s24;
	[dreg:$0x9] =	wrdreg s22  }
0x1d: {  	s8 =	sadd.s32 s3, s16;
	s10 =	smul.u32 $0x28, s21;
	s16 =	sadd.s32 s3, s9  }
0x1e: {  	s21 =	sadd.s32 s0, s26;
	s26 =	smax.u32 s15, $0x1;
	[dreg:$0xa] =	wrdreg s8  }
0x1f: {  	[dreg:$0xb] =	wrdreg s16;
	s16 =	sshll.u32 s20, $0x4;
	s17 =	sshll.u32 s21, $0x4  }
.Ltmp0:
0x20: {  	[dreg:$0xf] =	wrdreg s26;
	s26 =	simm.s32 $0x3;
	(pc) =	sbr.rel .LBB2_1-.Ltmp0, $4  }
0x21: {  	s18 =	sadd.s32 s0, s10;
	s22 =	sadd.s32 s3, s16;
	s23 =	sadd.s32 s3, s17  }
0x22: {  	v1 =	vmov s0;
	s0 =	simm.s32 $0x4;
	[dreg:$0xc] =	wrdreg s22;
	s24 =	sshll.u32 s18, $0x4  }
0x23: {  	v0 =	vlaneseq.u32;
	[dreg:$0xd] =	wrdreg s23;
	s23 =	smul.u32 $0x4E20, s25;
	s3 =	sadd.s32 s3, s24  }
0x24: {  	v2 =	vimm.f32 $0.0e+00;
	v3 =	vor.u32 $0x1388, v0;
	s25 =	simm.s32 $0x1A00;
	[dreg:$0xe] =	wrdreg s3;
	s3 =	simm.s32 $0x0  }
.LBB2_15:
0x25: {  	[bflag:$0x0] =	sbarrier.arrive $0xFFFF  }
0x26: {  	s7 =	rddreg [dreg:$0x3]  }
0x27: {  	[tilespmem:s25], [sflag:$0x3] =	stream.linear.gather [spmem:s7], $0x1400, $0x38;
	[tilespmem:$0xDE80] =	vst v63  }
0x28: {  	_ =	swait.ge [sflag:s26], $0x1400  }
0x29: {  	[sflag:s26] =	ssyncset.done $0x0  }
0x2a: {  	s9 =	rddreg [dreg:$0x7];
	[sflag:s26] =	ssyncadd.s32 $0xFFFFEC00  }
0x2b: {  	[hbm4b:s9+s2] =	stream.linear.scatter [tilespmem:s25], [sflag:$0x3], $0x1400, $0x38;
	[tilespmem:$0xDE80] =	vst v63  }
0x2c: {  	_ =	swait.ge [sflag:s26], $0x1400  }
0x2d: {  	[sflag:s26] =	ssyncset.done $0x0  }
0x2e: {  	s10 =	rddreg [dreg:$0x4];
	[sflag:s26] =	ssyncadd.s32 $0xFFFFEC00  }
0x2f: {  	[tilespmem:s25], [sflag:$0x3] =	stream.linear.gather [spmem:s10], $0x1400, $0x38;
	[tilespmem:$0xDE80] =	vst v63  }
0x30: {  	_ =	swait.ge [sflag:s26], $0x1400  }
0x31: {  	[sflag:s26] =	ssyncset.done $0x0  }
0x32: {  	s15 =	rddreg [dreg:$0x8];
	[sflag:s26] =	ssyncadd.s32 $0xFFFFEC00  }
0x33: {  	[hbm4b:s15+s2] =	stream.linear.scatter [tilespmem:s25], [sflag:$0x3], $0x1400, $0x38;
	[tilespmem:$0xDE80] =	vst v63  }
0x34: {  	_ =	swait.ge [sflag:s26], $0x1400  }
0x35: {  	[sflag:s26] =	ssyncset.done $0x0  }
0x36: {  	s16 =	rddreg [dreg:$0x5];
	[sflag:s26] =	ssyncadd.s32 $0xFFFFEC00  }
0x37: {  	[tilespmem:s25], [sflag:$0x3] =	stream.linear.gather [spmem:s16], $0x1400, $0x38;
	[tilespmem:$0xDE80] =	vst v63  }
0x38: {  	_ =	swait.ge [sflag:s26], $0x1400  }
0x39: {  	[sflag:s26] =	ssyncset.done $0x0  }
0x3a: {  	s17 =	rddreg [dreg:$0x9];
	[sflag:s26] =	ssyncadd.s32 $0xFFFFEC00  }
0x3b: {  	[hbm4b:s17+s2] =	stream.linear.scatter [tilespmem:s25], [sflag:$0x3], $0x1400, $0x38;
	[tilespmem:$0xDE80] =	vst v63  }
0x3c: {  	_ =	swait.ge [sflag:s26], $0x1400  }
0x3d: {  	[sflag:s26] =	ssyncset.done $0x0  }
0x3e: {  	s18 =	rddreg [dreg:$0x6];
	[sflag:s26] =	ssyncadd.s32 $0xFFFFEC00  }
0x3f: {  	[tilespmem:s25], [sflag:$0x3] =	stream.linear.gather [spmem:s18], $0x1400, $0x38;
	[tilespmem:$0xDE80] =	vst v63  }
0x40: {  	_ =	swait.ge [sflag:s26], $0x1400  }
0x41: {  	[sflag:s26] =	ssyncset.done $0x0  }
0x42: {  	s19 =	rddreg [dreg:$0xa];
	[sflag:s26] =	ssyncadd.s32 $0xFFFFEC00  }
0x43: {  	[hbm4b:s19+s2] =	stream.linear.scatter [tilespmem:s25], [sflag:$0x3], $0x1400, $0x38;
	[tilespmem:$0xDE80] =	vst v63  }
0x44: {  	_ =	swait.ge [sflag:s26], $0x1400  }
0x45: {  	[sflag:s26] =	ssyncset.done $0x0  }
0x46: {  	[sflag:s26] =	ssyncadd.s32 $0xFFFFEC00  }
0x47: {  	[tilespmem:s25], [sflag:$0x3] =	stream.linear.gather [spmem:s11], $0x1400, $0x38;
	[tilespmem:$0xDE80] =	vst v63  }
0x48: {  	_ =	swait.ge [sflag:s26], $0x1400  }
0x49: {  	[sflag:s26] =	ssyncset.done $0x0  }
0x4a: {  	s20 =	rddreg [dreg:$0xb];
	[sflag:s26] =	ssyncadd.s32 $0xFFFFEC00  }
0x4b: {  	[hbm4b:s20+s2] =	stream.linear.scatter [tilespmem:s25], [sflag:$0x3], $0x1400, $0x38;
	[tilespmem:$0xDE80] =	vst v63  }
0x4c: {  	_ =	swait.ge [sflag:s26], $0x1400  }
0x4d: {  	[sflag:s26] =	ssyncset.done $0x0  }
0x4e: {  	[sflag:s26] =	ssyncadd.s32 $0xFFFFEC00  }
0x4f: {  	[tilespmem:s25], [sflag:$0x3] =	stream.linear.gather [spmem:s12], $0x1400, $0x38;
	[tilespmem:$0xDE80] =	vst v63  }
0x50: {  	_ =	swait.ge [sflag:s26], $0x1400  }
0x51: {  	[sflag:s26] =	ssyncset.done $0x0  }
0x52: {  	s21 =	rddreg [dreg:$0xc];
	[sflag:s26] =	ssyncadd.s32 $0xFFFFEC00  }
0x53: {  	[hbm4b:s21+s2] =	stream.linear.scatter [tilespmem:s25], [sflag:$0x3], $0x1400, $0x38;
	[tilespmem:$0xDE80] =	vst v63  }
0x54: {  	_ =	swait.ge [sflag:s26], $0x1400  }
0x55: {  	[sflag:s26] =	ssyncset.done $0x0  }
0x56: {  	[sflag:s26] =	ssyncadd.s32 $0xFFFFEC00  }
0x57: {  	[tilespmem:s25], [sflag:$0x3] =	stream.linear.gather [spmem:s13], $0x1400, $0x38;
	[tilespmem:$0xDE80] =	vst v63  }
0x58: {  	_ =	swait.ge [sflag:s26], $0x1400  }
0x59: {  	[sflag:s26] =	ssyncset.done $0x0  }
0x5a: {  	s22 =	rddreg [dreg:$0xd];
	[sflag:s26] =	ssyncadd.s32 $0xFFFFEC00  }
0x5b: {  	[hbm4b:s22+s2] =	stream.linear.scatter [tilespmem:s25], [sflag:$0x3], $0x1400, $0x38;
	[tilespmem:$0xDE80] =	vst v63  }
0x5c: {  	_ =	swait.ge [sflag:s26], $0x1400  }
0x5d: {  	[sflag:s26] =	ssyncset.done $0x0  }
0x5e: {  	s8 =	simm.s32 @!p0 $0x3;
	s7 =	simm.s32 @!p0 $0x1A00;
	[sflag:s26] =	ssyncadd.s32 $0xFFFFEC00  }
0x5f: {  	[tilespmem:s7], [sflag:$0x3] =	stream.linear.gather @!p0 [spmem:s14], $0x1400, $0x38;
	[tilespmem:$0xDE80] =	vst v63  }
0x60: {  	_ =	swait.ge @!p0 [sflag:s8], $0x1400  }
0x61: {  	[sflag:s8] =	ssyncset.done @!p0 $0x0  }
0x62: {  	s9 =	simm.s32 @!p0 $0x0;
	s10 =	rddreg [dreg:$0xe];
	[sflag:s8] =	ssyncadd.s32 @!p0 $0xFFFFEC00  }
0x63: {  	[hbm4b:s10+s9] =	stream.linear.scatter @!p0 [tilespmem:s7], [sflag:$0x3], $0x1400, $0x38;
	[tilespmem:$0xDE80] =	vst v63  }
0x64: {  	_ =	swait.ge @!p0 [sflag:s8], $0x1400  }
0x65: {  	s3 =	sadd.s32 $0x1, s3;
	s24 =	rddreg [dreg:$0xf]  }
0x66: {  	p1 =	sne.s32 s3, s24  }
.Ltmp1:
0x67: {  	_ = 	snop;
	(pc) =	sbr.rel @!p1 .LBB2_16-.Ltmp1, $3  }
0x68: {  	_ =	sdelay $0x1  }
0x69: {  	[sflag:s8] =	ssyncset.done @!p0 $0x0  }
0x6a: {  	[sflag:s8] =	ssyncadd.s32 @!p0 $0xFFFFEC00  }
.LBB2_1:
0x6b: {  	s15 =	simm.s32 $0x0;
	s16 =	simm.s32 $0x200  }
.LBB2_2:
0x6c: {  	p1 =	sne.s32 s16, $0x4E00;
	[tilespmem:s15+$0x1A70] =	vst v2  }
0x6d: {  	[tilespmem:s15+$0x1A00] =	vst v2  }
0x6e: {  	[tilespmem:s15+$0x1A10] =	vst v2  }
.Ltmp2:
0x6f: {  	[tilespmem:s15+$0x1A20] =	vst v2;
	(pc) =	sbr.rel @p1 .LBB2_2-.Ltmp2, $4  }
0x70: {  	[tilespmem:s15+$0x1A30] =	vst v2  }
0x71: {  	[tilespmem:s15+$0x1A40] =	vst v2  }
0x72: {  	[tilespmem:s15+$0x1A50] =	vst v2  }
0x73: {  	[tilespmem:s15+$0x1A60] =	vst v2;
	s15 =	sshra.s32 s16, $0x2;
	s16 =	sadd.s32 $0x200, s16  }
0x74: {  	[tilespmem:s15+$0x1A70] =	vst v2  }
0x75: {  	[tilespmem:s15+$0x1A00] =	vst v2  }
0x76: {  	[tilespmem:s15+$0x1A10] =	vst v2  }
0x77: {  	[tilespmem:s15+$0x1A20] =	vst v2  }
0x78: {  	[tilespmem:s15+$0x1A30] =	vst v2  }
0x79: {  	[tilespmem:s15+$0x1A40] =	vst v2  }
0x7a: {  	[tilespmem:s15+$0x1A50] =	vst v2  }
0x7b: {  	[tilespmem:s15+$0x1A60] =	vst v2;
	s7 =	rddreg [dreg:$0x3]  }
0x7c: {  	[spmem:s7] =	stream.linear.scatter [tilespmem:s25], [sflag:$0x3], $0x1400, $0x38;
	[tilespmem:$0xDE80] =	vst v63  }
0x7d: {  	_ =	swait.ge [sflag:s26], $0x1400  }
0x7e: {  	[sflag:s26] =	ssyncset.done $0x0  }
0x7f: {  	s21 =	rddreg [dreg:$0x4];
	[sflag:s26] =	ssyncadd.s32 $0xFFFFEC00  }
0x80: {  	[spmem:s21] =	stream.linear.scatter [tilespmem:s25], [sflag:$0x3], $0x1400, $0x38;
	[tilespmem:$0xDE80] =	vst v63  }
0x81: {  	_ =	swait.ge [sflag:s26], $0x1400  }
0x82: {  	[sflag:s26] =	ssyncset.done $0x0  }
0x83: {  	s22 =	rddreg [dreg:$0x5];
	[sflag:s26] =	ssyncadd.s32 $0xFFFFEC00  }
0x84: {  	[spmem:s22] =	stream.linear.scatter [tilespmem:s25], [sflag:$0x3], $0x1400, $0x38;
	[tilespmem:$0xDE80] =	vst v63  }
0x85: {  	_ =	swait.ge [sflag:s26], $0x1400  }
0x86: {  	[sflag:s26] =	ssyncset.done $0x0  }
0x87: {  	s24 =	rddreg [dreg:$0x6];
	[sflag:s26] =	ssyncadd.s32 $0xFFFFEC00  }
0x88: {  	[spmem:s24] =	stream.linear.scatter [tilespmem:s25], [sflag:$0x3], $0x1400, $0x38;
	[tilespmem:$0xDE80] =	vst v63  }
0x89: {  	_ =	swait.ge [sflag:s26], $0x1400  }
0x8a: {  	[sflag:s26] =	ssyncset.done $0x0  }
0x8b: {  	[sflag:s26] =	ssyncadd.s32 $0xFFFFEC00  }
0x8c: {  	[spmem:s11] =	stream.linear.scatter [tilespmem:s25], [sflag:$0x3], $0x1400, $0x38;
	[tilespmem:$0xDE80] =	vst v63  }
0x8d: {  	_ =	swait.ge [sflag:s26], $0x1400  }
0x8e: {  	[sflag:s26] =	ssyncset.done $0x0  }
0x8f: {  	[sflag:s26] =	ssyncadd.s32 $0xFFFFEC00  }
0x90: {  	[spmem:s12] =	stream.linear.scatter [tilespmem:s25], [sflag:$0x3], $0x1400, $0x38;
	[tilespmem:$0xDE80] =	vst v63  }
0x91: {  	_ =	swait.ge [sflag:s26], $0x1400  }
0x92: {  	[sflag:s26] =	ssyncset.done $0x0  }
0x93: {  	[sflag:s26] =	ssyncadd.s32 $0xFFFFEC00  }
0x94: {  	[spmem:s13] =	stream.linear.scatter [tilespmem:s25], [sflag:$0x3], $0x1400, $0x38;
	[tilespmem:$0xDE80] =	vst v63  }
0x95: {  	_ =	swait.ge [sflag:s26], $0x1400  }
0x96: {  	[sflag:s26] =	ssyncset.done $0x0  }
0x97: {  	s15 =	simm.s32 @!p0 $0x1A00;
	[sflag:s26] =	ssyncadd.s32 $0xFFFFEC00  }
0x98: {  	[spmem:s14] =	stream.linear.scatter @!p0 [tilespmem:s15], [sflag:$0x3], $0x1400, $0x38;
	[tilespmem:$0xDE80] =	vst v63  }
0x99: {  	s15 =	simm.s32 @!p0 $0x3  }
.Ltmp3:
0x9a: {  	_ =	swait.ge @!p0 [sflag:s15], $0x1400;
	(pc) =	sbr.rel .LBB2_4-.Ltmp3, $4  }
0x9b: {  	[sflag:s15] =	ssyncset.done @!p0 $0x0  }
0x9c: {  	[sflag:s15] =	ssyncadd.s32 @!p0 $0xFFFFEC00  }
0x9d: {  	[bflag:$0x0] =	sbarrier.arrive $0xFFFF  }
0x9e: {  	s16 =	simm.s32 $0x0;
	s15 =	simm.s32 $0x0  }
.LBB2_10:
0x9f: {  	_ = 	snop  }
.LBB2_13:
0xa0: {  	p1 =	por p1, !p2  }
0xa1: {  	s7 =	simm.s32 @!p4 $0x28;
	[sflag:s22] =	ssyncset.done @!p1 $0x0  }
0xa2: {  	s8 =	simm.s32 @!p4 $0x2E00;
	[sflag:s22] =	ssyncadd.s32 @!p1 $0xFFFFEC00;
	p1 =	por p4, p4  }
0xa3: {  	[tilespmem:s8], [sflag:$0x2] =	stream.indirect.gather @!p1 [hbm4b:s4+s7], $0x80, s19, s7, $0xb8;
	[tilespmem:$0xDE80] =	vst v63  }
0xa4: {  	_ =	swait.ge [sflag:s31], $0x1400  }
0xa5: {  	[sflag:s31] =	ssyncset.done $0x0  }
0xa6: {  	s9 =	sadd.s32 $0x1, s20;
	[sflag:s31] =	ssyncadd.s32 $0xFFFFEC00  }
0xa7: {  	[spmem:s1] =	stream.indirect.scatter.add.f32 [tilespmem:s25], [sflag:$0x4], $0x80, s18, s29, $0xb8;
	[tilespmem:$0xDE80] =	vst v63  }
0xa8: {  	p2 =	sge.s32 s9, s17;
	_ =	swait.ge [sflag:s0], $0x1400  }
0xa9: {  	s9 =	sadd.s32 @!p2 $0x28, s19;
	s17 =	simm.s32 @!p2 $0x28;
	[sflag:s0] =	ssyncset.done $0x0  }
0xaa: {  	s10 =	simm.s32 @!p1 $0x2;
	s19 =	simm.s32 @!p2 $0x1A00;
	[sflag:s0] =	ssyncadd.s32 $0xFFFFEC00  }
0xab: {  	[tilespmem:s19], [sflag:$0x1] =	stream.indirect.gather @!p2 [hbm4b:s4+s17], $0x80, s9, s17, $0xb8;
	[tilespmem:$0xDE80] =	vst v63  }
0xac: {  	_ =	swait.ge @!p1 [sflag:s10], $0x1400  }
0xad: {  	[sflag:s10] =	ssyncset.done @!p1 $0x0  }
0xae: {  	s9 =	sadd.s32 @!p1 $0x28, s18;
	s17 =	simm.s32 @!p1 $0x3;
	[sflag:s10] =	ssyncadd.s32 @!p1 $0xFFFFEC00  }
0xaf: {  	[spmem:s1] =	stream.indirect.scatter.add.f32 @!p1 [tilespmem:s8], [sflag:$0x3], $0x80, s9, s7, $0xb8;
	[tilespmem:$0xDE80] =	vst v63  }
0xb0: {  	_ =	swait.ge @!p1 [sflag:s17], $0x1400  }
0xb1: {  	[sflag:s17] =	ssyncset.done @!p1 $0x0  }
0xb2: {  	[sflag:s17] =	ssyncadd.s32 @!p1 $0xFFFFEC00  }
.LBB2_14:
0xb3: {  	s16 =	sadd.s32 $0x1, s16  }
0xb4: {  	p1 =	sne.s32 s16, $0xA  }
.Ltmp4:
0xb5: {  	_ = 	snop;
	(pc) =	sbr.rel @!p1 .LBB2_15-.Ltmp4, $1  }
0xb6: {  	_ =	sdelay $0x3  }
.LBB2_4:
0xb7: {  	s17 =	smul.u32 $0x7D0, s16;
	_ =	sdelay $0x1  }
0xb8: {  	s17 =	sadd.s32 s23, s17  }
0xb9: {  	s17 =	sshrl.u32 s17, $0x3  }
0xba: {  	s18 =	sadd.s32 s5, s17  }
0xbb: {  	[tilespmem:s15], [sflag:$0x3] =	stream.linear.gather [hbm4b:s18+s15], $0x7D0, $0x38;
	[tilespmem:$0xDE80] =	vst v63  }
0xbc: {  	_ =	swait.ge [sflag:s26], $0x7D0  }
0xbd: {  	[sflag:s26] =	ssyncset.done $0x0  }
0xbe: {  	s17 =	sadd.s32 s6, s17;
	[sflag:s26] =	ssyncadd.s32 $0xFFFFF830  }
0xbf: {  	[tilespmem:s28], [sflag:$0x3] =	stream.linear.gather [hbm4b:s17+s15], $0x7D0, $0x38;
	[tilespmem:$0xDE80] =	vst v63  }
0xc0: {  	_ =	swait.ge [sflag:s26], $0x7D0  }
0xc1: {  	[sflag:s26] =	ssyncset.done $0x0  }
0xc2: {  	s17 =	simm.s32 $0x0;
	[sflag:s26] =	ssyncadd.s32 $0xFFFFF830  }
.LBB2_5:
0xc3: {  	p1 =	sne.s32 s17, $0x1300  }
.Ltmp5:
0xc4: {  	_ = 	snop;
	(pc) =	sbr.rel @p1 .LBB2_5-.Ltmp5, $4  }
0xc5: {  	_ = 	snop  }
0xc6: {  	s18 =	sshra.s32 s17, $0x2  }
0xc7: {  	[tilespmem:s18+$0x1000] =	vst v0  }
0xc8: {  	s17 =	sadd.s32 $0x40, s17;
	[tilespmem:s18+$0x1500] =	vst v3  }
0xc9: {  	s17 =	simm.s32 $0x0  }
0xca: {  	v4 =	vld [tilespmem:s17+$0x800];
	_ =	sdelay $0x4  }
0xcb: {  	v4 =	vsub.s32 v4, v1  }
0xcc: {  	vm0 =	vlt.u32 v4, $0x1388  }
0xcd: {  	v6 =	vmpcnt.ones.xlane vm0;
	_ =	sdelay $0x1  }
0xce: {  	v5 =	vld [tilespmem:s17+$0x0];
	(v2sf) =	vpush v6, $0x0;
	_ =	sdelay $0x3  }
0xcf: {  	s17 =	simm.s32 $0x0  }
0xd0: {  	[tilespmem:s17+$0x1000] =	vst.msk vm0, v5  }
0xd1: {  	s19 =	simm.s32 $0x10;
	s18 =	simm.s32 $0x80;
	[tilespmem:s17+$0x1500] =	vst.msk vm0, v4  }
.LBB2_7:
0xd2: {  	p1 =	sne.s32 s18, $0x1F00;
	v4 =	vld [tilespmem:s19+$0x800];
	_ =	sdelay $0x4  }
0xd3: {  	v5 =	vld [tilespmem:s19+$0x0];
	v4 =	vsub.s32 v4, v1  }
0xd4: {  	vm0 =	vlt.u32 v4, $0x1388  }
0xd5: {  	v6 =	vmpcnt.ones.xlane vm0  }
0xd6: {  	s19 =	spop (v2sf)  }
0xd7: {  	(v2sf) =	vpush v6, $0x0;
	s17 =	sadd.s32 s17, s19  }
0xd8: {  	[tilespmem:s17+$0x1000] =	vst.msk vm0, v5  }
.Ltmp6:
0xd9: {  	[tilespmem:s17+$0x1500] =	vst.msk vm0, v4;
	(pc) =	sbr.rel @p1 .LBB2_7-.Ltmp6, $2  }
0xda: {  	_ =	sdelay $0x2  }
0xdb: {  	s19 =	sshra.s32 s18, $0x2;
	s18 =	sadd.s32 $0x40, s18  }
0xdc: {  	v4 =	vld [tilespmem:s19+$0x800];
	_ =	sdelay $0x4  }
0xdd: {  	v4 =	vsub.s32 v4, v1  }
0xde: {  	vm0 =	vlt.u32 v4, $0x1388  }
0xdf: {  	v5 =	vmpcnt.ones.xlane vm0;
	_ =	sdelay $0x1  }
0xe0: {  	(v2sf) =	vpush v5, $0x0;
	_ =	sdelay $0xd  }
0xe1: {  	s18 =	spop (v2sf)  }
0xe2: {  	s18 =	sadd.s32 s17, s18;
	s24 =	spop (v2sf)  }
0xe3: {  	s17 =	sadd.s32 s18, s24  }
0xe4: {  	v5 =	vld [tilespmem:s19+$0x0];
	s17 =	sadd.s32 $0x27, s17  }
0xe5: {  	p1 =	slt.s32 s17, $0x28  }
.Ltmp7:
0xe6: {  	_ = 	snop;
	(pc) =	sbr.rel @p1 .LBB2_14-.Ltmp7, $3  }
0xe7: {  	_ =	sdelay $0x1  }
0xe8: {  	[tilespmem:s18+$0x1000] =	vst.msk vm0, v5  }
0xe9: {  	[tilespmem:s18+$0x1500] =	vst.msk vm0, v4  }
0xea: {  	s18 =	smulhi.u32 $0x66666667, s17;
	s24 =	sshra.s32 s17, $0x1F  }
0xeb: {  	s17 =	smul.u32 $0x66666667, s24;
	_ =	sdelay $0x1  }
0xec: {  	s17 =	sadd.s32 s17, s18  }
0xed: {  	s18 =	sshrl.u32 s17, $0x1F;
	s17 =	sshra.s32 s17, $0x4  }
0xee: {  	s17 =	sadd.s32 s18, s17  }
0xef: {  	s18 =	sadd.s32 $0x1, s17  }
0xf0: {  	s18 =	sshrl.u32 s18, $0x1  }
0xf1: {  	s18 =	smax.u32 s18, $0x1  }
0xf2: {  	s21 =	sadd.s32 $0xFFFFFFFF, s18  }
0xf3: {  	p1 =	sne.s32 s21, $0x0  }
.Ltmp8:
0xf4: {  	_ = 	snop;
	(pc) =	sbr.rel @!p1 .LBB2_10-.Ltmp8, $4  }
0xf5: {  	_ = 	snop  }
0xf6: {  	[tilespmem:s25], [sflag:$0x1] =	stream.indirect.gather [hbm4b:s4+s29], $0x80, s30, s29, $0xb8;
	[tilespmem:$0xDE80] =	vst v63  }
0xf7: {  	s19 =	simm.s32 $0x1028;
	s20 =	simm.s32 $0x1  }
0xf8: {  	p2 =	por $0x0, $0x0;
	p4 =	sle.s32 s17, $0x1;
	s18 =	simm.s32 $0x1500  }
0xf9: {  	s20 =	simm.s32 @!p4 $0x28;
	s24 =	simm.s32 @!p4 $0x2E00;
	p1 =	por p4, p4  }
0xfa: {  	[tilespmem:s24], [sflag:$0x2] =	stream.indirect.gather @!p1 [hbm4b:s4+s20], $0x80, s19, s20, $0xb8;
	[tilespmem:$0xDE80] =	vst v63  }
0xfb: {  	_ =	swait.ge [sflag:s31], $0x1400  }
0xfc: {  	[sflag:s31] =	ssyncset.done $0x0  }
0xfd: {  	p2 =	sle.s32 s17, $0x2;
	[sflag:s31] =	ssyncadd.s32 $0xFFFFEC00  }
0xfe: {  	[spmem:s1] =	stream.indirect.scatter.add.f32 [tilespmem:s25], [sflag:$0x4], $0x80, s18, s29, $0xb8;
	[tilespmem:$0xDE80] =	vst v63  }
0xff: {  	s21 =	sadd.s32 $0xFFFFFFFF, s21;
	s19 =	simm.s32 @!p1 $0x2;
	_ =	swait.ge [sflag:s0], $0x1400  }
0x100: {  	s22 =	simm.s32 @!p2 $0x28;
	s7 =	simm.s32 @!p2 $0x1A00;
	[sflag:s0] =	ssyncset.done $0x0  }
0x101: {  	p3 =	sne.s32 s21, $0x0;
	s18 =	simm.s32 @!p2 $0x1050;
	[sflag:s0] =	ssyncadd.s32 $0xFFFFEC00  }
0x102: {  	[tilespmem:s7], [sflag:$0x1] =	stream.indirect.gather @!p2 [hbm4b:s4+s22], $0x80, s18, s22, $0xb8;
	[tilespmem:$0xDE80] =	vst v63  }
.Ltmp9:
0x103: {  	p4 =	sle.s32 s17, $0x3;
	_ =	swait.ge @!p1 [sflag:s19], $0x1400;
	(pc) =	sbr.rel @!p3 .LBB2_13-.Ltmp9, $4  }
0x104: {  	s7 =	simm.s32 @!p1 $0x1528;
	s22 =	simm.s32 @!p1 $0x3;
	[sflag:s19] =	ssyncset.done @!p1 $0x0  }
0x105: {  	s18 =	simm.s32 $0x1550;
	p2 =	por $0x1, $0x1;
	[sflag:s19] =	ssyncadd.s32 @!p1 $0xFFFFEC00  }
0x106: {  	[spmem:s1] =	stream.indirect.scatter.add.f32 @!p1 [tilespmem:s24], [sflag:$0x3], $0x80, s7, s20, $0xb8;
	[tilespmem:$0xDE80] =	vst v63  }
0x107: {  	s19 =	simm.s32 $0x1078;
	s20 =	simm.s32 $0x3;
	_ =	swait.ge @!p1 [sflag:s22], $0x1400  }
.LBB2_12:
0x108: {  	s7 =	simm.s32 @!p4 $0x28;
	s24 =	simm.s32 @!p4 $0x2E00;
	[sflag:s22] =	ssyncset.done @!p1 $0x0  }
0x109: {  	s21 =	sadd.s32 $0xFFFFFFFF, s21;
	[sflag:s22] =	ssyncadd.s32 @!p1 $0xFFFFEC00;
	p1 =	por p4, p4  }
0x10a: {  	[tilespmem:s24], [sflag:$0x2] =	stream.indirect.gather @!p1 [hbm4b:s4+s7], $0x80, s19, s7, $0xb8;
	[tilespmem:$0xDE80] =	vst v63  }
0x10b: {  	p3 =	sne.s32 s21, $0x0;
	_ =	swait.ge [sflag:s31], $0x1400  }
0x10c: {  	[sflag:s31] =	ssyncset.done $0x0  }
0x10d: {  	s22 =	sadd.s32 $0x1, s20;
	[sflag:s31] =	ssyncadd.s32 $0xFFFFEC00  }
0x10e: {  	[spmem:s1] =	stream.indirect.scatter.add.f32 [tilespmem:s25], [sflag:$0x4], $0x80, s18, s29, $0xb8;
	[tilespmem:$0xDE80] =	vst v63  }
0x10f: {  	p4 =	sge.s32 s22, s17;
	_ =	swait.ge [sflag:s0], $0x1400  }
0x110: {  	s8 =	simm.s32 @!p1 $0x2;
	s22 =	sadd.s32 @!p4 $0x28, s19;
	[sflag:s0] =	ssyncset.done $0x0  }
0x111: {  	s9 =	simm.s32 @!p4 $0x28;
	s10 =	simm.s32 @!p4 $0x1A00;
	[sflag:s0] =	ssyncadd.s32 $0xFFFFEC00  }
0x112: {  	[tilespmem:s10], [sflag:$0x1] =	stream.indirect.gather @!p4 [hbm4b:s4+s9], $0x80, s22, s9, $0xb8;
	[tilespmem:$0xDE80] =	vst v63  }
.Ltmp10:
0x113: {  	_ =	swait.ge @!p1 [sflag:s8], $0x1400;
	(pc) =	sbr.rel @p3 .LBB2_12-.Ltmp10, $4  }
0x114: {  	s9 =	sadd.s32 @!p1 $0x28, s18;
	s22 =	simm.s32 @!p1 $0x3;
	[sflag:s8] =	ssyncset.done @!p1 $0x0  }
0x115: {  	s20 =	sadd.s32 $0x2, s20;
	s19 =	sadd.s32 $0x50, s19;
	[sflag:s8] =	ssyncadd.s32 @!p1 $0xFFFFEC00  }
0x116: {  	[spmem:s1] =	stream.indirect.scatter.add.f32 @!p1 [tilespmem:s24], [sflag:$0x3], $0x80, s9, s7, $0xb8;
	[tilespmem:$0xDE80] =	vst v63  }
0x117: {  	p4 =	sge.s32 s20, s17;
	s18 =	sadd.s32 $0x50, s18;
	_ =	swait.ge @!p1 [sflag:s22], $0x1400  }
.Ltmp11:
0x118: {  	_ = 	snop;
	(pc) =	sbr.rel .LBB2_13-.Ltmp11, $1  }
0x119: {  	_ =	sdelay $0x3  }
.LBB2_16:
0x11a: {  	_ =	sfence.sel $0x180000  }
0x11b: {  	[bflag:$0x0] =	sbarrier.arrive $0xFFFF  }
0x11c: {  	_ =	strace $0x9000004A  }
0x11d: {  	s0 =	stileid.u32;
	[bflag:$0x2] =	sbarrier.arrive $0xFFFF  }
0x11e: {  	p0 =	sne.s32 s0, $0x0;
	s0 =	rddreg [dreg:$0x2]  }
0x11f: {  	s0 =	sadd.s32 @!p0 $0x100000, s0  }
0x120: {  	[sflag:s0] =	ssyncadd.tile.s32 @!p0 $0x1;
	_ =	shalt  }
.Lfunc_end2:
_tile_overlayer_lowered:
.L_overlay_start_2:
0x121: {  	(tag) =	ssettag $0x2  }
0x122: {  	s0 =	rddreg [dreg:$0x0];
	s2 =	stileid.u32  }
0x123: {  	s1 =	rddreg [dreg:$0x1];
	p0 =	sne.s32 s2, $0x0  }
0x124: {  	s3 =	rddreg [dreg:$0x2];
	[bflag:$0x3] =	sbarrier.arrive $0xFFFF;
	s2 =	simm.s32 @!p0 $0x1C03  }
0x125: {  	[timem:s3], [sflag:s2] =	dma.local @!p0 [hbm:s0], s1  }
0x126: {  	s0 =	simm.s32 @!p0 $0x3  }
0x127: {  	_ =	swait.ge @!p0 [sflag:s0], s1  }
0x128: {  	s1 =	ssub.s32 @!p0 $0x0, s1;
	[sflag:s0] =	ssyncset.done @!p0 $0x0  }
0x129: {  	[sflag:s0] =	ssyncadd.s32 @!p0 s1  }
0x12a: {  	[bflag:$0x3] =	sbarrier.arrive $0xFFFF  }
0x12b: {  	_ =	shalt  }

// kernel: kernel.15.cloned.1.call-start
scs
__scs_entry_jumppad:
0x0: {  	(pc) =	sbr.rel $0x88, $3  }
0x1: {  	(tag) =	ssettag $0x0;
	lr =	simm.s32 $0x1  }
0x2: {  	[smem:$0x3F9A] =	sst lr;
	_ =	strace $0xD0000000  }
0x3: {  	_ = 	snop  }
0x4: {  	_ = 	snop  }
0x5: {  	_ = 	snop  }
0x6: {  	_ = 	snop  }
0x7: {  	_ = 	snop  }
__scs_overlays_trampoline_lowered:
0x8: {  	[smem:$0x3FA9] =	sst s0  }
0x9: {  	[smem:$0x3FAA] =	sst s1  }
0xa: {  	[smem:$0x3FAB] =	sst s2  }
0xb: {  	[smem:$0x3FAC] =	sst s3  }
0xc: {  	[smem:$0x3FAD] =	sst s4  }
0xd: {  	[smem:$0x3FAE] =	sst s5  }
0xe: {  	[smem:$0x3FAF] =	sst s6  }
0xf: {  	[smem:$0x3FB0] =	sst s7  }
0x10: {  	[smem:$0x3FB1] =	sst s8  }
0x11: {  	[smem:$0x3FB2] =	sst s9;
	s0 =	simm.s32 @!p0 $0x0  }
0x12: {  	s1 =	sld [smem:$0x3F98];
	s0 =	simm.s32 @p0 $0x1  }
0x13: {  	[smem:$0x3FB3] =	sst s0;
	s0 =	simm.s32 @!p1 $0x0  }
0x14: {  	s2 =	sld [smem:$0x3F97];
	s0 =	simm.s32 @p1 $0x1  }
0x15: {  	[smem:$0x3FB4] =	sst s0;
	s0 =	simm.s32 @!p2 $0x0  }
0x16: {  	s3 =	sld [smem:$0x3FDB];
	s0 =	simm.s32 @p2 $0x1  }
0x17: {  	s4 =	simm.s32 $0x1BF5;
	[smem:$0x3FB6] =	sst s0  }
0x18: {  	s0 =	sld [smem:$0x3F99];
	_ =	swait.ge [sflag:s4], $0x0  }
0x19: {  	s7 =	sld [smem:$0x3F9A]  }
0x1a: {  	s8 =	sadd.s32 $0xFFFFE003, lr  }
0x1b: {  	s9 =	sadd.s32 $0xFFFFFEF7, lr;
	s5 =	simm.s32 $0xFFFFFFFF;
	p2 =	slt.u32 s8, $0xFFFFF086  }
0x1c: {  	p1 =	slt.u32 s9, $0xF7A;
	s5 =	simm.s32 @!p2 $0x0  }
0x1d: {  	s5 =	simm.s32 @p1 $0x1;
	p0 =	seq.s32 s7, s2  }
0x1e: {  	s7 =	smul.u32 @!p0 $0xF7A, s2;
	p2 =	seq.s32 @!p0 s5, $0x0  }
0x1f: {  	s9 =	smul.u32 $0xF7A, s1;
	s8 =	simm.s32 @!p0 $0x1BF5;
	p2 =	por !p2, p0  }
0x20: {  	[sflag:s8] =	ssyncset.s32 @!p0 $0xFFFFF086;
	s6 =	sadd.s32 @!p0 s3, s7;
	s7 =	simm.s32 @!p0 $0x108  }
0x21: {  	s3 =	sadd.s32 s3, s9;
	s6 =	sadd.s32 @!p0 $0x88, s6;
	s7 =	simm.s32 @p2 $0x1082  }
0x22: {  	[simem:s7], [sflag:s8] =	dma.local @!p0 [hbm:s6], $0xF7A  }
0x23: {  	s9 =	sor.u32 $0xD0000000, s2;
	s6 =	simm.s32 $0x108;
	_ =	swait.ge @!p0 [sflag:s8], $0x0  }
0x24: {  	s3 =	sadd.s32 $0x88, s3;
	s6 =	simm.s32 @!p1 $0x1082;
	[sflag:s4] =	ssyncset.s32 $0xFFFFF086  }
0x25: {  	[simem:s6], [sflag:s4] =	dma.local [hbm:s3], $0xF7A  }
0x26: {  	[smem:$0x3F9A] =	sst s1;
	(tag) =	ssettag s2;
	_ =	strace s9  }
0x27: {  	s1 =	sld [smem:$0x3FAA]  }
0x28: {  	s2 =	sld [smem:$0x3FAB]  }
0x29: {  	s4 =	sld [smem:$0x3FAD]  }
0x2a: {  	p0 =	seq.s32 s5, $0x0;
	s5 =	sld [smem:$0x3FAE]  }
0x2b: {  	s6 =	sld [smem:$0x3FAF]  }
0x2c: {  	s7 =	sld [smem:$0x3FB0]  }
0x2d: {  	s3 =	simm.s32 $0x108;
	s8 =	sld [smem:$0x3FB1]  }
0x2e: {  	s3 =	simm.s32 @!p0 $0x1082;
	s9 =	sld [smem:$0x3FB2]  }
0x2f: {  	lr =	sadd.s32 s0, s3;
	s0 =	sld [smem:$0x3FA9]  }
0x30: {  	s3 =	sld [smem:$0x3FAC]  }
0x31: {  	[smem:$0x3FB5] =	sst s10  }
0x32: {  	s10 =	sld [smem:$0x3FB3];
	_ =	sdelay $0x3  }
0x33: {  	p0 =	seq.s32 s10, $0x1;
	s10 =	sld [smem:$0x3FB5];
	_ =	sdelay $0x3  }
0x34: {  	[smem:$0x3FB5] =	sst s10  }
0x35: {  	s10 =	sld [smem:$0x3FB4];
	_ =	sdelay $0x3  }
0x36: {  	p1 =	seq.s32 s10, $0x1;
	s10 =	sld [smem:$0x3FB5];
	_ =	sdelay $0x3  }
0x37: {  	[smem:$0x3FB5] =	sst s10  }
0x38: {  	s10 =	sld [smem:$0x3FB6]  }
0x39: {  	_ = 	snop;
	(pc) =	sbr.ind lr, $3  }
0x3a: {  	_ = 	snop  }
0x3b: {  	_ = 	snop  }
0x3c: {  	p2 =	seq.s32 s10, $0x1;
	s10 =	sld [smem:$0x3FB5]  }
0x3d: {  	_ =	shalt  }
0x3e: {  	_ =	shalt  }
0x3f: {  	_ =	shalt  }
0x40: {  	_ =	shalt  }
0x41: {  	_ =	shalt  }
0x42: {  	_ =	shalt  }
0x43: {  	_ =	shalt  }
0x44: {  	_ =	shalt  }
0x45: {  	_ =	shalt  }
0x46: {  	_ =	shalt  }
0x47: {  	_ =	shalt  }
0x48: {  	_ =	shalt  }
0x49: {  	_ =	shalt  }
0x4a: {  	_ =	shalt  }
0x4b: {  	_ =	shalt  }
0x4c: {  	_ =	shalt  }
0x4d: {  	_ =	shalt  }
0x4e: {  	_ =	shalt  }
0x4f: {  	_ =	shalt  }
0x50: {  	_ =	shalt  }
0x51: {  	_ =	shalt  }
0x52: {  	_ =	shalt  }
0x53: {  	_ =	shalt  }
0x54: {  	_ =	shalt  }
0x55: {  	_ =	shalt  }
0x56: {  	_ =	shalt  }
0x57: {  	_ =	shalt  }
0x58: {  	_ =	shalt  }
0x59: {  	_ =	shalt  }
0x5a: {  	_ =	shalt  }
0x5b: {  	_ =	shalt  }
0x5c: {  	_ =	shalt  }
0x5d: {  	_ =	shalt  }
0x5e: {  	_ =	shalt  }
0x5f: {  	_ =	shalt  }
0x60: {  	_ =	shalt  }
0x61: {  	_ =	shalt  }
0x62: {  	_ =	shalt  }
0x63: {  	_ =	shalt  }
0x64: {  	_ =	shalt  }
0x65: {  	_ =	shalt  }
0x66: {  	_ =	shalt  }
0x67: {  	_ =	shalt  }
0x68: {  	_ =	shalt  }
0x69: {  	_ =	shalt  }
0x6a: {  	_ =	shalt  }
0x6b: {  	_ =	shalt  }
0x6c: {  	_ =	shalt  }
0x6d: {  	_ =	shalt  }
0x6e: {  	_ =	shalt  }
0x6f: {  	_ =	shalt  }
0x70: {  	_ =	shalt  }
0x71: {  	_ =	shalt  }
0x72: {  	_ =	shalt  }
0x73: {  	_ =	shalt  }
0x74: {  	_ =	shalt  }
0x75: {  	_ =	shalt  }
0x76: {  	_ =	shalt  }
0x77: {  	_ =	shalt  }
0x78: {  	_ =	shalt  }
0x79: {  	_ =	shalt  }
0x7a: {  	_ =	shalt  }
0x7b: {  	_ =	shalt  }
0x7c: {  	_ =	shalt  }
0x7d: {  	_ =	shalt  }
0x7e: {  	_ =	shalt  }
0x7f: {  	_ =	shalt  }
0x80: {  	_ =	shalt  }
0x81: {  	_ =	shalt  }
0x82: {  	_ =	shalt  }
0x83: {  	_ =	shalt  }
0x84: {  	_ =	shalt  }
0x85: {  	_ =	shalt  }
0x86: {  	_ =	shalt  }
0x87: {  	_ =	shalt  }
.Lfunc_end0:
.L_simem_size_0:
called_computation.2_lowered:
.L_overlay_start_0:
0x88: {  	s2 =	sld [smem:$0x3FD9]  }
0x89: {  	s3 =	sld [smem:$0x3FFE];
	_ =	sdelay $0x1  }
0x8a: {  	s1 =	srdreg.scid  }
0x8b: {  	s0 =	sand.u32 $0x1, s1  }
0x8c: {  	s16 =	sshll.u32 s0, $0xA;
	s2 =	sadd.s32 s3, s2  }
0x8d: {  	s2 =	sadd.s32 s2, s16  }
0x8e: {  	[smem:$0x3FC1] =	sst s2  }
0x8f: {  	_ = 	snop  }
0x90: {  	(tm) =	ssettm $0x1  }
0x91: {  	s17 =	sld [smem:$0x3FFB];
	_ =	sdelay $0x3  }
0x92: {  	_ =	strace s17  }
0x93: {  	s2 =	sld [smem:$0x3FFC];
	_ =	sdelay $0x3  }
0x94: {  	_ =	strace s2  }
0x95: {  	s2 =	sld [smem:$0x3FFD];
	_ =	sdelay $0x3  }
0x96: {  	_ =	strace s2  }
0x97: {  	_ =	strace $0x8FFFFFFF  }
0x98: {  	s18 =	sld [smem:$0x3FDB];
	_ =	sdelay $0x1  }
0x99: {  	s19 =	simm.s32 $_scs_section_size  }
0x9a: {  	s4 =	simm.s32 $_size__tile_overlayer_lowered;
	s5 =	simm.s32 $_tile_overlayer_lowered  }
0x9b: {  	s22 =	simm.s32 $0x1BFF;
	s21 =	sshll.u32 s5, $0x1;
	s2 =	sadd.s32 s19, s18  }
0x9c: {  	s6 =	simm.s32 $0x0;
	s20 =	sshll.u32 s4, $0x1;
	s4 =	sadd.s32 s21, s2  }
0x9d: {  	[timem:s6], [sflag:s22] =	dma.local [hbm:s4], s20  }
0x9e: {  	_ =	swait.ge [sflag:s22], s20  }
0x9f: {  	s3 =	ssub.s32 $0x0, s20;
	[sflag:s22] =	ssyncset.done $0x0  }
0xa0: {  	[sflag:s22] =	ssyncadd.s32 s3;
	_ =	sdelay $0x1  }
0xa1: {  	s23 =	simm.s32 $0x1B8B  }
0xa2: {  	_ =	swait.ge [sflag:s23], $0x1  }
0xa3: {  	[sflag:s23] =	ssyncset.done $0x0  }
0xa4: {  	s25 =	simm.s32 $0x1B8E;
	s24 =	sld [smem:$0x3FFE];
	[sflag:s23] =	ssyncadd.s32 $0xFFFFFFFF  }
0xa5: {  	s26 =	simm.s32 $execute0_lowered;
	[smem:$0x3FD2] =	sst s25  }
0xa6: {  	s4 =	sshll.u32 s26, $0x1;
	_ =	strace $0x8000004C;
	[dreg:$0x1] =	wrdreg $0xFFFFFFFF  }
0xa7: {  	s28 =	simm.s32 $_size_execute0_lowered;
	s2 =	sadd.s32 s2, s4;
	[dreg:$0x0] =	wrdreg $0x0  }
0xa8: {  	s4 =	sshll.u32 s28, $0x1;
	[dreg:$0x2] =	wrdreg s2  }
0xa9: {  	[dreg:$0x3] =	wrdreg s4  }
0xaa: {  	[dreg:$0x4] =	wrdreg $0xC0  }
0xab: {  	_ =	task [dreg:s6], $0x5FFFF  }
0xac: {  	[dreg:$0x1] =	wrdreg $0xFFFFFFFF  }
0xad: {  	[dreg:$0x0] =	wrdreg $0x60  }
0xae: {  	[dreg:$0x2] =	wrdreg s24  }
0xaf: {  	[dreg:$0x3] =	wrdreg $0x42000  }
0xb0: {  	[dreg:$0x4] =	wrdreg $0x9  }
0xb1: {  	_ =	task.clear_ibuf [dreg:s6], $0x5FFFF;
	_ =	strace $0x9000004C  }
0xb2: {  	s29 =	simm.s32 $0x9;
	_ =	strace $0x8000004E  }
0xb3: {  	_ =	swait.ge [sflag:s29], $0x1  }
0xb4: {  	[sflag:s29] =	ssyncadd.s32 $0xFFFFFFFF  }
0xb5: {  	_ =	strace $0x9000004E  }
0xb6: {  	_ =	sfence  }
0xb7: {  	s30 =	sld [smem:$0x0];
	_ =	sdelay $0x2  }
0xb8: {  	s31 =	sshll.u32 s1, $0xD;
	s1 =	sshrl.u32 s1, $0x2  }
0xb9: {  	s3 =	sand.u32 $0x4000, s31;
	s1 =	sadd.s32 s1, s30  }
0xba: {  	s0 =	sor.u32 s3, s0;
	s1 =	sshll.u32 s1, $0x11  }
0xbb: {  	s0 =	sor.u32 s1, s0  }
0xbc: {  	s0 =	sadd.s32 $0x8F2B, s0  }
0xbd: {  	[sflag:s0] =	ssyncadd.remote.s32 $0x1  }
0xbe: {  	_ =	sfence.sel $0xFFFF  }
0xbf: {  	[dreg:$0x0] =	wrdreg $0xFFFFFFFF;
	(pc) =	sbr.abs _section_cstart, $3  }
0xc0: {  	[dreg:$0x1] =	wrdreg $0xFFFFFFFF  }
0xc1: {  	_ =	task.clear_ibuf [dreg:s6], $0x2FFFF;
	_ =	strace $0x9FFFFFFF  }
0xc2: {  	(tm) =	ssettm $0x7FFFFFFF  }
0xc3: {  	_ =	shalt  }
tec
execute0_lowered:
.L_overlay_start_1:
0x0: {  	(tag) =	ssettag $0x1  }
0x1: {  	s0 =	rddreg [dreg:$0x0]  }
0x2: {  	s1 =	rddreg [dreg:$0x1]  }
0x3: {  	s2 =	simm.s32 $0x0;
	s3 =	srdreg.scid;
	s25 =	stileid.u32  }
0x4: {  	s28 =	simm.s32 $0x800;
	s4 =	sadd.s32 $0x15800, s0;
	s5 =	sadd.s32 $0xBA00, s0  }
0x5: {  	s7 =	sand.u32 $0x1, s3;
	s6 =	sadd.s32 $0x1C00, s0;
	s9 =	smul.u32 $0x5000, s25  }
0x6: {  	s3 =	sadd.s32 $0x3CA00, s0;
	s14 =	sor.u32 $0x10, s25;
	s0 =	smul.u32 $0x1388, s7  }
0x7: {  	s29 =	simm.s32 $0x28;
	s16 =	sor.u32 $0x20, s25;
	s21 =	smul.u32 $0x5000, s14  }
0x8: {  	s30 =	simm.s32 $0x1000;
	s17 =	sor.u32 $0x30, s25;
	s22 =	smul.u32 $0x5000, s16  }
0x9: {  	s31 =	simm.s32 $0x1;
	s18 =	sor.u32 $0x40, s25;
	s10 =	smul.u32 $0x5000, s17  }
0xa: {  	[smem:$0x7FF] =	sst s2;
	p0 =	sgt.u32 s25, $0xC;
	s11 =	smul.u32 $0x5000, s18  }
0xb: {  	_ =	strace $0x8000004D;
	s8 =	ssub.s32 $0x2, s7;
	s16 =	smul.u32 $0x28, s16  }
0xc: {  	s17 =	smul.u32 $0x28, s17;
	s19 =	sshrl.u32 s8, $0x1;
	s20 =	sshrl.u32 s9, $0x2  }
0xd: {  	s18 =	smul.u32 $0x28, s18;
	s15 =	ssub.s32 s8, s19;
	s7 =	sadd.s32 s20, s1  }
0xe: {  	s8 =	sshrl.u32 s21, $0x2;
	s9 =	sshrl.u32 s22, $0x2;
	s10 =	sshrl.u32 s10, $0x2  }
0xf: {  	s19 =	sor.u32 $0x50, s25;
	s11 =	sshrl.u32 s11, $0x2;
	s20 =	sor.u32 $0x60, s25  }
0x10: {  	s21 =	sor.u32 $0x70, s25;
	s22 =	smul.u32 $0x28, s25;
	s16 =	sadd.s32 s0, s16  }
0x11: {  	s18 =	sadd.s32 s0, s18;
	[dreg:$0x3] =	wrdreg s7;
	s23 =	sadd.s32 s8, s1  }
0x12: {  	s24 =	sadd.s32 s9, s1;
	s12 =	smul.u32 $0x5000, s19;
	s26 =	sadd.s32 s10, s1  }
0x13: {  	s11 =	sadd.s32 s11, s1;
	s13 =	smul.u32 $0x5000, s20;
	[dreg:$0x4] =	wrdreg s23  }
0x14: {  	s16 =	sshll.u32 s16, $0x4;
	[dreg:$0x5] =	wrdreg s24;
	s23 =	smul.u32 $0x5000, s21  }
0x15: {  	[dreg:$0x6] =	wrdreg s26;
	s22 =	sadd.s32 s22, s0;
	s24 =	smul.u32 $0x28, s14  }
0x16: {  	s26 =	smul.u32 $0x28, s20;
	s12 =	sshrl.u32 s12, $0x2;
	s13 =	sshrl.u32 s13, $0x2  }
0x17: {  	s22 =	sshll.u32 s22, $0x4;
	s12 =	sadd.s32 s12, s1;
	s13 =	sadd.s32 s13, s1  }
0x18: {  	s7 =	sshrl.u32 s23, $0x2;
	s8 =	sadd.s32 s3, s22;
	s9 =	sadd.s32 s0, s24  }
0x19: {  	s23 =	sadd.s32 s0, s17;
	s24 =	smul.u32 $0x28, s19;
	s22 =	sshll.u32 s9, $0x4  }
0x1a: {  	s14 =	sadd.s32 s7, s1;
	[dreg:$0x7] =	wrdreg s8;
	s10 =	sadd.s32 s3, s22  }
0x1b: {  	s9 =	sshll.u32 s18, $0x4;
	s22 =	sadd.s32 s3, s16;
	[dreg:$0x8] =	wrdreg s10  }
0x1c: {  	s16 =	sshll.u32 s23, $0x4;
	s20 =	sadd.s32 s0, s24;
	[dreg:$0x9] =	wrdreg s22  }
0x1d: {  	s8 =	sadd.s32 s3, s16;
	s10 =	smul.u32 $0x28, s21;
	s16 =	sadd.s32 s3, s9  }
0x1e: {  	s21 =	sadd.s32 s0, s26;
	s26 =	smax.u32 s15, $0x1;
	[dreg:$0xa] =	wrdreg s8  }
0x1f: {  	[dreg:$0xb] =	wrdreg s16;
	s16 =	sshll.u32 s20, $0x4;
	s17 =	sshll.u32 s21, $0x4  }
.Ltmp0:
0x20: {  	[dreg:$0xf] =	wrdreg s26;
	s26 =	simm.s32 $0x3;
	(pc) =	sbr.rel .LBB2_1-.Ltmp0, $4  }
0x21: {  	s18 =	sadd.s32 s0, s10;
	s22 =	sadd.s32 s3, s16;
	s23 =	sadd.s32 s3, s17  }
0x22: {  	v1 =	vmov s0;
	s0 =	simm.s32 $0x4;
	[dreg:$0xc] =	wrdreg s22;
	s24 =	sshll.u32 s18, $0x4  }
0x23: {  	v0 =	vlaneseq.u32;
	[dreg:$0xd] =	wrdreg s23;
	s23 =	smul.u32 $0x4E20, s25;
	s3 =	sadd.s32 s3, s24  }
0x24: {  	v2 =	vimm.f32 $0.0e+00;
	v3 =	vor.u32 $0x1388, v0;
	s25 =	simm.s32 $0x1A00;
	[dreg:$0xe] =	wrdreg s3;
	s3 =	simm.s32 $0x0  }
.LBB2_15:
0x25: {  	[bflag:$0x0] =	sbarrier.arrive $0xFFFF  }
0x26: {  	s7 =	rddreg [dreg:$0x3]  }
0x27: {  	[tilespmem:s25], [sflag:$0x3] =	stream.linear.gather [spmem:s7], $0x1400, $0x38;
	[tilespmem:$0xDE80] =	vst v63  }
0x28: {  	_ =	swait.ge [sflag:s26], $0x1400  }
0x29: {  	[sflag:s26] =	ssyncset.done $0x0  }
0x2a: {  	s9 =	rddreg [dreg:$0x7];
	[sflag:s26] =	ssyncadd.s32 $0xFFFFEC00  }
0x2b: {  	[hbm4b:s9+s2] =	stream.linear.scatter [tilespmem:s25], [sflag:$0x3], $0x1400, $0x38;
	[tilespmem:$0xDE80] =	vst v63  }
0x2c: {  	_ =	swait.ge [sflag:s26], $0x1400  }
0x2d: {  	[sflag:s26] =	ssyncset.done $0x0  }
0x2e: {  	s10 =	rddreg [dreg:$0x4];
	[sflag:s26] =	ssyncadd.s32 $0xFFFFEC00  }
0x2f: {  	[tilespmem:s25], [sflag:$0x3] =	stream.linear.gather [spmem:s10], $0x1400, $0x38;
	[tilespmem:$0xDE80] =	vst v63  }
0x30: {  	_ =	swait.ge [sflag:s26], $0x1400  }
0x31: {  	[sflag:s26] =	ssyncset.done $0x0  }
0x32: {  	s15 =	rddreg [dreg:$0x8];
	[sflag:s26] =	ssyncadd.s32 $0xFFFFEC00  }
0x33: {  	[hbm4b:s15+s2] =	stream.linear.scatter [tilespmem:s25], [sflag:$0x3], $0x1400, $0x38;
	[tilespmem:$0xDE80] =	vst v63  }
0x34: {  	_ =	swait.ge [sflag:s26], $0x1400  }
0x35: {  	[sflag:s26] =	ssyncset.done $0x0  }
0x36: {  	s16 =	rddreg [dreg:$0x5];
	[sflag:s26] =	ssyncadd.s32 $0xFFFFEC00  }
0x37: {  	[tilespmem:s25], [sflag:$0x3] =	stream.linear.gather [spmem:s16], $0x1400, $0x38;
	[tilespmem:$0xDE80] =	vst v63  }
0x38: {  	_ =	swait.ge [sflag:s26], $0x1400  }
0x39: {  	[sflag:s26] =	ssyncset.done $0x0  }
0x3a: {  	s17 =	rddreg [dreg:$0x9];
	[sflag:s26] =	ssyncadd.s32 $0xFFFFEC00  }
0x3b: {  	[hbm4b:s17+s2] =	stream.linear.scatter [tilespmem:s25], [sflag:$0x3], $0x1400, $0x38;
	[tilespmem:$0xDE80] =	vst v63  }
0x3c: {  	_ =	swait.ge [sflag:s26], $0x1400  }
0x3d: {  	[sflag:s26] =	ssyncset.done $0x0  }
0x3e: {  	s18 =	rddreg [dreg:$0x6];
	[sflag:s26] =	ssyncadd.s32 $0xFFFFEC00  }
0x3f: {  	[tilespmem:s25], [sflag:$0x3] =	stream.linear.gather [spmem:s18], $0x1400, $0x38;
	[tilespmem:$0xDE80] =	vst v63  }
0x40: {  	_ =	swait.ge [sflag:s26], $0x1400  }
0x41: {  	[sflag:s26] =	ssyncset.done $0x0  }
0x42: {  	s19 =	rddreg [dreg:$0xa];
	[sflag:s26] =	ssyncadd.s32 $0xFFFFEC00  }
0x43: {  	[hbm4b:s19+s2] =	stream.linear.scatter [tilespmem:s25], [sflag:$0x3], $0x1400, $0x38;
	[tilespmem:$0xDE80] =	vst v63  }
0x44: {  	_ =	swait.ge [sflag:s26], $0x1400  }
0x45: {  	[sflag:s26] =	ssyncset.done $0x0  }
0x46: {  	[sflag:s26] =	ssyncadd.s32 $0xFFFFEC00  }
0x47: {  	[tilespmem:s25], [sflag:$0x3] =	stream.linear.gather [spmem:s11], $0x1400, $0x38;
	[tilespmem:$0xDE80] =	vst v63  }
0x48: {  	_ =	swait.ge [sflag:s26], $0x1400  }
0x49: {  	[sflag:s26] =	ssyncset.done $0x0  }
0x4a: {  	s20 =	rddreg [dreg:$0xb];
	[sflag:s26] =	ssyncadd.s32 $0xFFFFEC00  }
0x4b: {  	[hbm4b:s20+s2] =	stream.linear.scatter [tilespmem:s25], [sflag:$0x3], $0x1400, $0x38;
	[tilespmem:$0xDE80] =	vst v63  }
0x4c: {  	_ =	swait.ge [sflag:s26], $0x1400  }
0x4d: {  	[sflag:s26] =	ssyncset.done $0x0  }
0x4e: {  	[sflag:s26] =	ssyncadd.s32 $0xFFFFEC00  }
0x4f: {  	[tilespmem:s25], [sflag:$0x3] =	stream.linear.gather [spmem:s12], $0x1400, $0x38;
	[tilespmem:$0xDE80] =	vst v63  }
0x50: {  	_ =	swait.ge [sflag:s26], $0x1400  }
0x51: {  	[sflag:s26] =	ssyncset.done $0x0  }
0x52: {  	s21 =	rddreg [dreg:$0xc];
	[sflag:s26] =	ssyncadd.s32 $0xFFFFEC00  }
0x53: {  	[hbm4b:s21+s2] =	stream.linear.scatter [tilespmem:s25], [sflag:$0x3], $0x1400, $0x38;
	[tilespmem:$0xDE80] =	vst v63  }
0x54: {  	_ =	swait.ge [sflag:s26], $0x1400  }
0x55: {  	[sflag:s26] =	ssyncset.done $0x0  }
0x56: {  	[sflag:s26] =	ssyncadd.s32 $0xFFFFEC00  }
0x57: {  	[tilespmem:s25], [sflag:$0x3] =	stream.linear.gather [spmem:s13], $0x1400, $0x38;
	[tilespmem:$0xDE80] =	vst v63  }
0x58: {  	_ =	swait.ge [sflag:s26], $0x1400  }
0x59: {  	[sflag:s26] =	ssyncset.done $0x0  }
0x5a: {  	s22 =	rddreg [dreg:$0xd];
	[sflag:s26] =	ssyncadd.s32 $0xFFFFEC00  }
0x5b: {  	[hbm4b:s22+s2] =	stream.linear.scatter [tilespmem:s25], [sflag:$0x3], $0x1400, $0x38;
	[tilespmem:$0xDE80] =	vst v63  }
0x5c: {  	_ =	swait.ge [sflag:s26], $0x1400  }
0x5d: {  	[sflag:s26] =	ssyncset.done $0x0  }
0x5e: {  	s8 =	simm.s32 @!p0 $0x3;
	s7 =	simm.s32 @!p0 $0x1A00;
	[sflag:s26] =	ssyncadd.s32 $0xFFFFEC00  }
0x5f: {  	[tilespmem:s7], [sflag:$0x3] =	stream.linear.gather @!p0 [spmem:s14], $0x1400, $0x38;
	[tilespmem:$0xDE80] =	vst v63  }
0x60: {  	_ =	swait.ge @!p0 [sflag:s8], $0x1400  }
0x61: {  	[sflag:s8] =	ssyncset.done @!p0 $0x0  }
0x62: {  	s9 =	simm.s32 @!p0 $0x0;
	s10 =	rddreg [dreg:$0xe];
	[sflag:s8] =	ssyncadd.s32 @!p0 $0xFFFFEC00  }
0x63: {  	[hbm4b:s10+s9] =	stream.linear.scatter @!p0 [tilespmem:s7], [sflag:$0x3], $0x1400, $0x38;
	[tilespmem:$0xDE80] =	vst v63  }
0x64: {  	_ =	swait.ge @!p0 [sflag:s8], $0x1400  }
0x65: {  	s3 =	sadd.s32 $0x1, s3;
	s24 =	rddreg [dreg:$0xf]  }
0x66: {  	p1 =	sne.s32 s3, s24  }
.Ltmp1:
0x67: {  	_ = 	snop;
	(pc) =	sbr.rel @!p1 .LBB2_16-.Ltmp1, $3  }
0x68: {  	_ =	sdelay $0x1  }
0x69: {  	[sflag:s8] =	ssyncset.done @!p0 $0x0  }
0x6a: {  	[sflag:s8] =	ssyncadd.s32 @!p0 $0xFFFFEC00  }
.LBB2_1:
0x6b: {  	s15 =	simm.s32 $0x0;
	s16 =	simm.s32 $0x200  }
.LBB2_2:
0x6c: {  	p1 =	sne.s32 s16, $0x4E00;
	[tilespmem:s15+$0x1A70] =	vst v2  }
0x6d: {  	[tilespmem:s15+$0x1A00] =	vst v2  }
0x6e: {  	[tilespmem:s15+$0x1A10] =	vst v2  }
.Ltmp2:
0x6f: {  	[tilespmem:s15+$0x1A20] =	vst v2;
	(pc) =	sbr.rel @p1 .LBB2_2-.Ltmp2, $4  }
0x70: {  	[tilespmem:s15+$0x1A30] =	vst v2  }
0x71: {  	[tilespmem:s15+$0x1A40] =	vst v2  }
0x72: {  	[tilespmem:s15+$0x1A50] =	vst v2  }
0x73: {  	[tilespmem:s15+$0x1A60] =	vst v2;
	s15 =	sshra.s32 s16, $0x2;
	s16 =	sadd.s32 $0x200, s16  }
0x74: {  	[tilespmem:s15+$0x1A70] =	vst v2  }
0x75: {  	[tilespmem:s15+$0x1A00] =	vst v2  }
0x76: {  	[tilespmem:s15+$0x1A10] =	vst v2  }
0x77: {  	[tilespmem:s15+$0x1A20] =	vst v2  }
0x78: {  	[tilespmem:s15+$0x1A30] =	vst v2  }
0x79: {  	[tilespmem:s15+$0x1A40] =	vst v2  }
0x7a: {  	[tilespmem:s15+$0x1A50] =	vst v2  }
0x7b: {  	[tilespmem:s15+$0x1A60] =	vst v2;
	s7 =	rddreg [dreg:$0x3]  }
0x7c: {  	[spmem:s7] =	stream.linear.scatter [tilespmem:s25], [sflag:$0x3], $0x1400, $0x38;
	[tilespmem:$0xDE80] =	vst v63  }
0x7d: {  	_ =	swait.ge [sflag:s26], $0x1400  }
0x7e: {  	[sflag:s26] =	ssyncset.done $0x0  }
0x7f: {  	s21 =	rddreg [dreg:$0x4];
	[sflag:s26] =	ssyncadd.s32 $0xFFFFEC00  }
0x80: {  	[spmem:s21] =	stream.linear.scatter [tilespmem:s25], [sflag:$0x3], $0x1400, $0x38;
	[tilespmem:$0xDE80] =	vst v63  }
0x81: {  	_ =	swait.ge [sflag:s26], $0x1400  }
0x82: {  	[sflag:s26] =	ssyncset.done $0x0  }
0x83: {  	s22 =	rddreg [dreg:$0x5];
	[sflag:s26] =	ssyncadd.s32 $0xFFFFEC00  }
0x84: {  	[spmem:s22] =	stream.linear.scatter [tilespmem:s25], [sflag:$0x3], $0x1400, $0x38;
	[tilespmem:$0xDE80] =	vst v63  }
0x85: {  	_ =	swait.ge [sflag:s26], $0x1400  }
0x86: {  	[sflag:s26] =	ssyncset.done $0x0  }
0x87: {  	s24 =	rddreg [dreg:$0x6];
	[sflag:s26] =	ssyncadd.s32 $0xFFFFEC00  }
0x88: {  	[spmem:s24] =	stream.linear.scatter [tilespmem:s25], [sflag:$0x3], $0x1400, $0x38;
	[tilespmem:$0xDE80] =	vst v63  }
0x89: {  	_ =	swait.ge [sflag:s26], $0x1400  }
0x8a: {  	[sflag:s26] =	ssyncset.done $0x0  }
0x8b: {  	[sflag:s26] =	ssyncadd.s32 $0xFFFFEC00  }
0x8c: {  	[spmem:s11] =	stream.linear.scatter [tilespmem:s25], [sflag:$0x3], $0x1400, $0x38;
	[tilespmem:$0xDE80] =	vst v63  }
0x8d: {  	_ =	swait.ge [sflag:s26], $0x1400  }
0x8e: {  	[sflag:s26] =	ssyncset.done $0x0  }
0x8f: {  	[sflag:s26] =	ssyncadd.s32 $0xFFFFEC00  }
0x90: {  	[spmem:s12] =	stream.linear.scatter [tilespmem:s25], [sflag:$0x3], $0x1400, $0x38;
	[tilespmem:$0xDE80] =	vst v63  }
0x91: {  	_ =	swait.ge [sflag:s26], $0x1400  }
0x92: {  	[sflag:s26] =	ssyncset.done $0x0  }
0x93: {  	[sflag:s26] =	ssyncadd.s32 $0xFFFFEC00  }
0x94: {  	[spmem:s13] =	stream.linear.scatter [tilespmem:s25], [sflag:$0x3], $0x1400, $0x38;
	[tilespmem:$0xDE80] =	vst v63  }
0x95: {  	_ =	swait.ge [sflag:s26], $0x1400  }
0x96: {  	[sflag:s26] =	ssyncset.done $0x0  }
0x97: {  	s15 =	simm.s32 @!p0 $0x1A00;
	[sflag:s26] =	ssyncadd.s32 $0xFFFFEC00  }
0x98: {  	[spmem:s14] =	stream.linear.scatter @!p0 [tilespmem:s15], [sflag:$0x3], $0x1400, $0x38;
	[tilespmem:$0xDE80] =	vst v63  }
0x99: {  	s15 =	simm.s32 @!p0 $0x3  }
.Ltmp3:
0x9a: {  	_ =	swait.ge @!p0 [sflag:s15], $0x1400;
	(pc) =	sbr.rel .LBB2_4-.Ltmp3, $4  }
0x9b: {  	[sflag:s15] =	ssyncset.done @!p0 $0x0  }
0x9c: {  	[sflag:s15] =	ssyncadd.s32 @!p0 $0xFFFFEC00  }
0x9d: {  	[bflag:$0x0] =	sbarrier.arrive $0xFFFF  }
0x9e: {  	s16 =	simm.s32 $0x0;
	s15 =	simm.s32 $0x0  }
.LBB2_10:
0x9f: {  	_ = 	snop  }
.LBB2_13:
0xa0: {  	p1 =	por p1, !p2  }
0xa1: {  	s7 =	simm.s32 @!p4 $0x28;
	[sflag:s22] =	ssyncset.done @!p1 $0x0  }
0xa2: {  	s8 =	simm.s32 @!p4 $0x2E00;
	[sflag:s22] =	ssyncadd.s32 @!p1 $0xFFFFEC00;
	p1 =	por p4, p4  }
0xa3: {  	[tilespmem:s8], [sflag:$0x2] =	stream.indirect.gather @!p1 [hbm4b:s4+s7], $0x80, s19, s7, $0xb8;
	[tilespmem:$0xDE80] =	vst v63  }
0xa4: {  	_ =	swait.ge [sflag:s31], $0x1400  }
0xa5: {  	[sflag:s31] =	ssyncset.done $0x0  }
0xa6: {  	s9 =	sadd.s32 $0x1, s20;
	[sflag:s31] =	ssyncadd.s32 $0xFFFFEC00  }
0xa7: {  	[spmem:s1] =	stream.indirect.scatter.add.f32 [tilespmem:s25], [sflag:$0x4], $0x80, s18, s29, $0xb8;
	[tilespmem:$0xDE80] =	vst v63  }
0xa8: {  	p2 =	sge.s32 s9, s17;
	_ =	swait.ge [sflag:s0], $0x1400  }
0xa9: {  	s9 =	sadd.s32 @!p2 $0x28, s19;
	s17 =	simm.s32 @!p2 $0x28;
	[sflag:s0] =	ssyncset.done $0x0  }
0xaa: {  	s10 =	simm.s32 @!p1 $0x2;
	s19 =	simm.s32 @!p2 $0x1A00;
	[sflag:s0] =	ssyncadd.s32 $0xFFFFEC00  }
0xab: {  	[tilespmem:s19], [sflag:$0x1] =	stream.indirect.gather @!p2 [hbm4b:s4+s17], $0x80, s9, s17, $0xb8;
	[tilespmem:$0xDE80] =	vst v63  }
0xac: {  	_ =	swait.ge @!p1 [sflag:s10], $0x1400  }
0xad: {  	[sflag:s10] =	ssyncset.done @!p1 $0x0  }
0xae: {  	s9 =	sadd.s32 @!p1 $0x28, s18;
	s17 =	simm.s32 @!p1 $0x3;
	[sflag:s10] =	ssyncadd.s32 @!p1 $0xFFFFEC00  }
0xaf: {  	[spmem:s1] =	stream.indirect.scatter.add.f32 @!p1 [tilespmem:s8], [sflag:$0x3], $0x80, s9, s7, $0xb8;
	[tilespmem:$0xDE80] =	vst v63  }
0xb0: {  	_ =	swait.ge @!p1 [sflag:s17], $0x1400  }
0xb1: {  	[sflag:s17] =	ssyncset.done @!p1 $0x0  }
0xb2: {  	[sflag:s17] =	ssyncadd.s32 @!p1 $0xFFFFEC00  }
.LBB2_14:
0xb3: {  	s16 =	sadd.s32 $0x1, s16  }
0xb4: {  	p1 =	sne.s32 s16, $0xA  }
.Ltmp4:
0xb5: {  	_ = 	snop;
	(pc) =	sbr.rel @!p1 .LBB2_15-.Ltmp4, $1  }
0xb6: {  	_ =	sdelay $0x3  }
.LBB2_4:
0xb7: {  	s17 =	smul.u32 $0x7D0, s16;
	_ =	sdelay $0x1  }
0xb8: {  	s17 =	sadd.s32 s23, s17  }
0xb9: {  	s17 =	sshrl.u32 s17, $0x3  }
0xba: {  	s18 =	sadd.s32 s5, s17  }
0xbb: {  	[tilespmem:s15], [sflag:$0x3] =	stream.linear.gather [hbm4b:s18+s15], $0x7D0, $0x38;
	[tilespmem:$0xDE80] =	vst v63  }
0xbc: {  	_ =	swait.ge [sflag:s26], $0x7D0  }
0xbd: {  	[sflag:s26] =	ssyncset.done $0x0  }
0xbe: {  	s17 =	sadd.s32 s6, s17;
	[sflag:s26] =	ssyncadd.s32 $0xFFFFF830  }
0xbf: {  	[tilespmem:s28], [sflag:$0x3] =	stream.linear.gather [hbm4b:s17+s15], $0x7D0, $0x38;
	[tilespmem:$0xDE80] =	vst v63  }
0xc0: {  	_ =	swait.ge [sflag:s26], $0x7D0  }
0xc1: {  	[sflag:s26] =	ssyncset.done $0x0  }
0xc2: {  	s17 =	simm.s32 $0x0;
	[sflag:s26] =	ssyncadd.s32 $0xFFFFF830  }
.LBB2_5:
0xc3: {  	p1 =	sne.s32 s17, $0x1300  }
.Ltmp5:
0xc4: {  	_ = 	snop;
	(pc) =	sbr.rel @p1 .LBB2_5-.Ltmp5, $4  }
0xc5: {  	_ = 	snop  }
0xc6: {  	s18 =	sshra.s32 s17, $0x2  }
0xc7: {  	[tilespmem:s18+$0x1000] =	vst v0  }
0xc8: {  	s17 =	sadd.s32 $0x40, s17;
	[tilespmem:s18+$0x1500] =	vst v3  }
0xc9: {  	s17 =	simm.s32 $0x0  }
0xca: {  	v4 =	vld [tilespmem:s17+$0x800];
	_ =	sdelay $0x4  }
0xcb: {  	v4 =	vsub.s32 v4, v1  }
0xcc: {  	vm0 =	vlt.u32 v4, $0x1388  }
0xcd: {  	v6 =	vmpcnt.ones.xlane vm0;
	_ =	sdelay $0x1  }
0xce: {  	v5 =	vld [tilespmem:s17+$0x0];
	(v2sf) =	vpush v6, $0x0;
	_ =	sdelay $0x3  }
0xcf: {  	s17 =	simm.s32 $0x0  }
0xd0: {  	[tilespmem:s17+$0x1000] =	vst.msk vm0, v5  }
0xd1: {  	s19 =	simm.s32 $0x10;
	s18 =	simm.s32 $0x80;
	[tilespmem:s17+$0x1500] =	vst.msk vm0, v4  }
.LBB2_7:
0xd2: {  	p1 =	sne.s32 s18, $0x1F00;
	v4 =	vld [tilespmem:s19+$0x800];
	_ =	sdelay $0x4  }
0xd3: {  	v5 =	vld [tilespmem:s19+$0x0];
	v4 =	vsub.s32 v4, v1  }
0xd4: {  	vm0 =	vlt.u32 v4, $0x1388  }
0xd5: {  	v6 =	vmpcnt.ones.xlane vm0  }
0xd6: {  	s19 =	spop (v2sf)  }
0xd7: {  	(v2sf) =	vpush v6, $0x0;
	s17 =	sadd.s32 s17, s19  }
0xd8: {  	[tilespmem:s17+$0x1000] =	vst.msk vm0, v5  }
.Ltmp6:
0xd9: {  	[tilespmem:s17+$0x1500] =	vst.msk vm0, v4;
	(pc) =	sbr.rel @p1 .LBB2_7-.Ltmp6, $2  }
0xda: {  	_ =	sdelay $0x2  }
0xdb: {  	s19 =	sshra.s32 s18, $0x2;
	s18 =	sadd.s32 $0x40, s18  }
0xdc: {  	v4 =	vld [tilespmem:s19+$0x800];
	_ =	sdelay $0x4  }
0xdd: {  	v4 =	vsub.s32 v4, v1  }
0xde: {  	vm0 =	vlt.u32 v4, $0x1388  }
0xdf: {  	v5 =	vmpcnt.ones.xlane vm0;
	_ =	sdelay $0x1  }
0xe0: {  	(v2sf) =	vpush v5, $0x0;
	_ =	sdelay $0xd  }
0xe1: {  	s18 =	spop (v2sf)  }
0xe2: {  	s18 =	sadd.s32 s17, s18;
	s24 =	spop (v2sf)  }
0xe3: {  	s17 =	sadd.s32 s18, s24  }
0xe4: {  	v5 =	vld [tilespmem:s19+$0x0];
	s17 =	sadd.s32 $0x27, s17  }
0xe5: {  	p1 =	slt.s32 s17, $0x28  }
.Ltmp7:
0xe6: {  	_ = 	snop;
	(pc) =	sbr.rel @p1 .LBB2_14-.Ltmp7, $3  }
0xe7: {  	_ =	sdelay $0x1  }
0xe8: {  	[tilespmem:s18+$0x1000] =	vst.msk vm0, v5  }
0xe9: {  	[tilespmem:s18+$0x1500] =	vst.msk vm0, v4  }
0xea: {  	s18 =	smulhi.u32 $0x66666667, s17;
	s24 =	sshra.s32 s17, $0x1F  }
0xeb: {  	s17 =	smul.u32 $0x66666667, s24;
	_ =	sdelay $0x1  }
0xec: {  	s17 =	sadd.s32 s17, s18  }
0xed: {  	s18 =	sshrl.u32 s17, $0x1F;
	s17 =	sshra.s32 s17, $0x4  }
0xee: {  	s17 =	sadd.s32 s18, s17  }
0xef: {  	s18 =	sadd.s32 $0x1, s17  }
0xf0: {  	s18 =	sshrl.u32 s18, $0x1  }
0xf1: {  	s18 =	smax.u32 s18, $0x1  }
0xf2: {  	s21 =	sadd.s32 $0xFFFFFFFF, s18  }
0xf3: {  	p1 =	sne.s32 s21, $0x0  }
.Ltmp8:
0xf4: {  	_ = 	snop;
	(pc) =	sbr.rel @!p1 .LBB2_10-.Ltmp8, $4  }
0xf5: {  	_ = 	snop  }
0xf6: {  	[tilespmem:s25], [sflag:$0x1] =	stream.indirect.gather [hbm4b:s4+s29], $0x80, s30, s29, $0xb8;
	[tilespmem:$0xDE80] =	vst v63  }
0xf7: {  	s19 =	simm.s32 $0x1028;
	s20 =	simm.s32 $0x1  }
0xf8: {  	p2 =	por $0x0, $0x0;
	p4 =	sle.s32 s17, $0x1;
	s18 =	simm.s32 $0x1500  }
0xf9: {  	s20 =	simm.s32 @!p4 $0x28;
	s24 =	simm.s32 @!p4 $0x2E00;
	p1 =	por p4, p4  }
0xfa: {  	[tilespmem:s24], [sflag:$0x2] =	stream.indirect.gather @!p1 [hbm4b:s4+s20], $0x80, s19, s20, $0xb8;
	[tilespmem:$0xDE80] =	vst v63  }
0xfb: {  	_ =	swait.ge [sflag:s31], $0x1400  }
0xfc: {  	[sflag:s31] =	ssyncset.done $0x0  }
0xfd: {  	p2 =	sle.s32 s17, $0x2;
	[sflag:s31] =	ssyncadd.s32 $0xFFFFEC00  }
0xfe: {  	[spmem:s1] =	stream.indirect.scatter.add.f32 [tilespmem:s25], [sflag:$0x4], $0x80, s18, s29, $0xb8;
	[tilespmem:$0xDE80] =	vst v63  }
0xff: {  	s21 =	sadd.s32 $0xFFFFFFFF, s21;
	s19 =	simm.s32 @!p1 $0x2;
	_ =	swait.ge [sflag:s0], $0x1400  }
0x100: {  	s22 =	simm.s32 @!p2 $0x28;
	s7 =	simm.s32 @!p2 $0x1A00;
	[sflag:s0] =	ssyncset.done $0x0  }
0x101: {  	p3 =	sne.s32 s21, $0x0;
	s18 =	simm.s32 @!p2 $0x1050;
	[sflag:s0] =	ssyncadd.s32 $0xFFFFEC00  }
0x102: {  	[tilespmem:s7], [sflag:$0x1] =	stream.indirect.gather @!p2 [hbm4b:s4+s22], $0x80, s18, s22, $0xb8;
	[tilespmem:$0xDE80] =	vst v63  }
.Ltmp9:
0x103: {  	p4 =	sle.s32 s17, $0x3;
	_ =	swait.ge @!p1 [sflag:s19], $0x1400;
	(pc) =	sbr.rel @!p3 .LBB2_13-.Ltmp9, $4  }
0x104: {  	s7 =	simm.s32 @!p1 $0x1528;
	s22 =	simm.s32 @!p1 $0x3;
	[sflag:s19] =	ssyncset.done @!p1 $0x0  }
0x105: {  	s18 =	simm.s32 $0x1550;
	p2 =	por $0x1, $0x1;
	[sflag:s19] =	ssyncadd.s32 @!p1 $0xFFFFEC00  }
0x106: {  	[spmem:s1] =	stream.indirect.scatter.add.f32 @!p1 [tilespmem:s24], [sflag:$0x3], $0x80, s7, s20, $0xb8;
	[tilespmem:$0xDE80] =	vst v63  }
0x107: {  	s19 =	simm.s32 $0x1078;
	s20 =	simm.s32 $0x3;
	_ =	swait.ge @!p1 [sflag:s22], $0x1400  }
.LBB2_12:
0x108: {  	s7 =	simm.s32 @!p4 $0x28;
	s24 =	simm.s32 @!p4 $0x2E00;
	[sflag:s22] =	ssyncset.done @!p1 $0x0  }
0x109: {  	s21 =	sadd.s32 $0xFFFFFFFF, s21;
	[sflag:s22] =	ssyncadd.s32 @!p1 $0xFFFFEC00;
	p1 =	por p4, p4  }
0x10a: {  	[tilespmem:s24], [sflag:$0x2] =	stream.indirect.gather @!p1 [hbm4b:s4+s7], $0x80, s19, s7, $0xb8;
	[tilespmem:$0xDE80] =	vst v63  }
0x10b: {  	p3 =	sne.s32 s21, $0x0;
	_ =	swait.ge [sflag:s31], $0x1400  }
0x10c: {  	[sflag:s31] =	ssyncset.done $0x0  }
0x10d: {  	s22 =	sadd.s32 $0x1, s20;
	[sflag:s31] =	ssyncadd.s32 $0xFFFFEC00  }
0x10e: {  	[spmem:s1] =	stream.indirect.scatter.add.f32 [tilespmem:s25], [sflag:$0x4], $0x80, s18, s29, $0xb8;
	[tilespmem:$0xDE80] =	vst v63  }
0x10f: {  	p4 =	sge.s32 s22, s17;
	_ =	swait.ge [sflag:s0], $0x1400  }
0x110: {  	s8 =	simm.s32 @!p1 $0x2;
	s22 =	sadd.s32 @!p4 $0x28, s19;
	[sflag:s0] =	ssyncset.done $0x0  }
0x111: {  	s9 =	simm.s32 @!p4 $0x28;
	s10 =	simm.s32 @!p4 $0x1A00;
	[sflag:s0] =	ssyncadd.s32 $0xFFFFEC00  }
0x112: {  	[tilespmem:s10], [sflag:$0x1] =	stream.indirect.gather @!p4 [hbm4b:s4+s9], $0x80, s22, s9, $0xb8;
	[tilespmem:$0xDE80] =	vst v63  }
.Ltmp10:
0x113: {  	_ =	swait.ge @!p1 [sflag:s8], $0x1400;
	(pc) =	sbr.rel @p3 .LBB2_12-.Ltmp10, $4  }
0x114: {  	s9 =	sadd.s32 @!p1 $0x28, s18;
	s22 =	simm.s32 @!p1 $0x3;
	[sflag:s8] =	ssyncset.done @!p1 $0x0  }
0x115: {  	s20 =	sadd.s32 $0x2, s20;
	s19 =	sadd.s32 $0x50, s19;
	[sflag:s8] =	ssyncadd.s32 @!p1 $0xFFFFEC00  }
0x116: {  	[spmem:s1] =	stream.indirect.scatter.add.f32 @!p1 [tilespmem:s24], [sflag:$0x3], $0x80, s9, s7, $0xb8;
	[tilespmem:$0xDE80] =	vst v63  }
0x117: {  	p4 =	sge.s32 s20, s17;
	s18 =	sadd.s32 $0x50, s18;
	_ =	swait.ge @!p1 [sflag:s22], $0x1400  }
.Ltmp11:
0x118: {  	_ = 	snop;
	(pc) =	sbr.rel .LBB2_13-.Ltmp11, $1  }
0x119: {  	_ =	sdelay $0x3  }
.LBB2_16:
0x11a: {  	_ =	sfence.sel $0x180000  }
0x11b: {  	[bflag:$0x0] =	sbarrier.arrive $0xFFFF  }
0x11c: {  	_ =	strace $0x9000004D  }
0x11d: {  	s0 =	stileid.u32;
	[bflag:$0x2] =	sbarrier.arrive $0xFFFF  }
0x11e: {  	p0 =	sne.s32 s0, $0x0;
	s0 =	rddreg [dreg:$0x2]  }
0x11f: {  	s0 =	sadd.s32 @!p0 $0x100000, s0  }
0x120: {  	[sflag:s0] =	ssyncadd.tile.s32 @!p0 $0x1;
	_ =	shalt  }
.Lfunc_end2:
_tile_overlayer_lowered:
.L_overlay_start_2:
0x121: {  	(tag) =	ssettag $0x2  }
0x122: {  	s0 =	rddreg [dreg:$0x0];
	s2 =	stileid.u32  }
0x123: {  	s1 =	rddreg [dreg:$0x1];
	p0 =	sne.s32 s2, $0x0  }
0x124: {  	s3 =	rddreg [dreg:$0x2];
	[bflag:$0x3] =	sbarrier.arrive $0xFFFF;
	s2 =	simm.s32 @!p0 $0x1C03  }
0x125: {  	[timem:s3], [sflag:s2] =	dma.local @!p0 [hbm:s0], s1  }
0x126: {  	s0 =	simm.s32 @!p0 $0x3  }
0x127: {  	_ =	swait.ge @!p0 [sflag:s0], s1  }
0x128: {  	s1 =	ssub.s32 @!p0 $0x0, s1;
	[sflag:s0] =	ssyncset.done @!p0 $0x0  }
0x129: {  	[sflag:s0] =	ssyncadd.s32 @!p0 s1  }
0x12a: {  	[bflag:$0x3] =	sbarrier.arrive $0xFFFF  }
0x12b: {  	_ =	shalt  }

// kernel: kernel.9.cloned.1.call-start
scs
__scs_entry_jumppad:
0x0: {  	(pc) =	sbr.rel $0x88, $3  }
0x1: {  	(tag) =	ssettag $0x0;
	lr =	simm.s32 $0x1  }
0x2: {  	[smem:$0x3F9A] =	sst lr;
	_ =	strace $0xD0000000  }
0x3: {  	_ = 	snop  }
0x4: {  	_ = 	snop  }
0x5: {  	_ = 	snop  }
0x6: {  	_ = 	snop  }
0x7: {  	_ = 	snop  }
__scs_overlays_trampoline_lowered:
0x8: {  	[smem:$0x3FA9] =	sst s0  }
0x9: {  	[smem:$0x3FAA] =	sst s1  }
0xa: {  	[smem:$0x3FAB] =	sst s2  }
0xb: {  	[smem:$0x3FAC] =	sst s3  }
0xc: {  	[smem:$0x3FAD] =	sst s4  }
0xd: {  	[smem:$0x3FAE] =	sst s5  }
0xe: {  	[smem:$0x3FAF] =	sst s6  }
0xf: {  	[smem:$0x3FB0] =	sst s7  }
0x10: {  	[smem:$0x3FB1] =	sst s8  }
0x11: {  	[smem:$0x3FB2] =	sst s9;
	s0 =	simm.s32 @!p0 $0x0  }
0x12: {  	s1 =	sld [smem:$0x3F98];
	s0 =	simm.s32 @p0 $0x1  }
0x13: {  	[smem:$0x3FB3] =	sst s0;
	s0 =	simm.s32 @!p1 $0x0  }
0x14: {  	s2 =	sld [smem:$0x3F97];
	s0 =	simm.s32 @p1 $0x1  }
0x15: {  	[smem:$0x3FB4] =	sst s0;
	s0 =	simm.s32 @!p2 $0x0  }
0x16: {  	s3 =	sld [smem:$0x3FDB];
	s0 =	simm.s32 @p2 $0x1  }
0x17: {  	s4 =	simm.s32 $0x1BF5;
	[smem:$0x3FB6] =	sst s0  }
0x18: {  	s0 =	sld [smem:$0x3F99];
	_ =	swait.ge [sflag:s4], $0x0  }
0x19: {  	s7 =	sld [smem:$0x3F9A]  }
0x1a: {  	s8 =	sadd.s32 $0xFFFFE003, lr  }
0x1b: {  	s9 =	sadd.s32 $0xFFFFFEF7, lr;
	s5 =	simm.s32 $0xFFFFFFFF;
	p2 =	slt.u32 s8, $0xFFFFF086  }
0x1c: {  	p1 =	slt.u32 s9, $0xF7A;
	s5 =	simm.s32 @!p2 $0x0  }
0x1d: {  	s5 =	simm.s32 @p1 $0x1;
	p0 =	seq.s32 s7, s2  }
0x1e: {  	s7 =	smul.u32 @!p0 $0xF7A, s2;
	p2 =	seq.s32 @!p0 s5, $0x0  }
0x1f: {  	s9 =	smul.u32 $0xF7A, s1;
	s8 =	simm.s32 @!p0 $0x1BF5;
	p2 =	por !p2, p0  }
0x20: {  	[sflag:s8] =	ssyncset.s32 @!p0 $0xFFFFF086;
	s6 =	sadd.s32 @!p0 s3, s7;
	s7 =	simm.s32 @!p0 $0x108  }
0x21: {  	s3 =	sadd.s32 s3, s9;
	s6 =	sadd.s32 @!p0 $0x88, s6;
	s7 =	simm.s32 @p2 $0x1082  }
0x22: {  	[simem:s7], [sflag:s8] =	dma.local @!p0 [hbm:s6], $0xF7A  }
0x23: {  	s9 =	sor.u32 $0xD0000000, s2;
	s6 =	simm.s32 $0x108;
	_ =	swait.ge @!p0 [sflag:s8], $0x0  }
0x24: {  	s3 =	sadd.s32 $0x88, s3;
	s6 =	simm.s32 @!p1 $0x1082;
	[sflag:s4] =	ssyncset.s32 $0xFFFFF086  }
0x25: {  	[simem:s6], [sflag:s4] =	dma.local [hbm:s3], $0xF7A  }
0x26: {  	[smem:$0x3F9A] =	sst s1;
	(tag) =	ssettag s2;
	_ =	strace s9  }
0x27: {  	s1 =	sld [smem:$0x3FAA]  }
0x28: {  	s2 =	sld [smem:$0x3FAB]  }
0x29: {  	s4 =	sld [smem:$0x3FAD]  }
0x2a: {  	p0 =	seq.s32 s5, $0x0;
	s5 =	sld [smem:$0x3FAE]  }
0x2b: {  	s6 =	sld [smem:$0x3FAF]  }
0x2c: {  	s7 =	sld [smem:$0x3FB0]  }
0x2d: {  	s3 =	simm.s32 $0x108;
	s8 =	sld [smem:$0x3FB1]  }
0x2e: {  	s3 =	simm.s32 @!p0 $0x1082;
	s9 =	sld [smem:$0x3FB2]  }
0x2f: {  	lr =	sadd.s32 s0, s3;
	s0 =	sld [smem:$0x3FA9]  }
0x30: {  	s3 =	sld [smem:$0x3FAC]  }
0x31: {  	[smem:$0x3FB5] =	sst s10  }
0x32: {  	s10 =	sld [smem:$0x3FB3];
	_ =	sdelay $0x3  }
0x33: {  	p0 =	seq.s32 s10, $0x1;
	s10 =	sld [smem:$0x3FB5];
	_ =	sdelay $0x3  }
0x34: {  	[smem:$0x3FB5] =	sst s10  }
0x35: {  	s10 =	sld [smem:$0x3FB4];
	_ =	sdelay $0x3  }
0x36: {  	p1 =	seq.s32 s10, $0x1;
	s10 =	sld [smem:$0x3FB5];
	_ =	sdelay $0x3  }
0x37: {  	[smem:$0x3FB5] =	sst s10  }
0x38: {  	s10 =	sld [smem:$0x3FB6]  }
0x39: {  	_ = 	snop;
	(pc) =	sbr.ind lr, $3  }
0x3a: {  	_ = 	snop  }
0x3b: {  	_ = 	snop  }
0x3c: {  	p2 =	seq.s32 s10, $0x1;
	s10 =	sld [smem:$0x3FB5]  }
0x3d: {  	_ =	shalt  }
0x3e: {  	_ =	shalt  }
0x3f: {  	_ =	shalt  }
0x40: {  	_ =	shalt  }
0x41: {  	_ =	shalt  }
0x42: {  	_ =	shalt  }
0x43: {  	_ =	shalt  }
0x44: {  	_ =	shalt  }
0x45: {  	_ =	shalt  }
0x46: {  	_ =	shalt  }
0x47: {  	_ =	shalt  }
0x48: {  	_ =	shalt  }
0x49: {  	_ =	shalt  }
0x4a: {  	_ =	shalt  }
0x4b: {  	_ =	shalt  }
0x4c: {  	_ =	shalt  }
0x4d: {  	_ =	shalt  }
0x4e: {  	_ =	shalt  }
0x4f: {  	_ =	shalt  }
0x50: {  	_ =	shalt  }
0x51: {  	_ =	shalt  }
0x52: {  	_ =	shalt  }
0x53: {  	_ =	shalt  }
0x54: {  	_ =	shalt  }
0x55: {  	_ =	shalt  }
0x56: {  	_ =	shalt  }
0x57: {  	_ =	shalt  }
0x58: {  	_ =	shalt  }
0x59: {  	_ =	shalt  }
0x5a: {  	_ =	shalt  }
0x5b: {  	_ =	shalt  }
0x5c: {  	_ =	shalt  }
0x5d: {  	_ =	shalt  }
0x5e: {  	_ =	shalt  }
0x5f: {  	_ =	shalt  }
0x60: {  	_ =	shalt  }
0x61: {  	_ =	shalt  }
0x62: {  	_ =	shalt  }
0x63: {  	_ =	shalt  }
0x64: {  	_ =	shalt  }
0x65: {  	_ =	shalt  }
0x66: {  	_ =	shalt  }
0x67: {  	_ =	shalt  }
0x68: {  	_ =	shalt  }
0x69: {  	_ =	shalt  }
0x6a: {  	_ =	shalt  }
0x6b: {  	_ =	shalt  }
0x6c: {  	_ =	shalt  }
0x6d: {  	_ =	shalt  }
0x6e: {  	_ =	shalt  }
0x6f: {  	_ =	shalt  }
0x70: {  	_ =	shalt  }
0x71: {  	_ =	shalt  }
0x72: {  	_ =	shalt  }
0x73: {  	_ =	shalt  }
0x74: {  	_ =	shalt  }
0x75: {  	_ =	shalt  }
0x76: {  	_ =	shalt  }
0x77: {  	_ =	shalt  }
0x78: {  	_ =	shalt  }
0x79: {  	_ =	shalt  }
0x7a: {  	_ =	shalt  }
0x7b: {  	_ =	shalt  }
0x7c: {  	_ =	shalt  }
0x7d: {  	_ =	shalt  }
0x7e: {  	_ =	shalt  }
0x7f: {  	_ =	shalt  }
0x80: {  	_ =	shalt  }
0x81: {  	_ =	shalt  }
0x82: {  	_ =	shalt  }
0x83: {  	_ =	shalt  }
0x84: {  	_ =	shalt  }
0x85: {  	_ =	shalt  }
0x86: {  	_ =	shalt  }
0x87: {  	_ =	shalt  }
.Lfunc_end0:
.L_simem_size_0:
called_computation_lowered:
.L_overlay_start_0:
0x88: {  	s2 =	sld [smem:$0x3FD9]  }
0x89: {  	s3 =	sld [smem:$0x3FFE];
	_ =	sdelay $0x1  }
0x8a: {  	s1 =	srdreg.scid  }
0x8b: {  	s0 =	sand.u32 $0x1, s1  }
0x8c: {  	s17 =	sshll.u32 s0, $0xA;
	s2 =	sadd.s32 s3, s2  }
0x8d: {  	s2 =	sadd.s32 s2, s17  }
0x8e: {  	[smem:$0x3FC1] =	sst s2  }
0x8f: {  	_ = 	snop  }
0x90: {  	s2 =	sld [smem:$0x3FC9]  }
0x91: {  	s18 =	sld [smem:$0x3FC7];
	(tm) =	ssettm $0x1  }
0x92: {  	s4 =	sld [smem:$0x3FFB];
	_ =	sdelay $0x3  }
0x93: {  	_ =	strace s4  }
0x94: {  	s4 =	sld [smem:$0x3FFC];
	_ =	sdelay $0x3  }
0x95: {  	_ =	strace s4  }
0x96: {  	s4 =	sld [smem:$0x3FFD];
	_ =	sdelay $0x3  }
0x97: {  	_ =	strace s4  }
0x98: {  	_ =	strace $0x8FFFFFFF  }
0x99: {  	s19 =	sld [smem:$0x3FDB];
	_ =	sdelay $0x1  }
0x9a: {  	s5 =	simm.s32 $_scs_section_size  }
0x9b: {  	s6 =	simm.s32 $_size__tile_overlayer_lowered;
	s7 =	simm.s32 $_tile_overlayer_lowered  }
0x9c: {  	s22 =	simm.s32 $0x1BFF;
	s21 =	sshll.u32 s7, $0x1;
	s4 =	sadd.s32 s5, s19  }
0x9d: {  	s8 =	simm.s32 $0x0;
	s20 =	sshll.u32 s6, $0x1;
	s6 =	sadd.s32 s21, s4  }
0x9e: {  	[timem:s8], [sflag:s22] =	dma.local [hbm:s6], s20  }
0x9f: {  	_ =	swait.ge [sflag:s22], s20  }
0xa0: {  	s5 =	ssub.s32 $0x0, s20;
	[sflag:s22] =	ssyncset.done $0x0  }
0xa1: {  	[sflag:s22] =	ssyncadd.s32 s5;
	_ =	sdelay $0x1  }
0xa2: {  	s23 =	simm.s32 $0x1B8B  }
0xa3: {  	_ =	swait.ge [sflag:s23], $0x1  }
0xa4: {  	[sflag:s23] =	ssyncset.done $0x0  }
0xa5: {  	s25 =	simm.s32 $0x1B8E;
	s24 =	sld [smem:$0x3FFE];
	[sflag:s23] =	ssyncadd.s32 $0xFFFFFFFF  }
0xa6: {  	s26 =	simm.s32 $execute0_lowered;
	[smem:$0x3FD2] =	sst s25  }
0xa7: {  	s6 =	sshll.u32 s26, $0x1;
	_ =	strace $0x80000046;
	[dreg:$0x1] =	wrdreg $0xFFFFFFFF  }
0xa8: {  	s28 =	simm.s32 $_size_execute0_lowered;
	s4 =	sadd.s32 s4, s6;
	[dreg:$0x0] =	wrdreg $0x0  }
0xa9: {  	s6 =	sshll.u32 s28, $0x1;
	[dreg:$0x2] =	wrdreg s4  }
0xaa: {  	[dreg:$0x3] =	wrdreg s6  }
0xab: {  	[dreg:$0x4] =	wrdreg $0xC0  }
0xac: {  	_ =	task [dreg:s8], $0x5FFFF  }
0xad: {  	[dreg:$0x1] =	wrdreg $0xFFFFFFFF  }
0xae: {  	[dreg:$0x0] =	wrdreg $0x60  }
0xaf: {  	[dreg:$0x2] =	wrdreg s24  }
0xb0: {  	[dreg:$0x3] =	wrdreg s2  }
0xb1: {  	[dreg:$0x4] =	wrdreg s18  }
0xb2: {  	[dreg:$0x5] =	wrdreg $0x9  }
0xb3: {  	_ =	task.clear_ibuf [dreg:s8], $0x6FFFF;
	_ =	strace $0x90000046  }
0xb4: {  	s29 =	simm.s32 $0x9;
	_ =	strace $0x80000048  }
0xb5: {  	_ =	swait.ge [sflag:s29], $0x1  }
0xb6: {  	[sflag:s29] =	ssyncadd.s32 $0xFFFFFFFF  }
0xb7: {  	_ =	strace $0x90000048  }
0xb8: {  	_ =	sfence  }
0xb9: {  	s30 =	sld [smem:$0x0];
	_ =	sdelay $0x2  }
0xba: {  	s31 =	sshll.u32 s1, $0xD;
	s1 =	sshrl.u32 s1, $0x2  }
0xbb: {  	s3 =	sand.u32 $0x4000, s31;
	s1 =	sadd.s32 s1, s30  }
0xbc: {  	s0 =	sor.u32 s3, s0;
	s1 =	sshll.u32 s1, $0x11  }
0xbd: {  	s0 =	sor.u32 s1, s0  }
0xbe: {  	s0 =	sadd.s32 $0x8F2B, s0  }
0xbf: {  	[sflag:s0] =	ssyncadd.remote.s32 $0x1  }
0xc0: {  	_ =	sfence.sel $0xFFFF  }
0xc1: {  	[dreg:$0x0] =	wrdreg $0xFFFFFFFF;
	(pc) =	sbr.abs _section_cstart, $3  }
0xc2: {  	[dreg:$0x1] =	wrdreg $0xFFFFFFFF  }
0xc3: {  	_ =	task.clear_ibuf [dreg:s8], $0x2FFFF;
	_ =	strace $0x9FFFFFFF  }
0xc4: {  	(tm) =	ssettm $0x7FFFFFFF  }
0xc5: {  	_ =	shalt  }
tec
execute0_lowered:
.L_overlay_start_1:
0x0: {  	(tag) =	ssettag $0x1  }
0x1: {  	s0 =	srdreg.scid;
	s5 =	rddreg [dreg:$0x0]  }
0x2: {  	s26 =	stileid.u32;
	s6 =	rddreg [dreg:$0x1]  }
0x3: {  	s3 =	rddreg [dreg:$0x2];
	s0 =	sand.u32 $0x1, s0;
	s1 =	sshll.u32 s26, $0x1  }
0x4: {  	s4 =	simm.s32 $0x0;
	s28 =	simm.s32 $0x1680;
	s1 =	sor.u32 s0, s1  }
0x5: {  	s29 =	simm.s32 $0x200;
	s30 =	simm.s32 $0x28;
	s2 =	smul.u32 $0x2710, s1  }
0x6: {  	s31 =	simm.s32 $0x280;
	[smem:$0x7FF] =	sst s4;
	s9 =	smul.u32 $0x5, s1  }
0x7: {  	s12 =	sadd.s32 $0x15800, s5;
	s7 =	sor.u32 $0x20, s1;
	s15 =	smul.u32 $0x280, s1  }
0x8: {  	p0 =	sgt.u32 s26, $0xC;
	s26 =	simm.s32 $0x2;
	s8 =	smul.u32 $0x4E2, s7  }
0x9: {  	_ =	strace $0x80000047;
	s0 =	ssub.s32 $0x2, s0;
	s10 =	smul.u32 $0x5, s7  }
0xa: {  	s11 =	sor.u32 $0x40, s1;
	s13 =	sshrl.u32 s0, $0x1;
	s7 =	smul.u32 $0x280, s7  }
0xb: {  	s24 =	sor.u32 $0x60, s1;
	s23 =	sor.u32 $0x80, s1;
	s14 =	smul.u32 $0x5, s11  }
0xc: {  	s19 =	sor.u32 $0xC0, s1;
	s17 =	smul.u32 $0x280, s11;
	s16 =	sshrl.u32 s2, $0x3  }
0xd: {  	s22 =	smul.u32 $0x5, s19;
	s9 =	sadd.s32 s6, s9;
	s25 =	sadd.s32 s12, s16  }
0xe: {  	s16 =	smul.u32 $0x5, s24;
	s8 =	sadd.s32 s12, s8;
	[dreg:$0x6] =	wrdreg s9  }
0xf: {  	s0 =	ssub.s32 s0, s13;
	[dreg:$0x5] =	wrdreg s8;
	s8 =	smul.u32 $0x280, s24  }
0x10: {  	s21 =	sadd.s32 s6, s14;
	[dreg:$0x4] =	wrdreg s25;
	s24 =	smul.u32 $0x5, s23  }
0x11: {  	s25 =	sor.u32 $0xA0, s1;
	[dreg:$0x8] =	wrdreg s21;
	s21 =	smul.u32 $0x280, s23  }
0x12: {  	s20 =	sadd.s32 s6, s10;
	s1 =	sor.u32 $0xE0, s1;
	s18 =	smul.u32 $0x5, s25  }
0x13: {  	s13 =	sadd.s32 s6, s22;
	[dreg:$0x7] =	wrdreg s20;
	s20 =	smul.u32 $0x5, s1  }
0x14: {  	s23 =	sadd.s32 $0x29200, s5;
	s10 =	sadd.s32 s6, s16;
	s1 =	smul.u32 $0x280, s1  }
0x15: {  	s15 =	sadd.s32 s23, s15;
	s11 =	sadd.s32 s6, s24;
	s24 =	smul.u32 $0x280, s25  }
0x16: {  	s16 =	sadd.s32 s23, s7;
	s17 =	sadd.s32 s23, s17;
	s25 =	smul.u32 $0x280, s19  }
0x17: {  	s19 =	sadd.s32 s23, s21;
	s12 =	sadd.s32 s6, s18;
	s14 =	sadd.s32 s6, s20  }
0x18: {  	s18 =	sadd.s32 s23, s8;
	s22 =	sadd.s32 s23, s1;
	s1 =	simm.s32 $0x1  }
0x19: {  	s20 =	sadd.s32 s23, s24;
	s21 =	sadd.s32 s23, s25;
	s23 =	sadd.s32 $0xBA00, s5  }
0x1a: {  	v0 =	vimm.f32 $0.0e+00;
	s24 =	sadd.s32 $0x1C00, s5;
	s25 =	smax.u32 s0, $0x1;
	s0 =	simm.s32 $0x0  }
.LBB2_1:
0x1b: {  	s5 =	simm.s32 $0x40;
	s6 =	simm.s32 $0x0  }
.LBB2_2:
0x1c: {  	p1 =	sne.s32 s5, $0x9C00;
	[tilespmem:s6+$0x1680] =	vst v0;
	s6 =	smov.u32 s5;
	s5 =	sadd.s32 $0x40, s5  }
.Ltmp0:
0x1d: {  	(pc) =	sbr.rel @p1 .LBB2_2-.Ltmp0, $2  }
0x1e: {  	_ =	sdelay $0x2  }
0x1f: {  	s6 =	sshra.s32 s6, $0x2  }
0x20: {  	[tilespmem:s6+$0x1680] =	vst v0;
	s5 =	simm.s32 $0x0;
	s6 =	simm.s32 $0x0  }
.LBB2_4:
0x21: {  	s7 =	smul.u32 $0x190, s6;
	_ =	sdelay $0x1  }
0x22: {  	s7 =	sadd.s32 s2, s7  }
0x23: {  	s7 =	sshrl.u32 s7, $0x3  }
0x24: {  	s7 =	sadd.s32 s23, s7  }
0x25: {  	[tilespmem:s5], [sflag:$0x2] =	stream.linear.gather [hbm4b:s7+s5], $0x190, $0x38;
	[tilespmem:$0x3E00] =	vst v63  }
0x26: {  	_ =	swait.ge [sflag:s26], $0x190  }
0x27: {  	[sflag:s26] =	ssyncset.done $0x0  }
0x28: {  	s8 =	simm.s32 $0x0;
	s7 =	simm.s32 $0x40;
	[sflag:s26] =	ssyncadd.s32 $0xFFFFFE70  }
.LBB2_5:
0x29: {  	p1 =	sne.s32 s7, $0x600;
	v1 =	vld [tilespmem:s8+$0x0];
	_ =	sdelay $0x4  }
0x2a: {  	(xrf1) =	vunique.msk.u32 $0xffff, v1;
	_ =	sdelay $0xd  }
0x2b: {  	_, v2, vm0 =	vpop (xrf1);
	_ =	sdelay $0x1  }
.Ltmp1:
0x2c: {  	(pc) =	sbr.rel @p1 .LBB2_5-.Ltmp1, $3  }
0x2d: {  	_ = 	snop  }
0x2e: {  	v2 =	vcvt.s32.f32 v2;
	_ =	sdelay $0x1  }
0x2f: {  	s8 =	sshra.s32 s7, $0x2;
	s7 =	sadd.s32 $0x40, s7;
	[tilespmem:v1+s28+$0x0] =	vst.idx.add.f32.msk vm0, v2  }
0x30: {  	v1 =	vld [tilespmem:s8+$0x0];
	_ =	sdelay $0x4  }
0x31: {  	(xrf1) =	vunique.msk.u32 $0xffff, v1;
	_ =	sdelay $0xd  }
0x32: {  	s6 =	sadd.s32 $0x1, s6;
	_, v2, vm0 =	vpop (xrf1)  }
0x33: {  	p1 =	sne.s32 s6, $0x19  }
.Ltmp2:
0x34: {  	_ = 	snop;
	(pc) =	sbr.rel @p1 .LBB2_4-.Ltmp2, $3  }
0x35: {  	_ = 	snop  }
0x36: {  	v2 =	vcvt.s32.f32 v2;
	_ =	sdelay $0x1  }
0x37: {  	[tilespmem:v1+s28+$0x0] =	vst.idx.add.f32.msk vm0, v2  }
0x38: {  	s5 =	simm.s32 $0x0;
	s6 =	rddreg [dreg:$0x4]  }
0x39: {  	[hbm4b:s6+s5] =	stream.linear.scatter [tilespmem:s28], [sflag:$0x2], $0x2710, $0x38;
	[tilespmem:$0x3E00] =	vst v63  }
0x3a: {  	_ =	swait.ge [sflag:s26], $0x2710  }
0x3b: {  	[sflag:s26] =	ssyncset.done $0x0  }
0x3c: {  	s7 =	simm.s32 $0x0;
	s6 =	simm.s32 $0x40;
	[sflag:s26] =	ssyncadd.s32 $0xFFFFD8F0  }
.LBB2_8:
0x3d: {  	p1 =	sne.s32 s6, $0x9C00;
	[tilespmem:s7+$0x1680] =	vst v0;
	s7 =	smov.u32 s6;
	s6 =	sadd.s32 $0x40, s6  }
.Ltmp3:
0x3e: {  	(pc) =	sbr.rel @p1 .LBB2_8-.Ltmp3, $2  }
0x3f: {  	_ =	sdelay $0x2  }
0x40: {  	s7 =	sshra.s32 s7, $0x2  }
0x41: {  	[tilespmem:s7+$0x1680] =	vst v0  }
.LBB2_10:
0x42: {  	s6 =	smul.u32 $0x190, s5;
	_ =	sdelay $0x1  }
0x43: {  	s6 =	sadd.s32 s2, s6  }
0x44: {  	s6 =	sshrl.u32 s6, $0x3  }
0x45: {  	s7 =	simm.s32 $0x0;
	s6 =	sadd.s32 s24, s6  }
0x46: {  	[tilespmem:s7], [sflag:$0x2] =	stream.linear.gather [hbm4b:s6+s7], $0x190, $0x38;
	[tilespmem:$0x3E00] =	vst v63  }
0x47: {  	_ =	swait.ge [sflag:s26], $0x190  }
0x48: {  	[sflag:s26] =	ssyncset.done $0x0  }
0x49: {  	s7 =	simm.s32 $0x0;
	s6 =	simm.s32 $0x40;
	[sflag:s26] =	ssyncadd.s32 $0xFFFFFE70  }
.LBB2_11:
0x4a: {  	p1 =	sne.s32 s6, $0x600;
	v1 =	vld [tilespmem:s7+$0x0];
	_ =	sdelay $0x4  }
0x4b: {  	(xrf1) =	vunique.msk.u32 $0xffff, v1;
	_ =	sdelay $0xd  }
0x4c: {  	_, v2, vm0 =	vpop (xrf1);
	_ =	sdelay $0x1  }
.Ltmp4:
0x4d: {  	(pc) =	sbr.rel @p1 .LBB2_11-.Ltmp4, $3  }
0x4e: {  	_ = 	snop  }
0x4f: {  	v2 =	vcvt.s32.f32 v2;
	_ =	sdelay $0x1  }
0x50: {  	s7 =	sshra.s32 s6, $0x2;
	s6 =	sadd.s32 $0x40, s6;
	[tilespmem:v1+s28+$0x0] =	vst.idx.add.f32.msk vm0, v2  }
0x51: {  	v1 =	vld [tilespmem:s7+$0x0];
	_ =	sdelay $0x4  }
0x52: {  	(xrf1) =	vunique.msk.u32 $0xffff, v1;
	_ =	sdelay $0xd  }
0x53: {  	s5 =	sadd.s32 $0x1, s5;
	_, v2, vm0 =	vpop (xrf1)  }
0x54: {  	p1 =	sne.s32 s5, $0x19  }
.Ltmp5:
0x55: {  	_ = 	snop;
	(pc) =	sbr.rel @p1 .LBB2_10-.Ltmp5, $3  }
0x56: {  	_ = 	snop  }
0x57: {  	v2 =	vcvt.s32.f32 v2;
	_ =	sdelay $0x1  }
0x58: {  	[tilespmem:v1+s28+$0x0] =	vst.idx.add.f32.msk vm0, v2  }
0x59: {  	s5 =	rddreg [dreg:$0x5]  }
0x5a: {  	[hbm4b:s5+s4] =	stream.linear.scatter [tilespmem:s28], [sflag:$0x2], $0x2710, $0x38;
	[tilespmem:$0x3E00] =	vst v63  }
0x5b: {  	_ =	swait.ge [sflag:s26], $0x2710  }
0x5c: {  	[sflag:s26] =	ssyncset.done $0x0  }
0x5d: {  	s7 =	rddreg [dreg:$0x6];
	[sflag:s26] =	ssyncadd.s32 $0xFFFFD8F0  }
0x5e: {  	[tilespmem:s29], [sflag:$0x2] =	stream.linear.gather [hbm4b:s7+s4], $0x28, $0x38;
	[tilespmem:$0x3E00] =	vst v63  }
0x5f: {  	_ =	swait.ge [sflag:s26], $0x28  }
0x60: {  	[sflag:s26] =	ssyncset.done $0x0  }
0x61: {  	[sflag:s26] =	ssyncadd.s32 $0xFFFFFFD8  }
0x62: {  	[tilespmem:s31], [sflag:$0x1] =	stream.indirect.gather [hbm4b:s3+s30], $0x80, s29, s30, $0xb8;
	[tilespmem:$0x3E00] =	vst v63  }
0x63: {  	_ =	swait.ge [sflag:s1], $0x1400  }
0x64: {  	[sflag:s1] =	ssyncset.done $0x0  }
0x65: {  	[sflag:s1] =	ssyncadd.s32 $0xFFFFEC00  }
0x66: {  	[hbm4b:s15+s4] =	stream.linear.scatter [tilespmem:s31], [sflag:$0x2], $0x1400, $0x38;
	[tilespmem:$0x3E00] =	vst v63  }
0x67: {  	_ =	swait.ge [sflag:s26], $0x1400  }
0x68: {  	[sflag:s26] =	ssyncset.done $0x0  }
0x69: {  	s8 =	rddreg [dreg:$0x7];
	[sflag:s26] =	ssyncadd.s32 $0xFFFFEC00  }
0x6a: {  	[tilespmem:s29], [sflag:$0x2] =	stream.linear.gather [hbm4b:s8+s4], $0x28, $0x38;
	[tilespmem:$0x3E00] =	vst v63  }
0x6b: {  	_ =	swait.ge [sflag:s26], $0x28  }
0x6c: {  	[sflag:s26] =	ssyncset.done $0x0  }
0x6d: {  	[sflag:s26] =	ssyncadd.s32 $0xFFFFFFD8  }
0x6e: {  	[tilespmem:s31], [sflag:$0x1] =	stream.indirect.gather [hbm4b:s3+s30], $0x80, s29, s30, $0xb8;
	[tilespmem:$0x3E00] =	vst v63  }
0x6f: {  	_ =	swait.ge [sflag:s1], $0x1400  }
0x70: {  	[sflag:s1] =	ssyncset.done $0x0  }
0x71: {  	[sflag:s1] =	ssyncadd.s32 $0xFFFFEC00  }
0x72: {  	[hbm4b:s16+s4] =	stream.linear.scatter [tilespmem:s31], [sflag:$0x2], $0x1400, $0x38;
	[tilespmem:$0x3E00] =	vst v63  }
0x73: {  	_ =	swait.ge [sflag:s26], $0x1400  }
0x74: {  	[sflag:s26] =	ssyncset.done $0x0  }
0x75: {  	s9 =	rddreg [dreg:$0x8];
	[sflag:s26] =	ssyncadd.s32 $0xFFFFEC00  }
0x76: {  	[tilespmem:s29], [sflag:$0x2] =	stream.linear.gather [hbm4b:s9+s4], $0x28, $0x38;
	[tilespmem:$0x3E00] =	vst v63  }
0x77: {  	_ =	swait.ge [sflag:s26], $0x28  }
0x78: {  	[sflag:s26] =	ssyncset.done $0x0  }
0x79: {  	[sflag:s26] =	ssyncadd.s32 $0xFFFFFFD8  }
0x7a: {  	[tilespmem:s31], [sflag:$0x1] =	stream.indirect.gather [hbm4b:s3+s30], $0x80, s29, s30, $0xb8;
	[tilespmem:$0x3E00] =	vst v63  }
0x7b: {  	_ =	swait.ge [sflag:s1], $0x1400  }
0x7c: {  	[sflag:s1] =	ssyncset.done $0x0  }
0x7d: {  	[sflag:s1] =	ssyncadd.s32 $0xFFFFEC00  }
0x7e: {  	[hbm4b:s17+s4] =	stream.linear.scatter [tilespmem:s31], [sflag:$0x2], $0x1400, $0x38;
	[tilespmem:$0x3E00] =	vst v63  }
0x7f: {  	_ =	swait.ge [sflag:s26], $0x1400  }
0x80: {  	[sflag:s26] =	ssyncset.done $0x0  }
0x81: {  	[sflag:s26] =	ssyncadd.s32 $0xFFFFEC00  }
0x82: {  	[tilespmem:s29], [sflag:$0x2] =	stream.linear.gather [hbm4b:s10+s4], $0x28, $0x38;
	[tilespmem:$0x3E00] =	vst v63  }
0x83: {  	_ =	swait.ge [sflag:s26], $0x28  }
0x84: {  	[sflag:s26] =	ssyncset.done $0x0  }
0x85: {  	[sflag:s26] =	ssyncadd.s32 $0xFFFFFFD8  }
0x86: {  	[tilespmem:s31], [sflag:$0x1] =	stream.indirect.gather [hbm4b:s3+s30], $0x80, s29, s30, $0xb8;
	[tilespmem:$0x3E00] =	vst v63  }
0x87: {  	_ =	swait.ge [sflag:s1], $0x1400  }
0x88: {  	[sflag:s1] =	ssyncset.done $0x0  }
0x89: {  	[sflag:s1] =	ssyncadd.s32 $0xFFFFEC00  }
0x8a: {  	[hbm4b:s18+s4] =	stream.linear.scatter [tilespmem:s31], [sflag:$0x2], $0x1400, $0x38;
	[tilespmem:$0x3E00] =	vst v63  }
0x8b: {  	_ =	swait.ge [sflag:s26], $0x1400  }
0x8c: {  	[sflag:s26] =	ssyncset.done $0x0  }
0x8d: {  	[sflag:s26] =	ssyncadd.s32 $0xFFFFEC00  }
0x8e: {  	[tilespmem:s29], [sflag:$0x2] =	stream.linear.gather [hbm4b:s11+s4], $0x28, $0x38;
	[tilespmem:$0x3E00] =	vst v63  }
0x8f: {  	_ =	swait.ge [sflag:s26], $0x28  }
0x90: {  	[sflag:s26] =	ssyncset.done $0x0  }
0x91: {  	[sflag:s26] =	ssyncadd.s32 $0xFFFFFFD8  }
0x92: {  	[tilespmem:s31], [sflag:$0x1] =	stream.indirect.gather [hbm4b:s3+s30], $0x80, s29, s30, $0xb8;
	[tilespmem:$0x3E00] =	vst v63  }
0x93: {  	_ =	swait.ge [sflag:s1], $0x1400  }
0x94: {  	[sflag:s1] =	ssyncset.done $0x0  }
0x95: {  	[sflag:s1] =	ssyncadd.s32 $0xFFFFEC00  }
0x96: {  	[hbm4b:s19+s4] =	stream.linear.scatter [tilespmem:s31], [sflag:$0x2], $0x1400, $0x38;
	[tilespmem:$0x3E00] =	vst v63  }
0x97: {  	_ =	swait.ge [sflag:s26], $0x1400  }
0x98: {  	[sflag:s26] =	ssyncset.done $0x0  }
0x99: {  	[sflag:s26] =	ssyncadd.s32 $0xFFFFEC00  }
0x9a: {  	[tilespmem:s29], [sflag:$0x2] =	stream.linear.gather [hbm4b:s12+s4], $0x28, $0x38;
	[tilespmem:$0x3E00] =	vst v63  }
0x9b: {  	_ =	swait.ge [sflag:s26], $0x28  }
0x9c: {  	[sflag:s26] =	ssyncset.done $0x0  }
0x9d: {  	[sflag:s26] =	ssyncadd.s32 $0xFFFFFFD8  }
0x9e: {  	[tilespmem:s31], [sflag:$0x1] =	stream.indirect.gather [hbm4b:s3+s30], $0x80, s29, s30, $0xb8;
	[tilespmem:$0x3E00] =	vst v63  }
0x9f: {  	_ =	swait.ge [sflag:s1], $0x1400  }
0xa0: {  	[sflag:s1] =	ssyncset.done $0x0  }
0xa1: {  	[sflag:s1] =	ssyncadd.s32 $0xFFFFEC00  }
0xa2: {  	[hbm4b:s20+s4] =	stream.linear.scatter [tilespmem:s31], [sflag:$0x2], $0x1400, $0x38;
	[tilespmem:$0x3E00] =	vst v63  }
0xa3: {  	_ =	swait.ge [sflag:s26], $0x1400  }
0xa4: {  	[sflag:s26] =	ssyncset.done $0x0  }
0xa5: {  	[sflag:s26] =	ssyncadd.s32 $0xFFFFEC00  }
0xa6: {  	[tilespmem:s29], [sflag:$0x2] =	stream.linear.gather [hbm4b:s13+s4], $0x28, $0x38;
	[tilespmem:$0x3E00] =	vst v63  }
0xa7: {  	_ =	swait.ge [sflag:s26], $0x28  }
0xa8: {  	[sflag:s26] =	ssyncset.done $0x0  }
0xa9: {  	[sflag:s26] =	ssyncadd.s32 $0xFFFFFFD8  }
0xaa: {  	[tilespmem:s31], [sflag:$0x1] =	stream.indirect.gather [hbm4b:s3+s30], $0x80, s29, s30, $0xb8;
	[tilespmem:$0x3E00] =	vst v63  }
0xab: {  	_ =	swait.ge [sflag:s1], $0x1400  }
0xac: {  	[sflag:s1] =	ssyncset.done $0x0  }
0xad: {  	[sflag:s1] =	ssyncadd.s32 $0xFFFFEC00  }
0xae: {  	[hbm4b:s21+s4] =	stream.linear.scatter [tilespmem:s31], [sflag:$0x2], $0x1400, $0x38;
	[tilespmem:$0x3E00] =	vst v63  }
0xaf: {  	_ =	swait.ge [sflag:s26], $0x1400  }
0xb0: {  	s6 =	simm.s32 @!p0 $0x200;
	[sflag:s26] =	ssyncset.done $0x0  }
0xb1: {  	s5 =	simm.s32 @!p0 $0x0;
	s7 =	simm.s32 @!p0 $0x2;
	[sflag:s26] =	ssyncadd.s32 $0xFFFFEC00  }
0xb2: {  	[tilespmem:s6], [sflag:$0x2] =	stream.linear.gather @!p0 [hbm4b:s14+s5], $0x28, $0x38;
	[tilespmem:$0x3E00] =	vst v63  }
0xb3: {  	_ =	swait.ge @!p0 [sflag:s7], $0x28  }
0xb4: {  	[sflag:s7] =	ssyncset.done @!p0 $0x0  }
0xb5: {  	s8 =	simm.s32 @!p0 $0x28;
	s9 =	simm.s32 @!p0 $0x280;
	[sflag:s7] =	ssyncadd.s32 @!p0 $0xFFFFFFD8  }
0xb6: {  	[tilespmem:s9], [sflag:$0x1] =	stream.indirect.gather @!p0 [hbm4b:s3+s8], $0x80, s6, s8, $0xb8;
	[tilespmem:$0x3E00] =	vst v63  }
0xb7: {  	s6 =	simm.s32 @!p0 $0x1  }
0xb8: {  	s0 =	sadd.s32 $0x1, s0;
	_ =	swait.ge @!p0 [sflag:s6], $0x1400  }
0xb9: {  	p1 =	sne.s32 s0, s25;
	[sflag:s6] =	ssyncset.done @!p0 $0x0  }
.Ltmp6:
0xba: {  	[sflag:s6] =	ssyncadd.s32 @!p0 $0xFFFFEC00;
	(pc) =	sbr.rel @p1 .LBB2_1-.Ltmp6, $4  }
0xbb: {  	[hbm4b:s22+s5] =	stream.linear.scatter @!p0 [tilespmem:s9], [sflag:$0x2], $0x1400, $0x38;
	[tilespmem:$0x3E00] =	vst v63  }
0xbc: {  	_ =	swait.ge @!p0 [sflag:s7], $0x1400  }
0xbd: {  	[sflag:s7] =	ssyncset.done @!p0 $0x0  }
0xbe: {  	[sflag:s7] =	ssyncadd.s32 @!p0 $0xFFFFEC00  }
0xbf: {  	_ =	sfence.sel $0x180000  }
0xc0: {  	[bflag:$0x0] =	sbarrier.arrive $0xFFFF  }
0xc1: {  	_ =	strace $0x90000047  }
0xc2: {  	s0 =	stileid.u32;
	[bflag:$0x2] =	sbarrier.arrive $0xFFFF  }
0xc3: {  	p0 =	sne.s32 s0, $0x0;
	s0 =	rddreg [dreg:$0x3]  }
0xc4: {  	s0 =	sadd.s32 @!p0 $0x100000, s0  }
0xc5: {  	[sflag:s0] =	ssyncadd.tile.s32 @!p0 $0x1;
	_ =	shalt  }
.Lfunc_end2:
_tile_overlayer_lowered:
.L_overlay_start_2:
0xc6: {  	(tag) =	ssettag $0x2  }
0xc7: {  	s0 =	rddreg [dreg:$0x0];
	s2 =	stileid.u32  }
0xc8: {  	s1 =	rddreg [dreg:$0x1];
	p0 =	sne.s32 s2, $0x0  }
0xc9: {  	s3 =	rddreg [dreg:$0x2];
	[bflag:$0x3] =	sbarrier.arrive $0xFFFF;
	s2 =	simm.s32 @!p0 $0x1C02  }
0xca: {  	[timem:s3], [sflag:s2] =	dma.local @!p0 [hbm:s0], s1  }
0xcb: {  	s0 =	simm.s32 @!p0 $0x2  }
0xcc: {  	_ =	swait.ge @!p0 [sflag:s0], s1  }
0xcd: {  	s1 =	ssub.s32 @!p0 $0x0, s1;
	[sflag:s0] =	ssyncset.done @!p0 $0x0  }
0xce: {  	[sflag:s0] =	ssyncadd.s32 @!p0 s1  }
0xcf: {  	[bflag:$0x3] =	sbarrier.arrive $0xFFFF  }
0xd0: {  	_ =	shalt  }

</sc_bundles>
